<compile_context>
chip_gen: v7x
topology: tpu7x:2x2x1
jax: 0.10.2.dev20260603
libtpu: 0.0.44.dev20260713+nightly
codegen_flags: <defaults>
</compile_context>

<pallas_src>
import functools

import jax
import jax.numpy as jnp
from jax import lax
from jax.experimental import pallas as pl
from jax.experimental.pallas import tpu as pltpu
from jax.experimental.pallas import tpu_sc as plsc

VOCAB = 32
HIDDEN = 128
BATCH = 16384
SEQ = 200

N_TOKENS = BATCH * SEQ
NUM_WORKERS = 32
TOK_PER_WORKER = N_TOKENS // NUM_WORKERS

CHUNK = 400
N_CHUNKS = TOK_PER_WORKER // CHUNK
GROUPS = CHUNK // 16
CHUNK_ELEMS = CHUNK * HIDDEN

_mesh = plsc.VectorSubcoreMesh(core_axis_name="c", subcore_axis_name="s")


@functools.partial(
    pl.kernel,
    mesh=_mesh,
    compiler_params=pltpu.CompilerParams(needs_layout_passes=False),
    out_type=jax.ShapeDtypeStruct((N_TOKENS * HIDDEN,), jnp.float32),
    scratch_types=[
        pltpu.VMEM((VOCAB * HIDDEN,), jnp.float32),
        pltpu.VMEM((CHUNK,), jnp.int32),
        pltpu.VMEM((CHUNK,), jnp.int32),
        pltpu.VMEM((CHUNK_ELEMS,), jnp.float32),
        pltpu.VMEM((CHUNK_ELEMS,), jnp.float32),
        pltpu.SemaphoreType.DMA,
        pltpu.SemaphoreType.DMA,
        pltpu.SemaphoreType.DMA,
        pltpu.SemaphoreType.DMA,
    ],
)
def _embed_lookup(ids_hbm, table_hbm, out_hbm, table_v, ids0, ids1,
                  obuf0, obuf1, si0, si1, so0, so1):
    wid = lax.axis_index("s") * 2 + lax.axis_index("c")
    base = wid * TOK_PER_WORKER
    idsv = (ids0, ids1)
    obuf = (obuf0, obuf1)
    sem_i = (si0, si1)
    sem_o = (so0, so1)

    pltpu.sync_copy(table_hbm, table_v)

    pltpu.async_copy(ids_hbm.at[pl.ds(base, CHUNK)], idsv[0], sem_i[0])

    def expand(ids_ref, buf_ref):
        @plsc.parallel_loop(0, GROUPS, unroll=1)
        def g_body(g):
            v16 = ids_ref[pl.ds(g * 16, 16)]
            dst_g = g * (16 * HIDDEN)
            for k in range(16):
                src0 = v16[k] * HIDDEN
                dst0 = dst_g + k * HIDDEN
                for jb in range(0, HIDDEN, 16):
                    buf_ref[pl.ds(dst0 + jb, 16)] = (
                        table_v[pl.ds(src0 + jb, 16)])

    def super_body(s, carry):
        for b in range(2):
            c = s * 2 + b
            off = base + c * CHUNK
            pltpu.make_async_copy(
                ids_hbm.at[pl.ds(off, CHUNK)], idsv[b], sem_i[b]).wait()
            if b == 0:
                pltpu.async_copy(
                    ids_hbm.at[pl.ds(off + CHUNK, CHUNK)], idsv[1], sem_i[1])
            else:
                @pl.when(s < (N_CHUNKS // 2) - 1)
                def _():
                    pltpu.async_copy(
                        ids_hbm.at[pl.ds(off + CHUNK, CHUNK)],
                        idsv[0], sem_i[0])
            @pl.when(s > 0)
            def _():
                pltpu.make_async_copy(
                    obuf[b], out_hbm.at[pl.ds(off * HIDDEN, CHUNK_ELEMS)],
                    sem_o[b]).wait()
            expand(idsv[b], obuf[b])
            pltpu.async_copy(
                obuf[b], out_hbm.at[pl.ds(off * HIDDEN, CHUNK_ELEMS)],
                sem_o[b])
        return carry

    lax.fori_loop(0, N_CHUNKS // 2, super_body, 0, unroll=False)

    for b in range(2):
        off = base + (N_CHUNKS - 2 + b) * CHUNK
        pltpu.make_async_copy(
            obuf[b], out_hbm.at[pl.ds(off * HIDDEN, CHUNK_ELEMS)],
            sem_o[b]).wait()


def kernel(input_ids, attention_mask, embedding_table):
    del attention_mask
    ids = input_ids.reshape(N_TOKENS).astype(jnp.int32)
    table = embedding_table.reshape(VOCAB * HIDDEN)
    out = _embed_lookup(ids, table)
    return out.reshape(BATCH, SEQ, HIDDEN)

# --- scband reference (transcript-rebuilt; emitter-appended) ---
"""Pipeline reference for scband-dummy-base-model-34299608826596 (READ-ONLY COPY).

The authoritative reference and input builder live on the scoring server;
editing this copy changes nothing except your own understanding.
"""

import jax, jax.numpy as jnp
import numpy as np

VOCAB = 32
HIDDEN = 128
BATCH = 16384
SEQ = 200

def setup_inputs(seed: int = 0) -> dict:
    key = jax.random.key(seed)
    k_ids, k_tab = jax.random.split(key)
    input_ids = jax.random.randint(k_ids, (BATCH, SEQ), 0, VOCAB, dtype=jnp.int64 if jax.config.jax_enable_x64 else jnp.int32)
    attention_mask = jnp.ones((BATCH, SEQ), dtype=jnp.float32)
    embedding_table = jax.random.normal(k_tab, (VOCAB, HIDDEN), dtype=jnp.float32)
    return {"input_ids": input_ids, "attention_mask": attention_mask, "embedding_table": embedding_table}

def reference(input_ids, attention_mask, embedding_table):
    # DummyBaseModel.forward: last_hidden_state = self.embedding(input_ids)
    # attention_mask is accepted but unused by the module.
    last_hidden_state = jnp.take(embedding_table, input_ids, axis=0)
    return last_hidden_state

if __name__ == "__main__":
    import jax
    _d = setup_inputs()
    print(jax.jit(kernel)(*tuple(_d.values())))

</pallas_src>

<mosaic_0001>
#map = affine_map<(d0, d1) -> (0)>
module attributes {stable_mosaic.version = 14 : i64} {
  func.func @_embed_lookup(%arg0: i32, %arg1: i32, %arg2: memref<3276800xi32, #tpu.memory_space<hbm>>, %arg3: memref<4096xf32, #tpu.memory_space<hbm>>, %arg4: memref<419430400xf32, #tpu.memory_space<hbm>>, %arg5: memref<4096xf32, #tpu.memory_space<vmem>>, %arg6: memref<400xi32, #tpu.memory_space<vmem>>, %arg7: memref<400xi32, #tpu.memory_space<vmem>>, %arg8: memref<51200xf32, #tpu.memory_space<vmem>>, %arg9: memref<51200xf32, #tpu.memory_space<vmem>>, %arg10: memref<!tpu.dma_semaphore, #tpu.memory_space<semaphore_mem>>, %arg11: memref<!tpu.dma_semaphore, #tpu.memory_space<semaphore_mem>>, %arg12: memref<!tpu.dma_semaphore, #tpu.memory_space<semaphore_mem>>, %arg13: memref<!tpu.dma_semaphore, #tpu.memory_space<semaphore_mem>>) attributes {dimension_semantics = [#tpu.dimension_semantics<core_parallel>, #tpu.dimension_semantics<subcore_parallel>], iteration_bounds = array<i64: 2, 16>, scalar_prefetch = 0 : i64, scratch_operands = 9 : i64, tpu.core_type = #tpu.core_type<sc_vector_subcore>, window_params = [{transform_indices = #map}, {transform_indices = #map}, {transform_indices = #map}]} {
    %mul3A = arith.constant 2 : i32
    %mul3A_0 = arith.muli %arg1, %mul3A : i32
    %add3A = arith.addi %mul3A_0, %arg0 : i32
    %mul3A_1 = arith.constant 102400 : i32
    %mul3A_2 = arith.muli %add3A, %mul3A_1 : i32
    "tpu.region"() ({
      %run_scoped3A = tpu.sem_alloc : memref<!tpu.dma_semaphore, #tpu.memory_space<semaphore_mem>>
      tpu.enqueue_dma source(%arg3 : memref<4096xf32, #tpu.memory_space<hbm>>) target(%arg5 : memref<4096xf32, #tpu.memory_space<vmem>>) target_semaphore(%run_scoped3A : memref<!tpu.dma_semaphore, #tpu.memory_space<semaphore_mem>>)
      tpu.wait_dma2 semaphore(%run_scoped3A : memref<!tpu.dma_semaphore, #tpu.memory_space<semaphore_mem>>) src(%arg3 : memref<4096xf32, #tpu.memory_space<hbm>>) dst(%arg5 : memref<4096xf32, #tpu.memory_space<vmem>>)
      tpu.yield
    }) : () -> ()
    %dma_start3A = tpu.memref_slice %arg2[%mul3A_2] : memref<3276800xi32, #tpu.memory_space<hbm>> -> memref<400xi32, #tpu.memory_space<hbm>>
    %dma_start3A_3 = tpu.memref_slice %arg2[%mul3A_2] : memref<3276800xi32, #tpu.memory_space<hbm>> -> memref<400xi32, #tpu.memory_space<hbm>>
    tpu.enqueue_dma source(%dma_start3A_3 : memref<400xi32, #tpu.memory_space<hbm>>) target(%arg6 : memref<400xi32, #tpu.memory_space<vmem>>) target_semaphore(%arg10 : memref<!tpu.dma_semaphore, #tpu.memory_space<semaphore_mem>>)
    %scan3A = arith.constant 0 : i32
    %scan3A_4 = arith.constant 0 : i32
    %scan3A_5 = arith.constant 128 : i32
    %scan3A_6 = arith.addi %scan3A_4, %scan3A_5 : i32
    %scan3A_7 = arith.constant 1 : i32
    scf.for %scan3A_20 = %scan3A_4 to %scan3A_6 step %scan3A_7  : i32 {
      %mul3A_21 = arith.constant 2 : i32
      %mul3A_22 = arith.muli %scan3A_20, %mul3A_21 : i32
      %add3A_23 = arith.constant 0 : i32
      %add3A_24 = arith.addi %mul3A_22, %add3A_23 : i32
      %mul3A_25 = arith.constant 400 : i32
      %mul3A_26 = arith.muli %add3A_24, %mul3A_25 : i32
      %add3A_27 = arith.addi %mul3A_2, %mul3A_26 : i32
      %dma_wait3A_28 = tpu.memref_slice %arg2[%add3A_27] : memref<3276800xi32, #tpu.memory_space<hbm>> -> memref<400xi32, #tpu.memory_space<hbm>>
      %dma_wait3A_29 = tpu.memref_slice %arg2[%add3A_27] : memref<3276800xi32, #tpu.memory_space<hbm>> -> memref<400xi32, #tpu.memory_space<hbm>>
      tpu.wait_dma2 semaphore(%arg10 : memref<!tpu.dma_semaphore, #tpu.memory_space<semaphore_mem>>) src(%dma_wait3A_29 : memref<400xi32, #tpu.memory_space<hbm>>) dst(%arg6 : memref<400xi32, #tpu.memory_space<vmem>>)
      %add3A_30 = arith.constant 400 : i32
      %add3A_31 = arith.addi %add3A_27, %add3A_30 : i32
      %dma_start3A_32 = tpu.memref_slice %arg2[%add3A_31] : memref<3276800xi32, #tpu.memory_space<hbm>> -> memref<400xi32, #tpu.memory_space<hbm>>
      %dma_start3A_33 = tpu.memref_slice %arg2[%add3A_31] : memref<3276800xi32, #tpu.memory_space<hbm>> -> memref<400xi32, #tpu.memory_space<hbm>>
      tpu.enqueue_dma source(%dma_start3A_33 : memref<400xi32, #tpu.memory_space<hbm>>) target(%arg7 : memref<400xi32, #tpu.memory_space<vmem>>) target_semaphore(%arg11 : memref<!tpu.dma_semaphore, #tpu.memory_space<semaphore_mem>>)
      %gt3A = arith.constant 0 : i32
      %gt3A_34 = arith.cmpi sgt, %scan3A_20, %gt3A : i32
      %convert_element_type3A = arith.extui %gt3A_34 : i1 to i32
      %cond3A = arith.constant 0 : i32
      %cond3A_35 = arith.cmpi ne, %convert_element_type3A, %cond3A : i32
      scf.if %cond3A_35 {
        %mul3A_67 = arith.constant 128 : i32
        %mul3A_68 = arith.muli %add3A_27, %mul3A_67 : i32
        %dma_wait3A_69 = tpu.memref_slice %arg4[%mul3A_68] : memref<419430400xf32, #tpu.memory_space<hbm>> -> memref<51200xf32, #tpu.memory_space<hbm>>
        %dma_wait3A_70 = tpu.memref_slice %arg4[%mul3A_68] : memref<419430400xf32, #tpu.memory_space<hbm>> -> memref<51200xf32, #tpu.memory_space<hbm>>
        tpu.wait_dma2 semaphore(%arg12 : memref<!tpu.dma_semaphore, #tpu.memory_space<semaphore_mem>>) src(%arg8 : memref<51200xf32, #tpu.memory_space<vmem>>) dst(%dma_wait3A_70 : memref<51200xf32, #tpu.memory_space<hbm>>)
      } else {
      }
      %parallel_loop3A = arith.constant 0 : i32
      %parallel_loop3A_36 = arith.constant 25 : i32
      %parallel_loop3A_37 = arith.constant 1 : i32
      scf.for %parallel_loop3A_67 = %parallel_loop3A to %parallel_loop3A_36 step %parallel_loop3A_37  : i32 {
        %parallel_loop3A_68 = arith.constant 16 : i32
        %parallel_loop3A_69 = arith.muli %parallel_loop3A_67, %parallel_loop3A_68 : i32
        %parallel_loop3A_70 = arith.index_cast %parallel_loop3A_69 : i32 to index
        %parallel_loop3A_71 = tpu.vector_load %arg6[%parallel_loop3A_70] {strides = array<i32>} : memref<400xi32, #tpu.memory_space<vmem>>, vector<16xi32>,
        %parallel_loop3A_72 = arith.constant 2048 : i32
        %parallel_loop3A_73 = arith.muli %parallel_loop3A_67, %parallel_loop3A_72 : i32
        %parallel_loop3A_74 = vector.extract_strided_slice %parallel_loop3A_71 {offsets = [0], sizes = [1], strides = [1]} : vector<16xi32> to vector<1xi32>
        %parallel_loop3A_75 = vector.extract %parallel_loop3A_74[0] : i32 from vector<1xi32>
        %parallel_loop3A_76 = arith.constant 128 : i32
        %parallel_loop3A_77 = arith.muli %parallel_loop3A_75, %parallel_loop3A_76 : i32
        %parallel_loop3A_78 = arith.constant 0 : i32
        %parallel_loop3A_79 = arith.addi %parallel_loop3A_73, %parallel_loop3A_78 : i32
        %parallel_loop3A_80 = arith.constant 0 : i32
        %parallel_loop3A_81 = arith.addi %parallel_loop3A_77, %parallel_loop3A_80 : i32
        %parallel_loop3A_82 = arith.index_cast %parallel_loop3A_81 : i32 to index
        %parallel_loop3A_83 = tpu.vector_load %arg5[%parallel_loop3A_82] {strides = array<i32>} : memref<4096xf32, #tpu.memory_space<vmem>>, vector<16xf32>,
        %parallel_loop3A_84 = arith.constant 0 : i32
        %parallel_loop3A_85 = arith.addi %parallel_loop3A_79, %parallel_loop3A_84 : i32
        %parallel_loop3A_86 = arith.index_cast %parallel_loop3A_85 : i32 to index
        %parallel_loop3A_87 = tpu.vector_load %arg8[%parallel_loop3A_86] {strides = array<i32>} : memref<51200xf32, #tpu.memory_space<vmem>>, vector<16xf32>,
        tpu.vector_store %arg8[%parallel_loop3A_86], %parallel_loop3A_83 {strides = array<i32>} : memref<51200xf32, #tpu.memory_space<vmem>>, vector<16xf32>,
        %parallel_loop3A_88 = arith.constant 16 : i32
        %parallel_loop3A_89 = arith.addi %parallel_loop3A_77, %parallel_loop3A_88 : i32
        %parallel_loop3A_90 = arith.index_cast %parallel_loop3A_89 : i32 to index
        %parallel_loop3A_91 = tpu.vector_load %arg5[%parallel_loop3A_90] {strides = array<i32>} : memref<4096xf32, #tpu.memory_space<vmem>>, vector<16xf32>,
        %parallel_loop3A_92 = arith.constant 16 : i32
        %parallel_loop3A_93 = arith.addi %parallel_loop3A_79, %parallel_loop3A_92 : i32
        %parallel_loop3A_94 = arith.index_cast %parallel_loop3A_93 : i32 to index
        %parallel_loop3A_95 = tpu.vector_load %arg8[%parallel_loop3A_94] {strides = array<i32>} : memref<51200xf32, #tpu.memory_space<vmem>>, vector<16xf32>,
        tpu.vector_store %arg8[%parallel_loop3A_94], %parallel_loop3A_91 {strides = array<i32>} : memref<51200xf32, #tpu.memory_space<vmem>>, vector<16xf32>,
        %parallel_loop3A_96 = arith.constant 32 : i32
        %parallel_loop3A_97 = arith.addi %parallel_loop3A_77, %parallel_loop3A_96 : i32
        %parallel_loop3A_98 = arith.index_cast %parallel_loop3A_97 : i32 to index
        %parallel_loop3A_99 = tpu.vector_load %arg5[%parallel_loop3A_98] {strides = array<i32>} : memref<4096xf32, #tpu.memory_space<vmem>>, vector<16xf32>,
        %parallel_loop3A_100 = arith.constant 32 : i32
        %parallel_loop3A_101 = arith.addi %parallel_loop3A_79, %parallel_loop3A_100 : i32
        %parallel_loop3A_102 = arith.index_cast %parallel_loop3A_101 : i32 to index
        %parallel_loop3A_103 = tpu.vector_load %arg8[%parallel_loop3A_102] {strides = array<i32>} : memref<51200xf32, #tpu.memory_space<vmem>>, vector<16xf32>,
        tpu.vector_store %arg8[%parallel_loop3A_102], %parallel_loop3A_99 {strides = array<i32>} : memref<51200xf32, #tpu.memory_space<vmem>>, vector<16xf32>,
        %parallel_loop3A_104 = arith.constant 48 : i32
        %parallel_loop3A_105 = arith.addi %parallel_loop3A_77, %parallel_loop3A_104 : i32
        %parallel_loop3A_106 = arith.index_cast %parallel_loop3A_105 : i32 to index
        %parallel_loop3A_107 = tpu.vector_load %arg5[%parallel_loop3A_106] {strides = array<i32>} : memref<4096xf32, #tpu.memory_space<vmem>>, vector<16xf32>,
        %parallel_loop3A_108 = arith.constant 48 : i32
        %parallel_loop3A_109 = arith.addi %parallel_loop3A_79, %parallel_loop3A_108 : i32
        %parallel_loop3A_110 = arith.index_cast %parallel_loop3A_109 : i32 to index
        %parallel_loop3A_111 = tpu.vector_load %arg8[%parallel_loop3A_110] {strides = array<i32>} : memref<51200xf32, #tpu.memory_space<vmem>>, vector<16xf32>,
        tpu.vector_store %arg8[%parallel_loop3A_110], %parallel_loop3A_107 {strides = array<i32>} : memref<51200xf32, #tpu.memory_space<vmem>>, vector<16xf32>,
        %parallel_loop3A_112 = arith.constant 64 : i32
        %parallel_loop3A_113 = arith.addi %parallel_loop3A_77, %parallel_loop3A_112 : i32
        %parallel_loop3A_114 = arith.index_cast %parallel_loop3A_113 : i32 to index
        %parallel_loop3A_115 = tpu.vector_load %arg5[%parallel_loop3A_114] {strides = array<i32>} : memref<4096xf32, #tpu.memory_space<vmem>>, vector<16xf32>,
        %parallel_loop3A_116 = arith.constant 64 : i32
        %parallel_loop3A_117 = arith.addi %parallel_loop3A_79, %parallel_loop3A_116 : i32
        %parallel_loop3A_118 = arith.index_cast %parallel_loop3A_117 : i32 to index
        %parallel_loop3A_119 = tpu.vector_load %arg8[%parallel_loop3A_118] {strides = array<i32>} : memref<51200xf32, #tpu.memory_space<vmem>>, vector<16xf32>,
        tpu.vector_store %arg8[%parallel_loop3A_118], %parallel_loop3A_115 {strides = array<i32>} : memref<51200xf32, #tpu.memory_space<vmem>>, vector<16xf32>,
        %parallel_loop3A_120 = arith.constant 80 : i32
        %parallel_loop3A_121 = arith.addi %parallel_loop3A_77, %parallel_loop3A_120 : i32
        %parallel_loop3A_122 = arith.index_cast %parallel_loop3A_121 : i32 to index
        %parallel_loop3A_123 = tpu.vector_load %arg5[%parallel_loop3A_122] {strides = array<i32>} : memref<4096xf32, #tpu.memory_space<vmem>>, vector<16xf32>,
        %parallel_loop3A_124 = arith.constant 80 : i32
        %parallel_loop3A_125 = arith.addi %parallel_loop3A_79, %parallel_loop3A_124 : i32
        %parallel_loop3A_126 = arith.index_cast %parallel_loop3A_125 : i32 to index
        %parallel_loop3A_127 = tpu.vector_load %arg8[%parallel_loop3A_126] {strides = array<i32>} : memref<51200xf32, #tpu.memory_space<vmem>>, vector<16xf32>,
        tpu.vector_store %arg8[%parallel_loop3A_126], %parallel_loop3A_123 {strides = array<i32>} : memref<51200xf32, #tpu.memory_space<vmem>>, vector<16xf32>,
        %parallel_loop3A_128 = arith.constant 96 : i32
        %parallel_loop3A_129 = arith.addi %parallel_loop3A_77, %parallel_loop3A_128 : i32
        %parallel_loop3A_130 = arith.index_cast %parallel_loop3A_129 : i32 to index
        %parallel_loop3A_131 = tpu.vector_load %arg5[%parallel_loop3A_130] {strides = array<i32>} : memref<4096xf32, #tpu.memory_space<vmem>>, vector<16xf32>,
        %parallel_loop3A_132 = arith.constant 96 : i32
        %parallel_loop3A_133 = arith.addi %parallel_loop3A_79, %parallel_loop3A_132 : i32
        %parallel_loop3A_134 = arith.index_cast %parallel_loop3A_133 : i32 to index
        %parallel_loop3A_135 = tpu.vector_load %arg8[%parallel_loop3A_134] {strides = array<i32>} : memref<51200xf32, #tpu.memory_space<vmem>>, vector<16xf32>,
        tpu.vector_store %arg8[%parallel_loop3A_134], %parallel_loop3A_131 {strides = array<i32>} : memref<51200xf32, #tpu.memory_space<vmem>>, vector<16xf32>,
        %parallel_loop3A_136 = arith.constant 112 : i32
        %parallel_loop3A_137 = arith.addi %parallel_loop3A_77, %parallel_loop3A_136 : i32
        %parallel_loop3A_138 = arith.index_cast %parallel_loop3A_137 : i32 to index
        %parallel_loop3A_139 = tpu.vector_load %arg5[%parallel_loop3A_138] {strides = array<i32>} : memref<4096xf32, #tpu.memory_space<vmem>>, vector<16xf32>,
        %parallel_loop3A_140 = arith.constant 112 : i32
        %parallel_loop3A_141 = arith.addi %parallel_loop3A_79, %parallel_loop3A_140 : i32
        %parallel_loop3A_142 = arith.index_cast %parallel_loop3A_141 : i32 to index
        %parallel_loop3A_143 = tpu.vector_load %arg8[%parallel_loop3A_142] {strides = array<i32>} : memref<51200xf32, #tpu.memory_space<vmem>>, vector<16xf32>,
        tpu.vector_store %arg8[%parallel_loop3A_142], %parallel_loop3A_139 {strides = array<i32>} : memref<51200xf32, #tpu.memory_space<vmem>>, vector<16xf32>,
        %parallel_loop3A_144 = vector.extract_strided_slice %parallel_loop3A_71 {offsets = [1], sizes = [1], strides = [1]} : vector<16xi32> to vector<1xi32>
        %parallel_loop3A_145 = vector.extract %parallel_loop3A_144[0] : i32 from vector<1xi32>
        %parallel_loop3A_146 = arith.constant 128 : i32
        %parallel_loop3A_147 = arith.muli %parallel_loop3A_145, %parallel_loop3A_146 : i32
        %parallel_loop3A_148 = arith.constant 128 : i32
        %parallel_loop3A_149 = arith.addi %parallel_loop3A_73, %parallel_loop3A_148 : i32
        %parallel_loop3A_150 = arith.constant 0 : i32
        %parallel_loop3A_151 = arith.addi %parallel_loop3A_147, %parallel_loop3A_150 : i32
        %parallel_loop3A_152 = arith.index_cast %parallel_loop3A_151 : i32 to index
        %parallel_loop3A_153 = tpu.vector_load %arg5[%parallel_loop3A_152] {strides = array<i32>} : memref<4096xf32, #tpu.memory_space<vmem>>, vector<16xf32>,
        %parallel_loop3A_154 = arith.constant 0 : i32
        %parallel_loop3A_155 = arith.addi %parallel_loop3A_149, %parallel_loop3A_154 : i32
        %parallel_loop3A_156 = arith.index_cast %parallel_loop3A_155 : i32 to index
        %parallel_loop3A_157 = tpu.vector_load %arg8[%parallel_loop3A_156] {strides = array<i32>} : memref<51200xf32, #tpu.memory_space<vmem>>, vector<16xf32>,
        tpu.vector_store %arg8[%parallel_loop3A_156], %parallel_loop3A_153 {strides = array<i32>} : memref<51200xf32, #tpu.memory_space<vmem>>, vector<16xf32>,
        %parallel_loop3A_158 = arith.constant 16 : i32
        %parallel_loop3A_159 = arith.addi %parallel_loop3A_147, %parallel_loop3A_158 : i32
        %parallel_loop3A_160 = arith.index_cast %parallel_loop3A_159 : i32 to index
        %parallel_loop3A_161 = tpu.vector_load %arg5[%parallel_loop3A_160] {strides = array<i32>} : memref<4096xf32, #tpu.memory_space<vmem>>, vector<16xf32>,
        %parallel_loop3A_162 = arith.constant 16 : i32
        %parallel_loop3A_163 = arith.addi %parallel_loop3A_149, %parallel_loop3A_162 : i32
        %parallel_loop3A_164 = arith.index_cast %parallel_loop3A_163 : i32 to index
        %parallel_loop3A_165 = tpu.vector_load %arg8[%parallel_loop3A_164] {strides = array<i32>} : memref<51200xf32, #tpu.memory_space<vmem>>, vector<16xf32>,
        tpu.vector_store %arg8[%parallel_loop3A_164], %parallel_loop3A_161 {strides = array<i32>} : memref<51200xf32, #tpu.memory_space<vmem>>, vector<16xf32>,
        %parallel_loop3A_166 = arith.constant 32 : i32
        %parallel_loop3A_167 = arith.addi %parallel_loop3A_147, %parallel_loop3A_166 : i32
        %parallel_loop3A_168 = arith.index_cast %parallel_loop3A_167 : i32 to index
        %parallel_loop3A_169 = tpu.vector_load %arg5[%parallel_loop3A_168] {strides = array<i32>} : memref<4096xf32, #tpu.memory_space<vmem>>, vector<16xf32>,
        %parallel_loop3A_170 = arith.constant 32 : i32
        %parallel_loop3A_171 = arith.addi %parallel_loop3A_149, %parallel_loop3A_170 : i32
        %parallel_loop3A_172 = arith.index_cast %parallel_loop3A_171 : i32 to index
        %parallel_loop3A_173 = tpu.vector_load %arg8[%parallel_loop3A_172] {strides = array<i32>} : memref<51200xf32, #tpu.memory_space<vmem>>, vector<16xf32>,
        tpu.vector_store %arg8[%parallel_loop3A_172], %parallel_loop3A_169 {strides = array<i32>} : memref<51200xf32, #tpu.memory_space<vmem>>, vector<16xf32>,
        %parallel_loop3A_174 = arith.constant 48 : i32
        %parallel_loop3A_175 = arith.addi %parallel_loop3A_147, %parallel_loop3A_174 : i32
        %parallel_loop3A_176 = arith.index_cast %parallel_loop3A_175 : i32 to index
        %parallel_loop3A_177 = tpu.vector_load %arg5[%parallel_loop3A_176] {strides = array<i32>} : memref<4096xf32, #tpu.memory_space<vmem>>, vector<16xf32>,
        %parallel_loop3A_178 = arith.constant 48 : i32
        %parallel_loop3A_179 = arith.addi %parallel_loop3A_149, %parallel_loop3A_178 : i32
        %parallel_loop3A_180 = arith.index_cast %parallel_loop3A_179 : i32 to index
        %parallel_loop3A_181 = tpu.vector_load %arg8[%parallel_loop3A_180] {strides = array<i32>} : memref<51200xf32, #tpu.memory_space<vmem>>, vector<16xf32>,
        tpu.vector_store %arg8[%parallel_loop3A_180], %parallel_loop3A_177 {strides = array<i32>} : memref<51200xf32, #tpu.memory_space<vmem>>, vector<16xf32>,
        %parallel_loop3A_182 = arith.constant 64 : i32
        %parallel_loop3A_183 = arith.addi %parallel_loop3A_147, %parallel_loop3A_182 : i32
        %parallel_loop3A_184 = arith.index_cast %parallel_loop3A_183 : i32 to index
        %parallel_loop3A_185 = tpu.vector_load %arg5[%parallel_loop3A_184] {strides = array<i32>} : memref<4096xf32, #tpu.memory_space<vmem>>, vector<16xf32>,
        %parallel_loop3A_186 = arith.constant 64 : i32
        %parallel_loop3A_187 = arith.addi %parallel_loop3A_149, %parallel_loop3A_186 : i32
        %parallel_loop3A_188 = arith.index_cast %parallel_loop3A_187 : i32 to index
        %parallel_loop3A_189 = tpu.vector_load %arg8[%parallel_loop3A_188] {strides = array<i32>} : memref<51200xf32, #tpu.memory_space<vmem>>, vector<16xf32>,
        tpu.vector_store %arg8[%parallel_loop3A_188], %parallel_loop3A_185 {strides = array<i32>} : memref<51200xf32, #tpu.memory_space<vmem>>, vector<16xf32>,
        %parallel_loop3A_190 = arith.constant 80 : i32
        %parallel_loop3A_191 = arith.addi %parallel_loop3A_147, %parallel_loop3A_190 : i32
        %parallel_loop3A_192 = arith.index_cast %parallel_loop3A_191 : i32 to index
        %parallel_loop3A_193 = tpu.vector_load %arg5[%parallel_loop3A_192] {strides = array<i32>} : memref<4096xf32, #tpu.memory_space<vmem>>, vector<16xf32>,
        %parallel_loop3A_194 = arith.constant 80 : i32
        %parallel_loop3A_195 = arith.addi %parallel_loop3A_149, %parallel_loop3A_194 : i32
        %parallel_loop3A_196 = arith.index_cast %parallel_loop3A_195 : i32 to index
        %parallel_loop3A_197 = tpu.vector_load %arg8[%parallel_loop3A_196] {strides = array<i32>} : memref<51200xf32, #tpu.memory_space<vmem>>, vector<16xf32>,
        tpu.vector_store %arg8[%parallel_loop3A_196], %parallel_loop3A_193 {strides = array<i32>} : memref<51200xf32, #tpu.memory_space<vmem>>, vector<16xf32>,
        %parallel_loop3A_198 = arith.constant 96 : i32
        %parallel_loop3A_199 = arith.addi %parallel_loop3A_147, %parallel_loop3A_198 : i32
        %parallel_loop3A_200 = arith.index_cast %parallel_loop3A_199 : i32 to index
        %parallel_loop3A_201 = tpu.vector_load %arg5[%parallel_loop3A_200] {strides = array<i32>} : memref<4096xf32, #tpu.memory_space<vmem>>, vector<16xf32>,
        %parallel_loop3A_202 = arith.constant 96 : i32
        %parallel_loop3A_203 = arith.addi %parallel_loop3A_149, %parallel_loop3A_202 : i32
        %parallel_loop3A_204 = arith.index_cast %parallel_loop3A_203 : i32 to index
        %parallel_loop3A_205 = tpu.vector_load %arg8[%parallel_loop3A_204] {strides = array<i32>} : memref<51200xf32, #tpu.memory_space<vmem>>, vector<16xf32>,
        tpu.vector_store %arg8[%parallel_loop3A_204], %parallel_loop3A_201 {strides = array<i32>} : memref<51200xf32, #tpu.memory_space<vmem>>, vector<16xf32>,
        %parallel_loop3A_206 = arith.constant 112 : i32
        %parallel_loop3A_207 = arith.addi %parallel_loop3A_147, %parallel_loop3A_206 : i32
        %parallel_loop3A_208 = arith.index_cast %parallel_loop3A_207 : i32 to index
        %parallel_loop3A_209 = tpu.vector_load %arg5[%parallel_loop3A_208] {strides = array<i32>} : memref<4096xf32, #tpu.memory_space<vmem>>, vector<16xf32>,
        %parallel_loop3A_210 = arith.constant 112 : i32
        %parallel_loop3A_211 = arith.addi %parallel_loop3A_149, %parallel_loop3A_210 : i32
        %parallel_loop3A_212 = arith.index_cast %parallel_loop3A_211 : i32 to index
        %parallel_loop3A_213 = tpu.vector_load %arg8[%parallel_loop3A_212] {strides = array<i32>} : memref<51200xf32, #tpu.memory_space<vmem>>, vector<16xf32>,
        tpu.vector_store %arg8[%parallel_loop3A_212], %parallel_loop3A_209 {strides = array<i32>} : memref<51200xf32, #tpu.memory_space<vmem>>, vector<16xf32>,
        %parallel_loop3A_214 = vector.extract_strided_slice %parallel_loop3A_71 {offsets = [2], sizes = [1], strides = [1]} : vector<16xi32> to vector<1xi32>
        %parallel_loop3A_215 = vector.extract %parallel_loop3A_214[0] : i32 from vector<1xi32>
        %parallel_loop3A_216 = arith.constant 128 : i32
        %parallel_loop3A_217 = arith.muli %parallel_loop3A_215, %parallel_loop3A_216 : i32
        %parallel_loop3A_218 = arith.constant 256 : i32
        %parallel_loop3A_219 = arith.addi %parallel_loop3A_73, %parallel_loop3A_218 : i32
        %parallel_loop3A_220 = arith.constant 0 : i32
        %parallel_loop3A_221 = arith.addi %parallel_loop3A_217, %parallel_loop3A_220 : i32
        %parallel_loop3A_222 = arith.index_cast %parallel_loop3A_221 : i32 to index
        %parallel_loop3A_223 = tpu.vector_load %arg5[%parallel_loop3A_222] {strides = array<i32>} : memref<4096xf32, #tpu.memory_space<vmem>>, vector<16xf32>,
        %parallel_loop3A_224 = arith.constant 0 : i32
        %parallel_loop3A_225 = arith.addi %parallel_loop3A_219, %parallel_loop3A_224 : i32
        %parallel_loop3A_226 = arith.index_cast %parallel_loop3A_225 : i32 to index
        %parallel_loop3A_227 = tpu.vector_load %arg8[%parallel_loop3A_226] {strides = array<i32>} : memref<51200xf32, #tpu.memory_space<vmem>>, vector<16xf32>,
        tpu.vector_store %arg8[%parallel_loop3A_226], %parallel_loop3A_223 {strides = array<i32>} : memref<51200xf32, #tpu.memory_space<vmem>>, vector<16xf32>,
        %parallel_loop3A_228 = arith.constant 16 : i32
        %parallel_loop3A_229 = arith.addi %parallel_loop3A_217, %parallel_loop3A_228 : i32
        %parallel_loop3A_230 = arith.index_cast %parallel_loop3A_229 : i32 to index
        %parallel_loop3A_231 = tpu.vector_load %arg5[%parallel_loop3A_230] {strides = array<i32>} : memref<4096xf32, #tpu.memory_space<vmem>>, vector<16xf32>,
        %parallel_loop3A_232 = arith.constant 16 : i32
        %parallel_loop3A_233 = arith.addi %parallel_loop3A_219, %parallel_loop3A_232 : i32
        %parallel_loop3A_234 = arith.index_cast %parallel_loop3A_233 : i32 to index
        %parallel_loop3A_235 = tpu.vector_load %arg8[%parallel_loop3A_234] {strides = array<i32>} : memref<51200xf32, #tpu.memory_space<vmem>>, vector<16xf32>,
        tpu.vector_store %arg8[%parallel_loop3A_234], %parallel_loop3A_231 {strides = array<i32>} : memref<51200xf32, #tpu.memory_space<vmem>>, vector<16xf32>,
        %parallel_loop3A_236 = arith.constant 32 : i32
        %parallel_loop3A_237 = arith.addi %parallel_loop3A_217, %parallel_loop3A_236 : i32
        %parallel_loop3A_238 = arith.index_cast %parallel_loop3A_237 : i32 to index
        %parallel_loop3A_239 = tpu.vector_load %arg5[%parallel_loop3A_238] {strides = array<i32>} : memref<4096xf32, #tpu.memory_space<vmem>>, vector<16xf32>,
        %parallel_loop3A_240 = arith.constant 32 : i32
        %parallel_loop3A_241 = arith.addi %parallel_loop3A_219, %parallel_loop3A_240 : i32
        %parallel_loop3A_242 = arith.index_cast %parallel_loop3A_241 : i32 to index
        %parallel_loop3A_243 = tpu.vector_load %arg8[%parallel_loop3A_242] {strides = array<i32>} : memref<51200xf32, #tpu.memory_space<vmem>>, vector<16xf32>,
        tpu.vector_store %arg8[%parallel_loop3A_242], %parallel_loop3A_239 {strides = array<i32>} : memref<51200xf32, #tpu.memory_space<vmem>>, vector<16xf32>,
        %parallel_loop3A_244 = arith.constant 48 : i32
        %parallel_loop3A_245 = arith.addi %parallel_loop3A_217, %parallel_loop3A_244 : i32
        %parallel_loop3A_246 = arith.index_cast %parallel_loop3A_245 : i32 to index
        %parallel_loop3A_247 = tpu.vector_load %arg5[%parallel_loop3A_246] {strides = array<i32>} : memref<4096xf32, #tpu.memory_space<vmem>>, vector<16xf32>,
        %parallel_loop3A_248 = arith.constant 48 : i32
        %parallel_loop3A_249 = arith.addi %parallel_loop3A_219, %parallel_loop3A_248 : i32
        %parallel_loop3A_250 = arith.index_cast %parallel_loop3A_249 : i32 to index
        %parallel_loop3A_251 = tpu.vector_load %arg8[%parallel_loop3A_250] {strides = array<i32>} : memref<51200xf32, #tpu.memory_space<vmem>>, vector<16xf32>,
        tpu.vector_store %arg8[%parallel_loop3A_250], %parallel_loop3A_247 {strides = array<i32>} : memref<51200xf32, #tpu.memory_space<vmem>>, vector<16xf32>,
        %parallel_loop3A_252 = arith.constant 64 : i32
        %parallel_loop3A_253 = arith.addi %parallel_loop3A_217, %parallel_loop3A_252 : i32
        %parallel_loop3A_254 = arith.index_cast %parallel_loop3A_253 : i32 to index
        %parallel_loop3A_255 = tpu.vector_load %arg5[%parallel_loop3A_254] {strides = array<i32>} : memref<4096xf32, #tpu.memory_space<vmem>>, vector<16xf32>,
        %parallel_loop3A_256 = arith.constant 64 : i32
        %parallel_loop3A_257 = arith.addi %parallel_loop3A_219, %parallel_loop3A_256 : i32
        %parallel_loop3A_258 = arith.index_cast %parallel_loop3A_257 : i32 to index
        %parallel_loop3A_259 = tpu.vector_load %arg8[%parallel_loop3A_258] {strides = array<i32>} : memref<51200xf32, #tpu.memory_space<vmem>>, vector<16xf32>,
        tpu.vector_store %arg8[%parallel_loop3A_258], %parallel_loop3A_255 {strides = array<i32>} : memref<51200xf32, #tpu.memory_space<vmem>>, vector<16xf32>,
        %parallel_loop3A_260 = arith.constant 80 : i32
        %parallel_loop3A_261 = arith.addi %parallel_loop3A_217, %parallel_loop3A_260 : i32
        %parallel_loop3A_262 = arith.index_cast %parallel_loop3A_261 : i32 to index
        %parallel_loop3A_263 = tpu.vector_load %arg5[%parallel_loop3A_262] {strides = array<i32>} : memref<4096xf32, #tpu.memory_space<vmem>>, vector<16xf32>,
        %parallel_loop3A_264 = arith.constant 80 : i32
        %parallel_loop3A_265 = arith.addi %parallel_loop3A_219, %parallel_loop3A_264 : i32
        %parallel_loop3A_266 = arith.index_cast %parallel_loop3A_265 : i32 to index
        %parallel_loop3A_267 = tpu.vector_load %arg8[%parallel_loop3A_266] {strides = array<i32>} : memref<51200xf32, #tpu.memory_space<vmem>>, vector<16xf32>,
        tpu.vector_store %arg8[%parallel_loop3A_266], %parallel_loop3A_263 {strides = array<i32>} : memref<51200xf32, #tpu.memory_space<vmem>>, vector<16xf32>,
        %parallel_loop3A_268 = arith.constant 96 : i32
        %parallel_loop3A_269 = arith.addi %parallel_loop3A_217, %parallel_loop3A_268 : i32
        %parallel_loop3A_270 = arith.index_cast %parallel_loop3A_269 : i32 to index
        %parallel_loop3A_271 = tpu.vector_load %arg5[%parallel_loop3A_270] {strides = array<i32>} : memref<4096xf32, #tpu.memory_space<vmem>>, vector<16xf32>,
        %parallel_loop3A_272 = arith.constant 96 : i32
        %parallel_loop3A_273 = arith.addi %parallel_loop3A_219, %parallel_loop3A_272 : i32
        %parallel_loop3A_274 = arith.index_cast %parallel_loop3A_273 : i32 to index
        %parallel_loop3A_275 = tpu.vector_load %arg8[%parallel_loop3A_274] {strides = array<i32>} : memref<51200xf32, #tpu.memory_space<vmem>>, vector<16xf32>,
        tpu.vector_store %arg8[%parallel_loop3A_274], %parallel_loop3A_271 {strides = array<i32>} : memref<51200xf32, #tpu.memory_space<vmem>>, vector<16xf32>,
        %parallel_loop3A_276 = arith.constant 112 : i32
        %parallel_loop3A_277 = arith.addi %parallel_loop3A_217, %parallel_loop3A_276 : i32
        %parallel_loop3A_278 = arith.index_cast %parallel_loop3A_277 : i32 to index
        %parallel_loop3A_279 = tpu.vector_load %arg5[%parallel_loop3A_278] {strides = array<i32>} : memref<4096xf32, #tpu.memory_space<vmem>>, vector<16xf32>,
        %parallel_loop3A_280 = arith.constant 112 : i32
        %parallel_loop3A_281 = arith.addi %parallel_loop3A_219, %parallel_loop3A_280 : i32
        %parallel_loop3A_282 = arith.index_cast %parallel_loop3A_281 : i32 to index
        %parallel_loop3A_283 = tpu.vector_load %arg8[%parallel_loop3A_282] {strides = array<i32>} : memref<51200xf32, #tpu.memory_space<vmem>>, vector<16xf32>,
        tpu.vector_store %arg8[%parallel_loop3A_282], %parallel_loop3A_279 {strides = array<i32>} : memref<51200xf32, #tpu.memory_space<vmem>>, vector<16xf32>,
        %parallel_loop3A_284 = vector.extract_strided_slice %parallel_loop3A_71 {offsets = [3], sizes = [1], strides = [1]} : vector<16xi32> to vector<1xi32>
        %parallel_loop3A_285 = vector.extract %parallel_loop3A_284[0] : i32 from vector<1xi32>
        %parallel_loop3A_286 = arith.constant 128 : i32
        %parallel_loop3A_287 = arith.muli %parallel_loop3A_285, %parallel_loop3A_286 : i32
        %parallel_loop3A_288 = arith.constant 384 : i32
        %parallel_loop3A_289 = arith.addi %parallel_loop3A_73, %parallel_loop3A_288 : i32
        %parallel_loop3A_290 = arith.constant 0 : i32
        %parallel_loop3A_291 = arith.addi %parallel_loop3A_287, %parallel_loop3A_290 : i32
        %parallel_loop3A_292 = arith.index_cast %parallel_loop3A_291 : i32 to index
        %parallel_loop3A_293 = tpu.vector_load %arg5[%parallel_loop3A_292] {strides = array<i32>} : memref<4096xf32, #tpu.memory_space<vmem>>, vector<16xf32>,
        %parallel_loop3A_294 = arith.constant 0 : i32
        %parallel_loop3A_295 = arith.addi %parallel_loop3A_289, %parallel_loop3A_294 : i32
        %parallel_loop3A_296 = arith.index_cast %parallel_loop3A_295 : i32 to index
        %parallel_loop3A_297 = tpu.vector_load %arg8[%parallel_loop3A_296] {strides = array<i32>} : memref<51200xf32, #tpu.memory_space<vmem>>, vector<16xf32>,
        tpu.vector_store %arg8[%parallel_loop3A_296], %parallel_loop3A_293 {strides = array<i32>} : memref<51200xf32, #tpu.memory_space<vmem>>, vector<16xf32>,
        %parallel_loop3A_298 = arith.constant 16 : i32
        %parallel_loop3A_299 = arith.addi %parallel_loop3A_287, %parallel_loop3A_298 : i32
        %parallel_loop3A_300 = arith.index_cast %parallel_loop3A_299 : i32 to index
        %parallel_loop3A_301 = tpu.vector_load %arg5[%parallel_loop3A_300] {strides = array<i32>} : memref<4096xf32, #tpu.memory_space<vmem>>, vector<16xf32>,
        %parallel_loop3A_302 = arith.constant 16 : i32
        %parallel_loop3A_303 = arith.addi %parallel_loop3A_289, %parallel_loop3A_302 : i32
        %parallel_loop3A_304 = arith.index_cast %parallel_loop3A_303 : i32 to index
        %parallel_loop3A_305 = tpu.vector_load %arg8[%parallel_loop3A_304] {strides = array<i32>} : memref<51200xf32, #tpu.memory_space<vmem>>, vector<16xf32>,
        tpu.vector_store %arg8[%parallel_loop3A_304], %parallel_loop3A_301 {strides = array<i32>} : memref<51200xf32, #tpu.memory_space<vmem>>, vector<16xf32>,
        %parallel_loop3A_306 = arith.constant 32 : i32
        %parallel_loop3A_307 = arith.addi %parallel_loop3A_287, %parallel_loop3A_306 : i32
        %parallel_loop3A_308 = arith.index_cast %parallel_loop3A_307 : i32 to index
        %parallel_loop3A_309 = tpu.vector_load %arg5[%parallel_loop3A_308] {strides = array<i32>} : memref<4096xf32, #tpu.memory_space<vmem>>, vector<16xf32>,
        %parallel_loop3A_310 = arith.constant 32 : i32
        %parallel_loop3A_311 = arith.addi %parallel_loop3A_289, %parallel_loop3A_310 : i32
        %parallel_loop3A_312 = arith.index_cast %parallel_loop3A_311 : i32 to index
        %parallel_loop3A_313 = tpu.vector_load %arg8[%parallel_loop3A_312] {strides = array<i32>} : memref<51200xf32, #tpu.memory_space<vmem>>, vector<16xf32>,
        tpu.vector_store %arg8[%parallel_loop3A_312], %parallel_loop3A_309 {strides = array<i32>} : memref<51200xf32, #tpu.memory_space<vmem>>, vector<16xf32>,
        %parallel_loop3A_314 = arith.constant 48 : i32
        %parallel_loop3A_315 = arith.addi %parallel_loop3A_287, %parallel_loop3A_314 : i32
        %parallel_loop3A_316 = arith.index_cast %parallel_loop3A_315 : i32 to index
        %parallel_loop3A_317 = tpu.vector_load %arg5[%parallel_loop3A_316] {strides = array<i32>} : memref<4096xf32, #tpu.memory_space<vmem>>, vector<16xf32>,
        %parallel_loop3A_318 = arith.constant 48 : i32
        %parallel_loop3A_319 = arith.addi %parallel_loop3A_289, %parallel_loop3A_318 : i32
        %parallel_loop3A_320 = arith.index_cast %parallel_loop3A_319 : i32 to index
        %parallel_loop3A_321 = tpu.vector_load %arg8[%parallel_loop3A_320] {strides = array<i32>} : memref<51200xf32, #tpu.memory_space<vmem>>, vector<16xf32>,
        tpu.vector_store %arg8[%parallel_loop3A_320], %parallel_loop3A_317 {strides = array<i32>} : memref<51200xf32, #tpu.memory_space<vmem>>, vector<16xf32>,
        %parallel_loop3A_322 = arith.constant 64 : i32
        %parallel_loop3A_323 = arith.addi %parallel_loop3A_287, %parallel_loop3A_322 : i32
        %parallel_loop3A_324 = arith.index_cast %parallel_loop3A_323 : i32 to index
        %parallel_loop3A_325 = tpu.vector_load %arg5[%parallel_loop3A_324] {strides = array<i32>} : memref<4096xf32, #tpu.memory_space<vmem>>, vector<16xf32>,
        %parallel_loop3A_326 = arith.constant 64 : i32
        %parallel_loop3A_327 = arith.addi %parallel_loop3A_289, %parallel_loop3A_326 : i32
        %parallel_loop3A_328 = arith.index_cast %parallel_loop3A_327 : i32 to index
        %parallel_loop3A_329 = tpu.vector_load %arg8[%parallel_loop3A_328] {strides = array<i32>} : memref<51200xf32, #tpu.memory_space<vmem>>, vector<16xf32>,
        tpu.vector_store %arg8[%parallel_loop3A_328], %parallel_loop3A_325 {strides = array<i32>} : memref<51200xf32, #tpu.memory_space<vmem>>, vector<16xf32>,
        %parallel_loop3A_330 = arith.constant 80 : i32
        %parallel_loop3A_331 = arith.addi %parallel_loop3A_287, %parallel_loop3A_330 : i32
        %parallel_loop3A_332 = arith.index_cast %parallel_loop3A_331 : i32 to index
        %parallel_loop3A_333 = tpu.vector_load %arg5[%parallel_loop3A_332] {strides = array<i32>} : memref<4096xf32, #tpu.memory_space<vmem>>, vector<16xf32>,
        %parallel_loop3A_334 = arith.constant 80 : i32
        %parallel_loop3A_335 = arith.addi %parallel_loop3A_289, %parallel_loop3A_334 : i32
        %parallel_loop3A_336 = arith.index_cast %parallel_loop3A_335 : i32 to index
        %parallel_loop3A_337 = tpu.vector_load %arg8[%parallel_loop3A_336] {strides = array<i32>} : memref<51200xf32, #tpu.memory_space<vmem>>, vector<16xf32>,
        tpu.vector_store %arg8[%parallel_loop3A_336], %parallel_loop3A_333 {strides = array<i32>} : memref<51200xf32, #tpu.memory_space<vmem>>, vector<16xf32>,
        %parallel_loop3A_338 = arith.constant 96 : i32
        %parallel_loop3A_339 = arith.addi %parallel_loop3A_287, %parallel_loop3A_338 : i32
        %parallel_loop3A_340 = arith.index_cast %parallel_loop3A_339 : i32 to index
        %parallel_loop3A_341 = tpu.vector_load %arg5[%parallel_loop3A_340] {strides = array<i32>} : memref<4096xf32, #tpu.memory_space<vmem>>, vector<16xf32>,
        %parallel_loop3A_342 = arith.constant 96 : i32
        %parallel_loop3A_343 = arith.addi %parallel_loop3A_289, %parallel_loop3A_342 : i32
        %parallel_loop3A_344 = arith.index_cast %parallel_loop3A_343 : i32 to index
        %parallel_loop3A_345 = tpu.vector_load %arg8[%parallel_loop3A_344] {strides = array<i32>} : memref<51200xf32, #tpu.memory_space<vmem>>, vector<16xf32>,
        tpu.vector_store %arg8[%parallel_loop3A_344], %parallel_loop3A_341 {strides = array<i32>} : memref<51200xf32, #tpu.memory_space<vmem>>, vector<16xf32>,
        %parallel_loop3A_346 = arith.constant 112 : i32
        %parallel_loop3A_347 = arith.addi %parallel_loop3A_287, %parallel_loop3A_346 : i32
        %parallel_loop3A_348 = arith.index_cast %parallel_loop3A_347 : i32 to index
        %parallel_loop3A_349 = tpu.vector_load %arg5[%parallel_loop3A_348] {strides = array<i32>} : memref<4096xf32, #tpu.memory_space<vmem>>, vector<16xf32>,
        %parallel_loop3A_350 = arith.constant 112 : i32
        %parallel_loop3A_351 = arith.addi %parallel_loop3A_289, %parallel_loop3A_350 : i32
        %parallel_loop3A_352 = arith.index_cast %parallel_loop3A_351 : i32 to index
        %parallel_loop3A_353 = tpu.vector_load %arg8[%parallel_loop3A_352] {strides = array<i32>} : memref<51200xf32, #tpu.memory_space<vmem>>, vector<16xf32>,
        tpu.vector_store %arg8[%parallel_loop3A_352], %parallel_loop3A_349 {strides = array<i32>} : memref<51200xf32, #tpu.memory_space<vmem>>, vector<16xf32>,
        %parallel_loop3A_354 = vector.extract_strided_slice %parallel_loop3A_71 {offsets = [4], sizes = [1], strides = [1]} : vector<16xi32> to vector<1xi32>
        %parallel_loop3A_355 = vector.extract %parallel_loop3A_354[0] : i32 from vector<1xi32>
        %parallel_loop3A_356 = arith.constant 128 : i32
        %parallel_loop3A_357 = arith.muli %parallel_loop3A_355, %parallel_loop3A_356 : i32
        %parallel_loop3A_358 = arith.constant 512 : i32
        %parallel_loop3A_359 = arith.addi %parallel_loop3A_73, %parallel_loop3A_358 : i32
        %parallel_loop3A_360 = arith.constant 0 : i32
        %parallel_loop3A_361 = arith.addi %parallel_loop3A_357, %parallel_loop3A_360 : i32
        %parallel_loop3A_362 = arith.index_cast %parallel_loop3A_361 : i32 to index
        %parallel_loop3A_363 = tpu.vector_load %arg5[%parallel_loop3A_362] {strides = array<i32>} : memref<4096xf32, #tpu.memory_space<vmem>>, vector<16xf32>,
        %parallel_loop3A_364 = arith.constant 0 : i32
        %parallel_loop3A_365 = arith.addi %parallel_loop3A_359, %parallel_loop3A_364 : i32
        %parallel_loop3A_366 = arith.index_cast %parallel_loop3A_365 : i32 to index
        %parallel_loop3A_367 = tpu.vector_load %arg8[%parallel_loop3A_366] {strides = array<i32>} : memref<51200xf32, #tpu.memory_space<vmem>>, vector<16xf32>,
        tpu.vector_store %arg8[%parallel_loop3A_366], %parallel_loop3A_363 {strides = array<i32>} : memref<51200xf32, #tpu.memory_space<vmem>>, vector<16xf32>,
        %parallel_loop3A_368 = arith.constant 16 : i32
        %parallel_loop3A_369 = arith.addi %parallel_loop3A_357, %parallel_loop3A_368 : i32
        %parallel_loop3A_370 = arith.index_cast %parallel_loop3A_369 : i32 to index
        %parallel_loop3A_371 = tpu.vector_load %arg5[%parallel_loop3A_370] {strides = array<i32>} : memref<4096xf32, #tpu.memory_space<vmem>>, vector<16xf32>,
        %parallel_loop3A_372 = arith.constant 16 : i32
        %parallel_loop3A_373 = arith.addi %parallel_loop3A_359, %parallel_loop3A_372 : i32
        %parallel_loop3A_374 = arith.index_cast %parallel_loop3A_373 : i32 to index
        %parallel_loop3A_375 = tpu.vector_load %arg8[%parallel_loop3A_374] {strides = array<i32>} : memref<51200xf32, #tpu.memory_space<vmem>>, vector<16xf32>,
        tpu.vector_store %arg8[%parallel_loop3A_374], %parallel_loop3A_371 {strides = array<i32>} : memref<51200xf32, #tpu.memory_space<vmem>>, vector<16xf32>,
        %parallel_loop3A_376 = arith.constant 32 : i32
        %parallel_loop3A_377 = arith.addi %parallel_loop3A_357, %parallel_loop3A_376 : i32
        %parallel_loop3A_378 = arith.index_cast %parallel_loop3A_377 : i32 to index
        %parallel_loop3A_379 = tpu.vector_load %arg5[%parallel_loop3A_378] {strides = array<i32>} : memref<4096xf32, #tpu.memory_space<vmem>>, vector<16xf32>,
        %parallel_loop3A_380 = arith.constant 32 : i32
        %parallel_loop3A_381 = arith.addi %parallel_loop3A_359, %parallel_loop3A_380 : i32
        %parallel_loop3A_382 = arith.index_cast %parallel_loop3A_381 : i32 to index
        %parallel_loop3A_383 = tpu.vector_load %arg8[%parallel_loop3A_382] {strides = array<i32>} : memref<51200xf32, #tpu.memory_space<vmem>>, vector<16xf32>,
        tpu.vector_store %arg8[%parallel_loop3A_382], %parallel_loop3A_379 {strides = array<i32>} : memref<51200xf32, #tpu.memory_space<vmem>>, vector<16xf32>,
        %parallel_loop3A_384 = arith.constant 48 : i32
        %parallel_loop3A_385 = arith.addi %parallel_loop3A_357, %parallel_loop3A_384 : i32
        %parallel_loop3A_386 = arith.index_cast %parallel_loop3A_385 : i32 to index
        %parallel_loop3A_387 = tpu.vector_load %arg5[%parallel_loop3A_386] {strides = array<i32>} : memref<4096xf32, #tpu.memory_space<vmem>>, vector<16xf32>,
        %parallel_loop3A_388 = arith.constant 48 : i32
        %parallel_loop3A_389 = arith.addi %parallel_loop3A_359, %parallel_loop3A_388 : i32
        %parallel_loop3A_390 = arith.index_cast %parallel_loop3A_389 : i32 to index
        %parallel_loop3A_391 = tpu.vector_load %arg8[%parallel_loop3A_390] {strides = array<i32>} : memref<51200xf32, #tpu.memory_space<vmem>>, vector<16xf32>,
        tpu.vector_store %arg8[%parallel_loop3A_390], %parallel_loop3A_387 {strides = array<i32>} : memref<51200xf32, #tpu.memory_space<vmem>>, vector<16xf32>,
        %parallel_loop3A_392 = arith.constant 64 : i32
        %parallel_loop3A_393 = arith.addi %parallel_loop3A_357, %parallel_loop3A_392 : i32
        %parallel_loop3A_394 = arith.index_cast %parallel_loop3A_393 : i32 to index
        %parallel_loop3A_395 = tpu.vector_load %arg5[%parallel_loop3A_394] {strides = array<i32>} : memref<4096xf32, #tpu.memory_space<vmem>>, vector<16xf32>,
        %parallel_loop3A_396 = arith.constant 64 : i32
        %parallel_loop3A_397 = arith.addi %parallel_loop3A_359, %parallel_loop3A_396 : i32
        %parallel_loop3A_398 = arith.index_cast %parallel_loop3A_397 : i32 to index
        %parallel_loop3A_399 = tpu.vector_load %arg8[%parallel_loop3A_398] {strides = array<i32>} : memref<51200xf32, #tpu.memory_space<vmem>>, vector<16xf32>,
        tpu.vector_store %arg8[%parallel_loop3A_398], %parallel_loop3A_395 {strides = array<i32>} : memref<51200xf32, #tpu.memory_space<vmem>>, vector<16xf32>,
        %parallel_loop3A_400 = arith.constant 80 : i32
        %parallel_loop3A_401 = arith.addi %parallel_loop3A_357, %parallel_loop3A_400 : i32
        %parallel_loop3A_402 = arith.index_cast %parallel_loop3A_401 : i32 to index
        %parallel_loop3A_403 = tpu.vector_load %arg5[%parallel_loop3A_402] {strides = array<i32>} : memref<4096xf32, #tpu.memory_space<vmem>>, vector<16xf32>,
        %parallel_loop3A_404 = arith.constant 80 : i32
        %parallel_loop3A_405 = arith.addi %parallel_loop3A_359, %parallel_loop3A_404 : i32
        %parallel_loop3A_406 = arith.index_cast %parallel_loop3A_405 : i32 to index
        %parallel_loop3A_407 = tpu.vector_load %arg8[%parallel_loop3A_406] {strides = array<i32>} : memref<51200xf32, #tpu.memory_space<vmem>>, vector<16xf32>,
        tpu.vector_store %arg8[%parallel_loop3A_406], %parallel_loop3A_403 {strides = array<i32>} : memref<51200xf32, #tpu.memory_space<vmem>>, vector<16xf32>,
        %parallel_loop3A_408 = arith.constant 96 : i32
        %parallel_loop3A_409 = arith.addi %parallel_loop3A_357, %parallel_loop3A_408 : i32
        %parallel_loop3A_410 = arith.index_cast %parallel_loop3A_409 : i32 to index
        %parallel_loop3A_411 = tpu.vector_load %arg5[%parallel_loop3A_410] {strides = array<i32>} : memref<4096xf32, #tpu.memory_space<vmem>>, vector<16xf32>,
        %parallel_loop3A_412 = arith.constant 96 : i32
        %parallel_loop3A_413 = arith.addi %parallel_loop3A_359, %parallel_loop3A_412 : i32
        %parallel_loop3A_414 = arith.index_cast %parallel_loop3A_413 : i32 to index
        %parallel_loop3A_415 = tpu.vector_load %arg8[%parallel_loop3A_414] {strides = array<i32>} : memref<51200xf32, #tpu.memory_space<vmem>>, vector<16xf32>,
        tpu.vector_store %arg8[%parallel_loop3A_414], %parallel_loop3A_411 {strides = array<i32>} : memref<51200xf32, #tpu.memory_space<vmem>>, vector<16xf32>,
        %parallel_loop3A_416 = arith.constant 112 : i32
        %parallel_loop3A_417 = arith.addi %parallel_loop3A_357, %parallel_loop3A_416 : i32
        %parallel_loop3A_418 = arith.index_cast %parallel_loop3A_417 : i32 to index
        %parallel_loop3A_419 = tpu.vector_load %arg5[%parallel_loop3A_418] {strides = array<i32>} : memref<4096xf32, #tpu.memory_space<vmem>>, vector<16xf32>,
        %parallel_loop3A_420 = arith.constant 112 : i32
        %parallel_loop3A_421 = arith.addi %parallel_loop3A_359, %parallel_loop3A_420 : i32
        %parallel_loop3A_422 = arith.index_cast %parallel_loop3A_421 : i32 to index
        %parallel_loop3A_423 = tpu.vector_load %arg8[%parallel_loop3A_422] {strides = array<i32>} : memref<51200xf32, #tpu.memory_space<vmem>>, vector<16xf32>,
        tpu.vector_store %arg8[%parallel_loop3A_422], %parallel_loop3A_419 {strides = array<i32>} : memref<51200xf32, #tpu.memory_space<vmem>>, vector<16xf32>,
        %parallel_loop3A_424 = vector.extract_strided_slice %parallel_loop3A_71 {offsets = [5], sizes = [1], strides = [1]} : vector<16xi32> to vector<1xi32>
        %parallel_loop3A_425 = vector.extract %parallel_loop3A_424[0] : i32 from vector<1xi32>
        %parallel_loop3A_426 = arith.constant 128 : i32
        %parallel_loop3A_427 = arith.muli %parallel_loop3A_425, %parallel_loop3A_426 : i32
        %parallel_loop3A_428 = arith.constant 640 : i32
        %parallel_loop3A_429 = arith.addi %parallel_loop3A_73, %parallel_loop3A_428 : i32
        %parallel_loop3A_430 = arith.constant 0 : i32
        %parallel_loop3A_431 = arith.addi %parallel_loop3A_427, %parallel_loop3A_430 : i32
        %parallel_loop3A_432 = arith.index_cast %parallel_loop3A_431 : i32 to index
        %parallel_loop3A_433 = tpu.vector_load %arg5[%parallel_loop3A_432] {strides = array<i32>} : memref<4096xf32, #tpu.memory_space<vmem>>, vector<16xf32>,
        %parallel_loop3A_434 = arith.constant 0 : i32
        %parallel_loop3A_435 = arith.addi %parallel_loop3A_429, %parallel_loop3A_434 : i32
        %parallel_loop3A_436 = arith.index_cast %parallel_loop3A_435 : i32 to index
        %parallel_loop3A_437 = tpu.vector_load %arg8[%parallel_loop3A_436] {strides = array<i32>} : memref<51200xf32, #tpu.memory_space<vmem>>, vector<16xf32>,
        tpu.vector_store %arg8[%parallel_loop3A_436], %parallel_loop3A_433 {strides = array<i32>} : memref<51200xf32, #tpu.memory_space<vmem>>, vector<16xf32>,
        %parallel_loop3A_438 = arith.constant 16 : i32
        %parallel_loop3A_439 = arith.addi %parallel_loop3A_427, %parallel_loop3A_438 : i32
        %parallel_loop3A_440 = arith.index_cast %parallel_loop3A_439 : i32 to index
        %parallel_loop3A_441 = tpu.vector_load %arg5[%parallel_loop3A_440] {strides = array<i32>} : memref<4096xf32, #tpu.memory_space<vmem>>, vector<16xf32>,
        %parallel_loop3A_442 = arith.constant 16 : i32
        %parallel_loop3A_443 = arith.addi %parallel_loop3A_429, %parallel_loop3A_442 : i32
        %parallel_loop3A_444 = arith.index_cast %parallel_loop3A_443 : i32 to index
        %parallel_loop3A_445 = tpu.vector_load %arg8[%parallel_loop3A_444] {strides = array<i32>} : memref<51200xf32, #tpu.memory_space<vmem>>, vector<16xf32>,
        tpu.vector_store %arg8[%parallel_loop3A_444], %parallel_loop3A_441 {strides = array<i32>} : memref<51200xf32, #tpu.memory_space<vmem>>, vector<16xf32>,
        %parallel_loop3A_446 = arith.constant 32 : i32
        %parallel_loop3A_447 = arith.addi %parallel_loop3A_427, %parallel_loop3A_446 : i32
        %parallel_loop3A_448 = arith.index_cast %parallel_loop3A_447 : i32 to index
        %parallel_loop3A_449 = tpu.vector_load %arg5[%parallel_loop3A_448] {strides = array<i32>} : memref<4096xf32, #tpu.memory_space<vmem>>, vector<16xf32>,
        %parallel_loop3A_450 = arith.constant 32 : i32
        %parallel_loop3A_451 = arith.addi %parallel_loop3A_429, %parallel_loop3A_450 : i32
        %parallel_loop3A_452 = arith.index_cast %parallel_loop3A_451 : i32 to index
        %parallel_loop3A_453 = tpu.vector_load %arg8[%parallel_loop3A_452] {strides = array<i32>} : memref<51200xf32, #tpu.memory_space<vmem>>, vector<16xf32>,
        tpu.vector_store %arg8[%parallel_loop3A_452], %parallel_loop3A_449 {strides = array<i32>} : memref<51200xf32, #tpu.memory_space<vmem>>, vector<16xf32>,
        %parallel_loop3A_454 = arith.constant 48 : i32
        %parallel_loop3A_455 = arith.addi %parallel_loop3A_427, %parallel_loop3A_454 : i32
        %parallel_loop3A_456 = arith.index_cast %parallel_loop3A_455 : i32 to index
        %parallel_loop3A_457 = tpu.vector_load %arg5[%parallel_loop3A_456] {strides = array<i32>} : memref<4096xf32, #tpu.memory_space<vmem>>, vector<16xf32>,
        %parallel_loop3A_458 = arith.constant 48 : i32
        %parallel_loop3A_459 = arith.addi %parallel_loop3A_429, %parallel_loop3A_458 : i32
        %parallel_loop3A_460 = arith.index_cast %parallel_loop3A_459 : i32 to index
        %parallel_loop3A_461 = tpu.vector_load %arg8[%parallel_loop3A_460] {strides = array<i32>} : memref<51200xf32, #tpu.memory_space<vmem>>, vector<16xf32>,
        tpu.vector_store %arg8[%parallel_loop3A_460], %parallel_loop3A_457 {strides = array<i32>} : memref<51200xf32, #tpu.memory_space<vmem>>, vector<16xf32>,
        %parallel_loop3A_462 = arith.constant 64 : i32
        %parallel_loop3A_463 = arith.addi %parallel_loop3A_427, %parallel_loop3A_462 : i32
        %parallel_loop3A_464 = arith.index_cast %parallel_loop3A_463 : i32 to index
        %parallel_loop3A_465 = tpu.vector_load %arg5[%parallel_loop3A_464] {strides = array<i32>} : memref<4096xf32, #tpu.memory_space<vmem>>, vector<16xf32>,
        %parallel_loop3A_466 = arith.constant 64 : i32
        %parallel_loop3A_467 = arith.addi %parallel_loop3A_429, %parallel_loop3A_466 : i32
        %parallel_loop3A_468 = arith.index_cast %parallel_loop3A_467 : i32 to index
        %parallel_loop3A_469 = tpu.vector_load %arg8[%parallel_loop3A_468] {strides = array<i32>} : memref<51200xf32, #tpu.memory_space<vmem>>, vector<16xf32>,
        tpu.vector_store %arg8[%parallel_loop3A_468], %parallel_loop3A_465 {strides = array<i32>} : memref<51200xf32, #tpu.memory_space<vmem>>, vector<16xf32>,
        %parallel_loop3A_470 = arith.constant 80 : i32
        %parallel_loop3A_471 = arith.addi %parallel_loop3A_427, %parallel_loop3A_470 : i32
        %parallel_loop3A_472 = arith.index_cast %parallel_loop3A_471 : i32 to index
        %parallel_loop3A_473 = tpu.vector_load %arg5[%parallel_loop3A_472] {strides = array<i32>} : memref<4096xf32, #tpu.memory_space<vmem>>, vector<16xf32>,
        %parallel_loop3A_474 = arith.constant 80 : i32
        %parallel_loop3A_475 = arith.addi %parallel_loop3A_429, %parallel_loop3A_474 : i32
        %parallel_loop3A_476 = arith.index_cast %parallel_loop3A_475 : i32 to index
        %parallel_loop3A_477 = tpu.vector_load %arg8[%parallel_loop3A_476] {strides = array<i32>} : memref<51200xf32, #tpu.memory_space<vmem>>, vector<16xf32>,
        tpu.vector_store %arg8[%parallel_loop3A_476], %parallel_loop3A_473 {strides = array<i32>} : memref<51200xf32, #tpu.memory_space<vmem>>, vector<16xf32>,
        %parallel_loop3A_478 = arith.constant 96 : i32
        %parallel_loop3A_479 = arith.addi %parallel_loop3A_427, %parallel_loop3A_478 : i32
        %parallel_loop3A_480 = arith.index_cast %parallel_loop3A_479 : i32 to index
        %parallel_loop3A_481 = tpu.vector_load %arg5[%parallel_loop3A_480] {strides = array<i32>} : memref<4096xf32, #tpu.memory_space<vmem>>, vector<16xf32>,
        %parallel_loop3A_482 = arith.constant 96 : i32
        %parallel_loop3A_483 = arith.addi %parallel_loop3A_429, %parallel_loop3A_482 : i32
        %parallel_loop3A_484 = arith.index_cast %parallel_loop3A_483 : i32 to index
        %parallel_loop3A_485 = tpu.vector_load %arg8[%parallel_loop3A_484] {strides = array<i32>} : memref<51200xf32, #tpu.memory_space<vmem>>, vector<16xf32>,
        tpu.vector_store %arg8[%parallel_loop3A_484], %parallel_loop3A_481 {strides = array<i32>} : memref<51200xf32, #tpu.memory_space<vmem>>, vector<16xf32>,
        %parallel_loop3A_486 = arith.constant 112 : i32
        %parallel_loop3A_487 = arith.addi %parallel_loop3A_427, %parallel_loop3A_486 : i32
        %parallel_loop3A_488 = arith.index_cast %parallel_loop3A_487 : i32 to index
        %parallel_loop3A_489 = tpu.vector_load %arg5[%parallel_loop3A_488] {strides = array<i32>} : memref<4096xf32, #tpu.memory_space<vmem>>, vector<16xf32>,
        %parallel_loop3A_490 = arith.constant 112 : i32
        %parallel_loop3A_491 = arith.addi %parallel_loop3A_429, %parallel_loop3A_490 : i32
        %parallel_loop3A_492 = arith.index_cast %parallel_loop3A_491 : i32 to index
        %parallel_loop3A_493 = tpu.vector_load %arg8[%parallel_loop3A_492] {strides = array<i32>} : memref<51200xf32, #tpu.memory_space<vmem>>, vector<16xf32>,
        tpu.vector_store %arg8[%parallel_loop3A_492], %parallel_loop3A_489 {strides = array<i32>} : memref<51200xf32, #tpu.memory_space<vmem>>, vector<16xf32>,
        %parallel_loop3A_494 = vector.extract_strided_slice %parallel_loop3A_71 {offsets = [6], sizes = [1], strides = [1]} : vector<16xi32> to vector<1xi32>
        %parallel_loop3A_495 = vector.extract %parallel_loop3A_494[0] : i32 from vector<1xi32>
        %parallel_loop3A_496 = arith.constant 128 : i32
        %parallel_loop3A_497 = arith.muli %parallel_loop3A_495, %parallel_loop3A_496 : i32
        %parallel_loop3A_498 = arith.constant 768 : i32
        %parallel_loop3A_499 = arith.addi %parallel_loop3A_73, %parallel_loop3A_498 : i32
        %parallel_loop3A_500 = arith.constant 0 : i32
        %parallel_loop3A_501 = arith.addi %parallel_loop3A_497, %parallel_loop3A_500 : i32
        %parallel_loop3A_502 = arith.index_cast %parallel_loop3A_501 : i32 to index
        %parallel_loop3A_503 = tpu.vector_load %arg5[%parallel_loop3A_502] {strides = array<i32>} : memref<4096xf32, #tpu.memory_space<vmem>>, vector<16xf32>,
        %parallel_loop3A_504 = arith.constant 0 : i32
        %parallel_loop3A_505 = arith.addi %parallel_loop3A_499, %parallel_loop3A_504 : i32
        %parallel_loop3A_506 = arith.index_cast %parallel_loop3A_505 : i32 to index
        %parallel_loop3A_507 = tpu.vector_load %arg8[%parallel_loop3A_506] {strides = array<i32>} : memref<51200xf32, #tpu.memory_space<vmem>>, vector<16xf32>,
        tpu.vector_store %arg8[%parallel_loop3A_506], %parallel_loop3A_503 {strides = array<i32>} : memref<51200xf32, #tpu.memory_space<vmem>>, vector<16xf32>,
        %parallel_loop3A_508 = arith.constant 16 : i32
        %parallel_loop3A_509 = arith.addi %parallel_loop3A_497, %parallel_loop3A_508 : i32
        %parallel_loop3A_510 = arith.index_cast %parallel_loop3A_509 : i32 to index
        %parallel_loop3A_511 = tpu.vector_load %arg5[%parallel_loop3A_510] {strides = array<i32>} : memref<4096xf32, #tpu.memory_space<vmem>>, vector<16xf32>,
        %parallel_loop3A_512 = arith.constant 16 : i32
        %parallel_loop3A_513 = arith.addi %parallel_loop3A_499, %parallel_loop3A_512 : i32
        %parallel_loop3A_514 = arith.index_cast %parallel_loop3A_513 : i32 to index
        %parallel_loop3A_515 = tpu.vector_load %arg8[%parallel_loop3A_514] {strides = array<i32>} : memref<51200xf32, #tpu.memory_space<vmem>>, vector<16xf32>,
        tpu.vector_store %arg8[%parallel_loop3A_514], %parallel_loop3A_511 {strides = array<i32>} : memref<51200xf32, #tpu.memory_space<vmem>>, vector<16xf32>,
        %parallel_loop3A_516 = arith.constant 32 : i32
        %parallel_loop3A_517 = arith.addi %parallel_loop3A_497, %parallel_loop3A_516 : i32
        %parallel_loop3A_518 = arith.index_cast %parallel_loop3A_517 : i32 to index
        %parallel_loop3A_519 = tpu.vector_load %arg5[%parallel_loop3A_518] {strides = array<i32>} : memref<4096xf32, #tpu.memory_space<vmem>>, vector<16xf32>,
        %parallel_loop3A_520 = arith.constant 32 : i32
        %parallel_loop3A_521 = arith.addi %parallel_loop3A_499, %parallel_loop3A_520 : i32
        %parallel_loop3A_522 = arith.index_cast %parallel_loop3A_521 : i32 to index
        %parallel_loop3A_523 = tpu.vector_load %arg8[%parallel_loop3A_522] {strides = array<i32>} : memref<51200xf32, #tpu.memory_space<vmem>>, vector<16xf32>,
        tpu.vector_store %arg8[%parallel_loop3A_522], %parallel_loop3A_519 {strides = array<i32>} : memref<51200xf32, #tpu.memory_space<vmem>>, vector<16xf32>,
        %parallel_loop3A_524 = arith.constant 48 : i32
        %parallel_loop3A_525 = arith.addi %parallel_loop3A_497, %parallel_loop3A_524 : i32
        %parallel_loop3A_526 = arith.index_cast %parallel_loop3A_525 : i32 to index
        %parallel_loop3A_527 = tpu.vector_load %arg5[%parallel_loop3A_526] {strides = array<i32>} : memref<4096xf32, #tpu.memory_space<vmem>>, vector<16xf32>,
        %parallel_loop3A_528 = arith.constant 48 : i32
        %parallel_loop3A_529 = arith.addi %parallel_loop3A_499, %parallel_loop3A_528 : i32
        %parallel_loop3A_530 = arith.index_cast %parallel_loop3A_529 : i32 to index
        %parallel_loop3A_531 = tpu.vector_load %arg8[%parallel_loop3A_530] {strides = array<i32>} : memref<51200xf32, #tpu.memory_space<vmem>>, vector<16xf32>,
        tpu.vector_store %arg8[%parallel_loop3A_530], %parallel_loop3A_527 {strides = array<i32>} : memref<51200xf32, #tpu.memory_space<vmem>>, vector<16xf32>,
        %parallel_loop3A_532 = arith.constant 64 : i32
        %parallel_loop3A_533 = arith.addi %parallel_loop3A_497, %parallel_loop3A_532 : i32
        %parallel_loop3A_534 = arith.index_cast %parallel_loop3A_533 : i32 to index
        %parallel_loop3A_535 = tpu.vector_load %arg5[%parallel_loop3A_534] {strides = array<i32>} : memref<4096xf32, #tpu.memory_space<vmem>>, vector<16xf32>,
        %parallel_loop3A_536 = arith.constant 64 : i32
        %parallel_loop3A_537 = arith.addi %parallel_loop3A_499, %parallel_loop3A_536 : i32
        %parallel_loop3A_538 = arith.index_cast %parallel_loop3A_537 : i32 to index
        %parallel_loop3A_539 = tpu.vector_load %arg8[%parallel_loop3A_538] {strides = array<i32>} : memref<51200xf32, #tpu.memory_space<vmem>>, vector<16xf32>,
        tpu.vector_store %arg8[%parallel_loop3A_538], %parallel_loop3A_535 {strides = array<i32>} : memref<51200xf32, #tpu.memory_space<vmem>>, vector<16xf32>,
        %parallel_loop3A_540 = arith.constant 80 : i32
        %parallel_loop3A_541 = arith.addi %parallel_loop3A_497, %parallel_loop3A_540 : i32
        %parallel_loop3A_542 = arith.index_cast %parallel_loop3A_541 : i32 to index
        %parallel_loop3A_543 = tpu.vector_load %arg5[%parallel_loop3A_542] {strides = array<i32>} : memref<4096xf32, #tpu.memory_space<vmem>>, vector<16xf32>,
        %parallel_loop3A_544 = arith.constant 80 : i32
        %parallel_loop3A_545 = arith.addi %parallel_loop3A_499, %parallel_loop3A_544 : i32
        %parallel_loop3A_546 = arith.index_cast %parallel_loop3A_545 : i32 to index
        %parallel_loop3A_547 = tpu.vector_load %arg8[%parallel_loop3A_546] {strides = array<i32>} : memref<51200xf32, #tpu.memory_space<vmem>>, vector<16xf32>,
        tpu.vector_store %arg8[%parallel_loop3A_546], %parallel_loop3A_543 {strides = array<i32>} : memref<51200xf32, #tpu.memory_space<vmem>>, vector<16xf32>,
        %parallel_loop3A_548 = arith.constant 96 : i32
        %parallel_loop3A_549 = arith.addi %parallel_loop3A_497, %parallel_loop3A_548 : i32
        %parallel_loop3A_550 = arith.index_cast %parallel_loop3A_549 : i32 to index
        %parallel_loop3A_551 = tpu.vector_load %arg5[%parallel_loop3A_550] {strides = array<i32>} : memref<4096xf32, #tpu.memory_space<vmem>>, vector<16xf32>,
        %parallel_loop3A_552 = arith.constant 96 : i32
        %parallel_loop3A_553 = arith.addi %parallel_loop3A_499, %parallel_loop3A_552 : i32
        %parallel_loop3A_554 = arith.index_cast %parallel_loop3A_553 : i32 to index
        %parallel_loop3A_555 = tpu.vector_load %arg8[%parallel_loop3A_554] {strides = array<i32>} : memref<51200xf32, #tpu.memory_space<vmem>>, vector<16xf32>,
        tpu.vector_store %arg8[%parallel_loop3A_554], %parallel_loop3A_551 {strides = array<i32>} : memref<51200xf32, #tpu.memory_space<vmem>>, vector<16xf32>,
        %parallel_loop3A_556 = arith.constant 112 : i32
        %parallel_loop3A_557 = arith.addi %parallel_loop3A_497, %parallel_loop3A_556 : i32
        %parallel_loop3A_558 = arith.index_cast %parallel_loop3A_557 : i32 to index
        %parallel_loop3A_559 = tpu.vector_load %arg5[%parallel_loop3A_558] {strides = array<i32>} : memref<4096xf32, #tpu.memory_space<vmem>>, vector<16xf32>,
        %parallel_loop3A_560 = arith.constant 112 : i32
        %parallel_loop3A_561 = arith.addi %parallel_loop3A_499, %parallel_loop3A_560 : i32
        %parallel_loop3A_562 = arith.index_cast %parallel_loop3A_561 : i32 to index
        %parallel_loop3A_563 = tpu.vector_load %arg8[%parallel_loop3A_562] {strides = array<i32>} : memref<51200xf32, #tpu.memory_space<vmem>>, vector<16xf32>,
        tpu.vector_store %arg8[%parallel_loop3A_562], %parallel_loop3A_559 {strides = array<i32>} : memref<51200xf32, #tpu.memory_space<vmem>>, vector<16xf32>,
        %parallel_loop3A_564 = vector.extract_strided_slice %parallel_loop3A_71 {offsets = [7], sizes = [1], strides = [1]} : vector<16xi32> to vector<1xi32>
        %parallel_loop3A_565 = vector.extract %parallel_loop3A_564[0] : i32 from vector<1xi32>
        %parallel_loop3A_566 = arith.constant 128 : i32
        %parallel_loop3A_567 = arith.muli %parallel_loop3A_565, %parallel_loop3A_566 : i32
        %parallel_loop3A_568 = arith.constant 896 : i32
        %parallel_loop3A_569 = arith.addi %parallel_loop3A_73, %parallel_loop3A_568 : i32
        %parallel_loop3A_570 = arith.constant 0 : i32
        %parallel_loop3A_571 = arith.addi %parallel_loop3A_567, %parallel_loop3A_570 : i32
        %parallel_loop3A_572 = arith.index_cast %parallel_loop3A_571 : i32 to index
        %parallel_loop3A_573 = tpu.vector_load %arg5[%parallel_loop3A_572] {strides = array<i32>} : memref<4096xf32, #tpu.memory_space<vmem>>, vector<16xf32>,
        %parallel_loop3A_574 = arith.constant 0 : i32
        %parallel_loop3A_575 = arith.addi %parallel_loop3A_569, %parallel_loop3A_574 : i32
        %parallel_loop3A_576 = arith.index_cast %parallel_loop3A_575 : i32 to index
        %parallel_loop3A_577 = tpu.vector_load %arg8[%parallel_loop3A_576] {strides = array<i32>} : memref<51200xf32, #tpu.memory_space<vmem>>, vector<16xf32>,
        tpu.vector_store %arg8[%parallel_loop3A_576], %parallel_loop3A_573 {strides = array<i32>} : memref<51200xf32, #tpu.memory_space<vmem>>, vector<16xf32>,
        %parallel_loop3A_578 = arith.constant 16 : i32
        %parallel_loop3A_579 = arith.addi %parallel_loop3A_567, %parallel_loop3A_578 : i32
        %parallel_loop3A_580 = arith.index_cast %parallel_loop3A_579 : i32 to index
        %parallel_loop3A_581 = tpu.vector_load %arg5[%parallel_loop3A_580] {strides = array<i32>} : memref<4096xf32, #tpu.memory_space<vmem>>, vector<16xf32>,
        %parallel_loop3A_582 = arith.constant 16 : i32
        %parallel_loop3A_583 = arith.addi %parallel_loop3A_569, %parallel_loop3A_582 : i32
        %parallel_loop3A_584 = arith.index_cast %parallel_loop3A_583 : i32 to index
        %parallel_loop3A_585 = tpu.vector_load %arg8[%parallel_loop3A_584] {strides = array<i32>} : memref<51200xf32, #tpu.memory_space<vmem>>, vector<16xf32>,
        tpu.vector_store %arg8[%parallel_loop3A_584], %parallel_loop3A_581 {strides = array<i32>} : memref<51200xf32, #tpu.memory_space<vmem>>, vector<16xf32>,
        %parallel_loop3A_586 = arith.constant 32 : i32
        %parallel_loop3A_587 = arith.addi %parallel_loop3A_567, %parallel_loop3A_586 : i32
        %parallel_loop3A_588 = arith.index_cast %parallel_loop3A_587 : i32 to index
        %parallel_loop3A_589 = tpu.vector_load %arg5[%parallel_loop3A_588] {strides = array<i32>} : memref<4096xf32, #tpu.memory_space<vmem>>, vector<16xf32>,
        %parallel_loop3A_590 = arith.constant 32 : i32
        %parallel_loop3A_591 = arith.addi %parallel_loop3A_569, %parallel_loop3A_590 : i32
        %parallel_loop3A_592 = arith.index_cast %parallel_loop3A_591 : i32 to index
        %parallel_loop3A_593 = tpu.vector_load %arg8[%parallel_loop3A_592] {strides = array<i32>} : memref<51200xf32, #tpu.memory_space<vmem>>, vector<16xf32>,
        tpu.vector_store %arg8[%parallel_loop3A_592], %parallel_loop3A_589 {strides = array<i32>} : memref<51200xf32, #tpu.memory_space<vmem>>, vector<16xf32>,
        %parallel_loop3A_594 = arith.constant 48 : i32
        %parallel_loop3A_595 = arith.addi %parallel_loop3A_567, %parallel_loop3A_594 : i32
        %parallel_loop3A_596 = arith.index_cast %parallel_loop3A_595 : i32 to index
        %parallel_loop3A_597 = tpu.vector_load %arg5[%parallel_loop3A_596] {strides = array<i32>} : memref<4096xf32, #tpu.memory_space<vmem>>, vector<16xf32>,
        %parallel_loop3A_598 = arith.constant 48 : i32
        %parallel_loop3A_599 = arith.addi %parallel_loop3A_569, %parallel_loop3A_598 : i32
        %parallel_loop3A_600 = arith.index_cast %parallel_loop3A_599 : i32 to index
        %parallel_loop3A_601 = tpu.vector_load %arg8[%parallel_loop3A_600] {strides = array<i32>} : memref<51200xf32, #tpu.memory_space<vmem>>, vector<16xf32>,
        tpu.vector_store %arg8[%parallel_loop3A_600], %parallel_loop3A_597 {strides = array<i32>} : memref<51200xf32, #tpu.memory_space<vmem>>, vector<16xf32>,
        %parallel_loop3A_602 = arith.constant 64 : i32
        %parallel_loop3A_603 = arith.addi %parallel_loop3A_567, %parallel_loop3A_602 : i32
        %parallel_loop3A_604 = arith.index_cast %parallel_loop3A_603 : i32 to index
        %parallel_loop3A_605 = tpu.vector_load %arg5[%parallel_loop3A_604] {strides = array<i32>} : memref<4096xf32, #tpu.memory_space<vmem>>, vector<16xf32>,
        %parallel_loop3A_606 = arith.constant 64 : i32
        %parallel_loop3A_607 = arith.addi %parallel_loop3A_569, %parallel_loop3A_606 : i32
        %parallel_loop3A_608 = arith.index_cast %parallel_loop3A_607 : i32 to index
        %parallel_loop3A_609 = tpu.vector_load %arg8[%parallel_loop3A_608] {strides = array<i32>} : memref<51200xf32, #tpu.memory_space<vmem>>, vector<16xf32>,
        tpu.vector_store %arg8[%parallel_loop3A_608], %parallel_loop3A_605 {strides = array<i32>} : memref<51200xf32, #tpu.memory_space<vmem>>, vector<16xf32>,
        %parallel_loop3A_610 = arith.constant 80 : i32
        %parallel_loop3A_611 = arith.addi %parallel_loop3A_567, %parallel_loop3A_610 : i32
        %parallel_loop3A_612 = arith.index_cast %parallel_loop3A_611 : i32 to index
        %parallel_loop3A_613 = tpu.vector_load %arg5[%parallel_loop3A_612] {strides = array<i32>} : memref<4096xf32, #tpu.memory_space<vmem>>, vector<16xf32>,
        %parallel_loop3A_614 = arith.constant 80 : i32
        %parallel_loop3A_615 = arith.addi %parallel_loop3A_569, %parallel_loop3A_614 : i32
        %parallel_loop3A_616 = arith.index_cast %parallel_loop3A_615 : i32 to index
        %parallel_loop3A_617 = tpu.vector_load %arg8[%parallel_loop3A_616] {strides = array<i32>} : memref<51200xf32, #tpu.memory_space<vmem>>, vector<16xf32>,
        tpu.vector_store %arg8[%parallel_loop3A_616], %parallel_loop3A_613 {strides = array<i32>} : memref<51200xf32, #tpu.memory_space<vmem>>, vector<16xf32>,
        %parallel_loop3A_618 = arith.constant 96 : i32
        %parallel_loop3A_619 = arith.addi %parallel_loop3A_567, %parallel_loop3A_618 : i32
        %parallel_loop3A_620 = arith.index_cast %parallel_loop3A_619 : i32 to index
        %parallel_loop3A_621 = tpu.vector_load %arg5[%parallel_loop3A_620] {strides = array<i32>} : memref<4096xf32, #tpu.memory_space<vmem>>, vector<16xf32>,
        %parallel_loop3A_622 = arith.constant 96 : i32
        %parallel_loop3A_623 = arith.addi %parallel_loop3A_569, %parallel_loop3A_622 : i32
        %parallel_loop3A_624 = arith.index_cast %parallel_loop3A_623 : i32 to index
        %parallel_loop3A_625 = tpu.vector_load %arg8[%parallel_loop3A_624] {strides = array<i32>} : memref<51200xf32, #tpu.memory_space<vmem>>, vector<16xf32>,
        tpu.vector_store %arg8[%parallel_loop3A_624], %parallel_loop3A_621 {strides = array<i32>} : memref<51200xf32, #tpu.memory_space<vmem>>, vector<16xf32>,
        %parallel_loop3A_626 = arith.constant 112 : i32
        %parallel_loop3A_627 = arith.addi %parallel_loop3A_567, %parallel_loop3A_626 : i32
        %parallel_loop3A_628 = arith.index_cast %parallel_loop3A_627 : i32 to index
        %parallel_loop3A_629 = tpu.vector_load %arg5[%parallel_loop3A_628] {strides = array<i32>} : memref<4096xf32, #tpu.memory_space<vmem>>, vector<16xf32>,
        %parallel_loop3A_630 = arith.constant 112 : i32
        %parallel_loop3A_631 = arith.addi %parallel_loop3A_569, %parallel_loop3A_630 : i32
        %parallel_loop3A_632 = arith.index_cast %parallel_loop3A_631 : i32 to index
        %parallel_loop3A_633 = tpu.vector_load %arg8[%parallel_loop3A_632] {strides = array<i32>} : memref<51200xf32, #tpu.memory_space<vmem>>, vector<16xf32>,
        tpu.vector_store %arg8[%parallel_loop3A_632], %parallel_loop3A_629 {strides = array<i32>} : memref<51200xf32, #tpu.memory_space<vmem>>, vector<16xf32>,
        %parallel_loop3A_634 = vector.extract_strided_slice %parallel_loop3A_71 {offsets = [8], sizes = [1], strides = [1]} : vector<16xi32> to vector<1xi32>
        %parallel_loop3A_635 = vector.extract %parallel_loop3A_634[0] : i32 from vector<1xi32>
        %parallel_loop3A_636 = arith.constant 128 : i32
        %parallel_loop3A_637 = arith.muli %parallel_loop3A_635, %parallel_loop3A_636 : i32
        %parallel_loop3A_638 = arith.constant 1024 : i32
        %parallel_loop3A_639 = arith.addi %parallel_loop3A_73, %parallel_loop3A_638 : i32
        %parallel_loop3A_640 = arith.constant 0 : i32
        %parallel_loop3A_641 = arith.addi %parallel_loop3A_637, %parallel_loop3A_640 : i32
        %parallel_loop3A_642 = arith.index_cast %parallel_loop3A_641 : i32 to index
        %parallel_loop3A_643 = tpu.vector_load %arg5[%parallel_loop3A_642] {strides = array<i32>} : memref<4096xf32, #tpu.memory_space<vmem>>, vector<16xf32>,
        %parallel_loop3A_644 = arith.constant 0 : i32
        %parallel_loop3A_645 = arith.addi %parallel_loop3A_639, %parallel_loop3A_644 : i32
        %parallel_loop3A_646 = arith.index_cast %parallel_loop3A_645 : i32 to index
        %parallel_loop3A_647 = tpu.vector_load %arg8[%parallel_loop3A_646] {strides = array<i32>} : memref<51200xf32, #tpu.memory_space<vmem>>, vector<16xf32>,
        tpu.vector_store %arg8[%parallel_loop3A_646], %parallel_loop3A_643 {strides = array<i32>} : memref<51200xf32, #tpu.memory_space<vmem>>, vector<16xf32>,
        %parallel_loop3A_648 = arith.constant 16 : i32
        %parallel_loop3A_649 = arith.addi %parallel_loop3A_637, %parallel_loop3A_648 : i32
        %parallel_loop3A_650 = arith.index_cast %parallel_loop3A_649 : i32 to index
        %parallel_loop3A_651 = tpu.vector_load %arg5[%parallel_loop3A_650] {strides = array<i32>} : memref<4096xf32, #tpu.memory_space<vmem>>, vector<16xf32>,
        %parallel_loop3A_652 = arith.constant 16 : i32
        %parallel_loop3A_653 = arith.addi %parallel_loop3A_639, %parallel_loop3A_652 : i32
        %parallel_loop3A_654 = arith.index_cast %parallel_loop3A_653 : i32 to index
        %parallel_loop3A_655 = tpu.vector_load %arg8[%parallel_loop3A_654] {strides = array<i32>} : memref<51200xf32, #tpu.memory_space<vmem>>, vector<16xf32>,
        tpu.vector_store %arg8[%parallel_loop3A_654], %parallel_loop3A_651 {strides = array<i32>} : memref<51200xf32, #tpu.memory_space<vmem>>, vector<16xf32>,
        %parallel_loop3A_656 = arith.constant 32 : i32
        %parallel_loop3A_657 = arith.addi %parallel_loop3A_637, %parallel_loop3A_656 : i32
        %parallel_loop3A_658 = arith.index_cast %parallel_loop3A_657 : i32 to index
        %parallel_loop3A_659 = tpu.vector_load %arg5[%parallel_loop3A_658] {strides = array<i32>} : memref<4096xf32, #tpu.memory_space<vmem>>, vector<16xf32>,
        %parallel_loop3A_660 = arith.constant 32 : i32
        %parallel_loop3A_661 = arith.addi %parallel_loop3A_639, %parallel_loop3A_660 : i32
        %parallel_loop3A_662 = arith.index_cast %parallel_loop3A_661 : i32 to index
        %parallel_loop3A_663 = tpu.vector_load %arg8[%parallel_loop3A_662] {strides = array<i32>} : memref<51200xf32, #tpu.memory_space<vmem>>, vector<16xf32>,
        tpu.vector_store %arg8[%parallel_loop3A_662], %parallel_loop3A_659 {strides = array<i32>} : memref<51200xf32, #tpu.memory_space<vmem>>, vector<16xf32>,
        %parallel_loop3A_664 = arith.constant 48 : i32
        %parallel_loop3A_665 = arith.addi %parallel_loop3A_637, %parallel_loop3A_664 : i32
        %parallel_loop3A_666 = arith.index_cast %parallel_loop3A_665 : i32 to index
        %parallel_loop3A_667 = tpu.vector_load %arg5[%parallel_loop3A_666] {strides = array<i32>} : memref<4096xf32, #tpu.memory_space<vmem>>, vector<16xf32>,
        %parallel_loop3A_668 = arith.constant 48 : i32
        %parallel_loop3A_669 = arith.addi %parallel_loop3A_639, %parallel_loop3A_668 : i32
        %parallel_loop3A_670 = arith.index_cast %parallel_loop3A_669 : i32 to index
        %parallel_loop3A_671 = tpu.vector_load %arg8[%parallel_loop3A_670] {strides = array<i32>} : memref<51200xf32, #tpu.memory_space<vmem>>, vector<16xf32>,
        tpu.vector_store %arg8[%parallel_loop3A_670], %parallel_loop3A_667 {strides = array<i32>} : memref<51200xf32, #tpu.memory_space<vmem>>, vector<16xf32>,
        %parallel_loop3A_672 = arith.constant 64 : i32
        %parallel_loop3A_673 = arith.addi %parallel_loop3A_637, %parallel_loop3A_672 : i32
        %parallel_loop3A_674 = arith.index_cast %parallel_loop3A_673 : i32 to index
        %parallel_loop3A_675 = tpu.vector_load %arg5[%parallel_loop3A_674] {strides = array<i32>} : memref<4096xf32, #tpu.memory_space<vmem>>, vector<16xf32>,
        %parallel_loop3A_676 = arith.constant 64 : i32
        %parallel_loop3A_677 = arith.addi %parallel_loop3A_639, %parallel_loop3A_676 : i32
        %parallel_loop3A_678 = arith.index_cast %parallel_loop3A_677 : i32 to index
        %parallel_loop3A_679 = tpu.vector_load %arg8[%parallel_loop3A_678] {strides = array<i32>} : memref<51200xf32, #tpu.memory_space<vmem>>, vector<16xf32>,
        tpu.vector_store %arg8[%parallel_loop3A_678], %parallel_loop3A_675 {strides = array<i32>} : memref<51200xf32, #tpu.memory_space<vmem>>, vector<16xf32>,
        %parallel_loop3A_680 = arith.constant 80 : i32
        %parallel_loop3A_681 = arith.addi %parallel_loop3A_637, %parallel_loop3A_680 : i32
        %parallel_loop3A_682 = arith.index_cast %parallel_loop3A_681 : i32 to index
        %parallel_loop3A_683 = tpu.vector_load %arg5[%parallel_loop3A_682] {strides = array<i32>} : memref<4096xf32, #tpu.memory_space<vmem>>, vector<16xf32>,
        %parallel_loop3A_684 = arith.constant 80 : i32
        %parallel_loop3A_685 = arith.addi %parallel_loop3A_639, %parallel_loop3A_684 : i32
        %parallel_loop3A_686 = arith.index_cast %parallel_loop3A_685 : i32 to index
        %parallel_loop3A_687 = tpu.vector_load %arg8[%parallel_loop3A_686] {strides = array<i32>} : memref<51200xf32, #tpu.memory_space<vmem>>, vector<16xf32>,
        tpu.vector_store %arg8[%parallel_loop3A_686], %parallel_loop3A_683 {strides = array<i32>} : memref<51200xf32, #tpu.memory_space<vmem>>, vector<16xf32>,
        %parallel_loop3A_688 = arith.constant 96 : i32
        %parallel_loop3A_689 = arith.addi %parallel_loop3A_637, %parallel_loop3A_688 : i32
        %parallel_loop3A_690 = arith.index_cast %parallel_loop3A_689 : i32 to index
        %parallel_loop3A_691 = tpu.vector_load %arg5[%parallel_loop3A_690] {strides = array<i32>} : memref<4096xf32, #tpu.memory_space<vmem>>, vector<16xf32>,
        %parallel_loop3A_692 = arith.constant 96 : i32
        %parallel_loop3A_693 = arith.addi %parallel_loop3A_639, %parallel_loop3A_692 : i32
        %parallel_loop3A_694 = arith.index_cast %parallel_loop3A_693 : i32 to index
        %parallel_loop3A_695 = tpu.vector_load %arg8[%parallel_loop3A_694] {strides = array<i32>} : memref<51200xf32, #tpu.memory_space<vmem>>, vector<16xf32>,
        tpu.vector_store %arg8[%parallel_loop3A_694], %parallel_loop3A_691 {strides = array<i32>} : memref<51200xf32, #tpu.memory_space<vmem>>, vector<16xf32>,
        %parallel_loop3A_696 = arith.constant 112 : i32
        %parallel_loop3A_697 = arith.addi %parallel_loop3A_637, %parallel_loop3A_696 : i32
        %parallel_loop3A_698 = arith.index_cast %parallel_loop3A_697 : i32 to index
        %parallel_loop3A_699 = tpu.vector_load %arg5[%parallel_loop3A_698] {strides = array<i32>} : memref<4096xf32, #tpu.memory_space<vmem>>, vector<16xf32>,
        %parallel_loop3A_700 = arith.constant 112 : i32
        %parallel_loop3A_701 = arith.addi %parallel_loop3A_639, %parallel_loop3A_700 : i32
        %parallel_loop3A_702 = arith.index_cast %parallel_loop3A_701 : i32 to index
        %parallel_loop3A_703 = tpu.vector_load %arg8[%parallel_loop3A_702] {strides = array<i32>} : memref<51200xf32, #tpu.memory_space<vmem>>, vector<16xf32>,
        tpu.vector_store %arg8[%parallel_loop3A_702], %parallel_loop3A_699 {strides = array<i32>} : memref<51200xf32, #tpu.memory_space<vmem>>, vector<16xf32>,
        %parallel_loop3A_704 = vector.extract_strided_slice %parallel_loop3A_71 {offsets = [9], sizes = [1], strides = [1]} : vector<16xi32> to vector<1xi32>
        %parallel_loop3A_705 = vector.extract %parallel_loop3A_704[0] : i32 from vector<1xi32>
        %parallel_loop3A_706 = arith.constant 128 : i32
        %parallel_loop3A_707 = arith.muli %parallel_loop3A_705, %parallel_loop3A_706 : i32
        %parallel_loop3A_708 = arith.constant 1152 : i32
        %parallel_loop3A_709 = arith.addi %parallel_loop3A_73, %parallel_loop3A_708 : i32
        %parallel_loop3A_710 = arith.constant 0 : i32
        %parallel_loop3A_711 = arith.addi %parallel_loop3A_707, %parallel_loop3A_710 : i32
        %parallel_loop3A_712 = arith.index_cast %parallel_loop3A_711 : i32 to index
        %parallel_loop3A_713 = tpu.vector_load %arg5[%parallel_loop3A_712] {strides = array<i32>} : memref<4096xf32, #tpu.memory_space<vmem>>, vector<16xf32>,
        %parallel_loop3A_714 = arith.constant 0 : i32
        %parallel_loop3A_715 = arith.addi %parallel_loop3A_709, %parallel_loop3A_714 : i32
        %parallel_loop3A_716 = arith.index_cast %parallel_loop3A_715 : i32 to index
        %parallel_loop3A_717 = tpu.vector_load %arg8[%parallel_loop3A_716] {strides = array<i32>} : memref<51200xf32, #tpu.memory_space<vmem>>, vector<16xf32>,
        tpu.vector_store %arg8[%parallel_loop3A_716], %parallel_loop3A_713 {strides = array<i32>} : memref<51200xf32, #tpu.memory_space<vmem>>, vector<16xf32>,
        %parallel_loop3A_718 = arith.constant 16 : i32
        %parallel_loop3A_719 = arith.addi %parallel_loop3A_707, %parallel_loop3A_718 : i32
        %parallel_loop3A_720 = arith.index_cast %parallel_loop3A_719 : i32 to index
        %parallel_loop3A_721 = tpu.vector_load %arg5[%parallel_loop3A_720] {strides = array<i32>} : memref<4096xf32, #tpu.memory_space<vmem>>, vector<16xf32>,
        %parallel_loop3A_722 = arith.constant 16 : i32
        %parallel_loop3A_723 = arith.addi %parallel_loop3A_709, %parallel_loop3A_722 : i32
        %parallel_loop3A_724 = arith.index_cast %parallel_loop3A_723 : i32 to index
        %parallel_loop3A_725 = tpu.vector_load %arg8[%parallel_loop3A_724] {strides = array<i32>} : memref<51200xf32, #tpu.memory_space<vmem>>, vector<16xf32>,
        tpu.vector_store %arg8[%parallel_loop3A_724], %parallel_loop3A_721 {strides = array<i32>} : memref<51200xf32, #tpu.memory_space<vmem>>, vector<16xf32>,
        %parallel_loop3A_726 = arith.constant 32 : i32
        %parallel_loop3A_727 = arith.addi %parallel_loop3A_707, %parallel_loop3A_726 : i32
        %parallel_loop3A_728 = arith.index_cast %parallel_loop3A_727 : i32 to index
        %parallel_loop3A_729 = tpu.vector_load %arg5[%parallel_loop3A_728] {strides = array<i32>} : memref<4096xf32, #tpu.memory_space<vmem>>, vector<16xf32>,
        %parallel_loop3A_730 = arith.constant 32 : i32
        %parallel_loop3A_731 = arith.addi %parallel_loop3A_709, %parallel_loop3A_730 : i32
        %parallel_loop3A_732 = arith.index_cast %parallel_loop3A_731 : i32 to index
        %parallel_loop3A_733 = tpu.vector_load %arg8[%parallel_loop3A_732] {strides = array<i32>} : memref<51200xf32, #tpu.memory_space<vmem>>, vector<16xf32>,
        tpu.vector_store %arg8[%parallel_loop3A_732], %parallel_loop3A_729 {strides = array<i32>} : memref<51200xf32, #tpu.memory_space<vmem>>, vector<16xf32>,
        %parallel_loop3A_734 = arith.constant 48 : i32
        %parallel_loop3A_735 = arith.addi %parallel_loop3A_707, %parallel_loop3A_734 : i32
        %parallel_loop3A_736 = arith.index_cast %parallel_loop3A_735 : i32 to index
        %parallel_loop3A_737 = tpu.vector_load %arg5[%parallel_loop3A_736] {strides = array<i32>} : memref<4096xf32, #tpu.memory_space<vmem>>, vector<16xf32>,
        %parallel_loop3A_738 = arith.constant 48 : i32
        %parallel_loop3A_739 = arith.addi %parallel_loop3A_709, %parallel_loop3A_738 : i32
        %parallel_loop3A_740 = arith.index_cast %parallel_loop3A_739 : i32 to index
        %parallel_loop3A_741 = tpu.vector_load %arg8[%parallel_loop3A_740] {strides = array<i32>} : memref<51200xf32, #tpu.memory_space<vmem>>, vector<16xf32>,
        tpu.vector_store %arg8[%parallel_loop3A_740], %parallel_loop3A_737 {strides = array<i32>} : memref<51200xf32, #tpu.memory_space<vmem>>, vector<16xf32>,
        %parallel_loop3A_742 = arith.constant 64 : i32
        %parallel_loop3A_743 = arith.addi %parallel_loop3A_707, %parallel_loop3A_742 : i32
        %parallel_loop3A_744 = arith.index_cast %parallel_loop3A_743 : i32 to index
        %parallel_loop3A_745 = tpu.vector_load %arg5[%parallel_loop3A_744] {strides = array<i32>} : memref<4096xf32, #tpu.memory_space<vmem>>, vector<16xf32>,
        %parallel_loop3A_746 = arith.constant 64 : i32
        %parallel_loop3A_747 = arith.addi %parallel_loop3A_709, %parallel_loop3A_746 : i32
        %parallel_loop3A_748 = arith.index_cast %parallel_loop3A_747 : i32 to index
        %parallel_loop3A_749 = tpu.vector_load %arg8[%parallel_loop3A_748] {strides = array<i32>} : memref<51200xf32, #tpu.memory_space<vmem>>, vector<16xf32>,
        tpu.vector_store %arg8[%parallel_loop3A_748], %parallel_loop3A_745 {strides = array<i32>} : memref<51200xf32, #tpu.memory_space<vmem>>, vector<16xf32>,
        %parallel_loop3A_750 = arith.constant 80 : i32
        %parallel_loop3A_751 = arith.addi %parallel_loop3A_707, %parallel_loop3A_750 : i32
        %parallel_loop3A_752 = arith.index_cast %parallel_loop3A_751 : i32 to index
        %parallel_loop3A_753 = tpu.vector_load %arg5[%parallel_loop3A_752] {strides = array<i32>} : memref<4096xf32, #tpu.memory_space<vmem>>, vector<16xf32>,
        %parallel_loop3A_754 = arith.constant 80 : i32
        %parallel_loop3A_755 = arith.addi %parallel_loop3A_709, %parallel_loop3A_754 : i32
        %parallel_loop3A_756 = arith.index_cast %parallel_loop3A_755 : i32 to index
        %parallel_loop3A_757 = tpu.vector_load %arg8[%parallel_loop3A_756] {strides = array<i32>} : memref<51200xf32, #tpu.memory_space<vmem>>, vector<16xf32>,
        tpu.vector_store %arg8[%parallel_loop3A_756], %parallel_loop3A_753 {strides = array<i32>} : memref<51200xf32, #tpu.memory_space<vmem>>, vector<16xf32>,
        %parallel_loop3A_758 = arith.constant 96 : i32
        %parallel_loop3A_759 = arith.addi %parallel_loop3A_707, %parallel_loop3A_758 : i32
        %parallel_loop3A_760 = arith.index_cast %parallel_loop3A_759 : i32 to index
        %parallel_loop3A_761 = tpu.vector_load %arg5[%parallel_loop3A_760] {strides = array<i32>} : memref<4096xf32, #tpu.memory_space<vmem>>, vector<16xf32>,
        %parallel_loop3A_762 = arith.constant 96 : i32
        %parallel_loop3A_763 = arith.addi %parallel_loop3A_709, %parallel_loop3A_762 : i32
        %parallel_loop3A_764 = arith.index_cast %parallel_loop3A_763 : i32 to index
        %parallel_loop3A_765 = tpu.vector_load %arg8[%parallel_loop3A_764] {strides = array<i32>} : memref<51200xf32, #tpu.memory_space<vmem>>, vector<16xf32>,
        tpu.vector_store %arg8[%parallel_loop3A_764], %parallel_loop3A_761 {strides = array<i32>} : memref<51200xf32, #tpu.memory_space<vmem>>, vector<16xf32>,
        %parallel_loop3A_766 = arith.constant 112 : i32
        %parallel_loop3A_767 = arith.addi %parallel_loop3A_707, %parallel_loop3A_766 : i32
        %parallel_loop3A_768 = arith.index_cast %parallel_loop3A_767 : i32 to index
        %parallel_loop3A_769 = tpu.vector_load %arg5[%parallel_loop3A_768] {strides = array<i32>} : memref<4096xf32, #tpu.memory_space<vmem>>, vector<16xf32>,
        %parallel_loop3A_770 = arith.constant 112 : i32
        %parallel_loop3A_771 = arith.addi %parallel_loop3A_709, %parallel_loop3A_770 : i32
        %parallel_loop3A_772 = arith.index_cast %parallel_loop3A_771 : i32 to index
        %parallel_loop3A_773 = tpu.vector_load %arg8[%parallel_loop3A_772] {strides = array<i32>} : memref<51200xf32, #tpu.memory_space<vmem>>, vector<16xf32>,
        tpu.vector_store %arg8[%parallel_loop3A_772], %parallel_loop3A_769 {strides = array<i32>} : memref<51200xf32, #tpu.memory_space<vmem>>, vector<16xf32>,
        %parallel_loop3A_774 = vector.extract_strided_slice %parallel_loop3A_71 {offsets = [10], sizes = [1], strides = [1]} : vector<16xi32> to vector<1xi32>
        %parallel_loop3A_775 = vector.extract %parallel_loop3A_774[0] : i32 from vector<1xi32>
        %parallel_loop3A_776 = arith.constant 128 : i32
        %parallel_loop3A_777 = arith.muli %parallel_loop3A_775, %parallel_loop3A_776 : i32
        %parallel_loop3A_778 = arith.constant 1280 : i32
        %parallel_loop3A_779 = arith.addi %parallel_loop3A_73, %parallel_loop3A_778 : i32
        %parallel_loop3A_780 = arith.constant 0 : i32
        %parallel_loop3A_781 = arith.addi %parallel_loop3A_777, %parallel_loop3A_780 : i32
        %parallel_loop3A_782 = arith.index_cast %parallel_loop3A_781 : i32 to index
        %parallel_loop3A_783 = tpu.vector_load %arg5[%parallel_loop3A_782] {strides = array<i32>} : memref<4096xf32, #tpu.memory_space<vmem>>, vector<16xf32>,
        %parallel_loop3A_784 = arith.constant 0 : i32
        %parallel_loop3A_785 = arith.addi %parallel_loop3A_779, %parallel_loop3A_784 : i32
        %parallel_loop3A_786 = arith.index_cast %parallel_loop3A_785 : i32 to index
        %parallel_loop3A_787 = tpu.vector_load %arg8[%parallel_loop3A_786] {strides = array<i32>} : memref<51200xf32, #tpu.memory_space<vmem>>, vector<16xf32>,
        tpu.vector_store %arg8[%parallel_loop3A_786], %parallel_loop3A_783 {strides = array<i32>} : memref<51200xf32, #tpu.memory_space<vmem>>, vector<16xf32>,
        %parallel_loop3A_788 = arith.constant 16 : i32
        %parallel_loop3A_789 = arith.addi %parallel_loop3A_777, %parallel_loop3A_788 : i32
        %parallel_loop3A_790 = arith.index_cast %parallel_loop3A_789 : i32 to index
        %parallel_loop3A_791 = tpu.vector_load %arg5[%parallel_loop3A_790] {strides = array<i32>} : memref<4096xf32, #tpu.memory_space<vmem>>, vector<16xf32>,
        %parallel_loop3A_792 = arith.constant 16 : i32
        %parallel_loop3A_793 = arith.addi %parallel_loop3A_779, %parallel_loop3A_792 : i32
        %parallel_loop3A_794 = arith.index_cast %parallel_loop3A_793 : i32 to index
        %parallel_loop3A_795 = tpu.vector_load %arg8[%parallel_loop3A_794] {strides = array<i32>} : memref<51200xf32, #tpu.memory_space<vmem>>, vector<16xf32>,
        tpu.vector_store %arg8[%parallel_loop3A_794], %parallel_loop3A_791 {strides = array<i32>} : memref<51200xf32, #tpu.memory_space<vmem>>, vector<16xf32>,
        %parallel_loop3A_796 = arith.constant 32 : i32
        %parallel_loop3A_797 = arith.addi %parallel_loop3A_777, %parallel_loop3A_796 : i32
        %parallel_loop3A_798 = arith.index_cast %parallel_loop3A_797 : i32 to index
        %parallel_loop3A_799 = tpu.vector_load %arg5[%parallel_loop3A_798] {strides = array<i32>} : memref<4096xf32, #tpu.memory_space<vmem>>, vector<16xf32>,
        %parallel_loop3A_800 = arith.constant 32 : i32
        %parallel_loop3A_801 = arith.addi %parallel_loop3A_779, %parallel_loop3A_800 : i32
        %parallel_loop3A_802 = arith.index_cast %parallel_loop3A_801 : i32 to index
        %parallel_loop3A_803 = tpu.vector_load %arg8[%parallel_loop3A_802] {strides = array<i32>} : memref<51200xf32, #tpu.memory_space<vmem>>, vector<16xf32>,
        tpu.vector_store %arg8[%parallel_loop3A_802], %parallel_loop3A_799 {strides = array<i32>} : memref<51200xf32, #tpu.memory_space<vmem>>, vector<16xf32>,
        %parallel_loop3A_804 = arith.constant 48 : i32
        %parallel_loop3A_805 = arith.addi %parallel_loop3A_777, %parallel_loop3A_804 : i32
        %parallel_loop3A_806 = arith.index_cast %parallel_loop3A_805 : i32 to index
        %parallel_loop3A_807 = tpu.vector_load %arg5[%parallel_loop3A_806] {strides = array<i32>} : memref<4096xf32, #tpu.memory_space<vmem>>, vector<16xf32>,
        %parallel_loop3A_808 = arith.constant 48 : i32
        %parallel_loop3A_809 = arith.addi %parallel_loop3A_779, %parallel_loop3A_808 : i32
        %parallel_loop3A_810 = arith.index_cast %parallel_loop3A_809 : i32 to index
        %parallel_loop3A_811 = tpu.vector_load %arg8[%parallel_loop3A_810] {strides = array<i32>} : memref<51200xf32, #tpu.memory_space<vmem>>, vector<16xf32>,
        tpu.vector_store %arg8[%parallel_loop3A_810], %parallel_loop3A_807 {strides = array<i32>} : memref<51200xf32, #tpu.memory_space<vmem>>, vector<16xf32>,
        %parallel_loop3A_812 = arith.constant 64 : i32
        %parallel_loop3A_813 = arith.addi %parallel_loop3A_777, %parallel_loop3A_812 : i32
        %parallel_loop3A_814 = arith.index_cast %parallel_loop3A_813 : i32 to index
        %parallel_loop3A_815 = tpu.vector_load %arg5[%parallel_loop3A_814] {strides = array<i32>} : memref<4096xf32, #tpu.memory_space<vmem>>, vector<16xf32>,
        %parallel_loop3A_816 = arith.constant 64 : i32
        %parallel_loop3A_817 = arith.addi %parallel_loop3A_779, %parallel_loop3A_816 : i32
        %parallel_loop3A_818 = arith.index_cast %parallel_loop3A_817 : i32 to index
        %parallel_loop3A_819 = tpu.vector_load %arg8[%parallel_loop3A_818] {strides = array<i32>} : memref<51200xf32, #tpu.memory_space<vmem>>, vector<16xf32>,
        tpu.vector_store %arg8[%parallel_loop3A_818], %parallel_loop3A_815 {strides = array<i32>} : memref<51200xf32, #tpu.memory_space<vmem>>, vector<16xf32>,
        %parallel_loop3A_820 = arith.constant 80 : i32
        %parallel_loop3A_821 = arith.addi %parallel_loop3A_777, %parallel_loop3A_820 : i32
        %parallel_loop3A_822 = arith.index_cast %parallel_loop3A_821 : i32 to index
        %parallel_loop3A_823 = tpu.vector_load %arg5[%parallel_loop3A_822] {strides = array<i32>} : memref<4096xf32, #tpu.memory_space<vmem>>, vector<16xf32>,
        %parallel_loop3A_824 = arith.constant 80 : i32
        %parallel_loop3A_825 = arith.addi %parallel_loop3A_779, %parallel_loop3A_824 : i32
        %parallel_loop3A_826 = arith.index_cast %parallel_loop3A_825 : i32 to index
        %parallel_loop3A_827 = tpu.vector_load %arg8[%parallel_loop3A_826] {strides = array<i32>} : memref<51200xf32, #tpu.memory_space<vmem>>, vector<16xf32>,
        tpu.vector_store %arg8[%parallel_loop3A_826], %parallel_loop3A_823 {strides = array<i32>} : memref<51200xf32, #tpu.memory_space<vmem>>, vector<16xf32>,
        %parallel_loop3A_828 = arith.constant 96 : i32
        %parallel_loop3A_829 = arith.addi %parallel_loop3A_777, %parallel_loop3A_828 : i32
        %parallel_loop3A_830 = arith.index_cast %parallel_loop3A_829 : i32 to index
        %parallel_loop3A_831 = tpu.vector_load %arg5[%parallel_loop3A_830] {strides = array<i32>} : memref<4096xf32, #tpu.memory_space<vmem>>, vector<16xf32>,
        %parallel_loop3A_832 = arith.constant 96 : i32
        %parallel_loop3A_833 = arith.addi %parallel_loop3A_779, %parallel_loop3A_832 : i32
        %parallel_loop3A_834 = arith.index_cast %parallel_loop3A_833 : i32 to index
        %parallel_loop3A_835 = tpu.vector_load %arg8[%parallel_loop3A_834] {strides = array<i32>} : memref<51200xf32, #tpu.memory_space<vmem>>, vector<16xf32>,
        tpu.vector_store %arg8[%parallel_loop3A_834], %parallel_loop3A_831 {strides = array<i32>} : memref<51200xf32, #tpu.memory_space<vmem>>, vector<16xf32>,
        %parallel_loop3A_836 = arith.constant 112 : i32
        %parallel_loop3A_837 = arith.addi %parallel_loop3A_777, %parallel_loop3A_836 : i32
        %parallel_loop3A_838 = arith.index_cast %parallel_loop3A_837 : i32 to index
        %parallel_loop3A_839 = tpu.vector_load %arg5[%parallel_loop3A_838] {strides = array<i32>} : memref<4096xf32, #tpu.memory_space<vmem>>, vector<16xf32>,
        %parallel_loop3A_840 = arith.constant 112 : i32
        %parallel_loop3A_841 = arith.addi %parallel_loop3A_779, %parallel_loop3A_840 : i32
        %parallel_loop3A_842 = arith.index_cast %parallel_loop3A_841 : i32 to index
        %parallel_loop3A_843 = tpu.vector_load %arg8[%parallel_loop3A_842] {strides = array<i32>} : memref<51200xf32, #tpu.memory_space<vmem>>, vector<16xf32>,
        tpu.vector_store %arg8[%parallel_loop3A_842], %parallel_loop3A_839 {strides = array<i32>} : memref<51200xf32, #tpu.memory_space<vmem>>, vector<16xf32>,
        %parallel_loop3A_844 = vector.extract_strided_slice %parallel_loop3A_71 {offsets = [11], sizes = [1], strides = [1]} : vector<16xi32> to vector<1xi32>
        %parallel_loop3A_845 = vector.extract %parallel_loop3A_844[0] : i32 from vector<1xi32>
        %parallel_loop3A_846 = arith.constant 128 : i32
        %parallel_loop3A_847 = arith.muli %parallel_loop3A_845, %parallel_loop3A_846 : i32
        %parallel_loop3A_848 = arith.constant 1408 : i32
        %parallel_loop3A_849 = arith.addi %parallel_loop3A_73, %parallel_loop3A_848 : i32
        %parallel_loop3A_850 = arith.constant 0 : i32
        %parallel_loop3A_851 = arith.addi %parallel_loop3A_847, %parallel_loop3A_850 : i32
        %parallel_loop3A_852 = arith.index_cast %parallel_loop3A_851 : i32 to index
        %parallel_loop3A_853 = tpu.vector_load %arg5[%parallel_loop3A_852] {strides = array<i32>} : memref<4096xf32, #tpu.memory_space<vmem>>, vector<16xf32>,
        %parallel_loop3A_854 = arith.constant 0 : i32
        %parallel_loop3A_855 = arith.addi %parallel_loop3A_849, %parallel_loop3A_854 : i32
        %parallel_loop3A_856 = arith.index_cast %parallel_loop3A_855 : i32 to index
        %parallel_loop3A_857 = tpu.vector_load %arg8[%parallel_loop3A_856] {strides = array<i32>} : memref<51200xf32, #tpu.memory_space<vmem>>, vector<16xf32>,
        tpu.vector_store %arg8[%parallel_loop3A_856], %parallel_loop3A_853 {strides = array<i32>} : memref<51200xf32, #tpu.memory_space<vmem>>, vector<16xf32>,
        %parallel_loop3A_858 = arith.constant 16 : i32
        %parallel_loop3A_859 = arith.addi %parallel_loop3A_847, %parallel_loop3A_858 : i32
        %parallel_loop3A_860 = arith.index_cast %parallel_loop3A_859 : i32 to index
        %parallel_loop3A_861 = tpu.vector_load %arg5[%parallel_loop3A_860] {strides = array<i32>} : memref<4096xf32, #tpu.memory_space<vmem>>, vector<16xf32>,
        %parallel_loop3A_862 = arith.constant 16 : i32
        %parallel_loop3A_863 = arith.addi %parallel_loop3A_849, %parallel_loop3A_862 : i32
        %parallel_loop3A_864 = arith.index_cast %parallel_loop3A_863 : i32 to index
        %parallel_loop3A_865 = tpu.vector_load %arg8[%parallel_loop3A_864] {strides = array<i32>} : memref<51200xf32, #tpu.memory_space<vmem>>, vector<16xf32>,
        tpu.vector_store %arg8[%parallel_loop3A_864], %parallel_loop3A_861 {strides = array<i32>} : memref<51200xf32, #tpu.memory_space<vmem>>, vector<16xf32>,
        %parallel_loop3A_866 = arith.constant 32 : i32
        %parallel_loop3A_867 = arith.addi %parallel_loop3A_847, %parallel_loop3A_866 : i32
        %parallel_loop3A_868 = arith.index_cast %parallel_loop3A_867 : i32 to index
        %parallel_loop3A_869 = tpu.vector_load %arg5[%parallel_loop3A_868] {strides = array<i32>} : memref<4096xf32, #tpu.memory_space<vmem>>, vector<16xf32>,
        %parallel_loop3A_870 = arith.constant 32 : i32
        %parallel_loop3A_871 = arith.addi %parallel_loop3A_849, %parallel_loop3A_870 : i32
        %parallel_loop3A_872 = arith.index_cast %parallel_loop3A_871 : i32 to index
        %parallel_loop3A_873 = tpu.vector_load %arg8[%parallel_loop3A_872] {strides = array<i32>} : memref<51200xf32, #tpu.memory_space<vmem>>, vector<16xf32>,
        tpu.vector_store %arg8[%parallel_loop3A_872], %parallel_loop3A_869 {strides = array<i32>} : memref<51200xf32, #tpu.memory_space<vmem>>, vector<16xf32>,
        %parallel_loop3A_874 = arith.constant 48 : i32
        %parallel_loop3A_875 = arith.addi %parallel_loop3A_847, %parallel_loop3A_874 : i32
        %parallel_loop3A_876 = arith.index_cast %parallel_loop3A_875 : i32 to index
        %parallel_loop3A_877 = tpu.vector_load %arg5[%parallel_loop3A_876] {strides = array<i32>} : memref<4096xf32, #tpu.memory_space<vmem>>, vector<16xf32>,
        %parallel_loop3A_878 = arith.constant 48 : i32
        %parallel_loop3A_879 = arith.addi %parallel_loop3A_849, %parallel_loop3A_878 : i32
        %parallel_loop3A_880 = arith.index_cast %parallel_loop3A_879 : i32 to index
        %parallel_loop3A_881 = tpu.vector_load %arg8[%parallel_loop3A_880] {strides = array<i32>} : memref<51200xf32, #tpu.memory_space<vmem>>, vector<16xf32>,
        tpu.vector_store %arg8[%parallel_loop3A_880], %parallel_loop3A_877 {strides = array<i32>} : memref<51200xf32, #tpu.memory_space<vmem>>, vector<16xf32>,
        %parallel_loop3A_882 = arith.constant 64 : i32
        %parallel_loop3A_883 = arith.addi %parallel_loop3A_847, %parallel_loop3A_882 : i32
        %parallel_loop3A_884 = arith.index_cast %parallel_loop3A_883 : i32 to index
        %parallel_loop3A_885 = tpu.vector_load %arg5[%parallel_loop3A_884] {strides = array<i32>} : memref<4096xf32, #tpu.memory_space<vmem>>, vector<16xf32>,
        %parallel_loop3A_886 = arith.constant 64 : i32
        %parallel_loop3A_887 = arith.addi %parallel_loop3A_849, %parallel_loop3A_886 : i32
        %parallel_loop3A_888 = arith.index_cast %parallel_loop3A_887 : i32 to index
        %parallel_loop3A_889 = tpu.vector_load %arg8[%parallel_loop3A_888] {strides = array<i32>} : memref<51200xf32, #tpu.memory_space<vmem>>, vector<16xf32>,
        tpu.vector_store %arg8[%parallel_loop3A_888], %parallel_loop3A_885 {strides = array<i32>} : memref<51200xf32, #tpu.memory_space<vmem>>, vector<16xf32>,
        %parallel_loop3A_890 = arith.constant 80 : i32
        %parallel_loop3A_891 = arith.addi %parallel_loop3A_847, %parallel_loop3A_890 : i32
        %parallel_loop3A_892 = arith.index_cast %parallel_loop3A_891 : i32 to index
        %parallel_loop3A_893 = tpu.vector_load %arg5[%parallel_loop3A_892] {strides = array<i32>} : memref<4096xf32, #tpu.memory_space<vmem>>, vector<16xf32>,
        %parallel_loop3A_894 = arith.constant 80 : i32
        %parallel_loop3A_895 = arith.addi %parallel_loop3A_849, %parallel_loop3A_894 : i32
        %parallel_loop3A_896 = arith.index_cast %parallel_loop3A_895 : i32 to index
        %parallel_loop3A_897 = tpu.vector_load %arg8[%parallel_loop3A_896] {strides = array<i32>} : memref<51200xf32, #tpu.memory_space<vmem>>, vector<16xf32>,
        tpu.vector_store %arg8[%parallel_loop3A_896], %parallel_loop3A_893 {strides = array<i32>} : memref<51200xf32, #tpu.memory_space<vmem>>, vector<16xf32>,
        %parallel_loop3A_898 = arith.constant 96 : i32
        %parallel_loop3A_899 = arith.addi %parallel_loop3A_847, %parallel_loop3A_898 : i32
        %parallel_loop3A_900 = arith.index_cast %parallel_loop3A_899 : i32 to index
        %parallel_loop3A_901 = tpu.vector_load %arg5[%parallel_loop3A_900] {strides = array<i32>} : memref<4096xf32, #tpu.memory_space<vmem>>, vector<16xf32>,
        %parallel_loop3A_902 = arith.constant 96 : i32
        %parallel_loop3A_903 = arith.addi %parallel_loop3A_849, %parallel_loop3A_902 : i32
        %parallel_loop3A_904 = arith.index_cast %parallel_loop3A_903 : i32 to index
        %parallel_loop3A_905 = tpu.vector_load %arg8[%parallel_loop3A_904] {strides = array<i32>} : memref<51200xf32, #tpu.memory_space<vmem>>, vector<16xf32>,
        tpu.vector_store %arg8[%parallel_loop3A_904], %parallel_loop3A_901 {strides = array<i32>} : memref<51200xf32, #tpu.memory_space<vmem>>, vector<16xf32>,
        %parallel_loop3A_906 = arith.constant 112 : i32
        %parallel_loop3A_907 = arith.addi %parallel_loop3A_847, %parallel_loop3A_906 : i32
        %parallel_loop3A_908 = arith.index_cast %parallel_loop3A_907 : i32 to index
        %parallel_loop3A_909 = tpu.vector_load %arg5[%parallel_loop3A_908] {strides = array<i32>} : memref<4096xf32, #tpu.memory_space<vmem>>, vector<16xf32>,
        %parallel_loop3A_910 = arith.constant 112 : i32
        %parallel_loop3A_911 = arith.addi %parallel_loop3A_849, %parallel_loop3A_910 : i32
        %parallel_loop3A_912 = arith.index_cast %parallel_loop3A_911 : i32 to index
        %parallel_loop3A_913 = tpu.vector_load %arg8[%parallel_loop3A_912] {strides = array<i32>} : memref<51200xf32, #tpu.memory_space<vmem>>, vector<16xf32>,
        tpu.vector_store %arg8[%parallel_loop3A_912], %parallel_loop3A_909 {strides = array<i32>} : memref<51200xf32, #tpu.memory_space<vmem>>, vector<16xf32>,
        %parallel_loop3A_914 = vector.extract_strided_slice %parallel_loop3A_71 {offsets = [12], sizes = [1], strides = [1]} : vector<16xi32> to vector<1xi32>
        %parallel_loop3A_915 = vector.extract %parallel_loop3A_914[0] : i32 from vector<1xi32>
        %parallel_loop3A_916 = arith.constant 128 : i32
        %parallel_loop3A_917 = arith.muli %parallel_loop3A_915, %parallel_loop3A_916 : i32
        %parallel_loop3A_918 = arith.constant 1536 : i32
        %parallel_loop3A_919 = arith.addi %parallel_loop3A_73, %parallel_loop3A_918 : i32
        %parallel_loop3A_920 = arith.constant 0 : i32
        %parallel_loop3A_921 = arith.addi %parallel_loop3A_917, %parallel_loop3A_920 : i32
        %parallel_loop3A_922 = arith.index_cast %parallel_loop3A_921 : i32 to index
        %parallel_loop3A_923 = tpu.vector_load %arg5[%parallel_loop3A_922] {strides = array<i32>} : memref<4096xf32, #tpu.memory_space<vmem>>, vector<16xf32>,
        %parallel_loop3A_924 = arith.constant 0 : i32
        %parallel_loop3A_925 = arith.addi %parallel_loop3A_919, %parallel_loop3A_924 : i32
        %parallel_loop3A_926 = arith.index_cast %parallel_loop3A_925 : i32 to index
        %parallel_loop3A_927 = tpu.vector_load %arg8[%parallel_loop3A_926] {strides = array<i32>} : memref<51200xf32, #tpu.memory_space<vmem>>, vector<16xf32>,
        tpu.vector_store %arg8[%parallel_loop3A_926], %parallel_loop3A_923 {strides = array<i32>} : memref<51200xf32, #tpu.memory_space<vmem>>, vector<16xf32>,
        %parallel_loop3A_928 = arith.constant 16 : i32
        %parallel_loop3A_929 = arith.addi %parallel_loop3A_917, %parallel_loop3A_928 : i32
        %parallel_loop3A_930 = arith.index_cast %parallel_loop3A_929 : i32 to index
        %parallel_loop3A_931 = tpu.vector_load %arg5[%parallel_loop3A_930] {strides = array<i32>} : memref<4096xf32, #tpu.memory_space<vmem>>, vector<16xf32>,
        %parallel_loop3A_932 = arith.constant 16 : i32
        %parallel_loop3A_933 = arith.addi %parallel_loop3A_919, %parallel_loop3A_932 : i32
        %parallel_loop3A_934 = arith.index_cast %parallel_loop3A_933 : i32 to index
        %parallel_loop3A_935 = tpu.vector_load %arg8[%parallel_loop3A_934] {strides = array<i32>} : memref<51200xf32, #tpu.memory_space<vmem>>, vector<16xf32>,
        tpu.vector_store %arg8[%parallel_loop3A_934], %parallel_loop3A_931 {strides = array<i32>} : memref<51200xf32, #tpu.memory_space<vmem>>, vector<16xf32>,
        %parallel_loop3A_936 = arith.constant 32 : i32
        %parallel_loop3A_937 = arith.addi %parallel_loop3A_917, %parallel_loop3A_936 : i32
        %parallel_loop3A_938 = arith.index_cast %parallel_loop3A_937 : i32 to index
        %parallel_loop3A_939 = tpu.vector_load %arg5[%parallel_loop3A_938] {strides = array<i32>} : memref<4096xf32, #tpu.memory_space<vmem>>, vector<16xf32>,
        %parallel_loop3A_940 = arith.constant 32 : i32
        %parallel_loop3A_941 = arith.addi %parallel_loop3A_919, %parallel_loop3A_940 : i32
        %parallel_loop3A_942 = arith.index_cast %parallel_loop3A_941 : i32 to index
        %parallel_loop3A_943 = tpu.vector_load %arg8[%parallel_loop3A_942] {strides = array<i32>} : memref<51200xf32, #tpu.memory_space<vmem>>, vector<16xf32>,
        tpu.vector_store %arg8[%parallel_loop3A_942], %parallel_loop3A_939 {strides = array<i32>} : memref<51200xf32, #tpu.memory_space<vmem>>, vector<16xf32>,
        %parallel_loop3A_944 = arith.constant 48 : i32
        %parallel_loop3A_945 = arith.addi %parallel_loop3A_917, %parallel_loop3A_944 : i32
        %parallel_loop3A_946 = arith.index_cast %parallel_loop3A_945 : i32 to index
        %parallel_loop3A_947 = tpu.vector_load %arg5[%parallel_loop3A_946] {strides = array<i32>} : memref<4096xf32, #tpu.memory_space<vmem>>, vector<16xf32>,
        %parallel_loop3A_948 = arith.constant 48 : i32
        %parallel_loop3A_949 = arith.addi %parallel_loop3A_919, %parallel_loop3A_948 : i32
        %parallel_loop3A_950 = arith.index_cast %parallel_loop3A_949 : i32 to index
        %parallel_loop3A_951 = tpu.vector_load %arg8[%parallel_loop3A_950] {strides = array<i32>} : memref<51200xf32, #tpu.memory_space<vmem>>, vector<16xf32>,
        tpu.vector_store %arg8[%parallel_loop3A_950], %parallel_loop3A_947 {strides = array<i32>} : memref<51200xf32, #tpu.memory_space<vmem>>, vector<16xf32>,
        %parallel_loop3A_952 = arith.constant 64 : i32
        %parallel_loop3A_953 = arith.addi %parallel_loop3A_917, %parallel_loop3A_952 : i32
        %parallel_loop3A_954 = arith.index_cast %parallel_loop3A_953 : i32 to index
        %parallel_loop3A_955 = tpu.vector_load %arg5[%parallel_loop3A_954] {strides = array<i32>} : memref<4096xf32, #tpu.memory_space<vmem>>, vector<16xf32>,
        %parallel_loop3A_956 = arith.constant 64 : i32
        %parallel_loop3A_957 = arith.addi %parallel_loop3A_919, %parallel_loop3A_956 : i32
        %parallel_loop3A_958 = arith.index_cast %parallel_loop3A_957 : i32 to index
        %parallel_loop3A_959 = tpu.vector_load %arg8[%parallel_loop3A_958] {strides = array<i32>} : memref<51200xf32, #tpu.memory_space<vmem>>, vector<16xf32>,
        tpu.vector_store %arg8[%parallel_loop3A_958], %parallel_loop3A_955 {strides = array<i32>} : memref<51200xf32, #tpu.memory_space<vmem>>, vector<16xf32>,
        %parallel_loop3A_960 = arith.constant 80 : i32
        %parallel_loop3A_961 = arith.addi %parallel_loop3A_917, %parallel_loop3A_960 : i32
        %parallel_loop3A_962 = arith.index_cast %parallel_loop3A_961 : i32 to index
        %parallel_loop3A_963 = tpu.vector_load %arg5[%parallel_loop3A_962] {strides = array<i32>} : memref<4096xf32, #tpu.memory_space<vmem>>, vector<16xf32>,
        %parallel_loop3A_964 = arith.constant 80 : i32
        %parallel_loop3A_965 = arith.addi %parallel_loop3A_919, %parallel_loop3A_964 : i32
        %parallel_loop3A_966 = arith.index_cast %parallel_loop3A_965 : i32 to index
        %parallel_loop3A_967 = tpu.vector_load %arg8[%parallel_loop3A_966] {strides = array<i32>} : memref<51200xf32, #tpu.memory_space<vmem>>, vector<16xf32>,
        tpu.vector_store %arg8[%parallel_loop3A_966], %parallel_loop3A_963 {strides = array<i32>} : memref<51200xf32, #tpu.memory_space<vmem>>, vector<16xf32>,
        %parallel_loop3A_968 = arith.constant 96 : i32
        %parallel_loop3A_969 = arith.addi %parallel_loop3A_917, %parallel_loop3A_968 : i32
        %parallel_loop3A_970 = arith.index_cast %parallel_loop3A_969 : i32 to index
        %parallel_loop3A_971 = tpu.vector_load %arg5[%parallel_loop3A_970] {strides = array<i32>} : memref<4096xf32, #tpu.memory_space<vmem>>, vector<16xf32>,
        %parallel_loop3A_972 = arith.constant 96 : i32
        %parallel_loop3A_973 = arith.addi %parallel_loop3A_919, %parallel_loop3A_972 : i32
        %parallel_loop3A_974 = arith.index_cast %parallel_loop3A_973 : i32 to index
        %parallel_loop3A_975 = tpu.vector_load %arg8[%parallel_loop3A_974] {strides = array<i32>} : memref<51200xf32, #tpu.memory_space<vmem>>, vector<16xf32>,
        tpu.vector_store %arg8[%parallel_loop3A_974], %parallel_loop3A_971 {strides = array<i32>} : memref<51200xf32, #tpu.memory_space<vmem>>, vector<16xf32>,
        %parallel_loop3A_976 = arith.constant 112 : i32
        %parallel_loop3A_977 = arith.addi %parallel_loop3A_917, %parallel_loop3A_976 : i32
        %parallel_loop3A_978 = arith.index_cast %parallel_loop3A_977 : i32 to index
        %parallel_loop3A_979 = tpu.vector_load %arg5[%parallel_loop3A_978] {strides = array<i32>} : memref<4096xf32, #tpu.memory_space<vmem>>, vector<16xf32>,
        %parallel_loop3A_980 = arith.constant 112 : i32
        %parallel_loop3A_981 = arith.addi %parallel_loop3A_919, %parallel_loop3A_980 : i32
        %parallel_loop3A_982 = arith.index_cast %parallel_loop3A_981 : i32 to index
        %parallel_loop3A_983 = tpu.vector_load %arg8[%parallel_loop3A_982] {strides = array<i32>} : memref<51200xf32, #tpu.memory_space<vmem>>, vector<16xf32>,
        tpu.vector_store %arg8[%parallel_loop3A_982], %parallel_loop3A_979 {strides = array<i32>} : memref<51200xf32, #tpu.memory_space<vmem>>, vector<16xf32>,
        %parallel_loop3A_984 = vector.extract_strided_slice %parallel_loop3A_71 {offsets = [13], sizes = [1], strides = [1]} : vector<16xi32> to vector<1xi32>
        %parallel_loop3A_985 = vector.extract %parallel_loop3A_984[0] : i32 from vector<1xi32>
        %parallel_loop3A_986 = arith.constant 128 : i32
        %parallel_loop3A_987 = arith.muli %parallel_loop3A_985, %parallel_loop3A_986 : i32
        %parallel_loop3A_988 = arith.constant 1664 : i32
        %parallel_loop3A_989 = arith.addi %parallel_loop3A_73, %parallel_loop3A_988 : i32
        %parallel_loop3A_990 = arith.constant 0 : i32
        %parallel_loop3A_991 = arith.addi %parallel_loop3A_987, %parallel_loop3A_990 : i32
        %parallel_loop3A_992 = arith.index_cast %parallel_loop3A_991 : i32 to index
        %parallel_loop3A_993 = tpu.vector_load %arg5[%parallel_loop3A_992] {strides = array<i32>} : memref<4096xf32, #tpu.memory_space<vmem>>, vector<16xf32>,
        %parallel_loop3A_994 = arith.constant 0 : i32
        %parallel_loop3A_995 = arith.addi %parallel_loop3A_989, %parallel_loop3A_994 : i32
        %parallel_loop3A_996 = arith.index_cast %parallel_loop3A_995 : i32 to index
        %parallel_loop3A_997 = tpu.vector_load %arg8[%parallel_loop3A_996] {strides = array<i32>} : memref<51200xf32, #tpu.memory_space<vmem>>, vector<16xf32>,
        tpu.vector_store %arg8[%parallel_loop3A_996], %parallel_loop3A_993 {strides = array<i32>} : memref<51200xf32, #tpu.memory_space<vmem>>, vector<16xf32>,
        %parallel_loop3A_998 = arith.constant 16 : i32
        %parallel_loop3A_999 = arith.addi %parallel_loop3A_987, %parallel_loop3A_998 : i32
        %parallel_loop3A_1000 = arith.index_cast %parallel_loop3A_999 : i32 to index
        %parallel_loop3A_1001 = tpu.vector_load %arg5[%parallel_loop3A_1000] {strides = array<i32>} : memref<4096xf32, #tpu.memory_space<vmem>>, vector<16xf32>,
        %parallel_loop3A_1002 = arith.constant 16 : i32
        %parallel_loop3A_1003 = arith.addi %parallel_loop3A_989, %parallel_loop3A_1002 : i32
        %parallel_loop3A_1004 = arith.index_cast %parallel_loop3A_1003 : i32 to index
        %parallel_loop3A_1005 = tpu.vector_load %arg8[%parallel_loop3A_1004] {strides = array<i32>} : memref<51200xf32, #tpu.memory_space<vmem>>, vector<16xf32>,
        tpu.vector_store %arg8[%parallel_loop3A_1004], %parallel_loop3A_1001 {strides = array<i32>} : memref<51200xf32, #tpu.memory_space<vmem>>, vector<16xf32>,
        %parallel_loop3A_1006 = arith.constant 32 : i32
        %parallel_loop3A_1007 = arith.addi %parallel_loop3A_987, %parallel_loop3A_1006 : i32
        %parallel_loop3A_1008 = arith.index_cast %parallel_loop3A_1007 : i32 to index
        %parallel_loop3A_1009 = tpu.vector_load %arg5[%parallel_loop3A_1008] {strides = array<i32>} : memref<4096xf32, #tpu.memory_space<vmem>>, vector<16xf32>,
        %parallel_loop3A_1010 = arith.constant 32 : i32
        %parallel_loop3A_1011 = arith.addi %parallel_loop3A_989, %parallel_loop3A_1010 : i32
        %parallel_loop3A_1012 = arith.index_cast %parallel_loop3A_1011 : i32 to index
        %parallel_loop3A_1013 = tpu.vector_load %arg8[%parallel_loop3A_1012] {strides = array<i32>} : memref<51200xf32, #tpu.memory_space<vmem>>, vector<16xf32>,
        tpu.vector_store %arg8[%parallel_loop3A_1012], %parallel_loop3A_1009 {strides = array<i32>} : memref<51200xf32, #tpu.memory_space<vmem>>, vector<16xf32>,
        %parallel_loop3A_1014 = arith.constant 48 : i32
        %parallel_loop3A_1015 = arith.addi %parallel_loop3A_987, %parallel_loop3A_1014 : i32
        %parallel_loop3A_1016 = arith.index_cast %parallel_loop3A_1015 : i32 to index
        %parallel_loop3A_1017 = tpu.vector_load %arg5[%parallel_loop3A_1016] {strides = array<i32>} : memref<4096xf32, #tpu.memory_space<vmem>>, vector<16xf32>,
        %parallel_loop3A_1018 = arith.constant 48 : i32
        %parallel_loop3A_1019 = arith.addi %parallel_loop3A_989, %parallel_loop3A_1018 : i32
        %parallel_loop3A_1020 = arith.index_cast %parallel_loop3A_1019 : i32 to index
        %parallel_loop3A_1021 = tpu.vector_load %arg8[%parallel_loop3A_1020] {strides = array<i32>} : memref<51200xf32, #tpu.memory_space<vmem>>, vector<16xf32>,
        tpu.vector_store %arg8[%parallel_loop3A_1020], %parallel_loop3A_1017 {strides = array<i32>} : memref<51200xf32, #tpu.memory_space<vmem>>, vector<16xf32>,
        %parallel_loop3A_1022 = arith.constant 64 : i32
        %parallel_loop3A_1023 = arith.addi %parallel_loop3A_987, %parallel_loop3A_1022 : i32
        %parallel_loop3A_1024 = arith.index_cast %parallel_loop3A_1023 : i32 to index
        %parallel_loop3A_1025 = tpu.vector_load %arg5[%parallel_loop3A_1024] {strides = array<i32>} : memref<4096xf32, #tpu.memory_space<vmem>>, vector<16xf32>,
        %parallel_loop3A_1026 = arith.constant 64 : i32
        %parallel_loop3A_1027 = arith.addi %parallel_loop3A_989, %parallel_loop3A_1026 : i32
        %parallel_loop3A_1028 = arith.index_cast %parallel_loop3A_1027 : i32 to index
        %parallel_loop3A_1029 = tpu.vector_load %arg8[%parallel_loop3A_1028] {strides = array<i32>} : memref<51200xf32, #tpu.memory_space<vmem>>, vector<16xf32>,
        tpu.vector_store %arg8[%parallel_loop3A_1028], %parallel_loop3A_1025 {strides = array<i32>} : memref<51200xf32, #tpu.memory_space<vmem>>, vector<16xf32>,
        %parallel_loop3A_1030 = arith.constant 80 : i32
        %parallel_loop3A_1031 = arith.addi %parallel_loop3A_987, %parallel_loop3A_1030 : i32
        %parallel_loop3A_1032 = arith.index_cast %parallel_loop3A_1031 : i32 to index
        %parallel_loop3A_1033 = tpu.vector_load %arg5[%parallel_loop3A_1032] {strides = array<i32>} : memref<4096xf32, #tpu.memory_space<vmem>>, vector<16xf32>,
        %parallel_loop3A_1034 = arith.constant 80 : i32
        %parallel_loop3A_1035 = arith.addi %parallel_loop3A_989, %parallel_loop3A_1034 : i32
        %parallel_loop3A_1036 = arith.index_cast %parallel_loop3A_1035 : i32 to index
        %parallel_loop3A_1037 = tpu.vector_load %arg8[%parallel_loop3A_1036] {strides = array<i32>} : memref<51200xf32, #tpu.memory_space<vmem>>, vector<16xf32>,
        tpu.vector_store %arg8[%parallel_loop3A_1036], %parallel_loop3A_1033 {strides = array<i32>} : memref<51200xf32, #tpu.memory_space<vmem>>, vector<16xf32>,
        %parallel_loop3A_1038 = arith.constant 96 : i32
        %parallel_loop3A_1039 = arith.addi %parallel_loop3A_987, %parallel_loop3A_1038 : i32
        %parallel_loop3A_1040 = arith.index_cast %parallel_loop3A_1039 : i32 to index
        %parallel_loop3A_1041 = tpu.vector_load %arg5[%parallel_loop3A_1040] {strides = array<i32>} : memref<4096xf32, #tpu.memory_space<vmem>>, vector<16xf32>,
        %parallel_loop3A_1042 = arith.constant 96 : i32
        %parallel_loop3A_1043 = arith.addi %parallel_loop3A_989, %parallel_loop3A_1042 : i32
        %parallel_loop3A_1044 = arith.index_cast %parallel_loop3A_1043 : i32 to index
        %parallel_loop3A_1045 = tpu.vector_load %arg8[%parallel_loop3A_1044] {strides = array<i32>} : memref<51200xf32, #tpu.memory_space<vmem>>, vector<16xf32>,
        tpu.vector_store %arg8[%parallel_loop3A_1044], %parallel_loop3A_1041 {strides = array<i32>} : memref<51200xf32, #tpu.memory_space<vmem>>, vector<16xf32>,
        %parallel_loop3A_1046 = arith.constant 112 : i32
        %parallel_loop3A_1047 = arith.addi %parallel_loop3A_987, %parallel_loop3A_1046 : i32
        %parallel_loop3A_1048 = arith.index_cast %parallel_loop3A_1047 : i32 to index
        %parallel_loop3A_1049 = tpu.vector_load %arg5[%parallel_loop3A_1048] {strides = array<i32>} : memref<4096xf32, #tpu.memory_space<vmem>>, vector<16xf32>,
        %parallel_loop3A_1050 = arith.constant 112 : i32
        %parallel_loop3A_1051 = arith.addi %parallel_loop3A_989, %parallel_loop3A_1050 : i32
        %parallel_loop3A_1052 = arith.index_cast %parallel_loop3A_1051 : i32 to index
        %parallel_loop3A_1053 = tpu.vector_load %arg8[%parallel_loop3A_1052] {strides = array<i32>} : memref<51200xf32, #tpu.memory_space<vmem>>, vector<16xf32>,
        tpu.vector_store %arg8[%parallel_loop3A_1052], %parallel_loop3A_1049 {strides = array<i32>} : memref<51200xf32, #tpu.memory_space<vmem>>, vector<16xf32>,
        %parallel_loop3A_1054 = vector.extract_strided_slice %parallel_loop3A_71 {offsets = [14], sizes = [1], strides = [1]} : vector<16xi32> to vector<1xi32>
        %parallel_loop3A_1055 = vector.extract %parallel_loop3A_1054[0] : i32 from vector<1xi32>
        %parallel_loop3A_1056 = arith.constant 128 : i32
        %parallel_loop3A_1057 = arith.muli %parallel_loop3A_1055, %parallel_loop3A_1056 : i32
        %parallel_loop3A_1058 = arith.constant 1792 : i32
        %parallel_loop3A_1059 = arith.addi %parallel_loop3A_73, %parallel_loop3A_1058 : i32
        %parallel_loop3A_1060 = arith.constant 0 : i32
        %parallel_loop3A_1061 = arith.addi %parallel_loop3A_1057, %parallel_loop3A_1060 : i32
        %parallel_loop3A_1062 = arith.index_cast %parallel_loop3A_1061 : i32 to index
        %parallel_loop3A_1063 = tpu.vector_load %arg5[%parallel_loop3A_1062] {strides = array<i32>} : memref<4096xf32, #tpu.memory_space<vmem>>, vector<16xf32>,
        %parallel_loop3A_1064 = arith.constant 0 : i32
        %parallel_loop3A_1065 = arith.addi %parallel_loop3A_1059, %parallel_loop3A_1064 : i32
        %parallel_loop3A_1066 = arith.index_cast %parallel_loop3A_1065 : i32 to index
        %parallel_loop3A_1067 = tpu.vector_load %arg8[%parallel_loop3A_1066] {strides = array<i32>} : memref<51200xf32, #tpu.memory_space<vmem>>, vector<16xf32>,
        tpu.vector_store %arg8[%parallel_loop3A_1066], %parallel_loop3A_1063 {strides = array<i32>} : memref<51200xf32, #tpu.memory_space<vmem>>, vector<16xf32>,
        %parallel_loop3A_1068 = arith.constant 16 : i32
        %parallel_loop3A_1069 = arith.addi %parallel_loop3A_1057, %parallel_loop3A_1068 : i32
        %parallel_loop3A_1070 = arith.index_cast %parallel_loop3A_1069 : i32 to index
        %parallel_loop3A_1071 = tpu.vector_load %arg5[%parallel_loop3A_1070] {strides = array<i32>} : memref<4096xf32, #tpu.memory_space<vmem>>, vector<16xf32>,
        %parallel_loop3A_1072 = arith.constant 16 : i32
        %parallel_loop3A_1073 = arith.addi %parallel_loop3A_1059, %parallel_loop3A_1072 : i32
        %parallel_loop3A_1074 = arith.index_cast %parallel_loop3A_1073 : i32 to index
        %parallel_loop3A_1075 = tpu.vector_load %arg8[%parallel_loop3A_1074] {strides = array<i32>} : memref<51200xf32, #tpu.memory_space<vmem>>, vector<16xf32>,
        tpu.vector_store %arg8[%parallel_loop3A_1074], %parallel_loop3A_1071 {strides = array<i32>} : memref<51200xf32, #tpu.memory_space<vmem>>, vector<16xf32>,
        %parallel_loop3A_1076 = arith.constant 32 : i32
        %parallel_loop3A_1077 = arith.addi %parallel_loop3A_1057, %parallel_loop3A_1076 : i32
        %parallel_loop3A_1078 = arith.index_cast %parallel_loop3A_1077 : i32 to index
        %parallel_loop3A_1079 = tpu.vector_load %arg5[%parallel_loop3A_1078] {strides = array<i32>} : memref<4096xf32, #tpu.memory_space<vmem>>, vector<16xf32>,
        %parallel_loop3A_1080 = arith.constant 32 : i32
        %parallel_loop3A_1081 = arith.addi %parallel_loop3A_1059, %parallel_loop3A_1080 : i32
        %parallel_loop3A_1082 = arith.index_cast %parallel_loop3A_1081 : i32 to index
        %parallel_loop3A_1083 = tpu.vector_load %arg8[%parallel_loop3A_1082] {strides = array<i32>} : memref<51200xf32, #tpu.memory_space<vmem>>, vector<16xf32>,
        tpu.vector_store %arg8[%parallel_loop3A_1082], %parallel_loop3A_1079 {strides = array<i32>} : memref<51200xf32, #tpu.memory_space<vmem>>, vector<16xf32>,
        %parallel_loop3A_1084 = arith.constant 48 : i32
        %parallel_loop3A_1085 = arith.addi %parallel_loop3A_1057, %parallel_loop3A_1084 : i32
        %parallel_loop3A_1086 = arith.index_cast %parallel_loop3A_1085 : i32 to index
        %parallel_loop3A_1087 = tpu.vector_load %arg5[%parallel_loop3A_1086] {strides = array<i32>} : memref<4096xf32, #tpu.memory_space<vmem>>, vector<16xf32>,
        %parallel_loop3A_1088 = arith.constant 48 : i32
        %parallel_loop3A_1089 = arith.addi %parallel_loop3A_1059, %parallel_loop3A_1088 : i32
        %parallel_loop3A_1090 = arith.index_cast %parallel_loop3A_1089 : i32 to index
        %parallel_loop3A_1091 = tpu.vector_load %arg8[%parallel_loop3A_1090] {strides = array<i32>} : memref<51200xf32, #tpu.memory_space<vmem>>, vector<16xf32>,
        tpu.vector_store %arg8[%parallel_loop3A_1090], %parallel_loop3A_1087 {strides = array<i32>} : memref<51200xf32, #tpu.memory_space<vmem>>, vector<16xf32>,
        %parallel_loop3A_1092 = arith.constant 64 : i32
        %parallel_loop3A_1093 = arith.addi %parallel_loop3A_1057, %parallel_loop3A_1092 : i32
        %parallel_loop3A_1094 = arith.index_cast %parallel_loop3A_1093 : i32 to index
        %parallel_loop3A_1095 = tpu.vector_load %arg5[%parallel_loop3A_1094] {strides = array<i32>} : memref<4096xf32, #tpu.memory_space<vmem>>, vector<16xf32>,
        %parallel_loop3A_1096 = arith.constant 64 : i32
        %parallel_loop3A_1097 = arith.addi %parallel_loop3A_1059, %parallel_loop3A_1096 : i32
        %parallel_loop3A_1098 = arith.index_cast %parallel_loop3A_1097 : i32 to index
        %parallel_loop3A_1099 = tpu.vector_load %arg8[%parallel_loop3A_1098] {strides = array<i32>} : memref<51200xf32, #tpu.memory_space<vmem>>, vector<16xf32>,
        tpu.vector_store %arg8[%parallel_loop3A_1098], %parallel_loop3A_1095 {strides = array<i32>} : memref<51200xf32, #tpu.memory_space<vmem>>, vector<16xf32>,
        %parallel_loop3A_1100 = arith.constant 80 : i32
        %parallel_loop3A_1101 = arith.addi %parallel_loop3A_1057, %parallel_loop3A_1100 : i32
        %parallel_loop3A_1102 = arith.index_cast %parallel_loop3A_1101 : i32 to index
        %parallel_loop3A_1103 = tpu.vector_load %arg5[%parallel_loop3A_1102] {strides = array<i32>} : memref<4096xf32, #tpu.memory_space<vmem>>, vector<16xf32>,
        %parallel_loop3A_1104 = arith.constant 80 : i32
        %parallel_loop3A_1105 = arith.addi %parallel_loop3A_1059, %parallel_loop3A_1104 : i32
        %parallel_loop3A_1106 = arith.index_cast %parallel_loop3A_1105 : i32 to index
        %parallel_loop3A_1107 = tpu.vector_load %arg8[%parallel_loop3A_1106] {strides = array<i32>} : memref<51200xf32, #tpu.memory_space<vmem>>, vector<16xf32>,
        tpu.vector_store %arg8[%parallel_loop3A_1106], %parallel_loop3A_1103 {strides = array<i32>} : memref<51200xf32, #tpu.memory_space<vmem>>, vector<16xf32>,
        %parallel_loop3A_1108 = arith.constant 96 : i32
        %parallel_loop3A_1109 = arith.addi %parallel_loop3A_1057, %parallel_loop3A_1108 : i32
        %parallel_loop3A_1110 = arith.index_cast %parallel_loop3A_1109 : i32 to index
        %parallel_loop3A_1111 = tpu.vector_load %arg5[%parallel_loop3A_1110] {strides = array<i32>} : memref<4096xf32, #tpu.memory_space<vmem>>, vector<16xf32>,
        %parallel_loop3A_1112 = arith.constant 96 : i32
        %parallel_loop3A_1113 = arith.addi %parallel_loop3A_1059, %parallel_loop3A_1112 : i32
        %parallel_loop3A_1114 = arith.index_cast %parallel_loop3A_1113 : i32 to index
        %parallel_loop3A_1115 = tpu.vector_load %arg8[%parallel_loop3A_1114] {strides = array<i32>} : memref<51200xf32, #tpu.memory_space<vmem>>, vector<16xf32>,
        tpu.vector_store %arg8[%parallel_loop3A_1114], %parallel_loop3A_1111 {strides = array<i32>} : memref<51200xf32, #tpu.memory_space<vmem>>, vector<16xf32>,
        %parallel_loop3A_1116 = arith.constant 112 : i32
        %parallel_loop3A_1117 = arith.addi %parallel_loop3A_1057, %parallel_loop3A_1116 : i32
        %parallel_loop3A_1118 = arith.index_cast %parallel_loop3A_1117 : i32 to index
        %parallel_loop3A_1119 = tpu.vector_load %arg5[%parallel_loop3A_1118] {strides = array<i32>} : memref<4096xf32, #tpu.memory_space<vmem>>, vector<16xf32>,
        %parallel_loop3A_1120 = arith.constant 112 : i32
        %parallel_loop3A_1121 = arith.addi %parallel_loop3A_1059, %parallel_loop3A_1120 : i32
        %parallel_loop3A_1122 = arith.index_cast %parallel_loop3A_1121 : i32 to index
        %parallel_loop3A_1123 = tpu.vector_load %arg8[%parallel_loop3A_1122] {strides = array<i32>} : memref<51200xf32, #tpu.memory_space<vmem>>, vector<16xf32>,
        tpu.vector_store %arg8[%parallel_loop3A_1122], %parallel_loop3A_1119 {strides = array<i32>} : memref<51200xf32, #tpu.memory_space<vmem>>, vector<16xf32>,
        %parallel_loop3A_1124 = vector.extract_strided_slice %parallel_loop3A_71 {offsets = [15], sizes = [1], strides = [1]} : vector<16xi32> to vector<1xi32>
        %parallel_loop3A_1125 = vector.extract %parallel_loop3A_1124[0] : i32 from vector<1xi32>
        %parallel_loop3A_1126 = arith.constant 128 : i32
        %parallel_loop3A_1127 = arith.muli %parallel_loop3A_1125, %parallel_loop3A_1126 : i32
        %parallel_loop3A_1128 = arith.constant 1920 : i32
        %parallel_loop3A_1129 = arith.addi %parallel_loop3A_73, %parallel_loop3A_1128 : i32
        %parallel_loop3A_1130 = arith.constant 0 : i32
        %parallel_loop3A_1131 = arith.addi %parallel_loop3A_1127, %parallel_loop3A_1130 : i32
        %parallel_loop3A_1132 = arith.index_cast %parallel_loop3A_1131 : i32 to index
        %parallel_loop3A_1133 = tpu.vector_load %arg5[%parallel_loop3A_1132] {strides = array<i32>} : memref<4096xf32, #tpu.memory_space<vmem>>, vector<16xf32>,
        %parallel_loop3A_1134 = arith.constant 0 : i32
        %parallel_loop3A_1135 = arith.addi %parallel_loop3A_1129, %parallel_loop3A_1134 : i32
        %parallel_loop3A_1136 = arith.index_cast %parallel_loop3A_1135 : i32 to index
        %parallel_loop3A_1137 = tpu.vector_load %arg8[%parallel_loop3A_1136] {strides = array<i32>} : memref<51200xf32, #tpu.memory_space<vmem>>, vector<16xf32>,
        tpu.vector_store %arg8[%parallel_loop3A_1136], %parallel_loop3A_1133 {strides = array<i32>} : memref<51200xf32, #tpu.memory_space<vmem>>, vector<16xf32>,
        %parallel_loop3A_1138 = arith.constant 16 : i32
        %parallel_loop3A_1139 = arith.addi %parallel_loop3A_1127, %parallel_loop3A_1138 : i32
        %parallel_loop3A_1140 = arith.index_cast %parallel_loop3A_1139 : i32 to index
        %parallel_loop3A_1141 = tpu.vector_load %arg5[%parallel_loop3A_1140] {strides = array<i32>} : memref<4096xf32, #tpu.memory_space<vmem>>, vector<16xf32>,
        %parallel_loop3A_1142 = arith.constant 16 : i32
        %parallel_loop3A_1143 = arith.addi %parallel_loop3A_1129, %parallel_loop3A_1142 : i32
        %parallel_loop3A_1144 = arith.index_cast %parallel_loop3A_1143 : i32 to index
        %parallel_loop3A_1145 = tpu.vector_load %arg8[%parallel_loop3A_1144] {strides = array<i32>} : memref<51200xf32, #tpu.memory_space<vmem>>, vector<16xf32>,
        tpu.vector_store %arg8[%parallel_loop3A_1144], %parallel_loop3A_1141 {strides = array<i32>} : memref<51200xf32, #tpu.memory_space<vmem>>, vector<16xf32>,
        %parallel_loop3A_1146 = arith.constant 32 : i32
        %parallel_loop3A_1147 = arith.addi %parallel_loop3A_1127, %parallel_loop3A_1146 : i32
        %parallel_loop3A_1148 = arith.index_cast %parallel_loop3A_1147 : i32 to index
        %parallel_loop3A_1149 = tpu.vector_load %arg5[%parallel_loop3A_1148] {strides = array<i32>} : memref<4096xf32, #tpu.memory_space<vmem>>, vector<16xf32>,
        %parallel_loop3A_1150 = arith.constant 32 : i32
        %parallel_loop3A_1151 = arith.addi %parallel_loop3A_1129, %parallel_loop3A_1150 : i32
        %parallel_loop3A_1152 = arith.index_cast %parallel_loop3A_1151 : i32 to index
        %parallel_loop3A_1153 = tpu.vector_load %arg8[%parallel_loop3A_1152] {strides = array<i32>} : memref<51200xf32, #tpu.memory_space<vmem>>, vector<16xf32>,
        tpu.vector_store %arg8[%parallel_loop3A_1152], %parallel_loop3A_1149 {strides = array<i32>} : memref<51200xf32, #tpu.memory_space<vmem>>, vector<16xf32>,
        %parallel_loop3A_1154 = arith.constant 48 : i32
        %parallel_loop3A_1155 = arith.addi %parallel_loop3A_1127, %parallel_loop3A_1154 : i32
        %parallel_loop3A_1156 = arith.index_cast %parallel_loop3A_1155 : i32 to index
        %parallel_loop3A_1157 = tpu.vector_load %arg5[%parallel_loop3A_1156] {strides = array<i32>} : memref<4096xf32, #tpu.memory_space<vmem>>, vector<16xf32>,
        %parallel_loop3A_1158 = arith.constant 48 : i32
        %parallel_loop3A_1159 = arith.addi %parallel_loop3A_1129, %parallel_loop3A_1158 : i32
        %parallel_loop3A_1160 = arith.index_cast %parallel_loop3A_1159 : i32 to index
        %parallel_loop3A_1161 = tpu.vector_load %arg8[%parallel_loop3A_1160] {strides = array<i32>} : memref<51200xf32, #tpu.memory_space<vmem>>, vector<16xf32>,
        tpu.vector_store %arg8[%parallel_loop3A_1160], %parallel_loop3A_1157 {strides = array<i32>} : memref<51200xf32, #tpu.memory_space<vmem>>, vector<16xf32>,
        %parallel_loop3A_1162 = arith.constant 64 : i32
        %parallel_loop3A_1163 = arith.addi %parallel_loop3A_1127, %parallel_loop3A_1162 : i32
        %parallel_loop3A_1164 = arith.index_cast %parallel_loop3A_1163 : i32 to index
        %parallel_loop3A_1165 = tpu.vector_load %arg5[%parallel_loop3A_1164] {strides = array<i32>} : memref<4096xf32, #tpu.memory_space<vmem>>, vector<16xf32>,
        %parallel_loop3A_1166 = arith.constant 64 : i32
        %parallel_loop3A_1167 = arith.addi %parallel_loop3A_1129, %parallel_loop3A_1166 : i32
        %parallel_loop3A_1168 = arith.index_cast %parallel_loop3A_1167 : i32 to index
        %parallel_loop3A_1169 = tpu.vector_load %arg8[%parallel_loop3A_1168] {strides = array<i32>} : memref<51200xf32, #tpu.memory_space<vmem>>, vector<16xf32>,
        tpu.vector_store %arg8[%parallel_loop3A_1168], %parallel_loop3A_1165 {strides = array<i32>} : memref<51200xf32, #tpu.memory_space<vmem>>, vector<16xf32>,
        %parallel_loop3A_1170 = arith.constant 80 : i32
        %parallel_loop3A_1171 = arith.addi %parallel_loop3A_1127, %parallel_loop3A_1170 : i32
        %parallel_loop3A_1172 = arith.index_cast %parallel_loop3A_1171 : i32 to index
        %parallel_loop3A_1173 = tpu.vector_load %arg5[%parallel_loop3A_1172] {strides = array<i32>} : memref<4096xf32, #tpu.memory_space<vmem>>, vector<16xf32>,
        %parallel_loop3A_1174 = arith.constant 80 : i32
        %parallel_loop3A_1175 = arith.addi %parallel_loop3A_1129, %parallel_loop3A_1174 : i32
        %parallel_loop3A_1176 = arith.index_cast %parallel_loop3A_1175 : i32 to index
        %parallel_loop3A_1177 = tpu.vector_load %arg8[%parallel_loop3A_1176] {strides = array<i32>} : memref<51200xf32, #tpu.memory_space<vmem>>, vector<16xf32>,
        tpu.vector_store %arg8[%parallel_loop3A_1176], %parallel_loop3A_1173 {strides = array<i32>} : memref<51200xf32, #tpu.memory_space<vmem>>, vector<16xf32>,
        %parallel_loop3A_1178 = arith.constant 96 : i32
        %parallel_loop3A_1179 = arith.addi %parallel_loop3A_1127, %parallel_loop3A_1178 : i32
        %parallel_loop3A_1180 = arith.index_cast %parallel_loop3A_1179 : i32 to index
        %parallel_loop3A_1181 = tpu.vector_load %arg5[%parallel_loop3A_1180] {strides = array<i32>} : memref<4096xf32, #tpu.memory_space<vmem>>, vector<16xf32>,
        %parallel_loop3A_1182 = arith.constant 96 : i32
        %parallel_loop3A_1183 = arith.addi %parallel_loop3A_1129, %parallel_loop3A_1182 : i32
        %parallel_loop3A_1184 = arith.index_cast %parallel_loop3A_1183 : i32 to index
        %parallel_loop3A_1185 = tpu.vector_load %arg8[%parallel_loop3A_1184] {strides = array<i32>} : memref<51200xf32, #tpu.memory_space<vmem>>, vector<16xf32>,
        tpu.vector_store %arg8[%parallel_loop3A_1184], %parallel_loop3A_1181 {strides = array<i32>} : memref<51200xf32, #tpu.memory_space<vmem>>, vector<16xf32>,
        %parallel_loop3A_1186 = arith.constant 112 : i32
        %parallel_loop3A_1187 = arith.addi %parallel_loop3A_1127, %parallel_loop3A_1186 : i32
        %parallel_loop3A_1188 = arith.index_cast %parallel_loop3A_1187 : i32 to index
        %parallel_loop3A_1189 = tpu.vector_load %arg5[%parallel_loop3A_1188] {strides = array<i32>} : memref<4096xf32, #tpu.memory_space<vmem>>, vector<16xf32>,
        %parallel_loop3A_1190 = arith.constant 112 : i32
        %parallel_loop3A_1191 = arith.addi %parallel_loop3A_1129, %parallel_loop3A_1190 : i32
        %parallel_loop3A_1192 = arith.index_cast %parallel_loop3A_1191 : i32 to index
        %parallel_loop3A_1193 = tpu.vector_load %arg8[%parallel_loop3A_1192] {strides = array<i32>} : memref<51200xf32, #tpu.memory_space<vmem>>, vector<16xf32>,
        tpu.vector_store %arg8[%parallel_loop3A_1192], %parallel_loop3A_1189 {strides = array<i32>} : memref<51200xf32, #tpu.memory_space<vmem>>, vector<16xf32>,
      } {sc.loop_unroll_factor = 1 : i64, sc.parallel_access}
      %mul3A_38 = arith.constant 128 : i32
      %mul3A_39 = arith.muli %add3A_27, %mul3A_38 : i32
      %dma_start3A_40 = tpu.memref_slice %arg4[%mul3A_39] : memref<419430400xf32, #tpu.memory_space<hbm>> -> memref<51200xf32, #tpu.memory_space<hbm>>
      %dma_start3A_41 = tpu.memref_slice %arg4[%mul3A_39] : memref<419430400xf32, #tpu.memory_space<hbm>> -> memref<51200xf32, #tpu.memory_space<hbm>>
      tpu.enqueue_dma source(%arg8 : memref<51200xf32, #tpu.memory_space<vmem>>) target(%dma_start3A_41 : memref<51200xf32, #tpu.memory_space<hbm>>) target_semaphore(%arg12 : memref<!tpu.dma_semaphore, #tpu.memory_space<semaphore_mem>>)
      %mul3A_42 = arith.constant 2 : i32
      %mul3A_43 = arith.muli %scan3A_20, %mul3A_42 : i32
      %add3A_44 = arith.constant 1 : i32
      %add3A_45 = arith.addi %mul3A_43, %add3A_44 : i32
      %mul3A_46 = arith.constant 400 : i32
      %mul3A_47 = arith.muli %add3A_45, %mul3A_46 : i32
      %add3A_48 = arith.addi %mul3A_2, %mul3A_47 : i32
      %dma_wait3A_49 = tpu.memref_slice %arg2[%add3A_48] : memref<3276800xi32, #tpu.memory_space<hbm>> -> memref<400xi32, #tpu.memory_space<hbm>>
      %dma_wait3A_50 = tpu.memref_slice %arg2[%add3A_48] : memref<3276800xi32, #tpu.memory_space<hbm>> -> memref<400xi32, #tpu.memory_space<hbm>>
      tpu.wait_dma2 semaphore(%arg11 : memref<!tpu.dma_semaphore, #tpu.memory_space<semaphore_mem>>) src(%dma_wait3A_50 : memref<400xi32, #tpu.memory_space<hbm>>) dst(%arg7 : memref<400xi32, #tpu.memory_space<vmem>>)
      %lt3A = arith.constant 127 : i32
      %lt3A_51 = arith.cmpi slt, %scan3A_20, %lt3A : i32
      %convert_element_type3A_52 = arith.extui %lt3A_51 : i1 to i32
      %cond3A_53 = arith.constant 0 : i32
      %cond3A_54 = arith.cmpi ne, %convert_element_type3A_52, %cond3A_53 : i32
      scf.if %cond3A_54 {
        %add3A_67 = arith.constant 400 : i32
        %add3A_68 = arith.addi %add3A_48, %add3A_67 : i32
        %dma_start3A_69 = tpu.memref_slice %arg2[%add3A_68] : memref<3276800xi32, #tpu.memory_space<hbm>> -> memref<400xi32, #tpu.memory_space<hbm>>
        %dma_start3A_70 = tpu.memref_slice %arg2[%add3A_68] : memref<3276800xi32, #tpu.memory_space<hbm>> -> memref<400xi32, #tpu.memory_space<hbm>>
        tpu.enqueue_dma source(%dma_start3A_70 : memref<400xi32, #tpu.memory_space<hbm>>) target(%arg6 : memref<400xi32, #tpu.memory_space<vmem>>) target_semaphore(%arg10 : memref<!tpu.dma_semaphore, #tpu.memory_space<semaphore_mem>>)
      } else {
      }
      %gt3A_55 = arith.constant 0 : i32
      %gt3A_56 = arith.cmpi sgt, %scan3A_20, %gt3A_55 : i32
      %convert_element_type3A_57 = arith.extui %gt3A_56 : i1 to i32
      %cond3A_58 = arith.constant 0 : i32
      %cond3A_59 = arith.cmpi ne, %convert_element_type3A_57, %cond3A_58 : i32
      scf.if %cond3A_59 {
        %mul3A_67 = arith.constant 128 : i32
        %mul3A_68 = arith.muli %add3A_48, %mul3A_67 : i32
        %dma_wait3A_69 = tpu.memref_slice %arg4[%mul3A_68] : memref<419430400xf32, #tpu.memory_space<hbm>> -> memref<51200xf32, #tpu.memory_space<hbm>>
        %dma_wait3A_70 = tpu.memref_slice %arg4[%mul3A_68] : memref<419430400xf32, #tpu.memory_space<hbm>> -> memref<51200xf32, #tpu.memory_space<hbm>>
        tpu.wait_dma2 semaphore(%arg13 : memref<!tpu.dma_semaphore, #tpu.memory_space<semaphore_mem>>) src(%arg9 : memref<51200xf32, #tpu.memory_space<vmem>>) dst(%dma_wait3A_70 : memref<51200xf32, #tpu.memory_space<hbm>>)
      } else {
      }
      %parallel_loop3A_60 = arith.constant 0 : i32
      %parallel_loop3A_61 = arith.constant 25 : i32
      %parallel_loop3A_62 = arith.constant 1 : i32
      scf.for %parallel_loop3A_67 = %parallel_loop3A_60 to %parallel_loop3A_61 step %parallel_loop3A_62  : i32 {
        %parallel_loop3A_68 = arith.constant 16 : i32
        %parallel_loop3A_69 = arith.muli %parallel_loop3A_67, %parallel_loop3A_68 : i32
        %parallel_loop3A_70 = arith.index_cast %parallel_loop3A_69 : i32 to index
        %parallel_loop3A_71 = tpu.vector_load %arg7[%parallel_loop3A_70] {strides = array<i32>} : memref<400xi32, #tpu.memory_space<vmem>>, vector<16xi32>,
        %parallel_loop3A_72 = arith.constant 2048 : i32
        %parallel_loop3A_73 = arith.muli %parallel_loop3A_67, %parallel_loop3A_72 : i32
        %parallel_loop3A_74 = vector.extract_strided_slice %parallel_loop3A_71 {offsets = [0], sizes = [1], strides = [1]} : vector<16xi32> to vector<1xi32>
        %parallel_loop3A_75 = vector.extract %parallel_loop3A_74[0] : i32 from vector<1xi32>
        %parallel_loop3A_76 = arith.constant 128 : i32
        %parallel_loop3A_77 = arith.muli %parallel_loop3A_75, %parallel_loop3A_76 : i32
        %parallel_loop3A_78 = arith.constant 0 : i32
        %parallel_loop3A_79 = arith.addi %parallel_loop3A_73, %parallel_loop3A_78 : i32
        %parallel_loop3A_80 = arith.constant 0 : i32
        %parallel_loop3A_81 = arith.addi %parallel_loop3A_77, %parallel_loop3A_80 : i32
        %parallel_loop3A_82 = arith.index_cast %parallel_loop3A_81 : i32 to index
        %parallel_loop3A_83 = tpu.vector_load %arg5[%parallel_loop3A_82] {strides = array<i32>} : memref<4096xf32, #tpu.memory_space<vmem>>, vector<16xf32>,
        %parallel_loop3A_84 = arith.constant 0 : i32
        %parallel_loop3A_85 = arith.addi %parallel_loop3A_79, %parallel_loop3A_84 : i32
        %parallel_loop3A_86 = arith.index_cast %parallel_loop3A_85 : i32 to index
        %parallel_loop3A_87 = tpu.vector_load %arg9[%parallel_loop3A_86] {strides = array<i32>} : memref<51200xf32, #tpu.memory_space<vmem>>, vector<16xf32>,
        tpu.vector_store %arg9[%parallel_loop3A_86], %parallel_loop3A_83 {strides = array<i32>} : memref<51200xf32, #tpu.memory_space<vmem>>, vector<16xf32>,
        %parallel_loop3A_88 = arith.constant 16 : i32
        %parallel_loop3A_89 = arith.addi %parallel_loop3A_77, %parallel_loop3A_88 : i32
        %parallel_loop3A_90 = arith.index_cast %parallel_loop3A_89 : i32 to index
        %parallel_loop3A_91 = tpu.vector_load %arg5[%parallel_loop3A_90] {strides = array<i32>} : memref<4096xf32, #tpu.memory_space<vmem>>, vector<16xf32>,
        %parallel_loop3A_92 = arith.constant 16 : i32
        %parallel_loop3A_93 = arith.addi %parallel_loop3A_79, %parallel_loop3A_92 : i32
        %parallel_loop3A_94 = arith.index_cast %parallel_loop3A_93 : i32 to index
        %parallel_loop3A_95 = tpu.vector_load %arg9[%parallel_loop3A_94] {strides = array<i32>} : memref<51200xf32, #tpu.memory_space<vmem>>, vector<16xf32>,
        tpu.vector_store %arg9[%parallel_loop3A_94], %parallel_loop3A_91 {strides = array<i32>} : memref<51200xf32, #tpu.memory_space<vmem>>, vector<16xf32>,
        %parallel_loop3A_96 = arith.constant 32 : i32
        %parallel_loop3A_97 = arith.addi %parallel_loop3A_77, %parallel_loop3A_96 : i32
        %parallel_loop3A_98 = arith.index_cast %parallel_loop3A_97 : i32 to index
        %parallel_loop3A_99 = tpu.vector_load %arg5[%parallel_loop3A_98] {strides = array<i32>} : memref<4096xf32, #tpu.memory_space<vmem>>, vector<16xf32>,
        %parallel_loop3A_100 = arith.constant 32 : i32
        %parallel_loop3A_101 = arith.addi %parallel_loop3A_79, %parallel_loop3A_100 : i32
        %parallel_loop3A_102 = arith.index_cast %parallel_loop3A_101 : i32 to index
        %parallel_loop3A_103 = tpu.vector_load %arg9[%parallel_loop3A_102] {strides = array<i32>} : memref<51200xf32, #tpu.memory_space<vmem>>, vector<16xf32>,
        tpu.vector_store %arg9[%parallel_loop3A_102], %parallel_loop3A_99 {strides = array<i32>} : memref<51200xf32, #tpu.memory_space<vmem>>, vector<16xf32>,
        %parallel_loop3A_104 = arith.constant 48 : i32
        %parallel_loop3A_105 = arith.addi %parallel_loop3A_77, %parallel_loop3A_104 : i32
        %parallel_loop3A_106 = arith.index_cast %parallel_loop3A_105 : i32 to index
        %parallel_loop3A_107 = tpu.vector_load %arg5[%parallel_loop3A_106] {strides = array<i32>} : memref<4096xf32, #tpu.memory_space<vmem>>, vector<16xf32>,
        %parallel_loop3A_108 = arith.constant 48 : i32
        %parallel_loop3A_109 = arith.addi %parallel_loop3A_79, %parallel_loop3A_108 : i32
        %parallel_loop3A_110 = arith.index_cast %parallel_loop3A_109 : i32 to index
        %parallel_loop3A_111 = tpu.vector_load %arg9[%parallel_loop3A_110] {strides = array<i32>} : memref<51200xf32, #tpu.memory_space<vmem>>, vector<16xf32>,
        tpu.vector_store %arg9[%parallel_loop3A_110], %parallel_loop3A_107 {strides = array<i32>} : memref<51200xf32, #tpu.memory_space<vmem>>, vector<16xf32>,
        %parallel_loop3A_112 = arith.constant 64 : i32
        %parallel_loop3A_113 = arith.addi %parallel_loop3A_77, %parallel_loop3A_112 : i32
        %parallel_loop3A_114 = arith.index_cast %parallel_loop3A_113 : i32 to index
        %parallel_loop3A_115 = tpu.vector_load %arg5[%parallel_loop3A_114] {strides = array<i32>} : memref<4096xf32, #tpu.memory_space<vmem>>, vector<16xf32>,
        %parallel_loop3A_116 = arith.constant 64 : i32
        %parallel_loop3A_117 = arith.addi %parallel_loop3A_79, %parallel_loop3A_116 : i32
        %parallel_loop3A_118 = arith.index_cast %parallel_loop3A_117 : i32 to index
        %parallel_loop3A_119 = tpu.vector_load %arg9[%parallel_loop3A_118] {strides = array<i32>} : memref<51200xf32, #tpu.memory_space<vmem>>, vector<16xf32>,
        tpu.vector_store %arg9[%parallel_loop3A_118], %parallel_loop3A_115 {strides = array<i32>} : memref<51200xf32, #tpu.memory_space<vmem>>, vector<16xf32>,
        %parallel_loop3A_120 = arith.constant 80 : i32
        %parallel_loop3A_121 = arith.addi %parallel_loop3A_77, %parallel_loop3A_120 : i32
        %parallel_loop3A_122 = arith.index_cast %parallel_loop3A_121 : i32 to index
        %parallel_loop3A_123 = tpu.vector_load %arg5[%parallel_loop3A_122] {strides = array<i32>} : memref<4096xf32, #tpu.memory_space<vmem>>, vector<16xf32>,
        %parallel_loop3A_124 = arith.constant 80 : i32
        %parallel_loop3A_125 = arith.addi %parallel_loop3A_79, %parallel_loop3A_124 : i32
        %parallel_loop3A_126 = arith.index_cast %parallel_loop3A_125 : i32 to index
        %parallel_loop3A_127 = tpu.vector_load %arg9[%parallel_loop3A_126] {strides = array<i32>} : memref<51200xf32, #tpu.memory_space<vmem>>, vector<16xf32>,
        tpu.vector_store %arg9[%parallel_loop3A_126], %parallel_loop3A_123 {strides = array<i32>} : memref<51200xf32, #tpu.memory_space<vmem>>, vector<16xf32>,
        %parallel_loop3A_128 = arith.constant 96 : i32
        %parallel_loop3A_129 = arith.addi %parallel_loop3A_77, %parallel_loop3A_128 : i32
        %parallel_loop3A_130 = arith.index_cast %parallel_loop3A_129 : i32 to index
        %parallel_loop3A_131 = tpu.vector_load %arg5[%parallel_loop3A_130] {strides = array<i32>} : memref<4096xf32, #tpu.memory_space<vmem>>, vector<16xf32>,
        %parallel_loop3A_132 = arith.constant 96 : i32
        %parallel_loop3A_133 = arith.addi %parallel_loop3A_79, %parallel_loop3A_132 : i32
        %parallel_loop3A_134 = arith.index_cast %parallel_loop3A_133 : i32 to index
        %parallel_loop3A_135 = tpu.vector_load %arg9[%parallel_loop3A_134] {strides = array<i32>} : memref<51200xf32, #tpu.memory_space<vmem>>, vector<16xf32>,
        tpu.vector_store %arg9[%parallel_loop3A_134], %parallel_loop3A_131 {strides = array<i32>} : memref<51200xf32, #tpu.memory_space<vmem>>, vector<16xf32>,
        %parallel_loop3A_136 = arith.constant 112 : i32
        %parallel_loop3A_137 = arith.addi %parallel_loop3A_77, %parallel_loop3A_136 : i32
        %parallel_loop3A_138 = arith.index_cast %parallel_loop3A_137 : i32 to index
        %parallel_loop3A_139 = tpu.vector_load %arg5[%parallel_loop3A_138] {strides = array<i32>} : memref<4096xf32, #tpu.memory_space<vmem>>, vector<16xf32>,
        %parallel_loop3A_140 = arith.constant 112 : i32
        %parallel_loop3A_141 = arith.addi %parallel_loop3A_79, %parallel_loop3A_140 : i32
        %parallel_loop3A_142 = arith.index_cast %parallel_loop3A_141 : i32 to index
        %parallel_loop3A_143 = tpu.vector_load %arg9[%parallel_loop3A_142] {strides = array<i32>} : memref<51200xf32, #tpu.memory_space<vmem>>, vector<16xf32>,
        tpu.vector_store %arg9[%parallel_loop3A_142], %parallel_loop3A_139 {strides = array<i32>} : memref<51200xf32, #tpu.memory_space<vmem>>, vector<16xf32>,
        %parallel_loop3A_144 = vector.extract_strided_slice %parallel_loop3A_71 {offsets = [1], sizes = [1], strides = [1]} : vector<16xi32> to vector<1xi32>
        %parallel_loop3A_145 = vector.extract %parallel_loop3A_144[0] : i32 from vector<1xi32>
        %parallel_loop3A_146 = arith.constant 128 : i32
        %parallel_loop3A_147 = arith.muli %parallel_loop3A_145, %parallel_loop3A_146 : i32
        %parallel_loop3A_148 = arith.constant 128 : i32
        %parallel_loop3A_149 = arith.addi %parallel_loop3A_73, %parallel_loop3A_148 : i32
        %parallel_loop3A_150 = arith.constant 0 : i32
        %parallel_loop3A_151 = arith.addi %parallel_loop3A_147, %parallel_loop3A_150 : i32
        %parallel_loop3A_152 = arith.index_cast %parallel_loop3A_151 : i32 to index
        %parallel_loop3A_153 = tpu.vector_load %arg5[%parallel_loop3A_152] {strides = array<i32>} : memref<4096xf32, #tpu.memory_space<vmem>>, vector<16xf32>,
        %parallel_loop3A_154 = arith.constant 0 : i32
        %parallel_loop3A_155 = arith.addi %parallel_loop3A_149, %parallel_loop3A_154 : i32
        %parallel_loop3A_156 = arith.index_cast %parallel_loop3A_155 : i32 to index
        %parallel_loop3A_157 = tpu.vector_load %arg9[%parallel_loop3A_156] {strides = array<i32>} : memref<51200xf32, #tpu.memory_space<vmem>>, vector<16xf32>,
        tpu.vector_store %arg9[%parallel_loop3A_156], %parallel_loop3A_153 {strides = array<i32>} : memref<51200xf32, #tpu.memory_space<vmem>>, vector<16xf32>,
        %parallel_loop3A_158 = arith.constant 16 : i32
        %parallel_loop3A_159 = arith.addi %parallel_loop3A_147, %parallel_loop3A_158 : i32
        %parallel_loop3A_160 = arith.index_cast %parallel_loop3A_159 : i32 to index
        %parallel_loop3A_161 = tpu.vector_load %arg5[%parallel_loop3A_160] {strides = array<i32>} : memref<4096xf32, #tpu.memory_space<vmem>>, vector<16xf32>,
        %parallel_loop3A_162 = arith.constant 16 : i32
        %parallel_loop3A_163 = arith.addi %parallel_loop3A_149, %parallel_loop3A_162 : i32
        %parallel_loop3A_164 = arith.index_cast %parallel_loop3A_163 : i32 to index
        %parallel_loop3A_165 = tpu.vector_load %arg9[%parallel_loop3A_164] {strides = array<i32>} : memref<51200xf32, #tpu.memory_space<vmem>>, vector<16xf32>,
        tpu.vector_store %arg9[%parallel_loop3A_164], %parallel_loop3A_161 {strides = array<i32>} : memref<51200xf32, #tpu.memory_space<vmem>>, vector<16xf32>,
        %parallel_loop3A_166 = arith.constant 32 : i32
        %parallel_loop3A_167 = arith.addi %parallel_loop3A_147, %parallel_loop3A_166 : i32
        %parallel_loop3A_168 = arith.index_cast %parallel_loop3A_167 : i32 to index
        %parallel_loop3A_169 = tpu.vector_load %arg5[%parallel_loop3A_168] {strides = array<i32>} : memref<4096xf32, #tpu.memory_space<vmem>>, vector<16xf32>,
        %parallel_loop3A_170 = arith.constant 32 : i32
        %parallel_loop3A_171 = arith.addi %parallel_loop3A_149, %parallel_loop3A_170 : i32
        %parallel_loop3A_172 = arith.index_cast %parallel_loop3A_171 : i32 to index
        %parallel_loop3A_173 = tpu.vector_load %arg9[%parallel_loop3A_172] {strides = array<i32>} : memref<51200xf32, #tpu.memory_space<vmem>>, vector<16xf32>,
        tpu.vector_store %arg9[%parallel_loop3A_172], %parallel_loop3A_169 {strides = array<i32>} : memref<51200xf32, #tpu.memory_space<vmem>>, vector<16xf32>,
        %parallel_loop3A_174 = arith.constant 48 : i32
        %parallel_loop3A_175 = arith.addi %parallel_loop3A_147, %parallel_loop3A_174 : i32
        %parallel_loop3A_176 = arith.index_cast %parallel_loop3A_175 : i32 to index
        %parallel_loop3A_177 = tpu.vector_load %arg5[%parallel_loop3A_176] {strides = array<i32>} : memref<4096xf32, #tpu.memory_space<vmem>>, vector<16xf32>,
        %parallel_loop3A_178 = arith.constant 48 : i32
        %parallel_loop3A_179 = arith.addi %parallel_loop3A_149, %parallel_loop3A_178 : i32
        %parallel_loop3A_180 = arith.index_cast %parallel_loop3A_179 : i32 to index
        %parallel_loop3A_181 = tpu.vector_load %arg9[%parallel_loop3A_180] {strides = array<i32>} : memref<51200xf32, #tpu.memory_space<vmem>>, vector<16xf32>,
        tpu.vector_store %arg9[%parallel_loop3A_180], %parallel_loop3A_177 {strides = array<i32>} : memref<51200xf32, #tpu.memory_space<vmem>>, vector<16xf32>,
        %parallel_loop3A_182 = arith.constant 64 : i32
        %parallel_loop3A_183 = arith.addi %parallel_loop3A_147, %parallel_loop3A_182 : i32
        %parallel_loop3A_184 = arith.index_cast %parallel_loop3A_183 : i32 to index
        %parallel_loop3A_185 = tpu.vector_load %arg5[%parallel_loop3A_184] {strides = array<i32>} : memref<4096xf32, #tpu.memory_space<vmem>>, vector<16xf32>,
        %parallel_loop3A_186 = arith.constant 64 : i32
        %parallel_loop3A_187 = arith.addi %parallel_loop3A_149, %parallel_loop3A_186 : i32
        %parallel_loop3A_188 = arith.index_cast %parallel_loop3A_187 : i32 to index
        %parallel_loop3A_189 = tpu.vector_load %arg9[%parallel_loop3A_188] {strides = array<i32>} : memref<51200xf32, #tpu.memory_space<vmem>>, vector<16xf32>,
        tpu.vector_store %arg9[%parallel_loop3A_188], %parallel_loop3A_185 {strides = array<i32>} : memref<51200xf32, #tpu.memory_space<vmem>>, vector<16xf32>,
        %parallel_loop3A_190 = arith.constant 80 : i32
        %parallel_loop3A_191 = arith.addi %parallel_loop3A_147, %parallel_loop3A_190 : i32
        %parallel_loop3A_192 = arith.index_cast %parallel_loop3A_191 : i32 to index
        %parallel_loop3A_193 = tpu.vector_load %arg5[%parallel_loop3A_192] {strides = array<i32>} : memref<4096xf32, #tpu.memory_space<vmem>>, vector<16xf32>,
        %parallel_loop3A_194 = arith.constant 80 : i32
        %parallel_loop3A_195 = arith.addi %parallel_loop3A_149, %parallel_loop3A_194 : i32
        %parallel_loop3A_196 = arith.index_cast %parallel_loop3A_195 : i32 to index
        %parallel_loop3A_197 = tpu.vector_load %arg9[%parallel_loop3A_196] {strides = array<i32>} : memref<51200xf32, #tpu.memory_space<vmem>>, vector<16xf32>,
        tpu.vector_store %arg9[%parallel_loop3A_196], %parallel_loop3A_193 {strides = array<i32>} : memref<51200xf32, #tpu.memory_space<vmem>>, vector<16xf32>,
        %parallel_loop3A_198 = arith.constant 96 : i32
        %parallel_loop3A_199 = arith.addi %parallel_loop3A_147, %parallel_loop3A_198 : i32
        %parallel_loop3A_200 = arith.index_cast %parallel_loop3A_199 : i32 to index
        %parallel_loop3A_201 = tpu.vector_load %arg5[%parallel_loop3A_200] {strides = array<i32>} : memref<4096xf32, #tpu.memory_space<vmem>>, vector<16xf32>,
        %parallel_loop3A_202 = arith.constant 96 : i32
        %parallel_loop3A_203 = arith.addi %parallel_loop3A_149, %parallel_loop3A_202 : i32
        %parallel_loop3A_204 = arith.index_cast %parallel_loop3A_203 : i32 to index
        %parallel_loop3A_205 = tpu.vector_load %arg9[%parallel_loop3A_204] {strides = array<i32>} : memref<51200xf32, #tpu.memory_space<vmem>>, vector<16xf32>,
        tpu.vector_store %arg9[%parallel_loop3A_204], %parallel_loop3A_201 {strides = array<i32>} : memref<51200xf32, #tpu.memory_space<vmem>>, vector<16xf32>,
        %parallel_loop3A_206 = arith.constant 112 : i32
        %parallel_loop3A_207 = arith.addi %parallel_loop3A_147, %parallel_loop3A_206 : i32
        %parallel_loop3A_208 = arith.index_cast %parallel_loop3A_207 : i32 to index
        %parallel_loop3A_209 = tpu.vector_load %arg5[%parallel_loop3A_208] {strides = array<i32>} : memref<4096xf32, #tpu.memory_space<vmem>>, vector<16xf32>,
        %parallel_loop3A_210 = arith.constant 112 : i32
        %parallel_loop3A_211 = arith.addi %parallel_loop3A_149, %parallel_loop3A_210 : i32
        %parallel_loop3A_212 = arith.index_cast %parallel_loop3A_211 : i32 to index
        %parallel_loop3A_213 = tpu.vector_load %arg9[%parallel_loop3A_212] {strides = array<i32>} : memref<51200xf32, #tpu.memory_space<vmem>>, vector<16xf32>,
        tpu.vector_store %arg9[%parallel_loop3A_212], %parallel_loop3A_209 {strides = array<i32>} : memref<51200xf32, #tpu.memory_space<vmem>>, vector<16xf32>,
        %parallel_loop3A_214 = vector.extract_strided_slice %parallel_loop3A_71 {offsets = [2], sizes = [1], strides = [1]} : vector<16xi32> to vector<1xi32>
        %parallel_loop3A_215 = vector.extract %parallel_loop3A_214[0] : i32 from vector<1xi32>
        %parallel_loop3A_216 = arith.constant 128 : i32
        %parallel_loop3A_217 = arith.muli %parallel_loop3A_215, %parallel_loop3A_216 : i32
        %parallel_loop3A_218 = arith.constant 256 : i32
        %parallel_loop3A_219 = arith.addi %parallel_loop3A_73, %parallel_loop3A_218 : i32
        %parallel_loop3A_220 = arith.constant 0 : i32
        %parallel_loop3A_221 = arith.addi %parallel_loop3A_217, %parallel_loop3A_220 : i32
        %parallel_loop3A_222 = arith.index_cast %parallel_loop3A_221 : i32 to index
        %parallel_loop3A_223 = tpu.vector_load %arg5[%parallel_loop3A_222] {strides = array<i32>} : memref<4096xf32, #tpu.memory_space<vmem>>, vector<16xf32>,
        %parallel_loop3A_224 = arith.constant 0 : i32
        %parallel_loop3A_225 = arith.addi %parallel_loop3A_219, %parallel_loop3A_224 : i32
        %parallel_loop3A_226 = arith.index_cast %parallel_loop3A_225 : i32 to index
        %parallel_loop3A_227 = tpu.vector_load %arg9[%parallel_loop3A_226] {strides = array<i32>} : memref<51200xf32, #tpu.memory_space<vmem>>, vector<16xf32>,
        tpu.vector_store %arg9[%parallel_loop3A_226], %parallel_loop3A_223 {strides = array<i32>} : memref<51200xf32, #tpu.memory_space<vmem>>, vector<16xf32>,
        %parallel_loop3A_228 = arith.constant 16 : i32
        %parallel_loop3A_229 = arith.addi %parallel_loop3A_217, %parallel_loop3A_228 : i32
        %parallel_loop3A_230 = arith.index_cast %parallel_loop3A_229 : i32 to index
        %parallel_loop3A_231 = tpu.vector_load %arg5[%parallel_loop3A_230] {strides = array<i32>} : memref<4096xf32, #tpu.memory_space<vmem>>, vector<16xf32>,
        %parallel_loop3A_232 = arith.constant 16 : i32
        %parallel_loop3A_233 = arith.addi %parallel_loop3A_219, %parallel_loop3A_232 : i32
        %parallel_loop3A_234 = arith.index_cast %parallel_loop3A_233 : i32 to index
        %parallel_loop3A_235 = tpu.vector_load %arg9[%parallel_loop3A_234] {strides = array<i32>} : memref<51200xf32, #tpu.memory_space<vmem>>, vector<16xf32>,
        tpu.vector_store %arg9[%parallel_loop3A_234], %parallel_loop3A_231 {strides = array<i32>} : memref<51200xf32, #tpu.memory_space<vmem>>, vector<16xf32>,
        %parallel_loop3A_236 = arith.constant 32 : i32
        %parallel_loop3A_237 = arith.addi %parallel_loop3A_217, %parallel_loop3A_236 : i32
        %parallel_loop3A_238 = arith.index_cast %parallel_loop3A_237 : i32 to index
        %parallel_loop3A_239 = tpu.vector_load %arg5[%parallel_loop3A_238] {strides = array<i32>} : memref<4096xf32, #tpu.memory_space<vmem>>, vector<16xf32>,
        %parallel_loop3A_240 = arith.constant 32 : i32
        %parallel_loop3A_241 = arith.addi %parallel_loop3A_219, %parallel_loop3A_240 : i32
        %parallel_loop3A_242 = arith.index_cast %parallel_loop3A_241 : i32 to index
        %parallel_loop3A_243 = tpu.vector_load %arg9[%parallel_loop3A_242] {strides = array<i32>} : memref<51200xf32, #tpu.memory_space<vmem>>, vector<16xf32>,
        tpu.vector_store %arg9[%parallel_loop3A_242], %parallel_loop3A_239 {strides = array<i32>} : memref<51200xf32, #tpu.memory_space<vmem>>, vector<16xf32>,
        %parallel_loop3A_244 = arith.constant 48 : i32
        %parallel_loop3A_245 = arith.addi %parallel_loop3A_217, %parallel_loop3A_244 : i32
        %parallel_loop3A_246 = arith.index_cast %parallel_loop3A_245 : i32 to index
        %parallel_loop3A_247 = tpu.vector_load %arg5[%parallel_loop3A_246] {strides = array<i32>} : memref<4096xf32, #tpu.memory_space<vmem>>, vector<16xf32>,
        %parallel_loop3A_248 = arith.constant 48 : i32
        %parallel_loop3A_249 = arith.addi %parallel_loop3A_219, %parallel_loop3A_248 : i32
        %parallel_loop3A_250 = arith.index_cast %parallel_loop3A_249 : i32 to index
        %parallel_loop3A_251 = tpu.vector_load %arg9[%parallel_loop3A_250] {strides = array<i32>} : memref<51200xf32, #tpu.memory_space<vmem>>, vector<16xf32>,
        tpu.vector_store %arg9[%parallel_loop3A_250], %parallel_loop3A_247 {strides = array<i32>} : memref<51200xf32, #tpu.memory_space<vmem>>, vector<16xf32>,
        %parallel_loop3A_252 = arith.constant 64 : i32
        %parallel_loop3A_253 = arith.addi %parallel_loop3A_217, %parallel_loop3A_252 : i32
        %parallel_loop3A_254 = arith.index_cast %parallel_loop3A_253 : i32 to index
        %parallel_loop3A_255 = tpu.vector_load %arg5[%parallel_loop3A_254] {strides = array<i32>} : memref<4096xf32, #tpu.memory_space<vmem>>, vector<16xf32>,
        %parallel_loop3A_256 = arith.constant 64 : i32
        %parallel_loop3A_257 = arith.addi %parallel_loop3A_219, %parallel_loop3A_256 : i32
        %parallel_loop3A_258 = arith.index_cast %parallel_loop3A_257 : i32 to index
        %parallel_loop3A_259 = tpu.vector_load %arg9[%parallel_loop3A_258] {strides = array<i32>} : memref<51200xf32, #tpu.memory_space<vmem>>, vector<16xf32>,
        tpu.vector_store %arg9[%parallel_loop3A_258], %parallel_loop3A_255 {strides = array<i32>} : memref<51200xf32, #tpu.memory_space<vmem>>, vector<16xf32>,
        %parallel_loop3A_260 = arith.constant 80 : i32
        %parallel_loop3A_261 = arith.addi %parallel_loop3A_217, %parallel_loop3A_260 : i32
        %parallel_loop3A_262 = arith.index_cast %parallel_loop3A_261 : i32 to index
        %parallel_loop3A_263 = tpu.vector_load %arg5[%parallel_loop3A_262] {strides = array<i32>} : memref<4096xf32, #tpu.memory_space<vmem>>, vector<16xf32>,
        %parallel_loop3A_264 = arith.constant 80 : i32
        %parallel_loop3A_265 = arith.addi %parallel_loop3A_219, %parallel_loop3A_264 : i32
        %parallel_loop3A_266 = arith.index_cast %parallel_loop3A_265 : i32 to index
        %parallel_loop3A_267 = tpu.vector_load %arg9[%parallel_loop3A_266] {strides = array<i32>} : memref<51200xf32, #tpu.memory_space<vmem>>, vector<16xf32>,
        tpu.vector_store %arg9[%parallel_loop3A_266], %parallel_loop3A_263 {strides = array<i32>} : memref<51200xf32, #tpu.memory_space<vmem>>, vector<16xf32>,
        %parallel_loop3A_268 = arith.constant 96 : i32
        %parallel_loop3A_269 = arith.addi %parallel_loop3A_217, %parallel_loop3A_268 : i32
        %parallel_loop3A_270 = arith.index_cast %parallel_loop3A_269 : i32 to index
        %parallel_loop3A_271 = tpu.vector_load %arg5[%parallel_loop3A_270] {strides = array<i32>} : memref<4096xf32, #tpu.memory_space<vmem>>, vector<16xf32>,
        %parallel_loop3A_272 = arith.constant 96 : i32
        %parallel_loop3A_273 = arith.addi %parallel_loop3A_219, %parallel_loop3A_272 : i32
        %parallel_loop3A_274 = arith.index_cast %parallel_loop3A_273 : i32 to index
        %parallel_loop3A_275 = tpu.vector_load %arg9[%parallel_loop3A_274] {strides = array<i32>} : memref<51200xf32, #tpu.memory_space<vmem>>, vector<16xf32>,
        tpu.vector_store %arg9[%parallel_loop3A_274], %parallel_loop3A_271 {strides = array<i32>} : memref<51200xf32, #tpu.memory_space<vmem>>, vector<16xf32>,
        %parallel_loop3A_276 = arith.constant 112 : i32
        %parallel_loop3A_277 = arith.addi %parallel_loop3A_217, %parallel_loop3A_276 : i32
        %parallel_loop3A_278 = arith.index_cast %parallel_loop3A_277 : i32 to index
        %parallel_loop3A_279 = tpu.vector_load %arg5[%parallel_loop3A_278] {strides = array<i32>} : memref<4096xf32, #tpu.memory_space<vmem>>, vector<16xf32>,
        %parallel_loop3A_280 = arith.constant 112 : i32
        %parallel_loop3A_281 = arith.addi %parallel_loop3A_219, %parallel_loop3A_280 : i32
        %parallel_loop3A_282 = arith.index_cast %parallel_loop3A_281 : i32 to index
        %parallel_loop3A_283 = tpu.vector_load %arg9[%parallel_loop3A_282] {strides = array<i32>} : memref<51200xf32, #tpu.memory_space<vmem>>, vector<16xf32>,
        tpu.vector_store %arg9[%parallel_loop3A_282], %parallel_loop3A_279 {strides = array<i32>} : memref<51200xf32, #tpu.memory_space<vmem>>, vector<16xf32>,
        %parallel_loop3A_284 = vector.extract_strided_slice %parallel_loop3A_71 {offsets = [3], sizes = [1], strides = [1]} : vector<16xi32> to vector<1xi32>
        %parallel_loop3A_285 = vector.extract %parallel_loop3A_284[0] : i32 from vector<1xi32>
        %parallel_loop3A_286 = arith.constant 128 : i32
        %parallel_loop3A_287 = arith.muli %parallel_loop3A_285, %parallel_loop3A_286 : i32
        %parallel_loop3A_288 = arith.constant 384 : i32
        %parallel_loop3A_289 = arith.addi %parallel_loop3A_73, %parallel_loop3A_288 : i32
        %parallel_loop3A_290 = arith.constant 0 : i32
        %parallel_loop3A_291 = arith.addi %parallel_loop3A_287, %parallel_loop3A_290 : i32
        %parallel_loop3A_292 = arith.index_cast %parallel_loop3A_291 : i32 to index
        %parallel_loop3A_293 = tpu.vector_load %arg5[%parallel_loop3A_292] {strides = array<i32>} : memref<4096xf32, #tpu.memory_space<vmem>>, vector<16xf32>,
        %parallel_loop3A_294 = arith.constant 0 : i32
        %parallel_loop3A_295 = arith.addi %parallel_loop3A_289, %parallel_loop3A_294 : i32
        %parallel_loop3A_296 = arith.index_cast %parallel_loop3A_295 : i32 to index
        %parallel_loop3A_297 = tpu.vector_load %arg9[%parallel_loop3A_296] {strides = array<i32>} : memref<51200xf32, #tpu.memory_space<vmem>>, vector<16xf32>,
        tpu.vector_store %arg9[%parallel_loop3A_296], %parallel_loop3A_293 {strides = array<i32>} : memref<51200xf32, #tpu.memory_space<vmem>>, vector<16xf32>,
        %parallel_loop3A_298 = arith.constant 16 : i32
        %parallel_loop3A_299 = arith.addi %parallel_loop3A_287, %parallel_loop3A_298 : i32
        %parallel_loop3A_300 = arith.index_cast %parallel_loop3A_299 : i32 to index
        %parallel_loop3A_301 = tpu.vector_load %arg5[%parallel_loop3A_300] {strides = array<i32>} : memref<4096xf32, #tpu.memory_space<vmem>>, vector<16xf32>,
        %parallel_loop3A_302 = arith.constant 16 : i32
        %parallel_loop3A_303 = arith.addi %parallel_loop3A_289, %parallel_loop3A_302 : i32
        %parallel_loop3A_304 = arith.index_cast %parallel_loop3A_303 : i32 to index
        %parallel_loop3A_305 = tpu.vector_load %arg9[%parallel_loop3A_304] {strides = array<i32>} : memref<51200xf32, #tpu.memory_space<vmem>>, vector<16xf32>,
        tpu.vector_store %arg9[%parallel_loop3A_304], %parallel_loop3A_301 {strides = array<i32>} : memref<51200xf32, #tpu.memory_space<vmem>>, vector<16xf32>,
        %parallel_loop3A_306 = arith.constant 32 : i32
        %parallel_loop3A_307 = arith.addi %parallel_loop3A_287, %parallel_loop3A_306 : i32
        %parallel_loop3A_308 = arith.index_cast %parallel_loop3A_307 : i32 to index
        %parallel_loop3A_309 = tpu.vector_load %arg5[%parallel_loop3A_308] {strides = array<i32>} : memref<4096xf32, #tpu.memory_space<vmem>>, vector<16xf32>,
        %parallel_loop3A_310 = arith.constant 32 : i32
        %parallel_loop3A_311 = arith.addi %parallel_loop3A_289, %parallel_loop3A_310 : i32
        %parallel_loop3A_312 = arith.index_cast %parallel_loop3A_311 : i32 to index
        %parallel_loop3A_313 = tpu.vector_load %arg9[%parallel_loop3A_312] {strides = array<i32>} : memref<51200xf32, #tpu.memory_space<vmem>>, vector<16xf32>,
        tpu.vector_store %arg9[%parallel_loop3A_312], %parallel_loop3A_309 {strides = array<i32>} : memref<51200xf32, #tpu.memory_space<vmem>>, vector<16xf32>,
        %parallel_loop3A_314 = arith.constant 48 : i32
        %parallel_loop3A_315 = arith.addi %parallel_loop3A_287, %parallel_loop3A_314 : i32
        %parallel_loop3A_316 = arith.index_cast %parallel_loop3A_315 : i32 to index
        %parallel_loop3A_317 = tpu.vector_load %arg5[%parallel_loop3A_316] {strides = array<i32>} : memref<4096xf32, #tpu.memory_space<vmem>>, vector<16xf32>,
        %parallel_loop3A_318 = arith.constant 48 : i32
        %parallel_loop3A_319 = arith.addi %parallel_loop3A_289, %parallel_loop3A_318 : i32
        %parallel_loop3A_320 = arith.index_cast %parallel_loop3A_319 : i32 to index
        %parallel_loop3A_321 = tpu.vector_load %arg9[%parallel_loop3A_320] {strides = array<i32>} : memref<51200xf32, #tpu.memory_space<vmem>>, vector<16xf32>,
        tpu.vector_store %arg9[%parallel_loop3A_320], %parallel_loop3A_317 {strides = array<i32>} : memref<51200xf32, #tpu.memory_space<vmem>>, vector<16xf32>,
        %parallel_loop3A_322 = arith.constant 64 : i32
        %parallel_loop3A_323 = arith.addi %parallel_loop3A_287, %parallel_loop3A_322 : i32
        %parallel_loop3A_324 = arith.index_cast %parallel_loop3A_323 : i32 to index
        %parallel_loop3A_325 = tpu.vector_load %arg5[%parallel_loop3A_324] {strides = array<i32>} : memref<4096xf32, #tpu.memory_space<vmem>>, vector<16xf32>,
        %parallel_loop3A_326 = arith.constant 64 : i32
        %parallel_loop3A_327 = arith.addi %parallel_loop3A_289, %parallel_loop3A_326 : i32
        %parallel_loop3A_328 = arith.index_cast %parallel_loop3A_327 : i32 to index
        %parallel_loop3A_329 = tpu.vector_load %arg9[%parallel_loop3A_328] {strides = array<i32>} : memref<51200xf32, #tpu.memory_space<vmem>>, vector<16xf32>,
        tpu.vector_store %arg9[%parallel_loop3A_328], %parallel_loop3A_325 {strides = array<i32>} : memref<51200xf32, #tpu.memory_space<vmem>>, vector<16xf32>,
        %parallel_loop3A_330 = arith.constant 80 : i32
        %parallel_loop3A_331 = arith.addi %parallel_loop3A_287, %parallel_loop3A_330 : i32
        %parallel_loop3A_332 = arith.index_cast %parallel_loop3A_331 : i32 to index
        %parallel_loop3A_333 = tpu.vector_load %arg5[%parallel_loop3A_332] {strides = array<i32>} : memref<4096xf32, #tpu.memory_space<vmem>>, vector<16xf32>,
        %parallel_loop3A_334 = arith.constant 80 : i32
        %parallel_loop3A_335 = arith.addi %parallel_loop3A_289, %parallel_loop3A_334 : i32
        %parallel_loop3A_336 = arith.index_cast %parallel_loop3A_335 : i32 to index
        %parallel_loop3A_337 = tpu.vector_load %arg9[%parallel_loop3A_336] {strides = array<i32>} : memref<51200xf32, #tpu.memory_space<vmem>>, vector<16xf32>,
        tpu.vector_store %arg9[%parallel_loop3A_336], %parallel_loop3A_333 {strides = array<i32>} : memref<51200xf32, #tpu.memory_space<vmem>>, vector<16xf32>,
        %parallel_loop3A_338 = arith.constant 96 : i32
        %parallel_loop3A_339 = arith.addi %parallel_loop3A_287, %parallel_loop3A_338 : i32
        %parallel_loop3A_340 = arith.index_cast %parallel_loop3A_339 : i32 to index
        %parallel_loop3A_341 = tpu.vector_load %arg5[%parallel_loop3A_340] {strides = array<i32>} : memref<4096xf32, #tpu.memory_space<vmem>>, vector<16xf32>,
        %parallel_loop3A_342 = arith.constant 96 : i32
        %parallel_loop3A_343 = arith.addi %parallel_loop3A_289, %parallel_loop3A_342 : i32
        %parallel_loop3A_344 = arith.index_cast %parallel_loop3A_343 : i32 to index
        %parallel_loop3A_345 = tpu.vector_load %arg9[%parallel_loop3A_344] {strides = array<i32>} : memref<51200xf32, #tpu.memory_space<vmem>>, vector<16xf32>,
        tpu.vector_store %arg9[%parallel_loop3A_344], %parallel_loop3A_341 {strides = array<i32>} : memref<51200xf32, #tpu.memory_space<vmem>>, vector<16xf32>,
        %parallel_loop3A_346 = arith.constant 112 : i32
        %parallel_loop3A_347 = arith.addi %parallel_loop3A_287, %parallel_loop3A_346 : i32
        %parallel_loop3A_348 = arith.index_cast %parallel_loop3A_347 : i32 to index
        %parallel_loop3A_349 = tpu.vector_load %arg5[%parallel_loop3A_348] {strides = array<i32>} : memref<4096xf32, #tpu.memory_space<vmem>>, vector<16xf32>,
        %parallel_loop3A_350 = arith.constant 112 : i32
        %parallel_loop3A_351 = arith.addi %parallel_loop3A_289, %parallel_loop3A_350 : i32
        %parallel_loop3A_352 = arith.index_cast %parallel_loop3A_351 : i32 to index
        %parallel_loop3A_353 = tpu.vector_load %arg9[%parallel_loop3A_352] {strides = array<i32>} : memref<51200xf32, #tpu.memory_space<vmem>>, vector<16xf32>,
        tpu.vector_store %arg9[%parallel_loop3A_352], %parallel_loop3A_349 {strides = array<i32>} : memref<51200xf32, #tpu.memory_space<vmem>>, vector<16xf32>,
        %parallel_loop3A_354 = vector.extract_strided_slice %parallel_loop3A_71 {offsets = [4], sizes = [1], strides = [1]} : vector<16xi32> to vector<1xi32>
        %parallel_loop3A_355 = vector.extract %parallel_loop3A_354[0] : i32 from vector<1xi32>
        %parallel_loop3A_356 = arith.constant 128 : i32
        %parallel_loop3A_357 = arith.muli %parallel_loop3A_355, %parallel_loop3A_356 : i32
        %parallel_loop3A_358 = arith.constant 512 : i32
        %parallel_loop3A_359 = arith.addi %parallel_loop3A_73, %parallel_loop3A_358 : i32
        %parallel_loop3A_360 = arith.constant 0 : i32
        %parallel_loop3A_361 = arith.addi %parallel_loop3A_357, %parallel_loop3A_360 : i32
        %parallel_loop3A_362 = arith.index_cast %parallel_loop3A_361 : i32 to index
        %parallel_loop3A_363 = tpu.vector_load %arg5[%parallel_loop3A_362] {strides = array<i32>} : memref<4096xf32, #tpu.memory_space<vmem>>, vector<16xf32>,
        %parallel_loop3A_364 = arith.constant 0 : i32
        %parallel_loop3A_365 = arith.addi %parallel_loop3A_359, %parallel_loop3A_364 : i32
        %parallel_loop3A_366 = arith.index_cast %parallel_loop3A_365 : i32 to index
        %parallel_loop3A_367 = tpu.vector_load %arg9[%parallel_loop3A_366] {strides = array<i32>} : memref<51200xf32, #tpu.memory_space<vmem>>, vector<16xf32>,
        tpu.vector_store %arg9[%parallel_loop3A_366], %parallel_loop3A_363 {strides = array<i32>} : memref<51200xf32, #tpu.memory_space<vmem>>, vector<16xf32>,
        %parallel_loop3A_368 = arith.constant 16 : i32
        %parallel_loop3A_369 = arith.addi %parallel_loop3A_357, %parallel_loop3A_368 : i32
        %parallel_loop3A_370 = arith.index_cast %parallel_loop3A_369 : i32 to index
        %parallel_loop3A_371 = tpu.vector_load %arg5[%parallel_loop3A_370] {strides = array<i32>} : memref<4096xf32, #tpu.memory_space<vmem>>, vector<16xf32>,
        %parallel_loop3A_372 = arith.constant 16 : i32
        %parallel_loop3A_373 = arith.addi %parallel_loop3A_359, %parallel_loop3A_372 : i32
        %parallel_loop3A_374 = arith.index_cast %parallel_loop3A_373 : i32 to index
        %parallel_loop3A_375 = tpu.vector_load %arg9[%parallel_loop3A_374] {strides = array<i32>} : memref<51200xf32, #tpu.memory_space<vmem>>, vector<16xf32>,
        tpu.vector_store %arg9[%parallel_loop3A_374], %parallel_loop3A_371 {strides = array<i32>} : memref<51200xf32, #tpu.memory_space<vmem>>, vector<16xf32>,
        %parallel_loop3A_376 = arith.constant 32 : i32
        %parallel_loop3A_377 = arith.addi %parallel_loop3A_357, %parallel_loop3A_376 : i32
        %parallel_loop3A_378 = arith.index_cast %parallel_loop3A_377 : i32 to index
        %parallel_loop3A_379 = tpu.vector_load %arg5[%parallel_loop3A_378] {strides = array<i32>} : memref<4096xf32, #tpu.memory_space<vmem>>, vector<16xf32>,
        %parallel_loop3A_380 = arith.constant 32 : i32
        %parallel_loop3A_381 = arith.addi %parallel_loop3A_359, %parallel_loop3A_380 : i32
        %parallel_loop3A_382 = arith.index_cast %parallel_loop3A_381 : i32 to index
        %parallel_loop3A_383 = tpu.vector_load %arg9[%parallel_loop3A_382] {strides = array<i32>} : memref<51200xf32, #tpu.memory_space<vmem>>, vector<16xf32>,
        tpu.vector_store %arg9[%parallel_loop3A_382], %parallel_loop3A_379 {strides = array<i32>} : memref<51200xf32, #tpu.memory_space<vmem>>, vector<16xf32>,
        %parallel_loop3A_384 = arith.constant 48 : i32
        %parallel_loop3A_385 = arith.addi %parallel_loop3A_357, %parallel_loop3A_384 : i32
        %parallel_loop3A_386 = arith.index_cast %parallel_loop3A_385 : i32 to index
        %parallel_loop3A_387 = tpu.vector_load %arg5[%parallel_loop3A_386] {strides = array<i32>} : memref<4096xf32, #tpu.memory_space<vmem>>, vector<16xf32>,
        %parallel_loop3A_388 = arith.constant 48 : i32
        %parallel_loop3A_389 = arith.addi %parallel_loop3A_359, %parallel_loop3A_388 : i32
        %parallel_loop3A_390 = arith.index_cast %parallel_loop3A_389 : i32 to index
        %parallel_loop3A_391 = tpu.vector_load %arg9[%parallel_loop3A_390] {strides = array<i32>} : memref<51200xf32, #tpu.memory_space<vmem>>, vector<16xf32>,
        tpu.vector_store %arg9[%parallel_loop3A_390], %parallel_loop3A_387 {strides = array<i32>} : memref<51200xf32, #tpu.memory_space<vmem>>, vector<16xf32>,
        %parallel_loop3A_392 = arith.constant 64 : i32
        %parallel_loop3A_393 = arith.addi %parallel_loop3A_357, %parallel_loop3A_392 : i32
        %parallel_loop3A_394 = arith.index_cast %parallel_loop3A_393 : i32 to index
        %parallel_loop3A_395 = tpu.vector_load %arg5[%parallel_loop3A_394] {strides = array<i32>} : memref<4096xf32, #tpu.memory_space<vmem>>, vector<16xf32>,
        %parallel_loop3A_396 = arith.constant 64 : i32
        %parallel_loop3A_397 = arith.addi %parallel_loop3A_359, %parallel_loop3A_396 : i32
        %parallel_loop3A_398 = arith.index_cast %parallel_loop3A_397 : i32 to index
        %parallel_loop3A_399 = tpu.vector_load %arg9[%parallel_loop3A_398] {strides = array<i32>} : memref<51200xf32, #tpu.memory_space<vmem>>, vector<16xf32>,
        tpu.vector_store %arg9[%parallel_loop3A_398], %parallel_loop3A_395 {strides = array<i32>} : memref<51200xf32, #tpu.memory_space<vmem>>, vector<16xf32>,
        %parallel_loop3A_400 = arith.constant 80 : i32
        %parallel_loop3A_401 = arith.addi %parallel_loop3A_357, %parallel_loop3A_400 : i32
        %parallel_loop3A_402 = arith.index_cast %parallel_loop3A_401 : i32 to index
        %parallel_loop3A_403 = tpu.vector_load %arg5[%parallel_loop3A_402] {strides = array<i32>} : memref<4096xf32, #tpu.memory_space<vmem>>, vector<16xf32>,
        %parallel_loop3A_404 = arith.constant 80 : i32
        %parallel_loop3A_405 = arith.addi %parallel_loop3A_359, %parallel_loop3A_404 : i32
        %parallel_loop3A_406 = arith.index_cast %parallel_loop3A_405 : i32 to index
        %parallel_loop3A_407 = tpu.vector_load %arg9[%parallel_loop3A_406] {strides = array<i32>} : memref<51200xf32, #tpu.memory_space<vmem>>, vector<16xf32>,
        tpu.vector_store %arg9[%parallel_loop3A_406], %parallel_loop3A_403 {strides = array<i32>} : memref<51200xf32, #tpu.memory_space<vmem>>, vector<16xf32>,
        %parallel_loop3A_408 = arith.constant 96 : i32
        %parallel_loop3A_409 = arith.addi %parallel_loop3A_357, %parallel_loop3A_408 : i32
        %parallel_loop3A_410 = arith.index_cast %parallel_loop3A_409 : i32 to index
        %parallel_loop3A_411 = tpu.vector_load %arg5[%parallel_loop3A_410] {strides = array<i32>} : memref<4096xf32, #tpu.memory_space<vmem>>, vector<16xf32>,
        %parallel_loop3A_412 = arith.constant 96 : i32
        %parallel_loop3A_413 = arith.addi %parallel_loop3A_359, %parallel_loop3A_412 : i32
        %parallel_loop3A_414 = arith.index_cast %parallel_loop3A_413 : i32 to index
        %parallel_loop3A_415 = tpu.vector_load %arg9[%parallel_loop3A_414] {strides = array<i32>} : memref<51200xf32, #tpu.memory_space<vmem>>, vector<16xf32>,
        tpu.vector_store %arg9[%parallel_loop3A_414], %parallel_loop3A_411 {strides = array<i32>} : memref<51200xf32, #tpu.memory_space<vmem>>, vector<16xf32>,
        %parallel_loop3A_416 = arith.constant 112 : i32
        %parallel_loop3A_417 = arith.addi %parallel_loop3A_357, %parallel_loop3A_416 : i32
        %parallel_loop3A_418 = arith.index_cast %parallel_loop3A_417 : i32 to index
        %parallel_loop3A_419 = tpu.vector_load %arg5[%parallel_loop3A_418] {strides = array<i32>} : memref<4096xf32, #tpu.memory_space<vmem>>, vector<16xf32>,
        %parallel_loop3A_420 = arith.constant 112 : i32
        %parallel_loop3A_421 = arith.addi %parallel_loop3A_359, %parallel_loop3A_420 : i32
        %parallel_loop3A_422 = arith.index_cast %parallel_loop3A_421 : i32 to index
        %parallel_loop3A_423 = tpu.vector_load %arg9[%parallel_loop3A_422] {strides = array<i32>} : memref<51200xf32, #tpu.memory_space<vmem>>, vector<16xf32>,
        tpu.vector_store %arg9[%parallel_loop3A_422], %parallel_loop3A_419 {strides = array<i32>} : memref<51200xf32, #tpu.memory_space<vmem>>, vector<16xf32>,
        %parallel_loop3A_424 = vector.extract_strided_slice %parallel_loop3A_71 {offsets = [5], sizes = [1], strides = [1]} : vector<16xi32> to vector<1xi32>
        %parallel_loop3A_425 = vector.extract %parallel_loop3A_424[0] : i32 from vector<1xi32>
        %parallel_loop3A_426 = arith.constant 128 : i32
        %parallel_loop3A_427 = arith.muli %parallel_loop3A_425, %parallel_loop3A_426 : i32
        %parallel_loop3A_428 = arith.constant 640 : i32
        %parallel_loop3A_429 = arith.addi %parallel_loop3A_73, %parallel_loop3A_428 : i32
        %parallel_loop3A_430 = arith.constant 0 : i32
        %parallel_loop3A_431 = arith.addi %parallel_loop3A_427, %parallel_loop3A_430 : i32
        %parallel_loop3A_432 = arith.index_cast %parallel_loop3A_431 : i32 to index
        %parallel_loop3A_433 = tpu.vector_load %arg5[%parallel_loop3A_432] {strides = array<i32>} : memref<4096xf32, #tpu.memory_space<vmem>>, vector<16xf32>,
        %parallel_loop3A_434 = arith.constant 0 : i32
        %parallel_loop3A_435 = arith.addi %parallel_loop3A_429, %parallel_loop3A_434 : i32
        %parallel_loop3A_436 = arith.index_cast %parallel_loop3A_435 : i32 to index
        %parallel_loop3A_437 = tpu.vector_load %arg9[%parallel_loop3A_436] {strides = array<i32>} : memref<51200xf32, #tpu.memory_space<vmem>>, vector<16xf32>,
        tpu.vector_store %arg9[%parallel_loop3A_436], %parallel_loop3A_433 {strides = array<i32>} : memref<51200xf32, #tpu.memory_space<vmem>>, vector<16xf32>,
        %parallel_loop3A_438 = arith.constant 16 : i32
        %parallel_loop3A_439 = arith.addi %parallel_loop3A_427, %parallel_loop3A_438 : i32
        %parallel_loop3A_440 = arith.index_cast %parallel_loop3A_439 : i32 to index
        %parallel_loop3A_441 = tpu.vector_load %arg5[%parallel_loop3A_440] {strides = array<i32>} : memref<4096xf32, #tpu.memory_space<vmem>>, vector<16xf32>,
        %parallel_loop3A_442 = arith.constant 16 : i32
        %parallel_loop3A_443 = arith.addi %parallel_loop3A_429, %parallel_loop3A_442 : i32
        %parallel_loop3A_444 = arith.index_cast %parallel_loop3A_443 : i32 to index
        %parallel_loop3A_445 = tpu.vector_load %arg9[%parallel_loop3A_444] {strides = array<i32>} : memref<51200xf32, #tpu.memory_space<vmem>>, vector<16xf32>,
        tpu.vector_store %arg9[%parallel_loop3A_444], %parallel_loop3A_441 {strides = array<i32>} : memref<51200xf32, #tpu.memory_space<vmem>>, vector<16xf32>,
        %parallel_loop3A_446 = arith.constant 32 : i32
        %parallel_loop3A_447 = arith.addi %parallel_loop3A_427, %parallel_loop3A_446 : i32
        %parallel_loop3A_448 = arith.index_cast %parallel_loop3A_447 : i32 to index
        %parallel_loop3A_449 = tpu.vector_load %arg5[%parallel_loop3A_448] {strides = array<i32>} : memref<4096xf32, #tpu.memory_space<vmem>>, vector<16xf32>,
        %parallel_loop3A_450 = arith.constant 32 : i32
        %parallel_loop3A_451 = arith.addi %parallel_loop3A_429, %parallel_loop3A_450 : i32
        %parallel_loop3A_452 = arith.index_cast %parallel_loop3A_451 : i32 to index
        %parallel_loop3A_453 = tpu.vector_load %arg9[%parallel_loop3A_452] {strides = array<i32>} : memref<51200xf32, #tpu.memory_space<vmem>>, vector<16xf32>,
        tpu.vector_store %arg9[%parallel_loop3A_452], %parallel_loop3A_449 {strides = array<i32>} : memref<51200xf32, #tpu.memory_space<vmem>>, vector<16xf32>,
        %parallel_loop3A_454 = arith.constant 48 : i32
        %parallel_loop3A_455 = arith.addi %parallel_loop3A_427, %parallel_loop3A_454 : i32
        %parallel_loop3A_456 = arith.index_cast %parallel_loop3A_455 : i32 to index
        %parallel_loop3A_457 = tpu.vector_load %arg5[%parallel_loop3A_456] {strides = array<i32>} : memref<4096xf32, #tpu.memory_space<vmem>>, vector<16xf32>,
        %parallel_loop3A_458 = arith.constant 48 : i32
        %parallel_loop3A_459 = arith.addi %parallel_loop3A_429, %parallel_loop3A_458 : i32
        %parallel_loop3A_460 = arith.index_cast %parallel_loop3A_459 : i32 to index
        %parallel_loop3A_461 = tpu.vector_load %arg9[%parallel_loop3A_460] {strides = array<i32>} : memref<51200xf32, #tpu.memory_space<vmem>>, vector<16xf32>,
        tpu.vector_store %arg9[%parallel_loop3A_460], %parallel_loop3A_457 {strides = array<i32>} : memref<51200xf32, #tpu.memory_space<vmem>>, vector<16xf32>,
        %parallel_loop3A_462 = arith.constant 64 : i32
        %parallel_loop3A_463 = arith.addi %parallel_loop3A_427, %parallel_loop3A_462 : i32
        %parallel_loop3A_464 = arith.index_cast %parallel_loop3A_463 : i32 to index
        %parallel_loop3A_465 = tpu.vector_load %arg5[%parallel_loop3A_464] {strides = array<i32>} : memref<4096xf32, #tpu.memory_space<vmem>>, vector<16xf32>,
        %parallel_loop3A_466 = arith.constant 64 : i32
        %parallel_loop3A_467 = arith.addi %parallel_loop3A_429, %parallel_loop3A_466 : i32
        %parallel_loop3A_468 = arith.index_cast %parallel_loop3A_467 : i32 to index
        %parallel_loop3A_469 = tpu.vector_load %arg9[%parallel_loop3A_468] {strides = array<i32>} : memref<51200xf32, #tpu.memory_space<vmem>>, vector<16xf32>,
        tpu.vector_store %arg9[%parallel_loop3A_468], %parallel_loop3A_465 {strides = array<i32>} : memref<51200xf32, #tpu.memory_space<vmem>>, vector<16xf32>,
        %parallel_loop3A_470 = arith.constant 80 : i32
        %parallel_loop3A_471 = arith.addi %parallel_loop3A_427, %parallel_loop3A_470 : i32
        %parallel_loop3A_472 = arith.index_cast %parallel_loop3A_471 : i32 to index
        %parallel_loop3A_473 = tpu.vector_load %arg5[%parallel_loop3A_472] {strides = array<i32>} : memref<4096xf32, #tpu.memory_space<vmem>>, vector<16xf32>,
        %parallel_loop3A_474 = arith.constant 80 : i32
        %parallel_loop3A_475 = arith.addi %parallel_loop3A_429, %parallel_loop3A_474 : i32
        %parallel_loop3A_476 = arith.index_cast %parallel_loop3A_475 : i32 to index
        %parallel_loop3A_477 = tpu.vector_load %arg9[%parallel_loop3A_476] {strides = array<i32>} : memref<51200xf32, #tpu.memory_space<vmem>>, vector<16xf32>,
        tpu.vector_store %arg9[%parallel_loop3A_476], %parallel_loop3A_473 {strides = array<i32>} : memref<51200xf32, #tpu.memory_space<vmem>>, vector<16xf32>,
        %parallel_loop3A_478 = arith.constant 96 : i32
        %parallel_loop3A_479 = arith.addi %parallel_loop3A_427, %parallel_loop3A_478 : i32
        %parallel_loop3A_480 = arith.index_cast %parallel_loop3A_479 : i32 to index
        %parallel_loop3A_481 = tpu.vector_load %arg5[%parallel_loop3A_480] {strides = array<i32>} : memref<4096xf32, #tpu.memory_space<vmem>>, vector<16xf32>,
        %parallel_loop3A_482 = arith.constant 96 : i32
        %parallel_loop3A_483 = arith.addi %parallel_loop3A_429, %parallel_loop3A_482 : i32
        %parallel_loop3A_484 = arith.index_cast %parallel_loop3A_483 : i32 to index
        %parallel_loop3A_485 = tpu.vector_load %arg9[%parallel_loop3A_484] {strides = array<i32>} : memref<51200xf32, #tpu.memory_space<vmem>>, vector<16xf32>,
        tpu.vector_store %arg9[%parallel_loop3A_484], %parallel_loop3A_481 {strides = array<i32>} : memref<51200xf32, #tpu.memory_space<vmem>>, vector<16xf32>,
        %parallel_loop3A_486 = arith.constant 112 : i32
        %parallel_loop3A_487 = arith.addi %parallel_loop3A_427, %parallel_loop3A_486 : i32
        %parallel_loop3A_488 = arith.index_cast %parallel_loop3A_487 : i32 to index
        %parallel_loop3A_489 = tpu.vector_load %arg5[%parallel_loop3A_488] {strides = array<i32>} : memref<4096xf32, #tpu.memory_space<vmem>>, vector<16xf32>,
        %parallel_loop3A_490 = arith.constant 112 : i32
        %parallel_loop3A_491 = arith.addi %parallel_loop3A_429, %parallel_loop3A_490 : i32
        %parallel_loop3A_492 = arith.index_cast %parallel_loop3A_491 : i32 to index
        %parallel_loop3A_493 = tpu.vector_load %arg9[%parallel_loop3A_492] {strides = array<i32>} : memref<51200xf32, #tpu.memory_space<vmem>>, vector<16xf32>,
        tpu.vector_store %arg9[%parallel_loop3A_492], %parallel_loop3A_489 {strides = array<i32>} : memref<51200xf32, #tpu.memory_space<vmem>>, vector<16xf32>,
        %parallel_loop3A_494 = vector.extract_strided_slice %parallel_loop3A_71 {offsets = [6], sizes = [1], strides = [1]} : vector<16xi32> to vector<1xi32>
        %parallel_loop3A_495 = vector.extract %parallel_loop3A_494[0] : i32 from vector<1xi32>
        %parallel_loop3A_496 = arith.constant 128 : i32
        %parallel_loop3A_497 = arith.muli %parallel_loop3A_495, %parallel_loop3A_496 : i32
        %parallel_loop3A_498 = arith.constant 768 : i32
        %parallel_loop3A_499 = arith.addi %parallel_loop3A_73, %parallel_loop3A_498 : i32
        %parallel_loop3A_500 = arith.constant 0 : i32
        %parallel_loop3A_501 = arith.addi %parallel_loop3A_497, %parallel_loop3A_500 : i32
        %parallel_loop3A_502 = arith.index_cast %parallel_loop3A_501 : i32 to index
        %parallel_loop3A_503 = tpu.vector_load %arg5[%parallel_loop3A_502] {strides = array<i32>} : memref<4096xf32, #tpu.memory_space<vmem>>, vector<16xf32>,
        %parallel_loop3A_504 = arith.constant 0 : i32
        %parallel_loop3A_505 = arith.addi %parallel_loop3A_499, %parallel_loop3A_504 : i32
        %parallel_loop3A_506 = arith.index_cast %parallel_loop3A_505 : i32 to index
        %parallel_loop3A_507 = tpu.vector_load %arg9[%parallel_loop3A_506] {strides = array<i32>} : memref<51200xf32, #tpu.memory_space<vmem>>, vector<16xf32>,
        tpu.vector_store %arg9[%parallel_loop3A_506], %parallel_loop3A_503 {strides = array<i32>} : memref<51200xf32, #tpu.memory_space<vmem>>, vector<16xf32>,
        %parallel_loop3A_508 = arith.constant 16 : i32
        %parallel_loop3A_509 = arith.addi %parallel_loop3A_497, %parallel_loop3A_508 : i32
        %parallel_loop3A_510 = arith.index_cast %parallel_loop3A_509 : i32 to index
        %parallel_loop3A_511 = tpu.vector_load %arg5[%parallel_loop3A_510] {strides = array<i32>} : memref<4096xf32, #tpu.memory_space<vmem>>, vector<16xf32>,
        %parallel_loop3A_512 = arith.constant 16 : i32
        %parallel_loop3A_513 = arith.addi %parallel_loop3A_499, %parallel_loop3A_512 : i32
        %parallel_loop3A_514 = arith.index_cast %parallel_loop3A_513 : i32 to index
        %parallel_loop3A_515 = tpu.vector_load %arg9[%parallel_loop3A_514] {strides = array<i32>} : memref<51200xf32, #tpu.memory_space<vmem>>, vector<16xf32>,
        tpu.vector_store %arg9[%parallel_loop3A_514], %parallel_loop3A_511 {strides = array<i32>} : memref<51200xf32, #tpu.memory_space<vmem>>, vector<16xf32>,
        %parallel_loop3A_516 = arith.constant 32 : i32
        %parallel_loop3A_517 = arith.addi %parallel_loop3A_497, %parallel_loop3A_516 : i32
        %parallel_loop3A_518 = arith.index_cast %parallel_loop3A_517 : i32 to index
        %parallel_loop3A_519 = tpu.vector_load %arg5[%parallel_loop3A_518] {strides = array<i32>} : memref<4096xf32, #tpu.memory_space<vmem>>, vector<16xf32>,
        %parallel_loop3A_520 = arith.constant 32 : i32
        %parallel_loop3A_521 = arith.addi %parallel_loop3A_499, %parallel_loop3A_520 : i32
        %parallel_loop3A_522 = arith.index_cast %parallel_loop3A_521 : i32 to index
        %parallel_loop3A_523 = tpu.vector_load %arg9[%parallel_loop3A_522] {strides = array<i32>} : memref<51200xf32, #tpu.memory_space<vmem>>, vector<16xf32>,
        tpu.vector_store %arg9[%parallel_loop3A_522], %parallel_loop3A_519 {strides = array<i32>} : memref<51200xf32, #tpu.memory_space<vmem>>, vector<16xf32>,
        %parallel_loop3A_524 = arith.constant 48 : i32
        %parallel_loop3A_525 = arith.addi %parallel_loop3A_497, %parallel_loop3A_524 : i32
        %parallel_loop3A_526 = arith.index_cast %parallel_loop3A_525 : i32 to index
        %parallel_loop3A_527 = tpu.vector_load %arg5[%parallel_loop3A_526] {strides = array<i32>} : memref<4096xf32, #tpu.memory_space<vmem>>, vector<16xf32>,
        %parallel_loop3A_528 = arith.constant 48 : i32
        %parallel_loop3A_529 = arith.addi %parallel_loop3A_499, %parallel_loop3A_528 : i32
        %parallel_loop3A_530 = arith.index_cast %parallel_loop3A_529 : i32 to index
        %parallel_loop3A_531 = tpu.vector_load %arg9[%parallel_loop3A_530] {strides = array<i32>} : memref<51200xf32, #tpu.memory_space<vmem>>, vector<16xf32>,
        tpu.vector_store %arg9[%parallel_loop3A_530], %parallel_loop3A_527 {strides = array<i32>} : memref<51200xf32, #tpu.memory_space<vmem>>, vector<16xf32>,
        %parallel_loop3A_532 = arith.constant 64 : i32
        %parallel_loop3A_533 = arith.addi %parallel_loop3A_497, %parallel_loop3A_532 : i32
        %parallel_loop3A_534 = arith.index_cast %parallel_loop3A_533 : i32 to index
        %parallel_loop3A_535 = tpu.vector_load %arg5[%parallel_loop3A_534] {strides = array<i32>} : memref<4096xf32, #tpu.memory_space<vmem>>, vector<16xf32>,
        %parallel_loop3A_536 = arith.constant 64 : i32
        %parallel_loop3A_537 = arith.addi %parallel_loop3A_499, %parallel_loop3A_536 : i32
        %parallel_loop3A_538 = arith.index_cast %parallel_loop3A_537 : i32 to index
        %parallel_loop3A_539 = tpu.vector_load %arg9[%parallel_loop3A_538] {strides = array<i32>} : memref<51200xf32, #tpu.memory_space<vmem>>, vector<16xf32>,
        tpu.vector_store %arg9[%parallel_loop3A_538], %parallel_loop3A_535 {strides = array<i32>} : memref<51200xf32, #tpu.memory_space<vmem>>, vector<16xf32>,
        %parallel_loop3A_540 = arith.constant 80 : i32
        %parallel_loop3A_541 = arith.addi %parallel_loop3A_497, %parallel_loop3A_540 : i32
        %parallel_loop3A_542 = arith.index_cast %parallel_loop3A_541 : i32 to index
        %parallel_loop3A_543 = tpu.vector_load %arg5[%parallel_loop3A_542] {strides = array<i32>} : memref<4096xf32, #tpu.memory_space<vmem>>, vector<16xf32>,
        %parallel_loop3A_544 = arith.constant 80 : i32
        %parallel_loop3A_545 = arith.addi %parallel_loop3A_499, %parallel_loop3A_544 : i32
        %parallel_loop3A_546 = arith.index_cast %parallel_loop3A_545 : i32 to index
        %parallel_loop3A_547 = tpu.vector_load %arg9[%parallel_loop3A_546] {strides = array<i32>} : memref<51200xf32, #tpu.memory_space<vmem>>, vector<16xf32>,
        tpu.vector_store %arg9[%parallel_loop3A_546], %parallel_loop3A_543 {strides = array<i32>} : memref<51200xf32, #tpu.memory_space<vmem>>, vector<16xf32>,
        %parallel_loop3A_548 = arith.constant 96 : i32
        %parallel_loop3A_549 = arith.addi %parallel_loop3A_497, %parallel_loop3A_548 : i32
        %parallel_loop3A_550 = arith.index_cast %parallel_loop3A_549 : i32 to index
        %parallel_loop3A_551 = tpu.vector_load %arg5[%parallel_loop3A_550] {strides = array<i32>} : memref<4096xf32, #tpu.memory_space<vmem>>, vector<16xf32>,
        %parallel_loop3A_552 = arith.constant 96 : i32
        %parallel_loop3A_553 = arith.addi %parallel_loop3A_499, %parallel_loop3A_552 : i32
        %parallel_loop3A_554 = arith.index_cast %parallel_loop3A_553 : i32 to index
        %parallel_loop3A_555 = tpu.vector_load %arg9[%parallel_loop3A_554] {strides = array<i32>} : memref<51200xf32, #tpu.memory_space<vmem>>, vector<16xf32>,
        tpu.vector_store %arg9[%parallel_loop3A_554], %parallel_loop3A_551 {strides = array<i32>} : memref<51200xf32, #tpu.memory_space<vmem>>, vector<16xf32>,
        %parallel_loop3A_556 = arith.constant 112 : i32
        %parallel_loop3A_557 = arith.addi %parallel_loop3A_497, %parallel_loop3A_556 : i32
        %parallel_loop3A_558 = arith.index_cast %parallel_loop3A_557 : i32 to index
        %parallel_loop3A_559 = tpu.vector_load %arg5[%parallel_loop3A_558] {strides = array<i32>} : memref<4096xf32, #tpu.memory_space<vmem>>, vector<16xf32>,
        %parallel_loop3A_560 = arith.constant 112 : i32
        %parallel_loop3A_561 = arith.addi %parallel_loop3A_499, %parallel_loop3A_560 : i32
        %parallel_loop3A_562 = arith.index_cast %parallel_loop3A_561 : i32 to index
        %parallel_loop3A_563 = tpu.vector_load %arg9[%parallel_loop3A_562] {strides = array<i32>} : memref<51200xf32, #tpu.memory_space<vmem>>, vector<16xf32>,
        tpu.vector_store %arg9[%parallel_loop3A_562], %parallel_loop3A_559 {strides = array<i32>} : memref<51200xf32, #tpu.memory_space<vmem>>, vector<16xf32>,
        %parallel_loop3A_564 = vector.extract_strided_slice %parallel_loop3A_71 {offsets = [7], sizes = [1], strides = [1]} : vector<16xi32> to vector<1xi32>
        %parallel_loop3A_565 = vector.extract %parallel_loop3A_564[0] : i32 from vector<1xi32>
        %parallel_loop3A_566 = arith.constant 128 : i32
        %parallel_loop3A_567 = arith.muli %parallel_loop3A_565, %parallel_loop3A_566 : i32
        %parallel_loop3A_568 = arith.constant 896 : i32
        %parallel_loop3A_569 = arith.addi %parallel_loop3A_73, %parallel_loop3A_568 : i32
        %parallel_loop3A_570 = arith.constant 0 : i32
        %parallel_loop3A_571 = arith.addi %parallel_loop3A_567, %parallel_loop3A_570 : i32
        %parallel_loop3A_572 = arith.index_cast %parallel_loop3A_571 : i32 to index
        %parallel_loop3A_573 = tpu.vector_load %arg5[%parallel_loop3A_572] {strides = array<i32>} : memref<4096xf32, #tpu.memory_space<vmem>>, vector<16xf32>,
        %parallel_loop3A_574 = arith.constant 0 : i32
        %parallel_loop3A_575 = arith.addi %parallel_loop3A_569, %parallel_loop3A_574 : i32
        %parallel_loop3A_576 = arith.index_cast %parallel_loop3A_575 : i32 to index
        %parallel_loop3A_577 = tpu.vector_load %arg9[%parallel_loop3A_576] {strides = array<i32>} : memref<51200xf32, #tpu.memory_space<vmem>>, vector<16xf32>,
        tpu.vector_store %arg9[%parallel_loop3A_576], %parallel_loop3A_573 {strides = array<i32>} : memref<51200xf32, #tpu.memory_space<vmem>>, vector<16xf32>,
        %parallel_loop3A_578 = arith.constant 16 : i32
        %parallel_loop3A_579 = arith.addi %parallel_loop3A_567, %parallel_loop3A_578 : i32
        %parallel_loop3A_580 = arith.index_cast %parallel_loop3A_579 : i32 to index
        %parallel_loop3A_581 = tpu.vector_load %arg5[%parallel_loop3A_580] {strides = array<i32>} : memref<4096xf32, #tpu.memory_space<vmem>>, vector<16xf32>,
        %parallel_loop3A_582 = arith.constant 16 : i32
        %parallel_loop3A_583 = arith.addi %parallel_loop3A_569, %parallel_loop3A_582 : i32
        %parallel_loop3A_584 = arith.index_cast %parallel_loop3A_583 : i32 to index
        %parallel_loop3A_585 = tpu.vector_load %arg9[%parallel_loop3A_584] {strides = array<i32>} : memref<51200xf32, #tpu.memory_space<vmem>>, vector<16xf32>,
        tpu.vector_store %arg9[%parallel_loop3A_584], %parallel_loop3A_581 {strides = array<i32>} : memref<51200xf32, #tpu.memory_space<vmem>>, vector<16xf32>,
        %parallel_loop3A_586 = arith.constant 32 : i32
        %parallel_loop3A_587 = arith.addi %parallel_loop3A_567, %parallel_loop3A_586 : i32
        %parallel_loop3A_588 = arith.index_cast %parallel_loop3A_587 : i32 to index
        %parallel_loop3A_589 = tpu.vector_load %arg5[%parallel_loop3A_588] {strides = array<i32>} : memref<4096xf32, #tpu.memory_space<vmem>>, vector<16xf32>,
        %parallel_loop3A_590 = arith.constant 32 : i32
        %parallel_loop3A_591 = arith.addi %parallel_loop3A_569, %parallel_loop3A_590 : i32
        %parallel_loop3A_592 = arith.index_cast %parallel_loop3A_591 : i32 to index
        %parallel_loop3A_593 = tpu.vector_load %arg9[%parallel_loop3A_592] {strides = array<i32>} : memref<51200xf32, #tpu.memory_space<vmem>>, vector<16xf32>,
        tpu.vector_store %arg9[%parallel_loop3A_592], %parallel_loop3A_589 {strides = array<i32>} : memref<51200xf32, #tpu.memory_space<vmem>>, vector<16xf32>,
        %parallel_loop3A_594 = arith.constant 48 : i32
        %parallel_loop3A_595 = arith.addi %parallel_loop3A_567, %parallel_loop3A_594 : i32
        %parallel_loop3A_596 = arith.index_cast %parallel_loop3A_595 : i32 to index
        %parallel_loop3A_597 = tpu.vector_load %arg5[%parallel_loop3A_596] {strides = array<i32>} : memref<4096xf32, #tpu.memory_space<vmem>>, vector<16xf32>,
        %parallel_loop3A_598 = arith.constant 48 : i32
        %parallel_loop3A_599 = arith.addi %parallel_loop3A_569, %parallel_loop3A_598 : i32
        %parallel_loop3A_600 = arith.index_cast %parallel_loop3A_599 : i32 to index
        %parallel_loop3A_601 = tpu.vector_load %arg9[%parallel_loop3A_600] {strides = array<i32>} : memref<51200xf32, #tpu.memory_space<vmem>>, vector<16xf32>,
        tpu.vector_store %arg9[%parallel_loop3A_600], %parallel_loop3A_597 {strides = array<i32>} : memref<51200xf32, #tpu.memory_space<vmem>>, vector<16xf32>,
        %parallel_loop3A_602 = arith.constant 64 : i32
        %parallel_loop3A_603 = arith.addi %parallel_loop3A_567, %parallel_loop3A_602 : i32
        %parallel_loop3A_604 = arith.index_cast %parallel_loop3A_603 : i32 to index
        %parallel_loop3A_605 = tpu.vector_load %arg5[%parallel_loop3A_604] {strides = array<i32>} : memref<4096xf32, #tpu.memory_space<vmem>>, vector<16xf32>,
        %parallel_loop3A_606 = arith.constant 64 : i32
        %parallel_loop3A_607 = arith.addi %parallel_loop3A_569, %parallel_loop3A_606 : i32
        %parallel_loop3A_608 = arith.index_cast %parallel_loop3A_607 : i32 to index
        %parallel_loop3A_609 = tpu.vector_load %arg9[%parallel_loop3A_608] {strides = array<i32>} : memref<51200xf32, #tpu.memory_space<vmem>>, vector<16xf32>,
        tpu.vector_store %arg9[%parallel_loop3A_608], %parallel_loop3A_605 {strides = array<i32>} : memref<51200xf32, #tpu.memory_space<vmem>>, vector<16xf32>,
        %parallel_loop3A_610 = arith.constant 80 : i32
        %parallel_loop3A_611 = arith.addi %parallel_loop3A_567, %parallel_loop3A_610 : i32
        %parallel_loop3A_612 = arith.index_cast %parallel_loop3A_611 : i32 to index
        %parallel_loop3A_613 = tpu.vector_load %arg5[%parallel_loop3A_612] {strides = array<i32>} : memref<4096xf32, #tpu.memory_space<vmem>>, vector<16xf32>,
        %parallel_loop3A_614 = arith.constant 80 : i32
        %parallel_loop3A_615 = arith.addi %parallel_loop3A_569, %parallel_loop3A_614 : i32
        %parallel_loop3A_616 = arith.index_cast %parallel_loop3A_615 : i32 to index
        %parallel_loop3A_617 = tpu.vector_load %arg9[%parallel_loop3A_616] {strides = array<i32>} : memref<51200xf32, #tpu.memory_space<vmem>>, vector<16xf32>,
        tpu.vector_store %arg9[%parallel_loop3A_616], %parallel_loop3A_613 {strides = array<i32>} : memref<51200xf32, #tpu.memory_space<vmem>>, vector<16xf32>,
        %parallel_loop3A_618 = arith.constant 96 : i32
        %parallel_loop3A_619 = arith.addi %parallel_loop3A_567, %parallel_loop3A_618 : i32
        %parallel_loop3A_620 = arith.index_cast %parallel_loop3A_619 : i32 to index
        %parallel_loop3A_621 = tpu.vector_load %arg5[%parallel_loop3A_620] {strides = array<i32>} : memref<4096xf32, #tpu.memory_space<vmem>>, vector<16xf32>,
        %parallel_loop3A_622 = arith.constant 96 : i32
        %parallel_loop3A_623 = arith.addi %parallel_loop3A_569, %parallel_loop3A_622 : i32
        %parallel_loop3A_624 = arith.index_cast %parallel_loop3A_623 : i32 to index
        %parallel_loop3A_625 = tpu.vector_load %arg9[%parallel_loop3A_624] {strides = array<i32>} : memref<51200xf32, #tpu.memory_space<vmem>>, vector<16xf32>,
        tpu.vector_store %arg9[%parallel_loop3A_624], %parallel_loop3A_621 {strides = array<i32>} : memref<51200xf32, #tpu.memory_space<vmem>>, vector<16xf32>,
        %parallel_loop3A_626 = arith.constant 112 : i32
        %parallel_loop3A_627 = arith.addi %parallel_loop3A_567, %parallel_loop3A_626 : i32
        %parallel_loop3A_628 = arith.index_cast %parallel_loop3A_627 : i32 to index
        %parallel_loop3A_629 = tpu.vector_load %arg5[%parallel_loop3A_628] {strides = array<i32>} : memref<4096xf32, #tpu.memory_space<vmem>>, vector<16xf32>,
        %parallel_loop3A_630 = arith.constant 112 : i32
        %parallel_loop3A_631 = arith.addi %parallel_loop3A_569, %parallel_loop3A_630 : i32
        %parallel_loop3A_632 = arith.index_cast %parallel_loop3A_631 : i32 to index
        %parallel_loop3A_633 = tpu.vector_load %arg9[%parallel_loop3A_632] {strides = array<i32>} : memref<51200xf32, #tpu.memory_space<vmem>>, vector<16xf32>,
        tpu.vector_store %arg9[%parallel_loop3A_632], %parallel_loop3A_629 {strides = array<i32>} : memref<51200xf32, #tpu.memory_space<vmem>>, vector<16xf32>,
        %parallel_loop3A_634 = vector.extract_strided_slice %parallel_loop3A_71 {offsets = [8], sizes = [1], strides = [1]} : vector<16xi32> to vector<1xi32>
        %parallel_loop3A_635 = vector.extract %parallel_loop3A_634[0] : i32 from vector<1xi32>
        %parallel_loop3A_636 = arith.constant 128 : i32
        %parallel_loop3A_637 = arith.muli %parallel_loop3A_635, %parallel_loop3A_636 : i32
        %parallel_loop3A_638 = arith.constant 1024 : i32
        %parallel_loop3A_639 = arith.addi %parallel_loop3A_73, %parallel_loop3A_638 : i32
        %parallel_loop3A_640 = arith.constant 0 : i32
        %parallel_loop3A_641 = arith.addi %parallel_loop3A_637, %parallel_loop3A_640 : i32
        %parallel_loop3A_642 = arith.index_cast %parallel_loop3A_641 : i32 to index
        %parallel_loop3A_643 = tpu.vector_load %arg5[%parallel_loop3A_642] {strides = array<i32>} : memref<4096xf32, #tpu.memory_space<vmem>>, vector<16xf32>,
        %parallel_loop3A_644 = arith.constant 0 : i32
        %parallel_loop3A_645 = arith.addi %parallel_loop3A_639, %parallel_loop3A_644 : i32
        %parallel_loop3A_646 = arith.index_cast %parallel_loop3A_645 : i32 to index
        %parallel_loop3A_647 = tpu.vector_load %arg9[%parallel_loop3A_646] {strides = array<i32>} : memref<51200xf32, #tpu.memory_space<vmem>>, vector<16xf32>,
        tpu.vector_store %arg9[%parallel_loop3A_646], %parallel_loop3A_643 {strides = array<i32>} : memref<51200xf32, #tpu.memory_space<vmem>>, vector<16xf32>,
        %parallel_loop3A_648 = arith.constant 16 : i32
        %parallel_loop3A_649 = arith.addi %parallel_loop3A_637, %parallel_loop3A_648 : i32
        %parallel_loop3A_650 = arith.index_cast %parallel_loop3A_649 : i32 to index
        %parallel_loop3A_651 = tpu.vector_load %arg5[%parallel_loop3A_650] {strides = array<i32>} : memref<4096xf32, #tpu.memory_space<vmem>>, vector<16xf32>,
        %parallel_loop3A_652 = arith.constant 16 : i32
        %parallel_loop3A_653 = arith.addi %parallel_loop3A_639, %parallel_loop3A_652 : i32
        %parallel_loop3A_654 = arith.index_cast %parallel_loop3A_653 : i32 to index
        %parallel_loop3A_655 = tpu.vector_load %arg9[%parallel_loop3A_654] {strides = array<i32>} : memref<51200xf32, #tpu.memory_space<vmem>>, vector<16xf32>,
        tpu.vector_store %arg9[%parallel_loop3A_654], %parallel_loop3A_651 {strides = array<i32>} : memref<51200xf32, #tpu.memory_space<vmem>>, vector<16xf32>,
        %parallel_loop3A_656 = arith.constant 32 : i32
        %parallel_loop3A_657 = arith.addi %parallel_loop3A_637, %parallel_loop3A_656 : i32
        %parallel_loop3A_658 = arith.index_cast %parallel_loop3A_657 : i32 to index
        %parallel_loop3A_659 = tpu.vector_load %arg5[%parallel_loop3A_658] {strides = array<i32>} : memref<4096xf32, #tpu.memory_space<vmem>>, vector<16xf32>,
        %parallel_loop3A_660 = arith.constant 32 : i32
        %parallel_loop3A_661 = arith.addi %parallel_loop3A_639, %parallel_loop3A_660 : i32
        %parallel_loop3A_662 = arith.index_cast %parallel_loop3A_661 : i32 to index
        %parallel_loop3A_663 = tpu.vector_load %arg9[%parallel_loop3A_662] {strides = array<i32>} : memref<51200xf32, #tpu.memory_space<vmem>>, vector<16xf32>,
        tpu.vector_store %arg9[%parallel_loop3A_662], %parallel_loop3A_659 {strides = array<i32>} : memref<51200xf32, #tpu.memory_space<vmem>>, vector<16xf32>,
        %parallel_loop3A_664 = arith.constant 48 : i32
        %parallel_loop3A_665 = arith.addi %parallel_loop3A_637, %parallel_loop3A_664 : i32
        %parallel_loop3A_666 = arith.index_cast %parallel_loop3A_665 : i32 to index
        %parallel_loop3A_667 = tpu.vector_load %arg5[%parallel_loop3A_666] {strides = array<i32>} : memref<4096xf32, #tpu.memory_space<vmem>>, vector<16xf32>,
        %parallel_loop3A_668 = arith.constant 48 : i32
        %parallel_loop3A_669 = arith.addi %parallel_loop3A_639, %parallel_loop3A_668 : i32
        %parallel_loop3A_670 = arith.index_cast %parallel_loop3A_669 : i32 to index
        %parallel_loop3A_671 = tpu.vector_load %arg9[%parallel_loop3A_670] {strides = array<i32>} : memref<51200xf32, #tpu.memory_space<vmem>>, vector<16xf32>,
        tpu.vector_store %arg9[%parallel_loop3A_670], %parallel_loop3A_667 {strides = array<i32>} : memref<51200xf32, #tpu.memory_space<vmem>>, vector<16xf32>,
        %parallel_loop3A_672 = arith.constant 64 : i32
        %parallel_loop3A_673 = arith.addi %parallel_loop3A_637, %parallel_loop3A_672 : i32
        %parallel_loop3A_674 = arith.index_cast %parallel_loop3A_673 : i32 to index
        %parallel_loop3A_675 = tpu.vector_load %arg5[%parallel_loop3A_674] {strides = array<i32>} : memref<4096xf32, #tpu.memory_space<vmem>>, vector<16xf32>,
        %parallel_loop3A_676 = arith.constant 64 : i32
        %parallel_loop3A_677 = arith.addi %parallel_loop3A_639, %parallel_loop3A_676 : i32
        %parallel_loop3A_678 = arith.index_cast %parallel_loop3A_677 : i32 to index
        %parallel_loop3A_679 = tpu.vector_load %arg9[%parallel_loop3A_678] {strides = array<i32>} : memref<51200xf32, #tpu.memory_space<vmem>>, vector<16xf32>,
        tpu.vector_store %arg9[%parallel_loop3A_678], %parallel_loop3A_675 {strides = array<i32>} : memref<51200xf32, #tpu.memory_space<vmem>>, vector<16xf32>,
        %parallel_loop3A_680 = arith.constant 80 : i32
        %parallel_loop3A_681 = arith.addi %parallel_loop3A_637, %parallel_loop3A_680 : i32
        %parallel_loop3A_682 = arith.index_cast %parallel_loop3A_681 : i32 to index
        %parallel_loop3A_683 = tpu.vector_load %arg5[%parallel_loop3A_682] {strides = array<i32>} : memref<4096xf32, #tpu.memory_space<vmem>>, vector<16xf32>,
        %parallel_loop3A_684 = arith.constant 80 : i32
        %parallel_loop3A_685 = arith.addi %parallel_loop3A_639, %parallel_loop3A_684 : i32
        %parallel_loop3A_686 = arith.index_cast %parallel_loop3A_685 : i32 to index
        %parallel_loop3A_687 = tpu.vector_load %arg9[%parallel_loop3A_686] {strides = array<i32>} : memref<51200xf32, #tpu.memory_space<vmem>>, vector<16xf32>,
        tpu.vector_store %arg9[%parallel_loop3A_686], %parallel_loop3A_683 {strides = array<i32>} : memref<51200xf32, #tpu.memory_space<vmem>>, vector<16xf32>,
        %parallel_loop3A_688 = arith.constant 96 : i32
        %parallel_loop3A_689 = arith.addi %parallel_loop3A_637, %parallel_loop3A_688 : i32
        %parallel_loop3A_690 = arith.index_cast %parallel_loop3A_689 : i32 to index
        %parallel_loop3A_691 = tpu.vector_load %arg5[%parallel_loop3A_690] {strides = array<i32>} : memref<4096xf32, #tpu.memory_space<vmem>>, vector<16xf32>,
        %parallel_loop3A_692 = arith.constant 96 : i32
        %parallel_loop3A_693 = arith.addi %parallel_loop3A_639, %parallel_loop3A_692 : i32
        %parallel_loop3A_694 = arith.index_cast %parallel_loop3A_693 : i32 to index
        %parallel_loop3A_695 = tpu.vector_load %arg9[%parallel_loop3A_694] {strides = array<i32>} : memref<51200xf32, #tpu.memory_space<vmem>>, vector<16xf32>,
        tpu.vector_store %arg9[%parallel_loop3A_694], %parallel_loop3A_691 {strides = array<i32>} : memref<51200xf32, #tpu.memory_space<vmem>>, vector<16xf32>,
        %parallel_loop3A_696 = arith.constant 112 : i32
        %parallel_loop3A_697 = arith.addi %parallel_loop3A_637, %parallel_loop3A_696 : i32
        %parallel_loop3A_698 = arith.index_cast %parallel_loop3A_697 : i32 to index
        %parallel_loop3A_699 = tpu.vector_load %arg5[%parallel_loop3A_698] {strides = array<i32>} : memref<4096xf32, #tpu.memory_space<vmem>>, vector<16xf32>,
        %parallel_loop3A_700 = arith.constant 112 : i32
        %parallel_loop3A_701 = arith.addi %parallel_loop3A_639, %parallel_loop3A_700 : i32
        %parallel_loop3A_702 = arith.index_cast %parallel_loop3A_701 : i32 to index
        %parallel_loop3A_703 = tpu.vector_load %arg9[%parallel_loop3A_702] {strides = array<i32>} : memref<51200xf32, #tpu.memory_space<vmem>>, vector<16xf32>,
        tpu.vector_store %arg9[%parallel_loop3A_702], %parallel_loop3A_699 {strides = array<i32>} : memref<51200xf32, #tpu.memory_space<vmem>>, vector<16xf32>,
        %parallel_loop3A_704 = vector.extract_strided_slice %parallel_loop3A_71 {offsets = [9], sizes = [1], strides = [1]} : vector<16xi32> to vector<1xi32>
        %parallel_loop3A_705 = vector.extract %parallel_loop3A_704[0] : i32 from vector<1xi32>
        %parallel_loop3A_706 = arith.constant 128 : i32
        %parallel_loop3A_707 = arith.muli %parallel_loop3A_705, %parallel_loop3A_706 : i32
        %parallel_loop3A_708 = arith.constant 1152 : i32
        %parallel_loop3A_709 = arith.addi %parallel_loop3A_73, %parallel_loop3A_708 : i32
        %parallel_loop3A_710 = arith.constant 0 : i32
        %parallel_loop3A_711 = arith.addi %parallel_loop3A_707, %parallel_loop3A_710 : i32
        %parallel_loop3A_712 = arith.index_cast %parallel_loop3A_711 : i32 to index
        %parallel_loop3A_713 = tpu.vector_load %arg5[%parallel_loop3A_712] {strides = array<i32>} : memref<4096xf32, #tpu.memory_space<vmem>>, vector<16xf32>,
        %parallel_loop3A_714 = arith.constant 0 : i32
        %parallel_loop3A_715 = arith.addi %parallel_loop3A_709, %parallel_loop3A_714 : i32
        %parallel_loop3A_716 = arith.index_cast %parallel_loop3A_715 : i32 to index
        %parallel_loop3A_717 = tpu.vector_load %arg9[%parallel_loop3A_716] {strides = array<i32>} : memref<51200xf32, #tpu.memory_space<vmem>>, vector<16xf32>,
        tpu.vector_store %arg9[%parallel_loop3A_716], %parallel_loop3A_713 {strides = array<i32>} : memref<51200xf32, #tpu.memory_space<vmem>>, vector<16xf32>,
        %parallel_loop3A_718 = arith.constant 16 : i32
        %parallel_loop3A_719 = arith.addi %parallel_loop3A_707, %parallel_loop3A_718 : i32
        %parallel_loop3A_720 = arith.index_cast %parallel_loop3A_719 : i32 to index
        %parallel_loop3A_721 = tpu.vector_load %arg5[%parallel_loop3A_720] {strides = array<i32>} : memref<4096xf32, #tpu.memory_space<vmem>>, vector<16xf32>,
        %parallel_loop3A_722 = arith.constant 16 : i32
        %parallel_loop3A_723 = arith.addi %parallel_loop3A_709, %parallel_loop3A_722 : i32
        %parallel_loop3A_724 = arith.index_cast %parallel_loop3A_723 : i32 to index
        %parallel_loop3A_725 = tpu.vector_load %arg9[%parallel_loop3A_724] {strides = array<i32>} : memref<51200xf32, #tpu.memory_space<vmem>>, vector<16xf32>,
        tpu.vector_store %arg9[%parallel_loop3A_724], %parallel_loop3A_721 {strides = array<i32>} : memref<51200xf32, #tpu.memory_space<vmem>>, vector<16xf32>,
        %parallel_loop3A_726 = arith.constant 32 : i32
        %parallel_loop3A_727 = arith.addi %parallel_loop3A_707, %parallel_loop3A_726 : i32
        %parallel_loop3A_728 = arith.index_cast %parallel_loop3A_727 : i32 to index
        %parallel_loop3A_729 = tpu.vector_load %arg5[%parallel_loop3A_728] {strides = array<i32>} : memref<4096xf32, #tpu.memory_space<vmem>>, vector<16xf32>,
        %parallel_loop3A_730 = arith.constant 32 : i32
        %parallel_loop3A_731 = arith.addi %parallel_loop3A_709, %parallel_loop3A_730 : i32
        %parallel_loop3A_732 = arith.index_cast %parallel_loop3A_731 : i32 to index
        %parallel_loop3A_733 = tpu.vector_load %arg9[%parallel_loop3A_732] {strides = array<i32>} : memref<51200xf32, #tpu.memory_space<vmem>>, vector<16xf32>,
        tpu.vector_store %arg9[%parallel_loop3A_732], %parallel_loop3A_729 {strides = array<i32>} : memref<51200xf32, #tpu.memory_space<vmem>>, vector<16xf32>,
        %parallel_loop3A_734 = arith.constant 48 : i32
        %parallel_loop3A_735 = arith.addi %parallel_loop3A_707, %parallel_loop3A_734 : i32
        %parallel_loop3A_736 = arith.index_cast %parallel_loop3A_735 : i32 to index
        %parallel_loop3A_737 = tpu.vector_load %arg5[%parallel_loop3A_736] {strides = array<i32>} : memref<4096xf32, #tpu.memory_space<vmem>>, vector<16xf32>,
        %parallel_loop3A_738 = arith.constant 48 : i32
        %parallel_loop3A_739 = arith.addi %parallel_loop3A_709, %parallel_loop3A_738 : i32
        %parallel_loop3A_740 = arith.index_cast %parallel_loop3A_739 : i32 to index
        %parallel_loop3A_741 = tpu.vector_load %arg9[%parallel_loop3A_740] {strides = array<i32>} : memref<51200xf32, #tpu.memory_space<vmem>>, vector<16xf32>,
        tpu.vector_store %arg9[%parallel_loop3A_740], %parallel_loop3A_737 {strides = array<i32>} : memref<51200xf32, #tpu.memory_space<vmem>>, vector<16xf32>,
        %parallel_loop3A_742 = arith.constant 64 : i32
        %parallel_loop3A_743 = arith.addi %parallel_loop3A_707, %parallel_loop3A_742 : i32
        %parallel_loop3A_744 = arith.index_cast %parallel_loop3A_743 : i32 to index
        %parallel_loop3A_745 = tpu.vector_load %arg5[%parallel_loop3A_744] {strides = array<i32>} : memref<4096xf32, #tpu.memory_space<vmem>>, vector<16xf32>,
        %parallel_loop3A_746 = arith.constant 64 : i32
        %parallel_loop3A_747 = arith.addi %parallel_loop3A_709, %parallel_loop3A_746 : i32
        %parallel_loop3A_748 = arith.index_cast %parallel_loop3A_747 : i32 to index
        %parallel_loop3A_749 = tpu.vector_load %arg9[%parallel_loop3A_748] {strides = array<i32>} : memref<51200xf32, #tpu.memory_space<vmem>>, vector<16xf32>,
        tpu.vector_store %arg9[%parallel_loop3A_748], %parallel_loop3A_745 {strides = array<i32>} : memref<51200xf32, #tpu.memory_space<vmem>>, vector<16xf32>,
        %parallel_loop3A_750 = arith.constant 80 : i32
        %parallel_loop3A_751 = arith.addi %parallel_loop3A_707, %parallel_loop3A_750 : i32
        %parallel_loop3A_752 = arith.index_cast %parallel_loop3A_751 : i32 to index
        %parallel_loop3A_753 = tpu.vector_load %arg5[%parallel_loop3A_752] {strides = array<i32>} : memref<4096xf32, #tpu.memory_space<vmem>>, vector<16xf32>,
        %parallel_loop3A_754 = arith.constant 80 : i32
        %parallel_loop3A_755 = arith.addi %parallel_loop3A_709, %parallel_loop3A_754 : i32
        %parallel_loop3A_756 = arith.index_cast %parallel_loop3A_755 : i32 to index
        %parallel_loop3A_757 = tpu.vector_load %arg9[%parallel_loop3A_756] {strides = array<i32>} : memref<51200xf32, #tpu.memory_space<vmem>>, vector<16xf32>,
        tpu.vector_store %arg9[%parallel_loop3A_756], %parallel_loop3A_753 {strides = array<i32>} : memref<51200xf32, #tpu.memory_space<vmem>>, vector<16xf32>,
        %parallel_loop3A_758 = arith.constant 96 : i32
        %parallel_loop3A_759 = arith.addi %parallel_loop3A_707, %parallel_loop3A_758 : i32
        %parallel_loop3A_760 = arith.index_cast %parallel_loop3A_759 : i32 to index
        %parallel_loop3A_761 = tpu.vector_load %arg5[%parallel_loop3A_760] {strides = array<i32>} : memref<4096xf32, #tpu.memory_space<vmem>>, vector<16xf32>,
        %parallel_loop3A_762 = arith.constant 96 : i32
        %parallel_loop3A_763 = arith.addi %parallel_loop3A_709, %parallel_loop3A_762 : i32
        %parallel_loop3A_764 = arith.index_cast %parallel_loop3A_763 : i32 to index
        %parallel_loop3A_765 = tpu.vector_load %arg9[%parallel_loop3A_764] {strides = array<i32>} : memref<51200xf32, #tpu.memory_space<vmem>>, vector<16xf32>,
        tpu.vector_store %arg9[%parallel_loop3A_764], %parallel_loop3A_761 {strides = array<i32>} : memref<51200xf32, #tpu.memory_space<vmem>>, vector<16xf32>,
        %parallel_loop3A_766 = arith.constant 112 : i32
        %parallel_loop3A_767 = arith.addi %parallel_loop3A_707, %parallel_loop3A_766 : i32
        %parallel_loop3A_768 = arith.index_cast %parallel_loop3A_767 : i32 to index
        %parallel_loop3A_769 = tpu.vector_load %arg5[%parallel_loop3A_768] {strides = array<i32>} : memref<4096xf32, #tpu.memory_space<vmem>>, vector<16xf32>,
        %parallel_loop3A_770 = arith.constant 112 : i32
        %parallel_loop3A_771 = arith.addi %parallel_loop3A_709, %parallel_loop3A_770 : i32
        %parallel_loop3A_772 = arith.index_cast %parallel_loop3A_771 : i32 to index
        %parallel_loop3A_773 = tpu.vector_load %arg9[%parallel_loop3A_772] {strides = array<i32>} : memref<51200xf32, #tpu.memory_space<vmem>>, vector<16xf32>,
        tpu.vector_store %arg9[%parallel_loop3A_772], %parallel_loop3A_769 {strides = array<i32>} : memref<51200xf32, #tpu.memory_space<vmem>>, vector<16xf32>,
        %parallel_loop3A_774 = vector.extract_strided_slice %parallel_loop3A_71 {offsets = [10], sizes = [1], strides = [1]} : vector<16xi32> to vector<1xi32>
        %parallel_loop3A_775 = vector.extract %parallel_loop3A_774[0] : i32 from vector<1xi32>
        %parallel_loop3A_776 = arith.constant 128 : i32
        %parallel_loop3A_777 = arith.muli %parallel_loop3A_775, %parallel_loop3A_776 : i32
        %parallel_loop3A_778 = arith.constant 1280 : i32
        %parallel_loop3A_779 = arith.addi %parallel_loop3A_73, %parallel_loop3A_778 : i32
        %parallel_loop3A_780 = arith.constant 0 : i32
        %parallel_loop3A_781 = arith.addi %parallel_loop3A_777, %parallel_loop3A_780 : i32
        %parallel_loop3A_782 = arith.index_cast %parallel_loop3A_781 : i32 to index
        %parallel_loop3A_783 = tpu.vector_load %arg5[%parallel_loop3A_782] {strides = array<i32>} : memref<4096xf32, #tpu.memory_space<vmem>>, vector<16xf32>,
        %parallel_loop3A_784 = arith.constant 0 : i32
        %parallel_loop3A_785 = arith.addi %parallel_loop3A_779, %parallel_loop3A_784 : i32
        %parallel_loop3A_786 = arith.index_cast %parallel_loop3A_785 : i32 to index
        %parallel_loop3A_787 = tpu.vector_load %arg9[%parallel_loop3A_786] {strides = array<i32>} : memref<51200xf32, #tpu.memory_space<vmem>>, vector<16xf32>,
        tpu.vector_store %arg9[%parallel_loop3A_786], %parallel_loop3A_783 {strides = array<i32>} : memref<51200xf32, #tpu.memory_space<vmem>>, vector<16xf32>,
        %parallel_loop3A_788 = arith.constant 16 : i32
        %parallel_loop3A_789 = arith.addi %parallel_loop3A_777, %parallel_loop3A_788 : i32
        %parallel_loop3A_790 = arith.index_cast %parallel_loop3A_789 : i32 to index
        %parallel_loop3A_791 = tpu.vector_load %arg5[%parallel_loop3A_790] {strides = array<i32>} : memref<4096xf32, #tpu.memory_space<vmem>>, vector<16xf32>,
        %parallel_loop3A_792 = arith.constant 16 : i32
        %parallel_loop3A_793 = arith.addi %parallel_loop3A_779, %parallel_loop3A_792 : i32
        %parallel_loop3A_794 = arith.index_cast %parallel_loop3A_793 : i32 to index
        %parallel_loop3A_795 = tpu.vector_load %arg9[%parallel_loop3A_794] {strides = array<i32>} : memref<51200xf32, #tpu.memory_space<vmem>>, vector<16xf32>,
        tpu.vector_store %arg9[%parallel_loop3A_794], %parallel_loop3A_791 {strides = array<i32>} : memref<51200xf32, #tpu.memory_space<vmem>>, vector<16xf32>,
        %parallel_loop3A_796 = arith.constant 32 : i32
        %parallel_loop3A_797 = arith.addi %parallel_loop3A_777, %parallel_loop3A_796 : i32
        %parallel_loop3A_798 = arith.index_cast %parallel_loop3A_797 : i32 to index
        %parallel_loop3A_799 = tpu.vector_load %arg5[%parallel_loop3A_798] {strides = array<i32>} : memref<4096xf32, #tpu.memory_space<vmem>>, vector<16xf32>,
        %parallel_loop3A_800 = arith.constant 32 : i32
        %parallel_loop3A_801 = arith.addi %parallel_loop3A_779, %parallel_loop3A_800 : i32
        %parallel_loop3A_802 = arith.index_cast %parallel_loop3A_801 : i32 to index
        %parallel_loop3A_803 = tpu.vector_load %arg9[%parallel_loop3A_802] {strides = array<i32>} : memref<51200xf32, #tpu.memory_space<vmem>>, vector<16xf32>,
        tpu.vector_store %arg9[%parallel_loop3A_802], %parallel_loop3A_799 {strides = array<i32>} : memref<51200xf32, #tpu.memory_space<vmem>>, vector<16xf32>,
        %parallel_loop3A_804 = arith.constant 48 : i32
        %parallel_loop3A_805 = arith.addi %parallel_loop3A_777, %parallel_loop3A_804 : i32
        %parallel_loop3A_806 = arith.index_cast %parallel_loop3A_805 : i32 to index
        %parallel_loop3A_807 = tpu.vector_load %arg5[%parallel_loop3A_806] {strides = array<i32>} : memref<4096xf32, #tpu.memory_space<vmem>>, vector<16xf32>,
        %parallel_loop3A_808 = arith.constant 48 : i32
        %parallel_loop3A_809 = arith.addi %parallel_loop3A_779, %parallel_loop3A_808 : i32
        %parallel_loop3A_810 = arith.index_cast %parallel_loop3A_809 : i32 to index
        %parallel_loop3A_811 = tpu.vector_load %arg9[%parallel_loop3A_810] {strides = array<i32>} : memref<51200xf32, #tpu.memory_space<vmem>>, vector<16xf32>,
        tpu.vector_store %arg9[%parallel_loop3A_810], %parallel_loop3A_807 {strides = array<i32>} : memref<51200xf32, #tpu.memory_space<vmem>>, vector<16xf32>,
        %parallel_loop3A_812 = arith.constant 64 : i32
        %parallel_loop3A_813 = arith.addi %parallel_loop3A_777, %parallel_loop3A_812 : i32
        %parallel_loop3A_814 = arith.index_cast %parallel_loop3A_813 : i32 to index
        %parallel_loop3A_815 = tpu.vector_load %arg5[%parallel_loop3A_814] {strides = array<i32>} : memref<4096xf32, #tpu.memory_space<vmem>>, vector<16xf32>,
        %parallel_loop3A_816 = arith.constant 64 : i32
        %parallel_loop3A_817 = arith.addi %parallel_loop3A_779, %parallel_loop3A_816 : i32
        %parallel_loop3A_818 = arith.index_cast %parallel_loop3A_817 : i32 to index
        %parallel_loop3A_819 = tpu.vector_load %arg9[%parallel_loop3A_818] {strides = array<i32>} : memref<51200xf32, #tpu.memory_space<vmem>>, vector<16xf32>,
        tpu.vector_store %arg9[%parallel_loop3A_818], %parallel_loop3A_815 {strides = array<i32>} : memref<51200xf32, #tpu.memory_space<vmem>>, vector<16xf32>,
        %parallel_loop3A_820 = arith.constant 80 : i32
        %parallel_loop3A_821 = arith.addi %parallel_loop3A_777, %parallel_loop3A_820 : i32
        %parallel_loop3A_822 = arith.index_cast %parallel_loop3A_821 : i32 to index
        %parallel_loop3A_823 = tpu.vector_load %arg5[%parallel_loop3A_822] {strides = array<i32>} : memref<4096xf32, #tpu.memory_space<vmem>>, vector<16xf32>,
        %parallel_loop3A_824 = arith.constant 80 : i32
        %parallel_loop3A_825 = arith.addi %parallel_loop3A_779, %parallel_loop3A_824 : i32
        %parallel_loop3A_826 = arith.index_cast %parallel_loop3A_825 : i32 to index
        %parallel_loop3A_827 = tpu.vector_load %arg9[%parallel_loop3A_826] {strides = array<i32>} : memref<51200xf32, #tpu.memory_space<vmem>>, vector<16xf32>,
        tpu.vector_store %arg9[%parallel_loop3A_826], %parallel_loop3A_823 {strides = array<i32>} : memref<51200xf32, #tpu.memory_space<vmem>>, vector<16xf32>,
        %parallel_loop3A_828 = arith.constant 96 : i32
        %parallel_loop3A_829 = arith.addi %parallel_loop3A_777, %parallel_loop3A_828 : i32
        %parallel_loop3A_830 = arith.index_cast %parallel_loop3A_829 : i32 to index
        %parallel_loop3A_831 = tpu.vector_load %arg5[%parallel_loop3A_830] {strides = array<i32>} : memref<4096xf32, #tpu.memory_space<vmem>>, vector<16xf32>,
        %parallel_loop3A_832 = arith.constant 96 : i32
        %parallel_loop3A_833 = arith.addi %parallel_loop3A_779, %parallel_loop3A_832 : i32
        %parallel_loop3A_834 = arith.index_cast %parallel_loop3A_833 : i32 to index
        %parallel_loop3A_835 = tpu.vector_load %arg9[%parallel_loop3A_834] {strides = array<i32>} : memref<51200xf32, #tpu.memory_space<vmem>>, vector<16xf32>,
        tpu.vector_store %arg9[%parallel_loop3A_834], %parallel_loop3A_831 {strides = array<i32>} : memref<51200xf32, #tpu.memory_space<vmem>>, vector<16xf32>,
        %parallel_loop3A_836 = arith.constant 112 : i32
        %parallel_loop3A_837 = arith.addi %parallel_loop3A_777, %parallel_loop3A_836 : i32
        %parallel_loop3A_838 = arith.index_cast %parallel_loop3A_837 : i32 to index
        %parallel_loop3A_839 = tpu.vector_load %arg5[%parallel_loop3A_838] {strides = array<i32>} : memref<4096xf32, #tpu.memory_space<vmem>>, vector<16xf32>,
        %parallel_loop3A_840 = arith.constant 112 : i32
        %parallel_loop3A_841 = arith.addi %parallel_loop3A_779, %parallel_loop3A_840 : i32
        %parallel_loop3A_842 = arith.index_cast %parallel_loop3A_841 : i32 to index
        %parallel_loop3A_843 = tpu.vector_load %arg9[%parallel_loop3A_842] {strides = array<i32>} : memref<51200xf32, #tpu.memory_space<vmem>>, vector<16xf32>,
        tpu.vector_store %arg9[%parallel_loop3A_842], %parallel_loop3A_839 {strides = array<i32>} : memref<51200xf32, #tpu.memory_space<vmem>>, vector<16xf32>,
        %parallel_loop3A_844 = vector.extract_strided_slice %parallel_loop3A_71 {offsets = [11], sizes = [1], strides = [1]} : vector<16xi32> to vector<1xi32>
        %parallel_loop3A_845 = vector.extract %parallel_loop3A_844[0] : i32 from vector<1xi32>
        %parallel_loop3A_846 = arith.constant 128 : i32
        %parallel_loop3A_847 = arith.muli %parallel_loop3A_845, %parallel_loop3A_846 : i32
        %parallel_loop3A_848 = arith.constant 1408 : i32
        %parallel_loop3A_849 = arith.addi %parallel_loop3A_73, %parallel_loop3A_848 : i32
        %parallel_loop3A_850 = arith.constant 0 : i32
        %parallel_loop3A_851 = arith.addi %parallel_loop3A_847, %parallel_loop3A_850 : i32
        %parallel_loop3A_852 = arith.index_cast %parallel_loop3A_851 : i32 to index
        %parallel_loop3A_853 = tpu.vector_load %arg5[%parallel_loop3A_852] {strides = array<i32>} : memref<4096xf32, #tpu.memory_space<vmem>>, vector<16xf32>,
        %parallel_loop3A_854 = arith.constant 0 : i32
        %parallel_loop3A_855 = arith.addi %parallel_loop3A_849, %parallel_loop3A_854 : i32
        %parallel_loop3A_856 = arith.index_cast %parallel_loop3A_855 : i32 to index
        %parallel_loop3A_857 = tpu.vector_load %arg9[%parallel_loop3A_856] {strides = array<i32>} : memref<51200xf32, #tpu.memory_space<vmem>>, vector<16xf32>,
        tpu.vector_store %arg9[%parallel_loop3A_856], %parallel_loop3A_853 {strides = array<i32>} : memref<51200xf32, #tpu.memory_space<vmem>>, vector<16xf32>,
        %parallel_loop3A_858 = arith.constant 16 : i32
        %parallel_loop3A_859 = arith.addi %parallel_loop3A_847, %parallel_loop3A_858 : i32
        %parallel_loop3A_860 = arith.index_cast %parallel_loop3A_859 : i32 to index
        %parallel_loop3A_861 = tpu.vector_load %arg5[%parallel_loop3A_860] {strides = array<i32>} : memref<4096xf32, #tpu.memory_space<vmem>>, vector<16xf32>,
        %parallel_loop3A_862 = arith.constant 16 : i32
        %parallel_loop3A_863 = arith.addi %parallel_loop3A_849, %parallel_loop3A_862 : i32
        %parallel_loop3A_864 = arith.index_cast %parallel_loop3A_863 : i32 to index
        %parallel_loop3A_865 = tpu.vector_load %arg9[%parallel_loop3A_864] {strides = array<i32>} : memref<51200xf32, #tpu.memory_space<vmem>>, vector<16xf32>,
        tpu.vector_store %arg9[%parallel_loop3A_864], %parallel_loop3A_861 {strides = array<i32>} : memref<51200xf32, #tpu.memory_space<vmem>>, vector<16xf32>,
        %parallel_loop3A_866 = arith.constant 32 : i32
        %parallel_loop3A_867 = arith.addi %parallel_loop3A_847, %parallel_loop3A_866 : i32
        %parallel_loop3A_868 = arith.index_cast %parallel_loop3A_867 : i32 to index
        %parallel_loop3A_869 = tpu.vector_load %arg5[%parallel_loop3A_868] {strides = array<i32>} : memref<4096xf32, #tpu.memory_space<vmem>>, vector<16xf32>,
        %parallel_loop3A_870 = arith.constant 32 : i32
        %parallel_loop3A_871 = arith.addi %parallel_loop3A_849, %parallel_loop3A_870 : i32
        %parallel_loop3A_872 = arith.index_cast %parallel_loop3A_871 : i32 to index
        %parallel_loop3A_873 = tpu.vector_load %arg9[%parallel_loop3A_872] {strides = array<i32>} : memref<51200xf32, #tpu.memory_space<vmem>>, vector<16xf32>,
        tpu.vector_store %arg9[%parallel_loop3A_872], %parallel_loop3A_869 {strides = array<i32>} : memref<51200xf32, #tpu.memory_space<vmem>>, vector<16xf32>,
        %parallel_loop3A_874 = arith.constant 48 : i32
        %parallel_loop3A_875 = arith.addi %parallel_loop3A_847, %parallel_loop3A_874 : i32
        %parallel_loop3A_876 = arith.index_cast %parallel_loop3A_875 : i32 to index
        %parallel_loop3A_877 = tpu.vector_load %arg5[%parallel_loop3A_876] {strides = array<i32>} : memref<4096xf32, #tpu.memory_space<vmem>>, vector<16xf32>,
        %parallel_loop3A_878 = arith.constant 48 : i32
        %parallel_loop3A_879 = arith.addi %parallel_loop3A_849, %parallel_loop3A_878 : i32
        %parallel_loop3A_880 = arith.index_cast %parallel_loop3A_879 : i32 to index
        %parallel_loop3A_881 = tpu.vector_load %arg9[%parallel_loop3A_880] {strides = array<i32>} : memref<51200xf32, #tpu.memory_space<vmem>>, vector<16xf32>,
        tpu.vector_store %arg9[%parallel_loop3A_880], %parallel_loop3A_877 {strides = array<i32>} : memref<51200xf32, #tpu.memory_space<vmem>>, vector<16xf32>,
        %parallel_loop3A_882 = arith.constant 64 : i32
        %parallel_loop3A_883 = arith.addi %parallel_loop3A_847, %parallel_loop3A_882 : i32
        %parallel_loop3A_884 = arith.index_cast %parallel_loop3A_883 : i32 to index
        %parallel_loop3A_885 = tpu.vector_load %arg5[%parallel_loop3A_884] {strides = array<i32>} : memref<4096xf32, #tpu.memory_space<vmem>>, vector<16xf32>,
        %parallel_loop3A_886 = arith.constant 64 : i32
        %parallel_loop3A_887 = arith.addi %parallel_loop3A_849, %parallel_loop3A_886 : i32
        %parallel_loop3A_888 = arith.index_cast %parallel_loop3A_887 : i32 to index
        %parallel_loop3A_889 = tpu.vector_load %arg9[%parallel_loop3A_888] {strides = array<i32>} : memref<51200xf32, #tpu.memory_space<vmem>>, vector<16xf32>,
        tpu.vector_store %arg9[%parallel_loop3A_888], %parallel_loop3A_885 {strides = array<i32>} : memref<51200xf32, #tpu.memory_space<vmem>>, vector<16xf32>,
        %parallel_loop3A_890 = arith.constant 80 : i32
        %parallel_loop3A_891 = arith.addi %parallel_loop3A_847, %parallel_loop3A_890 : i32
        %parallel_loop3A_892 = arith.index_cast %parallel_loop3A_891 : i32 to index
        %parallel_loop3A_893 = tpu.vector_load %arg5[%parallel_loop3A_892] {strides = array<i32>} : memref<4096xf32, #tpu.memory_space<vmem>>, vector<16xf32>,
        %parallel_loop3A_894 = arith.constant 80 : i32
        %parallel_loop3A_895 = arith.addi %parallel_loop3A_849, %parallel_loop3A_894 : i32
        %parallel_loop3A_896 = arith.index_cast %parallel_loop3A_895 : i32 to index
        %parallel_loop3A_897 = tpu.vector_load %arg9[%parallel_loop3A_896] {strides = array<i32>} : memref<51200xf32, #tpu.memory_space<vmem>>, vector<16xf32>,
        tpu.vector_store %arg9[%parallel_loop3A_896], %parallel_loop3A_893 {strides = array<i32>} : memref<51200xf32, #tpu.memory_space<vmem>>, vector<16xf32>,
        %parallel_loop3A_898 = arith.constant 96 : i32
        %parallel_loop3A_899 = arith.addi %parallel_loop3A_847, %parallel_loop3A_898 : i32
        %parallel_loop3A_900 = arith.index_cast %parallel_loop3A_899 : i32 to index
        %parallel_loop3A_901 = tpu.vector_load %arg5[%parallel_loop3A_900] {strides = array<i32>} : memref<4096xf32, #tpu.memory_space<vmem>>, vector<16xf32>,
        %parallel_loop3A_902 = arith.constant 96 : i32
        %parallel_loop3A_903 = arith.addi %parallel_loop3A_849, %parallel_loop3A_902 : i32
        %parallel_loop3A_904 = arith.index_cast %parallel_loop3A_903 : i32 to index
        %parallel_loop3A_905 = tpu.vector_load %arg9[%parallel_loop3A_904] {strides = array<i32>} : memref<51200xf32, #tpu.memory_space<vmem>>, vector<16xf32>,
        tpu.vector_store %arg9[%parallel_loop3A_904], %parallel_loop3A_901 {strides = array<i32>} : memref<51200xf32, #tpu.memory_space<vmem>>, vector<16xf32>,
        %parallel_loop3A_906 = arith.constant 112 : i32
        %parallel_loop3A_907 = arith.addi %parallel_loop3A_847, %parallel_loop3A_906 : i32
        %parallel_loop3A_908 = arith.index_cast %parallel_loop3A_907 : i32 to index
        %parallel_loop3A_909 = tpu.vector_load %arg5[%parallel_loop3A_908] {strides = array<i32>} : memref<4096xf32, #tpu.memory_space<vmem>>, vector<16xf32>,
        %parallel_loop3A_910 = arith.constant 112 : i32
        %parallel_loop3A_911 = arith.addi %parallel_loop3A_849, %parallel_loop3A_910 : i32
        %parallel_loop3A_912 = arith.index_cast %parallel_loop3A_911 : i32 to index
        %parallel_loop3A_913 = tpu.vector_load %arg9[%parallel_loop3A_912] {strides = array<i32>} : memref<51200xf32, #tpu.memory_space<vmem>>, vector<16xf32>,
        tpu.vector_store %arg9[%parallel_loop3A_912], %parallel_loop3A_909 {strides = array<i32>} : memref<51200xf32, #tpu.memory_space<vmem>>, vector<16xf32>,
        %parallel_loop3A_914 = vector.extract_strided_slice %parallel_loop3A_71 {offsets = [12], sizes = [1], strides = [1]} : vector<16xi32> to vector<1xi32>
        %parallel_loop3A_915 = vector.extract %parallel_loop3A_914[0] : i32 from vector<1xi32>
        %parallel_loop3A_916 = arith.constant 128 : i32
        %parallel_loop3A_917 = arith.muli %parallel_loop3A_915, %parallel_loop3A_916 : i32
        %parallel_loop3A_918 = arith.constant 1536 : i32
        %parallel_loop3A_919 = arith.addi %parallel_loop3A_73, %parallel_loop3A_918 : i32
        %parallel_loop3A_920 = arith.constant 0 : i32
        %parallel_loop3A_921 = arith.addi %parallel_loop3A_917, %parallel_loop3A_920 : i32
        %parallel_loop3A_922 = arith.index_cast %parallel_loop3A_921 : i32 to index
        %parallel_loop3A_923 = tpu.vector_load %arg5[%parallel_loop3A_922] {strides = array<i32>} : memref<4096xf32, #tpu.memory_space<vmem>>, vector<16xf32>,
        %parallel_loop3A_924 = arith.constant 0 : i32
        %parallel_loop3A_925 = arith.addi %parallel_loop3A_919, %parallel_loop3A_924 : i32
        %parallel_loop3A_926 = arith.index_cast %parallel_loop3A_925 : i32 to index
        %parallel_loop3A_927 = tpu.vector_load %arg9[%parallel_loop3A_926] {strides = array<i32>} : memref<51200xf32, #tpu.memory_space<vmem>>, vector<16xf32>,
        tpu.vector_store %arg9[%parallel_loop3A_926], %parallel_loop3A_923 {strides = array<i32>} : memref<51200xf32, #tpu.memory_space<vmem>>, vector<16xf32>,
        %parallel_loop3A_928 = arith.constant 16 : i32
        %parallel_loop3A_929 = arith.addi %parallel_loop3A_917, %parallel_loop3A_928 : i32
        %parallel_loop3A_930 = arith.index_cast %parallel_loop3A_929 : i32 to index
        %parallel_loop3A_931 = tpu.vector_load %arg5[%parallel_loop3A_930] {strides = array<i32>} : memref<4096xf32, #tpu.memory_space<vmem>>, vector<16xf32>,
        %parallel_loop3A_932 = arith.constant 16 : i32
        %parallel_loop3A_933 = arith.addi %parallel_loop3A_919, %parallel_loop3A_932 : i32
        %parallel_loop3A_934 = arith.index_cast %parallel_loop3A_933 : i32 to index
        %parallel_loop3A_935 = tpu.vector_load %arg9[%parallel_loop3A_934] {strides = array<i32>} : memref<51200xf32, #tpu.memory_space<vmem>>, vector<16xf32>,
        tpu.vector_store %arg9[%parallel_loop3A_934], %parallel_loop3A_931 {strides = array<i32>} : memref<51200xf32, #tpu.memory_space<vmem>>, vector<16xf32>,
        %parallel_loop3A_936 = arith.constant 32 : i32
        %parallel_loop3A_937 = arith.addi %parallel_loop3A_917, %parallel_loop3A_936 : i32
        %parallel_loop3A_938 = arith.index_cast %parallel_loop3A_937 : i32 to index
        %parallel_loop3A_939 = tpu.vector_load %arg5[%parallel_loop3A_938] {strides = array<i32>} : memref<4096xf32, #tpu.memory_space<vmem>>, vector<16xf32>,
        %parallel_loop3A_940 = arith.constant 32 : i32
        %parallel_loop3A_941 = arith.addi %parallel_loop3A_919, %parallel_loop3A_940 : i32
        %parallel_loop3A_942 = arith.index_cast %parallel_loop3A_941 : i32 to index
        %parallel_loop3A_943 = tpu.vector_load %arg9[%parallel_loop3A_942] {strides = array<i32>} : memref<51200xf32, #tpu.memory_space<vmem>>, vector<16xf32>,
        tpu.vector_store %arg9[%parallel_loop3A_942], %parallel_loop3A_939 {strides = array<i32>} : memref<51200xf32, #tpu.memory_space<vmem>>, vector<16xf32>,
        %parallel_loop3A_944 = arith.constant 48 : i32
        %parallel_loop3A_945 = arith.addi %parallel_loop3A_917, %parallel_loop3A_944 : i32
        %parallel_loop3A_946 = arith.index_cast %parallel_loop3A_945 : i32 to index
        %parallel_loop3A_947 = tpu.vector_load %arg5[%parallel_loop3A_946] {strides = array<i32>} : memref<4096xf32, #tpu.memory_space<vmem>>, vector<16xf32>,
        %parallel_loop3A_948 = arith.constant 48 : i32
        %parallel_loop3A_949 = arith.addi %parallel_loop3A_919, %parallel_loop3A_948 : i32
        %parallel_loop3A_950 = arith.index_cast %parallel_loop3A_949 : i32 to index
        %parallel_loop3A_951 = tpu.vector_load %arg9[%parallel_loop3A_950] {strides = array<i32>} : memref<51200xf32, #tpu.memory_space<vmem>>, vector<16xf32>,
        tpu.vector_store %arg9[%parallel_loop3A_950], %parallel_loop3A_947 {strides = array<i32>} : memref<51200xf32, #tpu.memory_space<vmem>>, vector<16xf32>,
        %parallel_loop3A_952 = arith.constant 64 : i32
        %parallel_loop3A_953 = arith.addi %parallel_loop3A_917, %parallel_loop3A_952 : i32
        %parallel_loop3A_954 = arith.index_cast %parallel_loop3A_953 : i32 to index
        %parallel_loop3A_955 = tpu.vector_load %arg5[%parallel_loop3A_954] {strides = array<i32>} : memref<4096xf32, #tpu.memory_space<vmem>>, vector<16xf32>,
        %parallel_loop3A_956 = arith.constant 64 : i32
        %parallel_loop3A_957 = arith.addi %parallel_loop3A_919, %parallel_loop3A_956 : i32
        %parallel_loop3A_958 = arith.index_cast %parallel_loop3A_957 : i32 to index
        %parallel_loop3A_959 = tpu.vector_load %arg9[%parallel_loop3A_958] {strides = array<i32>} : memref<51200xf32, #tpu.memory_space<vmem>>, vector<16xf32>,
        tpu.vector_store %arg9[%parallel_loop3A_958], %parallel_loop3A_955 {strides = array<i32>} : memref<51200xf32, #tpu.memory_space<vmem>>, vector<16xf32>,
        %parallel_loop3A_960 = arith.constant 80 : i32
        %parallel_loop3A_961 = arith.addi %parallel_loop3A_917, %parallel_loop3A_960 : i32
        %parallel_loop3A_962 = arith.index_cast %parallel_loop3A_961 : i32 to index
        %parallel_loop3A_963 = tpu.vector_load %arg5[%parallel_loop3A_962] {strides = array<i32>} : memref<4096xf32, #tpu.memory_space<vmem>>, vector<16xf32>,
        %parallel_loop3A_964 = arith.constant 80 : i32
        %parallel_loop3A_965 = arith.addi %parallel_loop3A_919, %parallel_loop3A_964 : i32
        %parallel_loop3A_966 = arith.index_cast %parallel_loop3A_965 : i32 to index
        %parallel_loop3A_967 = tpu.vector_load %arg9[%parallel_loop3A_966] {strides = array<i32>} : memref<51200xf32, #tpu.memory_space<vmem>>, vector<16xf32>,
        tpu.vector_store %arg9[%parallel_loop3A_966], %parallel_loop3A_963 {strides = array<i32>} : memref<51200xf32, #tpu.memory_space<vmem>>, vector<16xf32>,
        %parallel_loop3A_968 = arith.constant 96 : i32
        %parallel_loop3A_969 = arith.addi %parallel_loop3A_917, %parallel_loop3A_968 : i32
        %parallel_loop3A_970 = arith.index_cast %parallel_loop3A_969 : i32 to index
        %parallel_loop3A_971 = tpu.vector_load %arg5[%parallel_loop3A_970] {strides = array<i32>} : memref<4096xf32, #tpu.memory_space<vmem>>, vector<16xf32>,
        %parallel_loop3A_972 = arith.constant 96 : i32
        %parallel_loop3A_973 = arith.addi %parallel_loop3A_919, %parallel_loop3A_972 : i32
        %parallel_loop3A_974 = arith.index_cast %parallel_loop3A_973 : i32 to index
        %parallel_loop3A_975 = tpu.vector_load %arg9[%parallel_loop3A_974] {strides = array<i32>} : memref<51200xf32, #tpu.memory_space<vmem>>, vector<16xf32>,
        tpu.vector_store %arg9[%parallel_loop3A_974], %parallel_loop3A_971 {strides = array<i32>} : memref<51200xf32, #tpu.memory_space<vmem>>, vector<16xf32>,
        %parallel_loop3A_976 = arith.constant 112 : i32
        %parallel_loop3A_977 = arith.addi %parallel_loop3A_917, %parallel_loop3A_976 : i32
        %parallel_loop3A_978 = arith.index_cast %parallel_loop3A_977 : i32 to index
        %parallel_loop3A_979 = tpu.vector_load %arg5[%parallel_loop3A_978] {strides = array<i32>} : memref<4096xf32, #tpu.memory_space<vmem>>, vector<16xf32>,
        %parallel_loop3A_980 = arith.constant 112 : i32
        %parallel_loop3A_981 = arith.addi %parallel_loop3A_919, %parallel_loop3A_980 : i32
        %parallel_loop3A_982 = arith.index_cast %parallel_loop3A_981 : i32 to index
        %parallel_loop3A_983 = tpu.vector_load %arg9[%parallel_loop3A_982] {strides = array<i32>} : memref<51200xf32, #tpu.memory_space<vmem>>, vector<16xf32>,
        tpu.vector_store %arg9[%parallel_loop3A_982], %parallel_loop3A_979 {strides = array<i32>} : memref<51200xf32, #tpu.memory_space<vmem>>, vector<16xf32>,
        %parallel_loop3A_984 = vector.extract_strided_slice %parallel_loop3A_71 {offsets = [13], sizes = [1], strides = [1]} : vector<16xi32> to vector<1xi32>
        %parallel_loop3A_985 = vector.extract %parallel_loop3A_984[0] : i32 from vector<1xi32>
        %parallel_loop3A_986 = arith.constant 128 : i32
        %parallel_loop3A_987 = arith.muli %parallel_loop3A_985, %parallel_loop3A_986 : i32
        %parallel_loop3A_988 = arith.constant 1664 : i32
        %parallel_loop3A_989 = arith.addi %parallel_loop3A_73, %parallel_loop3A_988 : i32
        %parallel_loop3A_990 = arith.constant 0 : i32
        %parallel_loop3A_991 = arith.addi %parallel_loop3A_987, %parallel_loop3A_990 : i32
        %parallel_loop3A_992 = arith.index_cast %parallel_loop3A_991 : i32 to index
        %parallel_loop3A_993 = tpu.vector_load %arg5[%parallel_loop3A_992] {strides = array<i32>} : memref<4096xf32, #tpu.memory_space<vmem>>, vector<16xf32>,
        %parallel_loop3A_994 = arith.constant 0 : i32
        %parallel_loop3A_995 = arith.addi %parallel_loop3A_989, %parallel_loop3A_994 : i32
        %parallel_loop3A_996 = arith.index_cast %parallel_loop3A_995 : i32 to index
        %parallel_loop3A_997 = tpu.vector_load %arg9[%parallel_loop3A_996] {strides = array<i32>} : memref<51200xf32, #tpu.memory_space<vmem>>, vector<16xf32>,
        tpu.vector_store %arg9[%parallel_loop3A_996], %parallel_loop3A_993 {strides = array<i32>} : memref<51200xf32, #tpu.memory_space<vmem>>, vector<16xf32>,
        %parallel_loop3A_998 = arith.constant 16 : i32
        %parallel_loop3A_999 = arith.addi %parallel_loop3A_987, %parallel_loop3A_998 : i32
        %parallel_loop3A_1000 = arith.index_cast %parallel_loop3A_999 : i32 to index
        %parallel_loop3A_1001 = tpu.vector_load %arg5[%parallel_loop3A_1000] {strides = array<i32>} : memref<4096xf32, #tpu.memory_space<vmem>>, vector<16xf32>,
        %parallel_loop3A_1002 = arith.constant 16 : i32
        %parallel_loop3A_1003 = arith.addi %parallel_loop3A_989, %parallel_loop3A_1002 : i32
        %parallel_loop3A_1004 = arith.index_cast %parallel_loop3A_1003 : i32 to index
        %parallel_loop3A_1005 = tpu.vector_load %arg9[%parallel_loop3A_1004] {strides = array<i32>} : memref<51200xf32, #tpu.memory_space<vmem>>, vector<16xf32>,
        tpu.vector_store %arg9[%parallel_loop3A_1004], %parallel_loop3A_1001 {strides = array<i32>} : memref<51200xf32, #tpu.memory_space<vmem>>, vector<16xf32>,
        %parallel_loop3A_1006 = arith.constant 32 : i32
        %parallel_loop3A_1007 = arith.addi %parallel_loop3A_987, %parallel_loop3A_1006 : i32
        %parallel_loop3A_1008 = arith.index_cast %parallel_loop3A_1007 : i32 to index
        %parallel_loop3A_1009 = tpu.vector_load %arg5[%parallel_loop3A_1008] {strides = array<i32>} : memref<4096xf32, #tpu.memory_space<vmem>>, vector<16xf32>,
        %parallel_loop3A_1010 = arith.constant 32 : i32
        %parallel_loop3A_1011 = arith.addi %parallel_loop3A_989, %parallel_loop3A_1010 : i32
        %parallel_loop3A_1012 = arith.index_cast %parallel_loop3A_1011 : i32 to index
        %parallel_loop3A_1013 = tpu.vector_load %arg9[%parallel_loop3A_1012] {strides = array<i32>} : memref<51200xf32, #tpu.memory_space<vmem>>, vector<16xf32>,
        tpu.vector_store %arg9[%parallel_loop3A_1012], %parallel_loop3A_1009 {strides = array<i32>} : memref<51200xf32, #tpu.memory_space<vmem>>, vector<16xf32>,
        %parallel_loop3A_1014 = arith.constant 48 : i32
        %parallel_loop3A_1015 = arith.addi %parallel_loop3A_987, %parallel_loop3A_1014 : i32
        %parallel_loop3A_1016 = arith.index_cast %parallel_loop3A_1015 : i32 to index
        %parallel_loop3A_1017 = tpu.vector_load %arg5[%parallel_loop3A_1016] {strides = array<i32>} : memref<4096xf32, #tpu.memory_space<vmem>>, vector<16xf32>,
        %parallel_loop3A_1018 = arith.constant 48 : i32
        %parallel_loop3A_1019 = arith.addi %parallel_loop3A_989, %parallel_loop3A_1018 : i32
        %parallel_loop3A_1020 = arith.index_cast %parallel_loop3A_1019 : i32 to index
        %parallel_loop3A_1021 = tpu.vector_load %arg9[%parallel_loop3A_1020] {strides = array<i32>} : memref<51200xf32, #tpu.memory_space<vmem>>, vector<16xf32>,
        tpu.vector_store %arg9[%parallel_loop3A_1020], %parallel_loop3A_1017 {strides = array<i32>} : memref<51200xf32, #tpu.memory_space<vmem>>, vector<16xf32>,
        %parallel_loop3A_1022 = arith.constant 64 : i32
        %parallel_loop3A_1023 = arith.addi %parallel_loop3A_987, %parallel_loop3A_1022 : i32
        %parallel_loop3A_1024 = arith.index_cast %parallel_loop3A_1023 : i32 to index
        %parallel_loop3A_1025 = tpu.vector_load %arg5[%parallel_loop3A_1024] {strides = array<i32>} : memref<4096xf32, #tpu.memory_space<vmem>>, vector<16xf32>,
        %parallel_loop3A_1026 = arith.constant 64 : i32
        %parallel_loop3A_1027 = arith.addi %parallel_loop3A_989, %parallel_loop3A_1026 : i32
        %parallel_loop3A_1028 = arith.index_cast %parallel_loop3A_1027 : i32 to index
        %parallel_loop3A_1029 = tpu.vector_load %arg9[%parallel_loop3A_1028] {strides = array<i32>} : memref<51200xf32, #tpu.memory_space<vmem>>, vector<16xf32>,
        tpu.vector_store %arg9[%parallel_loop3A_1028], %parallel_loop3A_1025 {strides = array<i32>} : memref<51200xf32, #tpu.memory_space<vmem>>, vector<16xf32>,
        %parallel_loop3A_1030 = arith.constant 80 : i32
        %parallel_loop3A_1031 = arith.addi %parallel_loop3A_987, %parallel_loop3A_1030 : i32
        %parallel_loop3A_1032 = arith.index_cast %parallel_loop3A_1031 : i32 to index
        %parallel_loop3A_1033 = tpu.vector_load %arg5[%parallel_loop3A_1032] {strides = array<i32>} : memref<4096xf32, #tpu.memory_space<vmem>>, vector<16xf32>,
        %parallel_loop3A_1034 = arith.constant 80 : i32
        %parallel_loop3A_1035 = arith.addi %parallel_loop3A_989, %parallel_loop3A_1034 : i32
        %parallel_loop3A_1036 = arith.index_cast %parallel_loop3A_1035 : i32 to index
        %parallel_loop3A_1037 = tpu.vector_load %arg9[%parallel_loop3A_1036] {strides = array<i32>} : memref<51200xf32, #tpu.memory_space<vmem>>, vector<16xf32>,
        tpu.vector_store %arg9[%parallel_loop3A_1036], %parallel_loop3A_1033 {strides = array<i32>} : memref<51200xf32, #tpu.memory_space<vmem>>, vector<16xf32>,
        %parallel_loop3A_1038 = arith.constant 96 : i32
        %parallel_loop3A_1039 = arith.addi %parallel_loop3A_987, %parallel_loop3A_1038 : i32
        %parallel_loop3A_1040 = arith.index_cast %parallel_loop3A_1039 : i32 to index
        %parallel_loop3A_1041 = tpu.vector_load %arg5[%parallel_loop3A_1040] {strides = array<i32>} : memref<4096xf32, #tpu.memory_space<vmem>>, vector<16xf32>,
        %parallel_loop3A_1042 = arith.constant 96 : i32
        %parallel_loop3A_1043 = arith.addi %parallel_loop3A_989, %parallel_loop3A_1042 : i32
        %parallel_loop3A_1044 = arith.index_cast %parallel_loop3A_1043 : i32 to index
        %parallel_loop3A_1045 = tpu.vector_load %arg9[%parallel_loop3A_1044] {strides = array<i32>} : memref<51200xf32, #tpu.memory_space<vmem>>, vector<16xf32>,
        tpu.vector_store %arg9[%parallel_loop3A_1044], %parallel_loop3A_1041 {strides = array<i32>} : memref<51200xf32, #tpu.memory_space<vmem>>, vector<16xf32>,
        %parallel_loop3A_1046 = arith.constant 112 : i32
        %parallel_loop3A_1047 = arith.addi %parallel_loop3A_987, %parallel_loop3A_1046 : i32
        %parallel_loop3A_1048 = arith.index_cast %parallel_loop3A_1047 : i32 to index
        %parallel_loop3A_1049 = tpu.vector_load %arg5[%parallel_loop3A_1048] {strides = array<i32>} : memref<4096xf32, #tpu.memory_space<vmem>>, vector<16xf32>,
        %parallel_loop3A_1050 = arith.constant 112 : i32
        %parallel_loop3A_1051 = arith.addi %parallel_loop3A_989, %parallel_loop3A_1050 : i32
        %parallel_loop3A_1052 = arith.index_cast %parallel_loop3A_1051 : i32 to index
        %parallel_loop3A_1053 = tpu.vector_load %arg9[%parallel_loop3A_1052] {strides = array<i32>} : memref<51200xf32, #tpu.memory_space<vmem>>, vector<16xf32>,
        tpu.vector_store %arg9[%parallel_loop3A_1052], %parallel_loop3A_1049 {strides = array<i32>} : memref<51200xf32, #tpu.memory_space<vmem>>, vector<16xf32>,
        %parallel_loop3A_1054 = vector.extract_strided_slice %parallel_loop3A_71 {offsets = [14], sizes = [1], strides = [1]} : vector<16xi32> to vector<1xi32>
        %parallel_loop3A_1055 = vector.extract %parallel_loop3A_1054[0] : i32 from vector<1xi32>
        %parallel_loop3A_1056 = arith.constant 128 : i32
        %parallel_loop3A_1057 = arith.muli %parallel_loop3A_1055, %parallel_loop3A_1056 : i32
        %parallel_loop3A_1058 = arith.constant 1792 : i32
        %parallel_loop3A_1059 = arith.addi %parallel_loop3A_73, %parallel_loop3A_1058 : i32
        %parallel_loop3A_1060 = arith.constant 0 : i32
        %parallel_loop3A_1061 = arith.addi %parallel_loop3A_1057, %parallel_loop3A_1060 : i32
        %parallel_loop3A_1062 = arith.index_cast %parallel_loop3A_1061 : i32 to index
        %parallel_loop3A_1063 = tpu.vector_load %arg5[%parallel_loop3A_1062] {strides = array<i32>} : memref<4096xf32, #tpu.memory_space<vmem>>, vector<16xf32>,
        %parallel_loop3A_1064 = arith.constant 0 : i32
        %parallel_loop3A_1065 = arith.addi %parallel_loop3A_1059, %parallel_loop3A_1064 : i32
        %parallel_loop3A_1066 = arith.index_cast %parallel_loop3A_1065 : i32 to index
        %parallel_loop3A_1067 = tpu.vector_load %arg9[%parallel_loop3A_1066] {strides = array<i32>} : memref<51200xf32, #tpu.memory_space<vmem>>, vector<16xf32>,
        tpu.vector_store %arg9[%parallel_loop3A_1066], %parallel_loop3A_1063 {strides = array<i32>} : memref<51200xf32, #tpu.memory_space<vmem>>, vector<16xf32>,
        %parallel_loop3A_1068 = arith.constant 16 : i32
        %parallel_loop3A_1069 = arith.addi %parallel_loop3A_1057, %parallel_loop3A_1068 : i32
        %parallel_loop3A_1070 = arith.index_cast %parallel_loop3A_1069 : i32 to index
        %parallel_loop3A_1071 = tpu.vector_load %arg5[%parallel_loop3A_1070] {strides = array<i32>} : memref<4096xf32, #tpu.memory_space<vmem>>, vector<16xf32>,
        %parallel_loop3A_1072 = arith.constant 16 : i32
        %parallel_loop3A_1073 = arith.addi %parallel_loop3A_1059, %parallel_loop3A_1072 : i32
        %parallel_loop3A_1074 = arith.index_cast %parallel_loop3A_1073 : i32 to index
        %parallel_loop3A_1075 = tpu.vector_load %arg9[%parallel_loop3A_1074] {strides = array<i32>} : memref<51200xf32, #tpu.memory_space<vmem>>, vector<16xf32>,
        tpu.vector_store %arg9[%parallel_loop3A_1074], %parallel_loop3A_1071 {strides = array<i32>} : memref<51200xf32, #tpu.memory_space<vmem>>, vector<16xf32>,
        %parallel_loop3A_1076 = arith.constant 32 : i32
        %parallel_loop3A_1077 = arith.addi %parallel_loop3A_1057, %parallel_loop3A_1076 : i32
        %parallel_loop3A_1078 = arith.index_cast %parallel_loop3A_1077 : i32 to index
        %parallel_loop3A_1079 = tpu.vector_load %arg5[%parallel_loop3A_1078] {strides = array<i32>} : memref<4096xf32, #tpu.memory_space<vmem>>, vector<16xf32>,
        %parallel_loop3A_1080 = arith.constant 32 : i32
        %parallel_loop3A_1081 = arith.addi %parallel_loop3A_1059, %parallel_loop3A_1080 : i32
        %parallel_loop3A_1082 = arith.index_cast %parallel_loop3A_1081 : i32 to index
        %parallel_loop3A_1083 = tpu.vector_load %arg9[%parallel_loop3A_1082] {strides = array<i32>} : memref<51200xf32, #tpu.memory_space<vmem>>, vector<16xf32>,
        tpu.vector_store %arg9[%parallel_loop3A_1082], %parallel_loop3A_1079 {strides = array<i32>} : memref<51200xf32, #tpu.memory_space<vmem>>, vector<16xf32>,
        %parallel_loop3A_1084 = arith.constant 48 : i32
        %parallel_loop3A_1085 = arith.addi %parallel_loop3A_1057, %parallel_loop3A_1084 : i32
        %parallel_loop3A_1086 = arith.index_cast %parallel_loop3A_1085 : i32 to index
        %parallel_loop3A_1087 = tpu.vector_load %arg5[%parallel_loop3A_1086] {strides = array<i32>} : memref<4096xf32, #tpu.memory_space<vmem>>, vector<16xf32>,
        %parallel_loop3A_1088 = arith.constant 48 : i32
        %parallel_loop3A_1089 = arith.addi %parallel_loop3A_1059, %parallel_loop3A_1088 : i32
        %parallel_loop3A_1090 = arith.index_cast %parallel_loop3A_1089 : i32 to index
        %parallel_loop3A_1091 = tpu.vector_load %arg9[%parallel_loop3A_1090] {strides = array<i32>} : memref<51200xf32, #tpu.memory_space<vmem>>, vector<16xf32>,
        tpu.vector_store %arg9[%parallel_loop3A_1090], %parallel_loop3A_1087 {strides = array<i32>} : memref<51200xf32, #tpu.memory_space<vmem>>, vector<16xf32>,
        %parallel_loop3A_1092 = arith.constant 64 : i32
        %parallel_loop3A_1093 = arith.addi %parallel_loop3A_1057, %parallel_loop3A_1092 : i32
        %parallel_loop3A_1094 = arith.index_cast %parallel_loop3A_1093 : i32 to index
        %parallel_loop3A_1095 = tpu.vector_load %arg5[%parallel_loop3A_1094] {strides = array<i32>} : memref<4096xf32, #tpu.memory_space<vmem>>, vector<16xf32>,
        %parallel_loop3A_1096 = arith.constant 64 : i32
        %parallel_loop3A_1097 = arith.addi %parallel_loop3A_1059, %parallel_loop3A_1096 : i32
        %parallel_loop3A_1098 = arith.index_cast %parallel_loop3A_1097 : i32 to index
        %parallel_loop3A_1099 = tpu.vector_load %arg9[%parallel_loop3A_1098] {strides = array<i32>} : memref<51200xf32, #tpu.memory_space<vmem>>, vector<16xf32>,
        tpu.vector_store %arg9[%parallel_loop3A_1098], %parallel_loop3A_1095 {strides = array<i32>} : memref<51200xf32, #tpu.memory_space<vmem>>, vector<16xf32>,
        %parallel_loop3A_1100 = arith.constant 80 : i32
        %parallel_loop3A_1101 = arith.addi %parallel_loop3A_1057, %parallel_loop3A_1100 : i32
        %parallel_loop3A_1102 = arith.index_cast %parallel_loop3A_1101 : i32 to index
        %parallel_loop3A_1103 = tpu.vector_load %arg5[%parallel_loop3A_1102] {strides = array<i32>} : memref<4096xf32, #tpu.memory_space<vmem>>, vector<16xf32>,
        %parallel_loop3A_1104 = arith.constant 80 : i32
        %parallel_loop3A_1105 = arith.addi %parallel_loop3A_1059, %parallel_loop3A_1104 : i32
        %parallel_loop3A_1106 = arith.index_cast %parallel_loop3A_1105 : i32 to index
        %parallel_loop3A_1107 = tpu.vector_load %arg9[%parallel_loop3A_1106] {strides = array<i32>} : memref<51200xf32, #tpu.memory_space<vmem>>, vector<16xf32>,
        tpu.vector_store %arg9[%parallel_loop3A_1106], %parallel_loop3A_1103 {strides = array<i32>} : memref<51200xf32, #tpu.memory_space<vmem>>, vector<16xf32>,
        %parallel_loop3A_1108 = arith.constant 96 : i32
        %parallel_loop3A_1109 = arith.addi %parallel_loop3A_1057, %parallel_loop3A_1108 : i32
        %parallel_loop3A_1110 = arith.index_cast %parallel_loop3A_1109 : i32 to index
        %parallel_loop3A_1111 = tpu.vector_load %arg5[%parallel_loop3A_1110] {strides = array<i32>} : memref<4096xf32, #tpu.memory_space<vmem>>, vector<16xf32>,
        %parallel_loop3A_1112 = arith.constant 96 : i32
        %parallel_loop3A_1113 = arith.addi %parallel_loop3A_1059, %parallel_loop3A_1112 : i32
        %parallel_loop3A_1114 = arith.index_cast %parallel_loop3A_1113 : i32 to index
        %parallel_loop3A_1115 = tpu.vector_load %arg9[%parallel_loop3A_1114] {strides = array<i32>} : memref<51200xf32, #tpu.memory_space<vmem>>, vector<16xf32>,
        tpu.vector_store %arg9[%parallel_loop3A_1114], %parallel_loop3A_1111 {strides = array<i32>} : memref<51200xf32, #tpu.memory_space<vmem>>, vector<16xf32>,
        %parallel_loop3A_1116 = arith.constant 112 : i32
        %parallel_loop3A_1117 = arith.addi %parallel_loop3A_1057, %parallel_loop3A_1116 : i32
        %parallel_loop3A_1118 = arith.index_cast %parallel_loop3A_1117 : i32 to index
        %parallel_loop3A_1119 = tpu.vector_load %arg5[%parallel_loop3A_1118] {strides = array<i32>} : memref<4096xf32, #tpu.memory_space<vmem>>, vector<16xf32>,
        %parallel_loop3A_1120 = arith.constant 112 : i32
        %parallel_loop3A_1121 = arith.addi %parallel_loop3A_1059, %parallel_loop3A_1120 : i32
        %parallel_loop3A_1122 = arith.index_cast %parallel_loop3A_1121 : i32 to index
        %parallel_loop3A_1123 = tpu.vector_load %arg9[%parallel_loop3A_1122] {strides = array<i32>} : memref<51200xf32, #tpu.memory_space<vmem>>, vector<16xf32>,
        tpu.vector_store %arg9[%parallel_loop3A_1122], %parallel_loop3A_1119 {strides = array<i32>} : memref<51200xf32, #tpu.memory_space<vmem>>, vector<16xf32>,
        %parallel_loop3A_1124 = vector.extract_strided_slice %parallel_loop3A_71 {offsets = [15], sizes = [1], strides = [1]} : vector<16xi32> to vector<1xi32>
        %parallel_loop3A_1125 = vector.extract %parallel_loop3A_1124[0] : i32 from vector<1xi32>
        %parallel_loop3A_1126 = arith.constant 128 : i32
        %parallel_loop3A_1127 = arith.muli %parallel_loop3A_1125, %parallel_loop3A_1126 : i32
        %parallel_loop3A_1128 = arith.constant 1920 : i32
        %parallel_loop3A_1129 = arith.addi %parallel_loop3A_73, %parallel_loop3A_1128 : i32
        %parallel_loop3A_1130 = arith.constant 0 : i32
        %parallel_loop3A_1131 = arith.addi %parallel_loop3A_1127, %parallel_loop3A_1130 : i32
        %parallel_loop3A_1132 = arith.index_cast %parallel_loop3A_1131 : i32 to index
        %parallel_loop3A_1133 = tpu.vector_load %arg5[%parallel_loop3A_1132] {strides = array<i32>} : memref<4096xf32, #tpu.memory_space<vmem>>, vector<16xf32>,
        %parallel_loop3A_1134 = arith.constant 0 : i32
        %parallel_loop3A_1135 = arith.addi %parallel_loop3A_1129, %parallel_loop3A_1134 : i32
        %parallel_loop3A_1136 = arith.index_cast %parallel_loop3A_1135 : i32 to index
        %parallel_loop3A_1137 = tpu.vector_load %arg9[%parallel_loop3A_1136] {strides = array<i32>} : memref<51200xf32, #tpu.memory_space<vmem>>, vector<16xf32>,
        tpu.vector_store %arg9[%parallel_loop3A_1136], %parallel_loop3A_1133 {strides = array<i32>} : memref<51200xf32, #tpu.memory_space<vmem>>, vector<16xf32>,
        %parallel_loop3A_1138 = arith.constant 16 : i32
        %parallel_loop3A_1139 = arith.addi %parallel_loop3A_1127, %parallel_loop3A_1138 : i32
        %parallel_loop3A_1140 = arith.index_cast %parallel_loop3A_1139 : i32 to index
        %parallel_loop3A_1141 = tpu.vector_load %arg5[%parallel_loop3A_1140] {strides = array<i32>} : memref<4096xf32, #tpu.memory_space<vmem>>, vector<16xf32>,
        %parallel_loop3A_1142 = arith.constant 16 : i32
        %parallel_loop3A_1143 = arith.addi %parallel_loop3A_1129, %parallel_loop3A_1142 : i32
        %parallel_loop3A_1144 = arith.index_cast %parallel_loop3A_1143 : i32 to index
        %parallel_loop3A_1145 = tpu.vector_load %arg9[%parallel_loop3A_1144] {strides = array<i32>} : memref<51200xf32, #tpu.memory_space<vmem>>, vector<16xf32>,
        tpu.vector_store %arg9[%parallel_loop3A_1144], %parallel_loop3A_1141 {strides = array<i32>} : memref<51200xf32, #tpu.memory_space<vmem>>, vector<16xf32>,
        %parallel_loop3A_1146 = arith.constant 32 : i32
        %parallel_loop3A_1147 = arith.addi %parallel_loop3A_1127, %parallel_loop3A_1146 : i32
        %parallel_loop3A_1148 = arith.index_cast %parallel_loop3A_1147 : i32 to index
        %parallel_loop3A_1149 = tpu.vector_load %arg5[%parallel_loop3A_1148] {strides = array<i32>} : memref<4096xf32, #tpu.memory_space<vmem>>, vector<16xf32>,
        %parallel_loop3A_1150 = arith.constant 32 : i32
        %parallel_loop3A_1151 = arith.addi %parallel_loop3A_1129, %parallel_loop3A_1150 : i32
        %parallel_loop3A_1152 = arith.index_cast %parallel_loop3A_1151 : i32 to index
        %parallel_loop3A_1153 = tpu.vector_load %arg9[%parallel_loop3A_1152] {strides = array<i32>} : memref<51200xf32, #tpu.memory_space<vmem>>, vector<16xf32>,
        tpu.vector_store %arg9[%parallel_loop3A_1152], %parallel_loop3A_1149 {strides = array<i32>} : memref<51200xf32, #tpu.memory_space<vmem>>, vector<16xf32>,
        %parallel_loop3A_1154 = arith.constant 48 : i32
        %parallel_loop3A_1155 = arith.addi %parallel_loop3A_1127, %parallel_loop3A_1154 : i32
        %parallel_loop3A_1156 = arith.index_cast %parallel_loop3A_1155 : i32 to index
        %parallel_loop3A_1157 = tpu.vector_load %arg5[%parallel_loop3A_1156] {strides = array<i32>} : memref<4096xf32, #tpu.memory_space<vmem>>, vector<16xf32>,
        %parallel_loop3A_1158 = arith.constant 48 : i32
        %parallel_loop3A_1159 = arith.addi %parallel_loop3A_1129, %parallel_loop3A_1158 : i32
        %parallel_loop3A_1160 = arith.index_cast %parallel_loop3A_1159 : i32 to index
        %parallel_loop3A_1161 = tpu.vector_load %arg9[%parallel_loop3A_1160] {strides = array<i32>} : memref<51200xf32, #tpu.memory_space<vmem>>, vector<16xf32>,
        tpu.vector_store %arg9[%parallel_loop3A_1160], %parallel_loop3A_1157 {strides = array<i32>} : memref<51200xf32, #tpu.memory_space<vmem>>, vector<16xf32>,
        %parallel_loop3A_1162 = arith.constant 64 : i32
        %parallel_loop3A_1163 = arith.addi %parallel_loop3A_1127, %parallel_loop3A_1162 : i32
        %parallel_loop3A_1164 = arith.index_cast %parallel_loop3A_1163 : i32 to index
        %parallel_loop3A_1165 = tpu.vector_load %arg5[%parallel_loop3A_1164] {strides = array<i32>} : memref<4096xf32, #tpu.memory_space<vmem>>, vector<16xf32>,
        %parallel_loop3A_1166 = arith.constant 64 : i32
        %parallel_loop3A_1167 = arith.addi %parallel_loop3A_1129, %parallel_loop3A_1166 : i32
        %parallel_loop3A_1168 = arith.index_cast %parallel_loop3A_1167 : i32 to index
        %parallel_loop3A_1169 = tpu.vector_load %arg9[%parallel_loop3A_1168] {strides = array<i32>} : memref<51200xf32, #tpu.memory_space<vmem>>, vector<16xf32>,
        tpu.vector_store %arg9[%parallel_loop3A_1168], %parallel_loop3A_1165 {strides = array<i32>} : memref<51200xf32, #tpu.memory_space<vmem>>, vector<16xf32>,
        %parallel_loop3A_1170 = arith.constant 80 : i32
        %parallel_loop3A_1171 = arith.addi %parallel_loop3A_1127, %parallel_loop3A_1170 : i32
        %parallel_loop3A_1172 = arith.index_cast %parallel_loop3A_1171 : i32 to index
        %parallel_loop3A_1173 = tpu.vector_load %arg5[%parallel_loop3A_1172] {strides = array<i32>} : memref<4096xf32, #tpu.memory_space<vmem>>, vector<16xf32>,
        %parallel_loop3A_1174 = arith.constant 80 : i32
        %parallel_loop3A_1175 = arith.addi %parallel_loop3A_1129, %parallel_loop3A_1174 : i32
        %parallel_loop3A_1176 = arith.index_cast %parallel_loop3A_1175 : i32 to index
        %parallel_loop3A_1177 = tpu.vector_load %arg9[%parallel_loop3A_1176] {strides = array<i32>} : memref<51200xf32, #tpu.memory_space<vmem>>, vector<16xf32>,
        tpu.vector_store %arg9[%parallel_loop3A_1176], %parallel_loop3A_1173 {strides = array<i32>} : memref<51200xf32, #tpu.memory_space<vmem>>, vector<16xf32>,
        %parallel_loop3A_1178 = arith.constant 96 : i32
        %parallel_loop3A_1179 = arith.addi %parallel_loop3A_1127, %parallel_loop3A_1178 : i32
        %parallel_loop3A_1180 = arith.index_cast %parallel_loop3A_1179 : i32 to index
        %parallel_loop3A_1181 = tpu.vector_load %arg5[%parallel_loop3A_1180] {strides = array<i32>} : memref<4096xf32, #tpu.memory_space<vmem>>, vector<16xf32>,
        %parallel_loop3A_1182 = arith.constant 96 : i32
        %parallel_loop3A_1183 = arith.addi %parallel_loop3A_1129, %parallel_loop3A_1182 : i32
        %parallel_loop3A_1184 = arith.index_cast %parallel_loop3A_1183 : i32 to index
        %parallel_loop3A_1185 = tpu.vector_load %arg9[%parallel_loop3A_1184] {strides = array<i32>} : memref<51200xf32, #tpu.memory_space<vmem>>, vector<16xf32>,
        tpu.vector_store %arg9[%parallel_loop3A_1184], %parallel_loop3A_1181 {strides = array<i32>} : memref<51200xf32, #tpu.memory_space<vmem>>, vector<16xf32>,
        %parallel_loop3A_1186 = arith.constant 112 : i32
        %parallel_loop3A_1187 = arith.addi %parallel_loop3A_1127, %parallel_loop3A_1186 : i32
        %parallel_loop3A_1188 = arith.index_cast %parallel_loop3A_1187 : i32 to index
        %parallel_loop3A_1189 = tpu.vector_load %arg5[%parallel_loop3A_1188] {strides = array<i32>} : memref<4096xf32, #tpu.memory_space<vmem>>, vector<16xf32>,
        %parallel_loop3A_1190 = arith.constant 112 : i32
        %parallel_loop3A_1191 = arith.addi %parallel_loop3A_1129, %parallel_loop3A_1190 : i32
        %parallel_loop3A_1192 = arith.index_cast %parallel_loop3A_1191 : i32 to index
        %parallel_loop3A_1193 = tpu.vector_load %arg9[%parallel_loop3A_1192] {strides = array<i32>} : memref<51200xf32, #tpu.memory_space<vmem>>, vector<16xf32>,
        tpu.vector_store %arg9[%parallel_loop3A_1192], %parallel_loop3A_1189 {strides = array<i32>} : memref<51200xf32, #tpu.memory_space<vmem>>, vector<16xf32>,
      } {sc.loop_unroll_factor = 1 : i64, sc.parallel_access}
      %mul3A_63 = arith.constant 128 : i32
      %mul3A_64 = arith.muli %add3A_48, %mul3A_63 : i32
      %dma_start3A_65 = tpu.memref_slice %arg4[%mul3A_64] : memref<419430400xf32, #tpu.memory_space<hbm>> -> memref<51200xf32, #tpu.memory_space<hbm>>
      %dma_start3A_66 = tpu.memref_slice %arg4[%mul3A_64] : memref<419430400xf32, #tpu.memory_space<hbm>> -> memref<51200xf32, #tpu.memory_space<hbm>>
      tpu.enqueue_dma source(%arg9 : memref<51200xf32, #tpu.memory_space<vmem>>) target(%dma_start3A_66 : memref<51200xf32, #tpu.memory_space<hbm>>) target_semaphore(%arg13 : memref<!tpu.dma_semaphore, #tpu.memory_space<semaphore_mem>>)
    }
    %scan3A_8 = arith.constant 128 : i32
    %add3A_9 = arith.constant 101600 : i32
    %add3A_10 = arith.addi %mul3A_2, %add3A_9 : i32
    %mul3A_11 = arith.constant 128 : i32
    %mul3A_12 = arith.muli %add3A_10, %mul3A_11 : i32
    %dma_wait3A = tpu.memref_slice %arg4[%mul3A_12] : memref<419430400xf32, #tpu.memory_space<hbm>> -> memref<51200xf32, #tpu.memory_space<hbm>>
    %dma_wait3A_13 = tpu.memref_slice %arg4[%mul3A_12] : memref<419430400xf32, #tpu.memory_space<hbm>> -> memref<51200xf32, #tpu.memory_space<hbm>>
    tpu.wait_dma2 semaphore(%arg12 : memref<!tpu.dma_semaphore, #tpu.memory_space<semaphore_mem>>) src(%arg8 : memref<51200xf32, #tpu.memory_space<vmem>>) dst(%dma_wait3A_13 : memref<51200xf32, #tpu.memory_space<hbm>>)
    %add3A_14 = arith.constant 102000 : i32
    %add3A_15 = arith.addi %mul3A_2, %add3A_14 : i32
    %mul3A_16 = arith.constant 128 : i32
    %mul3A_17 = arith.muli %add3A_15, %mul3A_16 : i32
    %dma_wait3A_18 = tpu.memref_slice %arg4[%mul3A_17] : memref<419430400xf32, #tpu.memory_space<hbm>> -> memref<51200xf32, #tpu.memory_space<hbm>>
    %dma_wait3A_19 = tpu.memref_slice %arg4[%mul3A_17] : memref<419430400xf32, #tpu.memory_space<hbm>> -> memref<51200xf32, #tpu.memory_space<hbm>>
    tpu.wait_dma2 semaphore(%arg13 : memref<!tpu.dma_semaphore, #tpu.memory_space<semaphore_mem>>) src(%arg9 : memref<51200xf32, #tpu.memory_space<vmem>>) dst(%dma_wait3A_19 : memref<51200xf32, #tpu.memory_space<hbm>>)
    return
  }
}

</mosaic_0001>

<sc_bundles>
// kernel: kernel.3.cloned.1.call-start
scs
__scs_entry_jumppad:
0x0: {  	(pc) =	sbr.rel $0x88, $3  }
0x1: {  	(tag) =	ssettag $0x0;
	lr =	simm.s32 $0x1  }
0x2: {  	[smem:$0x3F9F] =	sst lr;
	_ =	strace $0xD0000000  }
0x3: {  	_ = 	snop  }
0x4: {  	_ = 	snop  }
0x5: {  	_ = 	snop  }
0x6: {  	_ = 	snop  }
0x7: {  	_ = 	snop  }
__scs_overlays_trampoline_lowered:
0x8: {  	[smem:$0x3FAE] =	sst s0  }
0x9: {  	[smem:$0x3FAF] =	sst s1  }
0xa: {  	[smem:$0x3FB0] =	sst s2  }
0xb: {  	[smem:$0x3FB1] =	sst s3  }
0xc: {  	[smem:$0x3FB2] =	sst s4  }
0xd: {  	[smem:$0x3FB3] =	sst s5  }
0xe: {  	[smem:$0x3FB4] =	sst s6  }
0xf: {  	[smem:$0x3FB5] =	sst s7  }
0x10: {  	[smem:$0x3FB6] =	sst s8  }
0x11: {  	[smem:$0x3FB7] =	sst s9;
	s0 =	simm.s32 @!p0 $0x0  }
0x12: {  	s1 =	sld [smem:$0x3F9D];
	s0 =	simm.s32 @p0 $0x1  }
0x13: {  	[smem:$0x3FB8] =	sst s0;
	s0 =	simm.s32 @!p1 $0x0  }
0x14: {  	s2 =	sld [smem:$0x3F9C];
	s0 =	simm.s32 @p1 $0x1  }
0x15: {  	[smem:$0x3FB9] =	sst s0;
	s0 =	simm.s32 @!p2 $0x0  }
0x16: {  	s3 =	sld [smem:$0x3FDB];
	s0 =	simm.s32 @p2 $0x1  }
0x17: {  	s4 =	simm.s32 $0x1BF5;
	[smem:$0x3FBB] =	sst s0  }
0x18: {  	s0 =	sld [smem:$0x3F9E];
	_ =	swait.ge [sflag:s4], $0x0  }
0x19: {  	s7 =	sld [smem:$0x3F9F]  }
0x1a: {  	s8 =	sadd.s32 $0xFFFFE003, lr  }
0x1b: {  	s9 =	sadd.s32 $0xFFFFFEF7, lr;
	s5 =	simm.s32 $0xFFFFFFFF;
	p2 =	slt.u32 s8, $0xFFFFF086  }
0x1c: {  	p1 =	slt.u32 s9, $0xF7A;
	s5 =	simm.s32 @!p2 $0x0  }
0x1d: {  	s5 =	simm.s32 @p1 $0x1;
	p0 =	seq.s32 s7, s2  }
0x1e: {  	s7 =	smul.u32 @!p0 $0xF7A, s2;
	p2 =	seq.s32 @!p0 s5, $0x0  }
0x1f: {  	s9 =	smul.u32 $0xF7A, s1;
	s8 =	simm.s32 @!p0 $0x1BF5;
	p2 =	por !p2, p0  }
0x20: {  	[sflag:s8] =	ssyncset.s32 @!p0 $0xFFFFF086;
	s6 =	sadd.s32 @!p0 s3, s7;
	s7 =	simm.s32 @!p0 $0x108  }
0x21: {  	s3 =	sadd.s32 s3, s9;
	s6 =	sadd.s32 @!p0 $0x88, s6;
	s7 =	simm.s32 @p2 $0x1082  }
0x22: {  	[simem:s7], [sflag:s8] =	dma.local @!p0 [hbm:s6], $0xF7A  }
0x23: {  	s9 =	sor.u32 $0xD0000000, s2;
	s6 =	simm.s32 $0x108;
	_ =	swait.ge @!p0 [sflag:s8], $0x0  }
0x24: {  	s3 =	sadd.s32 $0x88, s3;
	s6 =	simm.s32 @!p1 $0x1082;
	[sflag:s4] =	ssyncset.s32 $0xFFFFF086  }
0x25: {  	[simem:s6], [sflag:s4] =	dma.local [hbm:s3], $0xF7A  }
0x26: {  	[smem:$0x3F9F] =	sst s1;
	(tag) =	ssettag s2;
	_ =	strace s9  }
0x27: {  	s1 =	sld [smem:$0x3FAF]  }
0x28: {  	s2 =	sld [smem:$0x3FB0]  }
0x29: {  	s4 =	sld [smem:$0x3FB2]  }
0x2a: {  	p0 =	seq.s32 s5, $0x0;
	s5 =	sld [smem:$0x3FB3]  }
0x2b: {  	s6 =	sld [smem:$0x3FB4]  }
0x2c: {  	s7 =	sld [smem:$0x3FB5]  }
0x2d: {  	s3 =	simm.s32 $0x108;
	s8 =	sld [smem:$0x3FB6]  }
0x2e: {  	s3 =	simm.s32 @!p0 $0x1082;
	s9 =	sld [smem:$0x3FB7]  }
0x2f: {  	lr =	sadd.s32 s0, s3;
	s0 =	sld [smem:$0x3FAE]  }
0x30: {  	s3 =	sld [smem:$0x3FB1]  }
0x31: {  	[smem:$0x3FBA] =	sst s10  }
0x32: {  	s10 =	sld [smem:$0x3FB8];
	_ =	sdelay $0x3  }
0x33: {  	p0 =	seq.s32 s10, $0x1;
	s10 =	sld [smem:$0x3FBA];
	_ =	sdelay $0x3  }
0x34: {  	[smem:$0x3FBA] =	sst s10  }
0x35: {  	s10 =	sld [smem:$0x3FB9];
	_ =	sdelay $0x3  }
0x36: {  	p1 =	seq.s32 s10, $0x1;
	s10 =	sld [smem:$0x3FBA];
	_ =	sdelay $0x3  }
0x37: {  	[smem:$0x3FBA] =	sst s10  }
0x38: {  	s10 =	sld [smem:$0x3FBB]  }
0x39: {  	_ = 	snop;
	(pc) =	sbr.ind lr, $3  }
0x3a: {  	_ = 	snop  }
0x3b: {  	_ = 	snop  }
0x3c: {  	p2 =	seq.s32 s10, $0x1;
	s10 =	sld [smem:$0x3FBA]  }
0x3d: {  	_ =	shalt  }
0x3e: {  	_ =	shalt  }
0x3f: {  	_ =	shalt  }
0x40: {  	_ =	shalt  }
0x41: {  	_ =	shalt  }
0x42: {  	_ =	shalt  }
0x43: {  	_ =	shalt  }
0x44: {  	_ =	shalt  }
0x45: {  	_ =	shalt  }
0x46: {  	_ =	shalt  }
0x47: {  	_ =	shalt  }
0x48: {  	_ =	shalt  }
0x49: {  	_ =	shalt  }
0x4a: {  	_ =	shalt  }
0x4b: {  	_ =	shalt  }
0x4c: {  	_ =	shalt  }
0x4d: {  	_ =	shalt  }
0x4e: {  	_ =	shalt  }
0x4f: {  	_ =	shalt  }
0x50: {  	_ =	shalt  }
0x51: {  	_ =	shalt  }
0x52: {  	_ =	shalt  }
0x53: {  	_ =	shalt  }
0x54: {  	_ =	shalt  }
0x55: {  	_ =	shalt  }
0x56: {  	_ =	shalt  }
0x57: {  	_ =	shalt  }
0x58: {  	_ =	shalt  }
0x59: {  	_ =	shalt  }
0x5a: {  	_ =	shalt  }
0x5b: {  	_ =	shalt  }
0x5c: {  	_ =	shalt  }
0x5d: {  	_ =	shalt  }
0x5e: {  	_ =	shalt  }
0x5f: {  	_ =	shalt  }
0x60: {  	_ =	shalt  }
0x61: {  	_ =	shalt  }
0x62: {  	_ =	shalt  }
0x63: {  	_ =	shalt  }
0x64: {  	_ =	shalt  }
0x65: {  	_ =	shalt  }
0x66: {  	_ =	shalt  }
0x67: {  	_ =	shalt  }
0x68: {  	_ =	shalt  }
0x69: {  	_ =	shalt  }
0x6a: {  	_ =	shalt  }
0x6b: {  	_ =	shalt  }
0x6c: {  	_ =	shalt  }
0x6d: {  	_ =	shalt  }
0x6e: {  	_ =	shalt  }
0x6f: {  	_ =	shalt  }
0x70: {  	_ =	shalt  }
0x71: {  	_ =	shalt  }
0x72: {  	_ =	shalt  }
0x73: {  	_ =	shalt  }
0x74: {  	_ =	shalt  }
0x75: {  	_ =	shalt  }
0x76: {  	_ =	shalt  }
0x77: {  	_ =	shalt  }
0x78: {  	_ =	shalt  }
0x79: {  	_ =	shalt  }
0x7a: {  	_ =	shalt  }
0x7b: {  	_ =	shalt  }
0x7c: {  	_ =	shalt  }
0x7d: {  	_ =	shalt  }
0x7e: {  	_ =	shalt  }
0x7f: {  	_ =	shalt  }
0x80: {  	_ =	shalt  }
0x81: {  	_ =	shalt  }
0x82: {  	_ =	shalt  }
0x83: {  	_ =	shalt  }
0x84: {  	_ =	shalt  }
0x85: {  	_ =	shalt  }
0x86: {  	_ =	shalt  }
0x87: {  	_ =	shalt  }
.Lfunc_end0:
.L_simem_size_0:
called_computation_lowered:
.L_overlay_start_0:
0x88: {  	s2 =	sld [smem:$0x3FD9]  }
0x89: {  	s3 =	sld [smem:$0x3FFE];
	_ =	sdelay $0x1  }
0x8a: {  	s1 =	srdreg.scid  }
0x8b: {  	s0 =	sand.u32 $0x1, s1  }
0x8c: {  	s17 =	sshll.u32 s0, $0xA;
	s2 =	sadd.s32 s3, s2  }
0x8d: {  	s2 =	sadd.s32 s2, s17  }
0x8e: {  	[smem:$0x3FC6] =	sst s2  }
0x8f: {  	_ = 	snop  }
0x90: {  	s2 =	sld [smem:$0x3FC8]  }
0x91: {  	s18 =	sld [smem:$0x3FD0];
	(tm) =	ssettm $0x1  }
0x92: {  	s4 =	sld [smem:$0x3FFB];
	_ =	sdelay $0x3  }
0x93: {  	_ =	strace s4  }
0x94: {  	s4 =	sld [smem:$0x3FFC];
	_ =	sdelay $0x3  }
0x95: {  	_ =	strace s4  }
0x96: {  	s4 =	sld [smem:$0x3FFD];
	_ =	sdelay $0x3  }
0x97: {  	_ =	strace s4  }
0x98: {  	_ =	strace $0x8FFFFFFF  }
0x99: {  	s19 =	sld [smem:$0x3FDB];
	_ =	sdelay $0x1  }
0x9a: {  	s5 =	simm.s32 $_scs_section_size  }
0x9b: {  	s6 =	simm.s32 $_size__tile_overlayer_lowered;
	s7 =	simm.s32 $_tile_overlayer_lowered  }
0x9c: {  	s22 =	simm.s32 $0x1BFF;
	s21 =	sshll.u32 s7, $0x1;
	s4 =	sadd.s32 s5, s19  }
0x9d: {  	s8 =	simm.s32 $0x0;
	s20 =	sshll.u32 s6, $0x1;
	s6 =	sadd.s32 s21, s4  }
0x9e: {  	[timem:s8], [sflag:s22] =	dma.local [hbm:s6], s20  }
0x9f: {  	_ =	swait.ge [sflag:s22], s20  }
0xa0: {  	s5 =	ssub.s32 $0x0, s20;
	[sflag:s22] =	ssyncset.done $0x0  }
0xa1: {  	[sflag:s22] =	ssyncadd.s32 s5;
	_ =	sdelay $0x1  }
0xa2: {  	s23 =	simm.s32 $0x1B8B  }
0xa3: {  	_ =	swait.ge [sflag:s23], $0x1  }
0xa4: {  	[sflag:s23] =	ssyncset.done $0x0  }
0xa5: {  	s25 =	simm.s32 $0x1B8E;
	s24 =	sld [smem:$0x3FFE];
	[sflag:s23] =	ssyncadd.s32 $0xFFFFFFFF  }
0xa6: {  	s26 =	simm.s32 $execute0_lowered;
	[smem:$0x3FD2] =	sst s25  }
0xa7: {  	s6 =	sshll.u32 s26, $0x1;
	_ =	strace $0x80000046;
	[dreg:$0x1] =	wrdreg $0xFFFFFFFF  }
0xa8: {  	s28 =	simm.s32 $_size_execute0_lowered;
	s4 =	sadd.s32 s4, s6;
	[dreg:$0x0] =	wrdreg $0x0  }
0xa9: {  	s6 =	sshll.u32 s28, $0x1;
	[dreg:$0x2] =	wrdreg s4  }
0xaa: {  	[dreg:$0x3] =	wrdreg s6  }
0xab: {  	[dreg:$0x4] =	wrdreg $0xC0  }
0xac: {  	_ =	task [dreg:s8], $0x5FFFF  }
0xad: {  	[dreg:$0x1] =	wrdreg $0xFFFFFFFF  }
0xae: {  	[dreg:$0x0] =	wrdreg $0x60  }
0xaf: {  	[dreg:$0x2] =	wrdreg s24  }
0xb0: {  	[dreg:$0x3] =	wrdreg s2  }
0xb1: {  	[dreg:$0x4] =	wrdreg s18  }
0xb2: {  	[dreg:$0x5] =	wrdreg $0x9  }
0xb3: {  	_ =	task.clear_ibuf [dreg:s8], $0x6FFFF;
	_ =	strace $0x90000046  }
0xb4: {  	s29 =	simm.s32 $0x9;
	_ =	strace $0x80000048  }
0xb5: {  	_ =	swait.ge [sflag:s29], $0x1  }
0xb6: {  	[sflag:s29] =	ssyncadd.s32 $0xFFFFFFFF  }
0xb7: {  	_ =	strace $0x90000048  }
0xb8: {  	_ =	sfence  }
0xb9: {  	s30 =	sld [smem:$0x0];
	_ =	sdelay $0x2  }
0xba: {  	s31 =	sshll.u32 s1, $0xD;
	s1 =	sshrl.u32 s1, $0x2  }
0xbb: {  	s3 =	sand.u32 $0x4000, s31;
	s1 =	sadd.s32 s1, s30  }
0xbc: {  	s0 =	sor.u32 s3, s0;
	s1 =	sshll.u32 s1, $0x11  }
0xbd: {  	s0 =	sor.u32 s1, s0  }
0xbe: {  	s0 =	sadd.s32 $0x8F2B, s0  }
0xbf: {  	[sflag:s0] =	ssyncadd.remote.s32 $0x1  }
0xc0: {  	_ =	sfence.sel $0xFFFF  }
0xc1: {  	[dreg:$0x0] =	wrdreg $0xFFFFFFFF;
	(pc) =	sbr.abs _section_cstart, $3  }
0xc2: {  	[dreg:$0x1] =	wrdreg $0xFFFFFFFF  }
0xc3: {  	_ =	task.clear_ibuf [dreg:s8], $0x2FFFF;
	_ =	strace $0x9FFFFFFF  }
0xc4: {  	(tm) =	ssettm $0x7FFFFFFF  }
0xc5: {  	_ =	shalt  }
tec
execute0_lowered:
.L_overlay_start_1:
0x0: {  	(tag) =	ssettag $0x1  }
0x1: {  	s0 =	rddreg [dreg:$0x0];
	s1 =	srdreg.scid  }
0x2: {  	s2 =	stileid.u32;
	s3 =	rddreg [dreg:$0x2];
	s4 =	simm.s32 $0x0  }
0x3: {  	s12 =	simm.s32 $0x1;
	s1 =	sand.u32 $0x1, s1;
	s2 =	sshll.u32 s2, $0x1  }
0x4: {  	s15 =	simm.s32 $0x2;
	s2 =	sor.u32 s1, s2;
	s1 =	ssub.s32 $0x2, s1  }
0x5: {  	s16 =	simm.s32 $0xDC00;
	s5 =	smul.u32 $0x19000, s2;
	s30 =	sshrl.u32 s1, $0x1  }
0x6: {  	s18 =	simm.s32 $0x4;
	s6 =	sadd.s32 $0x400, s0;
	s0 =	ssub.s32 s1, s30  }
0x7: {  	[smem:$0x7FF] =	sst s4;
	s2 =	sshrl.u32 s5, $0x3;
	s0 =	smax.u32 s0, $0x1  }
0x8: {  	_ =	strace $0x80000047;
	s31 =	sadd.s32 s6, s2;
	[dreg:$0x5] =	wrdreg s0  }
0x9: {  	s1 =	simm.s32 $0x0;
	s8 =	sor.u32 $0x190, s5;
	[dreg:$0x4] =	wrdreg s31  }
.LBB2_1:
0xa: {  	[dreg:$0x6] =	wrdreg s1  }
0xb: {  	s0 =	rddreg [dreg:$0x1];
	s29 =	simm.s32 $0x5  }
0xc: {  	[tilespmem:s4], [sflag:$0x5] =	stream.linear.gather [hbm4b:s0+s4], $0x1000, $0x38;
	[tilespmem:$0x1A400] =	vst v63  }
0xd: {  	_ =	swait.ge [sflag:s29], $0x1000  }
0xe: {  	s31 =	simm.s32 $0x1000;
	[sflag:s29] =	ssyncset.done $0x0  }
0xf: {  	s20 =	simm.s32 $0x0;
	s30 =	rddreg [dreg:$0x4];
	[sflag:s29] =	ssyncadd.s32 $0xFFFFF000  }
0x10: {  	[tilespmem:s31], [sflag:$0x1] =	stream.linear.gather [hbm4b:s30+s4], $0x190, $0x38;
	[tilespmem:$0x1A400] =	vst v63  }
.LBB2_2:
0x11: {  	s21 =	smul.u32 $0x320, s20;
	_ =	sdelay $0x1  }
0x12: {  	s22 =	sadd.s32 s5, s21  }
0x13: {  	_ =	swait.ge [sflag:s12], $0x190;
	s0 =	sshrl.u32 s22, $0x3  }
0x14: {  	s1 =	simm.s32 $0x1200;
	[sflag:s12] =	ssyncset.done $0x0;
	s0 =	sadd.s32 s6, s0  }
0x15: {  	p0 =	seq.s32 s20, $0x0;
	[sflag:s12] =	ssyncadd.s32 $0xFFFFFE70;
	s0 =	sadd.s32 $0x32, s0  }
0x16: {  	[tilespmem:s1], [sflag:$0x2] =	stream.linear.gather [hbm4b:s0+s4], $0x190, $0x38;
	[tilespmem:$0x1A400] =	vst v63  }
0x17: {  	s0 =	simm.s32 @!p0 $0x3  }
0x18: {  	_ =	swait.ge @!p0 [sflag:s0], $0xC800  }
0x19: {  	[sflag:s0] =	ssyncset.done @!p0 $0x0  }
0x1a: {  	s31 =	simm.s32 $0x0;
	[sflag:s0] =	ssyncadd.s32 @!p0 $0xFFFF3800  }
0x1b: {  	v0 =	vld [tilespmem:s31+$0x1000];
	_ =	sdelay $0x4  }
0x1c: {  	v0 =	vshll.u32 v0, $0x9  }
0x1d: {  	v5 =	vshra.s32 v0, $0x2  }
0x1e: {  	(v2sf) =	vpush v5, $0x0;
	_ =	sdelay $0xe  }
0x1f: {  	s1 =	spop (v2sf)  }
0x20: {  	v0 =	vld [tilespmem:s1+$0x0];
	_ =	sdelay $0x3  }
0x21: {  	s29 =	simm.s32 $0x1800  }
0x22: {  	[tilespmem:s29+$0xFFFFFC00] =	vst v0  }
0x23: {  	v0 =	vld [tilespmem:s1+$0x10];
	_ =	sdelay $0x4  }
0x24: {  	[tilespmem:s29+$0xFFFFFC10] =	vst v0  }
0x25: {  	v0 =	vld [tilespmem:s1+$0x20];
	_ =	sdelay $0x4  }
0x26: {  	[tilespmem:s29+$0xFFFFFC20] =	vst v0  }
0x27: {  	v0 =	vld [tilespmem:s1+$0x30];
	_ =	sdelay $0x4  }
0x28: {  	[tilespmem:s29+$0xFFFFFC30] =	vst v0  }
0x29: {  	v0 =	vld [tilespmem:s1+$0x40];
	_ =	sdelay $0x4  }
0x2a: {  	[tilespmem:s29+$0xFFFFFC40] =	vst v0  }
0x2b: {  	v0 =	vld [tilespmem:s1+$0x50];
	_ =	sdelay $0x1  }
0x2c: {  	(v2sf) =	vpush v5, $0x1;
	_ =	sdelay $0x2  }
0x2d: {  	[tilespmem:s29+$0xFFFFFC50] =	vst v0  }
0x2e: {  	v0 =	vld [tilespmem:s1+$0x60];
	_ =	sdelay $0x4  }
0x2f: {  	[tilespmem:s29+$0xFFFFFC60] =	vst v0  }
0x30: {  	v0 =	vld [tilespmem:s1+$0x70];
	_ =	sdelay $0x4  }
0x31: {  	s2 =	spop (v2sf);
	[tilespmem:s29+$0xFFFFFC70] =	vst v0  }
0x32: {  	v0 =	vld [tilespmem:s2+$0x0];
	_ =	sdelay $0x4  }
0x33: {  	[tilespmem:s29+$0xFFFFFC80] =	vst v0  }
0x34: {  	v0 =	vld [tilespmem:s2+$0x10];
	_ =	sdelay $0x4  }
0x35: {  	[tilespmem:s29+$0xFFFFFC90] =	vst v0  }
0x36: {  	v0 =	vld [tilespmem:s2+$0x20];
	_ =	sdelay $0x4  }
0x37: {  	[tilespmem:s29+$0xFFFFFCA0] =	vst v0  }
0x38: {  	v0 =	vld [tilespmem:s2+$0x30];
	_ =	sdelay $0x4  }
0x39: {  	[tilespmem:s29+$0xFFFFFCB0] =	vst v0  }
0x3a: {  	v0 =	vld [tilespmem:s2+$0x40];
	_ =	sdelay $0x4  }
0x3b: {  	[tilespmem:s29+$0xFFFFFCC0] =	vst v0  }
0x3c: {  	v0 =	vld [tilespmem:s2+$0x50];
	_ =	sdelay $0x1  }
0x3d: {  	(v2sf) =	vpush v5, $0x2;
	_ =	sdelay $0x2  }
0x3e: {  	[tilespmem:s29+$0xFFFFFCD0] =	vst v0  }
0x3f: {  	v0 =	vld [tilespmem:s2+$0x60];
	_ =	sdelay $0x4  }
0x40: {  	[tilespmem:s29+$0xFFFFFCE0] =	vst v0  }
0x41: {  	v0 =	vld [tilespmem:s2+$0x70];
	_ =	sdelay $0x4  }
0x42: {  	s7 =	spop (v2sf);
	[tilespmem:s29+$0xFFFFFCF0] =	vst v0  }
0x43: {  	v0 =	vld [tilespmem:s7+$0x0];
	_ =	sdelay $0x4  }
0x44: {  	[tilespmem:s29+$0xFFFFFD00] =	vst v0  }
0x45: {  	v0 =	vld [tilespmem:s7+$0x10];
	_ =	sdelay $0x2  }
0x46: {  	s9 =	simm.s32 $0x10  }
0x47: {  	v1 =	vld [tilespmem:s9+$0x1000]  }
0x48: {  	[tilespmem:s29+$0xFFFFFD10] =	vst v0  }
0x49: {  	v0 =	vld [tilespmem:s7+$0x20];
	_ =	sdelay $0x2  }
0x4a: {  	v1 =	vshll.u32 v1, $0x9  }
0x4b: {  	v3 =	vshra.s32 v1, $0x2  }
0x4c: {  	(v2sf) =	vpush v3, $0x0;
	[tilespmem:s29+$0xFFFFFD20] =	vst v0  }
0x4d: {  	v0 =	vld [tilespmem:s7+$0x30];
	_ =	sdelay $0x4  }
0x4e: {  	[tilespmem:s29+$0xFFFFFD30] =	vst v0  }
0x4f: {  	v0 =	vld [tilespmem:s7+$0x40];
	_ =	sdelay $0x4  }
0x50: {  	[tilespmem:s29+$0xFFFFFD40] =	vst v0  }
0x51: {  	v0 =	vld [tilespmem:s7+$0x50];
	_ =	sdelay $0x1  }
0x52: {  	s10 =	spop (v2sf);
	(v2sf) =	vpush v5, $0x3  }
0x53: {  	v1 =	vld [tilespmem:s10+$0x0];
	_ =	sdelay $0x1  }
0x54: {  	[tilespmem:s29+$0xFFFFFD50] =	vst v0  }
0x55: {  	v0 =	vld [tilespmem:s7+$0x60]  }
0x56: {  	s26 =	simm.s32 $0x2000  }
0x57: {  	[tilespmem:s26+$0xFFFFFC00] =	vst v1  }
0x58: {  	v1 =	vld [tilespmem:s10+$0x10];
	_ =	sdelay $0x1  }
0x59: {  	[tilespmem:s29+$0xFFFFFD60] =	vst v0  }
0x5a: {  	v0 =	vld [tilespmem:s7+$0x70];
	_ =	sdelay $0x1  }
0x5b: {  	[tilespmem:s26+$0xFFFFFC10] =	vst v1  }
0x5c: {  	v1 =	vld [tilespmem:s10+$0x20];
	_ =	sdelay $0x1  }
0x5d: {  	s11 =	spop (v2sf);
	[tilespmem:s29+$0xFFFFFD70] =	vst v0  }
0x5e: {  	v0 =	vld [tilespmem:s11+$0x0];
	_ =	sdelay $0x1  }
0x5f: {  	[tilespmem:s26+$0xFFFFFC20] =	vst v1  }
0x60: {  	v1 =	vld [tilespmem:s10+$0x30];
	_ =	sdelay $0x1  }
0x61: {  	[tilespmem:s29+$0xFFFFFD80] =	vst v0  }
0x62: {  	v0 =	vld [tilespmem:s11+$0x10];
	_ =	sdelay $0x1  }
0x63: {  	[tilespmem:s26+$0xFFFFFC30] =	vst v1  }
0x64: {  	v1 =	vld [tilespmem:s10+$0x40];
	_ =	sdelay $0x1  }
0x65: {  	[tilespmem:s29+$0xFFFFFD90] =	vst v0  }
0x66: {  	v0 =	vld [tilespmem:s11+$0x20];
	_ =	sdelay $0x1  }
0x67: {  	[tilespmem:s26+$0xFFFFFC40] =	vst v1  }
0x68: {  	v1 =	vld [tilespmem:s10+$0x50];
	_ =	sdelay $0x1  }
0x69: {  	(v2sf) =	vpush v3, $0x1;
	[tilespmem:s29+$0xFFFFFDA0] =	vst v0  }
0x6a: {  	v0 =	vld [tilespmem:s11+$0x30];
	_ =	sdelay $0x1  }
0x6b: {  	[tilespmem:s26+$0xFFFFFC50] =	vst v1  }
0x6c: {  	v1 =	vld [tilespmem:s10+$0x60];
	_ =	sdelay $0x1  }
0x6d: {  	[tilespmem:s29+$0xFFFFFDB0] =	vst v0  }
0x6e: {  	v0 =	vld [tilespmem:s11+$0x40];
	_ =	sdelay $0x1  }
0x6f: {  	[tilespmem:s26+$0xFFFFFC60] =	vst v1  }
0x70: {  	v1 =	vld [tilespmem:s10+$0x70];
	_ =	sdelay $0x1  }
0x71: {  	[tilespmem:s29+$0xFFFFFDC0] =	vst v0  }
0x72: {  	v0 =	vld [tilespmem:s11+$0x50];
	_ =	sdelay $0x1  }
0x73: {  	s13 =	spop (v2sf);
	(v2sf) =	vpush v5, $0x4;
	[tilespmem:s26+$0xFFFFFC70] =	vst v1  }
0x74: {  	v1 =	vld [tilespmem:s13+$0x0];
	_ =	sdelay $0x1  }
0x75: {  	[tilespmem:s29+$0xFFFFFDD0] =	vst v0  }
0x76: {  	v0 =	vld [tilespmem:s11+$0x60];
	_ =	sdelay $0x1  }
0x77: {  	[tilespmem:s26+$0xFFFFFC80] =	vst v1  }
0x78: {  	v1 =	vld [tilespmem:s13+$0x10];
	_ =	sdelay $0x1  }
0x79: {  	[tilespmem:s29+$0xFFFFFDE0] =	vst v0  }
0x7a: {  	v0 =	vld [tilespmem:s11+$0x70];
	_ =	sdelay $0x1  }
0x7b: {  	[tilespmem:s26+$0xFFFFFC90] =	vst v1  }
0x7c: {  	v1 =	vld [tilespmem:s13+$0x20];
	_ =	sdelay $0x1  }
0x7d: {  	s14 =	spop (v2sf);
	[tilespmem:s29+$0xFFFFFDF0] =	vst v0  }
0x7e: {  	v0 =	vld [tilespmem:s14+$0x0];
	_ =	sdelay $0x1  }
0x7f: {  	[tilespmem:s26+$0xFFFFFCA0] =	vst v1  }
0x80: {  	v1 =	vld [tilespmem:s13+$0x30];
	_ =	sdelay $0x1  }
0x81: {  	[tilespmem:s29+$0xFFFFFE00] =	vst v0  }
0x82: {  	v0 =	vld [tilespmem:s14+$0x10];
	_ =	sdelay $0x1  }
0x83: {  	[tilespmem:s26+$0xFFFFFCB0] =	vst v1  }
0x84: {  	v1 =	vld [tilespmem:s13+$0x40];
	_ =	sdelay $0x1  }
0x85: {  	[tilespmem:s29+$0xFFFFFE10] =	vst v0  }
0x86: {  	v0 =	vld [tilespmem:s14+$0x20];
	_ =	sdelay $0x1  }
0x87: {  	[tilespmem:s26+$0xFFFFFCC0] =	vst v1  }
0x88: {  	v1 =	vld [tilespmem:s13+$0x50];
	_ =	sdelay $0x1  }
0x89: {  	(v2sf) =	vpush v3, $0x2;
	[tilespmem:s29+$0xFFFFFE20] =	vst v0  }
0x8a: {  	v0 =	vld [tilespmem:s14+$0x30];
	_ =	sdelay $0x1  }
0x8b: {  	[tilespmem:s26+$0xFFFFFCD0] =	vst v1  }
0x8c: {  	v1 =	vld [tilespmem:s13+$0x60];
	_ =	sdelay $0x1  }
0x8d: {  	[tilespmem:s29+$0xFFFFFE30] =	vst v0  }
0x8e: {  	v0 =	vld [tilespmem:s14+$0x40];
	_ =	sdelay $0x1  }
0x8f: {  	[tilespmem:s26+$0xFFFFFCE0] =	vst v1  }
0x90: {  	v1 =	vld [tilespmem:s13+$0x70];
	_ =	sdelay $0x1  }
0x91: {  	[tilespmem:s29+$0xFFFFFE40] =	vst v0  }
0x92: {  	v0 =	vld [tilespmem:s14+$0x50];
	_ =	sdelay $0x1  }
0x93: {  	s17 =	spop (v2sf);
	(v2sf) =	vpush v5, $0x5;
	[tilespmem:s26+$0xFFFFFCF0] =	vst v1  }
0x94: {  	v1 =	vld [tilespmem:s17+$0x0];
	_ =	sdelay $0x1  }
0x95: {  	[tilespmem:s29+$0xFFFFFE50] =	vst v0  }
0x96: {  	v0 =	vld [tilespmem:s14+$0x60];
	_ =	sdelay $0x1  }
0x97: {  	[tilespmem:s26+$0xFFFFFD00] =	vst v1  }
0x98: {  	v1 =	vld [tilespmem:s17+$0x10]  }
0x99: {  	s2 =	simm.s32 $0x20  }
0x9a: {  	v2 =	vld [tilespmem:s2+$0x1000];
	[tilespmem:s29+$0xFFFFFE60] =	vst v0  }
0x9b: {  	v0 =	vld [tilespmem:s14+$0x70];
	_ =	sdelay $0x1  }
0x9c: {  	[tilespmem:s26+$0xFFFFFD10] =	vst v1  }
0x9d: {  	v4 =	vld [tilespmem:s17+$0x20];
	_ =	sdelay $0x1  }
0x9e: {  	s19 =	spop (v2sf);
	[tilespmem:s29+$0xFFFFFE70] =	vst v0;
	v0 =	vshll.u32 v2, $0x9  }
0x9f: {  	v2 =	vld [tilespmem:s19+$0x0];
	v1 =	vshra.s32 v0, $0x2  }
0xa0: {  	(v2sf) =	vpush v1, $0x0  }
0xa1: {  	[tilespmem:s26+$0xFFFFFD20] =	vst v4  }
0xa2: {  	v0 =	vld [tilespmem:s17+$0x30];
	_ =	sdelay $0x1  }
0xa3: {  	[tilespmem:s29+$0xFFFFFE80] =	vst v2  }
0xa4: {  	v2 =	vld [tilespmem:s19+$0x10];
	_ =	sdelay $0x1  }
0xa5: {  	[tilespmem:s26+$0xFFFFFD30] =	vst v0  }
0xa6: {  	v0 =	vld [tilespmem:s17+$0x40];
	_ =	sdelay $0x1  }
0xa7: {  	[tilespmem:s29+$0xFFFFFE90] =	vst v2  }
0xa8: {  	v2 =	vld [tilespmem:s19+$0x20];
	_ =	sdelay $0x1  }
0xa9: {  	[tilespmem:s26+$0xFFFFFD40] =	vst v0  }
0xaa: {  	v0 =	vld [tilespmem:s17+$0x50]  }
0xab: {  	s24 =	spop (v2sf)  }
0xac: {  	(v2sf) =	vpush v3, $0x3;
	v4 =	vld [tilespmem:s24+$0x0];
	[tilespmem:s29+$0xFFFFFEA0] =	vst v2  }
0xad: {  	v2 =	vld [tilespmem:s19+$0x30];
	_ =	sdelay $0x1  }
0xae: {  	[tilespmem:s26+$0xFFFFFD50] =	vst v0  }
0xaf: {  	s23 =	simm.s32 $0x2800;
	v0 =	vld [tilespmem:s17+$0x60]  }
0xb0: {  	[tilespmem:s23+$0xFFFFFC00] =	vst v4  }
0xb1: {  	v4 =	vld [tilespmem:s24+$0x10];
	[tilespmem:s29+$0xFFFFFEB0] =	vst v2  }
0xb2: {  	v2 =	vld [tilespmem:s19+$0x40];
	_ =	sdelay $0x1  }
0xb3: {  	[tilespmem:s26+$0xFFFFFD60] =	vst v0  }
0xb4: {  	v0 =	vld [tilespmem:s17+$0x70]  }
0xb5: {  	[tilespmem:s23+$0xFFFFFC10] =	vst v4  }
0xb6: {  	v4 =	vld [tilespmem:s24+$0x20];
	[tilespmem:s29+$0xFFFFFEC0] =	vst v2  }
0xb7: {  	v2 =	vld [tilespmem:s19+$0x50];
	_ =	sdelay $0x1  }
0xb8: {  	[tilespmem:s26+$0xFFFFFD70] =	vst v0;
	s25 =	spop (v2sf);
	(v2sf) =	vpush v5, $0x6  }
0xb9: {  	v0 =	vld [tilespmem:s25+$0x0]  }
0xba: {  	[tilespmem:s23+$0xFFFFFC20] =	vst v4  }
0xbb: {  	v4 =	vld [tilespmem:s24+$0x30];
	[tilespmem:s29+$0xFFFFFED0] =	vst v2  }
0xbc: {  	v2 =	vld [tilespmem:s19+$0x60];
	_ =	sdelay $0x1  }
0xbd: {  	[tilespmem:s26+$0xFFFFFD80] =	vst v0  }
0xbe: {  	v0 =	vld [tilespmem:s25+$0x10]  }
0xbf: {  	[tilespmem:s23+$0xFFFFFC30] =	vst v4  }
0xc0: {  	v4 =	vld [tilespmem:s24+$0x40];
	[tilespmem:s29+$0xFFFFFEE0] =	vst v2  }
0xc1: {  	v2 =	vld [tilespmem:s19+$0x70];
	_ =	sdelay $0x1  }
0xc2: {  	[tilespmem:s26+$0xFFFFFD90] =	vst v0  }
0xc3: {  	v0 =	vld [tilespmem:s25+$0x20]  }
0xc4: {  	[tilespmem:s23+$0xFFFFFC40] =	vst v4  }
0xc5: {  	s31 =	spop (v2sf);
	v4 =	vld [tilespmem:s24+$0x50];
	[tilespmem:s29+$0xFFFFFEF0] =	vst v2  }
0xc6: {  	v2 =	vld [tilespmem:s31+$0x0]  }
0xc7: {  	(v2sf) =	vpush v1, $0x1  }
0xc8: {  	[tilespmem:s26+$0xFFFFFDA0] =	vst v0  }
0xc9: {  	v0 =	vld [tilespmem:s25+$0x30]  }
0xca: {  	[tilespmem:s23+$0xFFFFFC50] =	vst v4  }
0xcb: {  	v4 =	vld [tilespmem:s24+$0x60];
	[tilespmem:s29+$0xFFFFFF00] =	vst v2  }
0xcc: {  	v2 =	vld [tilespmem:s31+$0x10];
	_ =	sdelay $0x1  }
0xcd: {  	[tilespmem:s26+$0xFFFFFDB0] =	vst v0  }
0xce: {  	v0 =	vld [tilespmem:s25+$0x40]  }
0xcf: {  	[tilespmem:s23+$0xFFFFFC60] =	vst v4  }
0xd0: {  	v4 =	vld [tilespmem:s24+$0x70];
	[tilespmem:s29+$0xFFFFFF10] =	vst v2  }
0xd1: {  	v2 =	vld [tilespmem:s31+$0x20];
	_ =	sdelay $0x1  }
0xd2: {  	[tilespmem:s26+$0xFFFFFDC0] =	vst v0  }
0xd3: {  	v0 =	vld [tilespmem:s25+$0x50]  }
0xd4: {  	s7 =	spop (v2sf);
	[tilespmem:s23+$0xFFFFFC70] =	vst v4  }
0xd5: {  	(v2sf) =	vpush v3, $0x4;
	v4 =	vld [tilespmem:s7+$0x0];
	[tilespmem:s29+$0xFFFFFF20] =	vst v2  }
0xd6: {  	v2 =	vld [tilespmem:s31+$0x30];
	_ =	sdelay $0x1  }
0xd7: {  	[tilespmem:s26+$0xFFFFFDD0] =	vst v0  }
0xd8: {  	v0 =	vld [tilespmem:s25+$0x60]  }
0xd9: {  	[tilespmem:s23+$0xFFFFFC80] =	vst v4  }
0xda: {  	v4 =	vld [tilespmem:s7+$0x10];
	[tilespmem:s29+$0xFFFFFF30] =	vst v2  }
0xdb: {  	v2 =	vld [tilespmem:s31+$0x40];
	_ =	sdelay $0x1  }
0xdc: {  	[tilespmem:s26+$0xFFFFFDE0] =	vst v0  }
0xdd: {  	v0 =	vld [tilespmem:s25+$0x70]  }
0xde: {  	[tilespmem:s23+$0xFFFFFC90] =	vst v4  }
0xdf: {  	v4 =	vld [tilespmem:s7+$0x20];
	[tilespmem:s29+$0xFFFFFF40] =	vst v2  }
0xe0: {  	v2 =	vld [tilespmem:s31+$0x50];
	_ =	sdelay $0x1  }
0xe1: {  	s9 =	spop (v2sf);
	(v2sf) =	vpush v5, $0x7;
	[tilespmem:s26+$0xFFFFFDF0] =	vst v0  }
0xe2: {  	v0 =	vld [tilespmem:s9+$0x0]  }
0xe3: {  	[tilespmem:s23+$0xFFFFFCA0] =	vst v4  }
0xe4: {  	v4 =	vld [tilespmem:s7+$0x30];
	[tilespmem:s29+$0xFFFFFF50] =	vst v2  }
0xe5: {  	v2 =	vld [tilespmem:s31+$0x60];
	_ =	sdelay $0x1  }
0xe6: {  	[tilespmem:s26+$0xFFFFFE00] =	vst v0  }
0xe7: {  	v0 =	vld [tilespmem:s9+$0x10]  }
0xe8: {  	[tilespmem:s23+$0xFFFFFCB0] =	vst v4  }
0xe9: {  	v4 =	vld [tilespmem:s7+$0x40];
	[tilespmem:s29+$0xFFFFFF60] =	vst v2  }
0xea: {  	v2 =	vld [tilespmem:s31+$0x70];
	_ =	sdelay $0x1  }
0xeb: {  	[tilespmem:s26+$0xFFFFFE10] =	vst v0  }
0xec: {  	v0 =	vld [tilespmem:s9+$0x20]  }
0xed: {  	[tilespmem:s23+$0xFFFFFCC0] =	vst v4  }
0xee: {  	s10 =	spop (v2sf);
	v4 =	vld [tilespmem:s7+$0x50];
	[tilespmem:s29+$0xFFFFFF70] =	vst v2  }
0xef: {  	v2 =	vld [tilespmem:s10+$0x0]  }
0xf0: {  	(v2sf) =	vpush v1, $0x2  }
0xf1: {  	[tilespmem:s26+$0xFFFFFE20] =	vst v0  }
0xf2: {  	v0 =	vld [tilespmem:s9+$0x30]  }
0xf3: {  	[tilespmem:s23+$0xFFFFFCD0] =	vst v4  }
0xf4: {  	v4 =	vld [tilespmem:s7+$0x60];
	[tilespmem:s29+$0xFFFFFF80] =	vst v2  }
0xf5: {  	v2 =	vld [tilespmem:s10+$0x10];
	_ =	sdelay $0x1  }
0xf6: {  	[tilespmem:s26+$0xFFFFFE30] =	vst v0  }
0xf7: {  	v0 =	vld [tilespmem:s9+$0x40]  }
0xf8: {  	[tilespmem:s23+$0xFFFFFCE0] =	vst v4  }
0xf9: {  	v4 =	vld [tilespmem:s7+$0x70];
	[tilespmem:s29+$0xFFFFFF90] =	vst v2  }
0xfa: {  	v2 =	vld [tilespmem:s10+$0x20];
	_ =	sdelay $0x1  }
0xfb: {  	[tilespmem:s26+$0xFFFFFE40] =	vst v0  }
0xfc: {  	v0 =	vld [tilespmem:s9+$0x50]  }
0xfd: {  	s11 =	spop (v2sf);
	[tilespmem:s23+$0xFFFFFCF0] =	vst v4  }
0xfe: {  	(v2sf) =	vpush v3, $0x5;
	v4 =	vld [tilespmem:s11+$0x0];
	[tilespmem:s29+$0xFFFFFFA0] =	vst v2  }
0xff: {  	v2 =	vld [tilespmem:s10+$0x30];
	_ =	sdelay $0x1  }
0x100: {  	[tilespmem:s26+$0xFFFFFE50] =	vst v0  }
0x101: {  	v0 =	vld [tilespmem:s9+$0x60]  }
0x102: {  	[tilespmem:s23+$0xFFFFFD00] =	vst v4  }
0x103: {  	v4 =	vld [tilespmem:s11+$0x10];
	[tilespmem:s29+$0xFFFFFFB0] =	vst v2  }
0x104: {  	v2 =	vld [tilespmem:s10+$0x40]  }
0x105: {  	s7 =	simm.s32 $0x30  }
0x106: {  	v6 =	vld [tilespmem:s7+$0x1000];
	[tilespmem:s26+$0xFFFFFE60] =	vst v0  }
0x107: {  	v0 =	vld [tilespmem:s9+$0x70]  }
0x108: {  	[tilespmem:s23+$0xFFFFFD10] =	vst v4  }
0x109: {  	v4 =	vld [tilespmem:s11+$0x20];
	[tilespmem:s29+$0xFFFFFFC0] =	vst v2  }
0x10a: {  	v2 =	vld [tilespmem:s10+$0x50];
	_ =	sdelay $0x1  }
0x10b: {  	(v2sf) =	vpush v5, $0x8;
	v6 =	vshll.u32 v6, $0x9;
	s13 =	spop (v2sf);
	[tilespmem:s26+$0xFFFFFE70] =	vst v0  }
0x10c: {  	v0 =	vshra.s32 v6, $0x2;
	v6 =	vld [tilespmem:s13+$0x0]  }
0x10d: {  	(v2sf) =	vpush v0, $0x0;
	[tilespmem:s23+$0xFFFFFD20] =	vst v4  }
0x10e: {  	v4 =	vld [tilespmem:s11+$0x30];
	[tilespmem:s29+$0xFFFFFFD0] =	vst v2  }
0x10f: {  	v2 =	vld [tilespmem:s10+$0x60];
	_ =	sdelay $0x1  }
0x110: {  	[tilespmem:s26+$0xFFFFFE80] =	vst v6  }
0x111: {  	v6 =	vld [tilespmem:s13+$0x10]  }
0x112: {  	[tilespmem:s23+$0xFFFFFD30] =	vst v4  }
0x113: {  	v4 =	vld [tilespmem:s11+$0x40];
	[tilespmem:s29+$0xFFFFFFE0] =	vst v2  }
0x114: {  	v2 =	vld [tilespmem:s10+$0x70];
	_ =	sdelay $0x1  }
0x115: {  	[tilespmem:s26+$0xFFFFFE90] =	vst v6  }
0x116: {  	v6 =	vld [tilespmem:s13+$0x20]  }
0x117: {  	[tilespmem:s23+$0xFFFFFD40] =	vst v4  }
0x118: {  	s14 =	spop (v2sf);
	v4 =	vld [tilespmem:s11+$0x50];
	[tilespmem:s29+$0xFFFFFFF0] =	vst v2  }
0x119: {  	v2 =	vld [tilespmem:s14+$0x0]  }
0x11a: {  	s17 =	spop (v2sf);
	(v2sf) =	vpush v1, $0x3  }
0x11b: {  	v7 =	vld [tilespmem:s17+$0x0];
	[tilespmem:s26+$0xFFFFFEA0] =	vst v6  }
0x11c: {  	v6 =	vld [tilespmem:s13+$0x30]  }
0x11d: {  	[tilespmem:s23+$0xFFFFFD50] =	vst v4  }
0x11e: {  	v4 =	vld [tilespmem:s11+$0x60];
	[tilespmem:s29+$0x0] =	vst v2  }
0x11f: {  	s24 =	simm.s32 $0x3000;
	v2 =	vld [tilespmem:s14+$0x10]  }
0x120: {  	[tilespmem:s24+$0xFFFFFC00] =	vst v7  }
0x121: {  	v7 =	vld [tilespmem:s17+$0x10];
	[tilespmem:s26+$0xFFFFFEB0] =	vst v6  }
0x122: {  	v6 =	vld [tilespmem:s13+$0x40]  }
0x123: {  	[tilespmem:s23+$0xFFFFFD60] =	vst v4  }
0x124: {  	v4 =	vld [tilespmem:s11+$0x70];
	[tilespmem:s29+$0x10] =	vst v2  }
0x125: {  	v2 =	vld [tilespmem:s14+$0x20]  }
0x126: {  	[tilespmem:s24+$0xFFFFFC10] =	vst v7  }
0x127: {  	v7 =	vld [tilespmem:s17+$0x20];
	[tilespmem:s26+$0xFFFFFEC0] =	vst v6  }
0x128: {  	v6 =	vld [tilespmem:s13+$0x50]  }
0x129: {  	s19 =	spop (v2sf);
	[tilespmem:s23+$0xFFFFFD70] =	vst v4  }
0x12a: {  	(v2sf) =	vpush v3, $0x6;
	v4 =	vld [tilespmem:s19+$0x0];
	[tilespmem:s29+$0x20] =	vst v2  }
0x12b: {  	v2 =	vld [tilespmem:s14+$0x30]  }
0x12c: {  	[tilespmem:s24+$0xFFFFFC20] =	vst v7  }
0x12d: {  	v7 =	vld [tilespmem:s17+$0x30];
	[tilespmem:s26+$0xFFFFFED0] =	vst v6  }
0x12e: {  	v6 =	vld [tilespmem:s13+$0x60]  }
0x12f: {  	[tilespmem:s23+$0xFFFFFD80] =	vst v4  }
0x130: {  	v4 =	vld [tilespmem:s19+$0x10];
	[tilespmem:s29+$0x30] =	vst v2  }
0x131: {  	v2 =	vld [tilespmem:s14+$0x40]  }
0x132: {  	[tilespmem:s24+$0xFFFFFC30] =	vst v7  }
0x133: {  	v7 =	vld [tilespmem:s17+$0x40];
	[tilespmem:s26+$0xFFFFFEE0] =	vst v6  }
0x134: {  	v6 =	vld [tilespmem:s13+$0x70]  }
0x135: {  	[tilespmem:s23+$0xFFFFFD90] =	vst v4  }
0x136: {  	v4 =	vld [tilespmem:s19+$0x20];
	[tilespmem:s29+$0x40] =	vst v2  }
0x137: {  	v2 =	vld [tilespmem:s14+$0x50]  }
0x138: {  	[tilespmem:s24+$0xFFFFFC40] =	vst v7  }
0x139: {  	(v2sf) =	vpush v5, $0x9;
	s25 =	spop (v2sf);
	v7 =	vld [tilespmem:s17+$0x50];
	[tilespmem:s26+$0xFFFFFEF0] =	vst v6  }
0x13a: {  	v6 =	vld [tilespmem:s25+$0x0]  }
0x13b: {  	(v2sf) =	vpush v0, $0x1;
	[tilespmem:s23+$0xFFFFFDA0] =	vst v4  }
0x13c: {  	v4 =	vld [tilespmem:s19+$0x30];
	[tilespmem:s29+$0x50] =	vst v2  }
0x13d: {  	v2 =	vld [tilespmem:s14+$0x60]  }
0x13e: {  	[tilespmem:s24+$0xFFFFFC50] =	vst v7  }
0x13f: {  	v7 =	vld [tilespmem:s17+$0x60];
	[tilespmem:s26+$0xFFFFFF00] =	vst v6  }
0x140: {  	v6 =	vld [tilespmem:s25+$0x10]  }
0x141: {  	[tilespmem:s23+$0xFFFFFDB0] =	vst v4  }
0x142: {  	v4 =	vld [tilespmem:s19+$0x40];
	[tilespmem:s29+$0x60] =	vst v2  }
0x143: {  	v2 =	vld [tilespmem:s14+$0x70]  }
0x144: {  	[tilespmem:s24+$0xFFFFFC60] =	vst v7  }
0x145: {  	v7 =	vld [tilespmem:s17+$0x70];
	[tilespmem:s26+$0xFFFFFF10] =	vst v6  }
0x146: {  	v6 =	vld [tilespmem:s25+$0x20]  }
0x147: {  	[tilespmem:s23+$0xFFFFFDC0] =	vst v4  }
0x148: {  	s31 =	spop (v2sf);
	v4 =	vld [tilespmem:s19+$0x50];
	[tilespmem:s29+$0x70] =	vst v2  }
0x149: {  	v2 =	vld [tilespmem:s31+$0x0]  }
0x14a: {  	s9 =	spop (v2sf);
	(v2sf) =	vpush v1, $0x4;
	[tilespmem:s24+$0xFFFFFC70] =	vst v7  }
0x14b: {  	v7 =	vld [tilespmem:s9+$0x0];
	[tilespmem:s26+$0xFFFFFF20] =	vst v6  }
0x14c: {  	v6 =	vld [tilespmem:s25+$0x30]  }
0x14d: {  	[tilespmem:s23+$0xFFFFFDD0] =	vst v4  }
0x14e: {  	v4 =	vld [tilespmem:s19+$0x60];
	[tilespmem:s29+$0x80] =	vst v2  }
0x14f: {  	v2 =	vld [tilespmem:s31+$0x10]  }
0x150: {  	[tilespmem:s24+$0xFFFFFC80] =	vst v7  }
0x151: {  	v7 =	vld [tilespmem:s9+$0x10];
	[tilespmem:s26+$0xFFFFFF30] =	vst v6  }
0x152: {  	v6 =	vld [tilespmem:s25+$0x40]  }
0x153: {  	[tilespmem:s23+$0xFFFFFDE0] =	vst v4  }
0x154: {  	v4 =	vld [tilespmem:s19+$0x70];
	[tilespmem:s29+$0x90] =	vst v2  }
0x155: {  	v2 =	vld [tilespmem:s31+$0x20]  }
0x156: {  	[tilespmem:s24+$0xFFFFFC90] =	vst v7  }
0x157: {  	v7 =	vld [tilespmem:s9+$0x20];
	[tilespmem:s26+$0xFFFFFF40] =	vst v6  }
0x158: {  	v6 =	vld [tilespmem:s25+$0x50]  }
0x159: {  	s0 =	spop (v2sf);
	[tilespmem:s23+$0xFFFFFDF0] =	vst v4  }
0x15a: {  	(v2sf) =	vpush v3, $0x7;
	v4 =	vld [tilespmem:s0+$0x0];
	[tilespmem:s29+$0xA0] =	vst v2  }
0x15b: {  	v2 =	vld [tilespmem:s31+$0x30]  }
0x15c: {  	[tilespmem:s24+$0xFFFFFCA0] =	vst v7  }
0x15d: {  	v7 =	vld [tilespmem:s9+$0x30];
	[tilespmem:s26+$0xFFFFFF50] =	vst v6  }
0x15e: {  	v6 =	vld [tilespmem:s25+$0x60]  }
0x15f: {  	[tilespmem:s23+$0xFFFFFE00] =	vst v4  }
0x160: {  	v4 =	vld [tilespmem:s0+$0x10];
	[tilespmem:s29+$0xB0] =	vst v2  }
0x161: {  	v2 =	vld [tilespmem:s31+$0x40]  }
0x162: {  	[tilespmem:s24+$0xFFFFFCB0] =	vst v7  }
0x163: {  	v7 =	vld [tilespmem:s9+$0x40];
	[tilespmem:s26+$0xFFFFFF60] =	vst v6  }
0x164: {  	v6 =	vld [tilespmem:s25+$0x70]  }
0x165: {  	[tilespmem:s23+$0xFFFFFE10] =	vst v4  }
0x166: {  	v4 =	vld [tilespmem:s0+$0x20];
	[tilespmem:s29+$0xC0] =	vst v2  }
0x167: {  	v2 =	vld [tilespmem:s31+$0x50]  }
0x168: {  	[tilespmem:s24+$0xFFFFFCC0] =	vst v7  }
0x169: {  	(v2sf) =	vpush v5, $0xA;
	s10 =	spop (v2sf);
	v7 =	vld [tilespmem:s9+$0x50];
	[tilespmem:s26+$0xFFFFFF70] =	vst v6  }
0x16a: {  	v6 =	vld [tilespmem:s10+$0x0]  }
0x16b: {  	(v2sf) =	vpush v0, $0x2;
	[tilespmem:s23+$0xFFFFFE20] =	vst v4  }
0x16c: {  	v4 =	vld [tilespmem:s0+$0x30];
	[tilespmem:s29+$0xD0] =	vst v2  }
0x16d: {  	v2 =	vld [tilespmem:s31+$0x60]  }
0x16e: {  	[tilespmem:s24+$0xFFFFFCD0] =	vst v7  }
0x16f: {  	v7 =	vld [tilespmem:s9+$0x60];
	[tilespmem:s26+$0xFFFFFF80] =	vst v6  }
0x170: {  	v6 =	vld [tilespmem:s10+$0x10]  }
0x171: {  	[tilespmem:s23+$0xFFFFFE30] =	vst v4  }
0x172: {  	v4 =	vld [tilespmem:s0+$0x40];
	[tilespmem:s29+$0xE0] =	vst v2  }
0x173: {  	v2 =	vld [tilespmem:s31+$0x70]  }
0x174: {  	[tilespmem:s24+$0xFFFFFCE0] =	vst v7  }
0x175: {  	v7 =	vld [tilespmem:s9+$0x70];
	[tilespmem:s26+$0xFFFFFF90] =	vst v6  }
0x176: {  	v6 =	vld [tilespmem:s10+$0x20]  }
0x177: {  	[tilespmem:s23+$0xFFFFFE40] =	vst v4  }
0x178: {  	s11 =	spop (v2sf);
	v4 =	vld [tilespmem:s0+$0x50];
	[tilespmem:s29+$0xF0] =	vst v2  }
0x179: {  	v2 =	vld [tilespmem:s11+$0x0]  }
0x17a: {  	s13 =	spop (v2sf);
	(v2sf) =	vpush v1, $0x5;
	[tilespmem:s24+$0xFFFFFCF0] =	vst v7  }
0x17b: {  	v7 =	vld [tilespmem:s13+$0x0];
	[tilespmem:s26+$0xFFFFFFA0] =	vst v6  }
0x17c: {  	v6 =	vld [tilespmem:s10+$0x30]  }
0x17d: {  	[tilespmem:s23+$0xFFFFFE50] =	vst v4  }
0x17e: {  	v4 =	vld [tilespmem:s0+$0x60];
	[tilespmem:s29+$0x100] =	vst v2  }
0x17f: {  	v2 =	vld [tilespmem:s11+$0x10]  }
0x180: {  	[tilespmem:s24+$0xFFFFFD00] =	vst v7  }
0x181: {  	v7 =	vld [tilespmem:s13+$0x10];
	[tilespmem:s26+$0xFFFFFFB0] =	vst v6  }
0x182: {  	s14 =	simm.s32 $0x40;
	v6 =	vld [tilespmem:s10+$0x40]  }
0x183: {  	v8 =	vld [tilespmem:s14+$0x1000];
	[tilespmem:s23+$0xFFFFFE60] =	vst v4  }
0x184: {  	v4 =	vld [tilespmem:s0+$0x70];
	[tilespmem:s29+$0x110] =	vst v2  }
0x185: {  	v2 =	vld [tilespmem:s11+$0x20]  }
0x186: {  	[tilespmem:s24+$0xFFFFFD10] =	vst v7  }
0x187: {  	v7 =	vld [tilespmem:s13+$0x20];
	[tilespmem:s26+$0xFFFFFFC0] =	vst v6  }
0x188: {  	v6 =	vld [tilespmem:s10+$0x50]  }
0x189: {  	s17 =	spop (v2sf);
	[tilespmem:s23+$0xFFFFFE70] =	vst v4;
	v4 =	vshll.u32 v8, $0x9  }
0x18a: {  	(v2sf) =	vpush v3, $0x8;
	v8 =	vld [tilespmem:s17+$0x0];
	[tilespmem:s29+$0x120] =	vst v2;
	v2 =	vshra.s32 v4, $0x2  }
0x18b: {  	v4 =	vld [tilespmem:s11+$0x30];
	(v2sf) =	vpush v2, $0x0  }
0x18c: {  	[tilespmem:s24+$0xFFFFFD20] =	vst v7  }
0x18d: {  	v7 =	vld [tilespmem:s13+$0x30];
	[tilespmem:s26+$0xFFFFFFD0] =	vst v6  }
0x18e: {  	v6 =	vld [tilespmem:s10+$0x60]  }
0x18f: {  	[tilespmem:s23+$0xFFFFFE80] =	vst v8  }
0x190: {  	v8 =	vld [tilespmem:s17+$0x10];
	[tilespmem:s29+$0x130] =	vst v4  }
0x191: {  	v4 =	vld [tilespmem:s11+$0x40]  }
0x192: {  	[tilespmem:s24+$0xFFFFFD30] =	vst v7  }
0x193: {  	v7 =	vld [tilespmem:s13+$0x40];
	[tilespmem:s26+$0xFFFFFFE0] =	vst v6  }
0x194: {  	v6 =	vld [tilespmem:s10+$0x70]  }
0x195: {  	[tilespmem:s23+$0xFFFFFE90] =	vst v8  }
0x196: {  	[tilespmem:s29+$0x140] =	vst v4;
	v4 =	vld [tilespmem:s17+$0x20]  }
0x197: {  	v8 =	vld [tilespmem:s11+$0x50]  }
0x198: {  	[tilespmem:s24+$0xFFFFFD40] =	vst v7  }
0x199: {  	s19 =	spop (v2sf);
	(v2sf) =	vpush v5, $0xB;
	v7 =	vld [tilespmem:s13+$0x50];
	[tilespmem:s26+$0xFFFFFFF0] =	vst v6  }
0x19a: {  	v6 =	vld [tilespmem:s19+$0x0];
	s31 =	spop (v2sf)  }
0x19b: {  	(v2sf) =	vpush v0, $0x3;
	v9 =	vld [tilespmem:s31+$0x0];
	[tilespmem:s23+$0xFFFFFEA0] =	vst v4  }
0x19c: {  	v4 =	vld [tilespmem:s17+$0x30];
	[tilespmem:s29+$0x150] =	vst v8  }
0x19d: {  	v8 =	vld [tilespmem:s11+$0x60]  }
0x19e: {  	[tilespmem:s24+$0xFFFFFD50] =	vst v7  }
0x19f: {  	s25 =	simm.s32 $0x3800;
	v7 =	vld [tilespmem:s13+$0x60];
	[tilespmem:s26+$0x0] =	vst v6  }
0x1a0: {  	v6 =	vld [tilespmem:s19+$0x10];
	[tilespmem:s25+$0xFFFFFC00] =	vst v9  }
0x1a1: {  	v9 =	vld [tilespmem:s31+$0x10];
	[tilespmem:s23+$0xFFFFFEB0] =	vst v4  }
0x1a2: {  	v4 =	vld [tilespmem:s17+$0x40];
	[tilespmem:s29+$0x160] =	vst v8  }
0x1a3: {  	v8 =	vld [tilespmem:s11+$0x70]  }
0x1a4: {  	[tilespmem:s24+$0xFFFFFD60] =	vst v7  }
0x1a5: {  	v7 =	vld [tilespmem:s13+$0x70];
	[tilespmem:s26+$0x10] =	vst v6  }
0x1a6: {  	v6 =	vld [tilespmem:s19+$0x20];
	[tilespmem:s25+$0xFFFFFC10] =	vst v9  }
0x1a7: {  	v9 =	vld [tilespmem:s31+$0x20];
	[tilespmem:s23+$0xFFFFFEC0] =	vst v4  }
0x1a8: {  	s9 =	spop (v2sf);
	v4 =	vld [tilespmem:s17+$0x50];
	[tilespmem:s29+$0x170] =	vst v8  }
0x1a9: {  	v8 =	vld [tilespmem:s9+$0x0]  }
0x1aa: {  	[tilespmem:s24+$0xFFFFFD70] =	vst v7;
	s11 =	spop (v2sf);
	(v2sf) =	vpush v1, $0x6  }
0x1ab: {  	v7 =	vld [tilespmem:s11+$0x0];
	[tilespmem:s26+$0x20] =	vst v6  }
0x1ac: {  	v6 =	vld [tilespmem:s19+$0x30];
	[tilespmem:s25+$0xFFFFFC20] =	vst v9  }
0x1ad: {  	v9 =	vld [tilespmem:s31+$0x30];
	[tilespmem:s23+$0xFFFFFED0] =	vst v4  }
0x1ae: {  	v4 =	vld [tilespmem:s17+$0x60];
	[tilespmem:s29+$0x180] =	vst v8  }
0x1af: {  	v8 =	vld [tilespmem:s9+$0x10]  }
0x1b0: {  	[tilespmem:s24+$0xFFFFFD80] =	vst v7  }
0x1b1: {  	v7 =	vld [tilespmem:s11+$0x10];
	[tilespmem:s26+$0x30] =	vst v6  }
0x1b2: {  	v6 =	vld [tilespmem:s19+$0x40];
	[tilespmem:s25+$0xFFFFFC30] =	vst v9  }
0x1b3: {  	v9 =	vld [tilespmem:s31+$0x40];
	[tilespmem:s23+$0xFFFFFEE0] =	vst v4  }
0x1b4: {  	v4 =	vld [tilespmem:s17+$0x70];
	[tilespmem:s29+$0x190] =	vst v8  }
0x1b5: {  	v8 =	vld [tilespmem:s9+$0x20]  }
0x1b6: {  	[tilespmem:s24+$0xFFFFFD90] =	vst v7  }
0x1b7: {  	v7 =	vld [tilespmem:s11+$0x20];
	[tilespmem:s26+$0x40] =	vst v6  }
0x1b8: {  	v6 =	vld [tilespmem:s19+$0x50];
	[tilespmem:s25+$0xFFFFFC40] =	vst v9  }
0x1b9: {  	s13 =	spop (v2sf);
	v9 =	vld [tilespmem:s31+$0x50];
	[tilespmem:s23+$0xFFFFFEF0] =	vst v4  }
0x1ba: {  	(v2sf) =	vpush v3, $0x9;
	v4 =	vld [tilespmem:s13+$0x0];
	[tilespmem:s29+$0x1A0] =	vst v8  }
0x1bb: {  	(v2sf) =	vpush v2, $0x1;
	v8 =	vld [tilespmem:s9+$0x30]  }
0x1bc: {  	[tilespmem:s24+$0xFFFFFDA0] =	vst v7  }
0x1bd: {  	v7 =	vld [tilespmem:s11+$0x30];
	[tilespmem:s26+$0x50] =	vst v6  }
0x1be: {  	v6 =	vld [tilespmem:s19+$0x60];
	[tilespmem:s25+$0xFFFFFC50] =	vst v9  }
0x1bf: {  	v9 =	vld [tilespmem:s31+$0x60];
	[tilespmem:s23+$0xFFFFFF00] =	vst v4  }
0x1c0: {  	v4 =	vld [tilespmem:s13+$0x10];
	[tilespmem:s29+$0x1B0] =	vst v8  }
0x1c1: {  	v8 =	vld [tilespmem:s9+$0x40]  }
0x1c2: {  	[tilespmem:s24+$0xFFFFFDB0] =	vst v7  }
0x1c3: {  	v7 =	vld [tilespmem:s11+$0x40];
	[tilespmem:s26+$0x60] =	vst v6  }
0x1c4: {  	v6 =	vld [tilespmem:s19+$0x70];
	[tilespmem:s25+$0xFFFFFC60] =	vst v9  }
0x1c5: {  	v9 =	vld [tilespmem:s31+$0x70];
	[tilespmem:s23+$0xFFFFFF10] =	vst v4  }
0x1c6: {  	v4 =	vld [tilespmem:s13+$0x20];
	[tilespmem:s29+$0x1C0] =	vst v8  }
0x1c7: {  	v8 =	vld [tilespmem:s9+$0x50]  }
0x1c8: {  	[tilespmem:s24+$0xFFFFFDC0] =	vst v7  }
0x1c9: {  	s14 =	spop (v2sf);
	(v2sf) =	vpush v5, $0xC;
	v7 =	vld [tilespmem:s11+$0x50];
	[tilespmem:s26+$0x70] =	vst v6  }
0x1ca: {  	s10 =	spop (v2sf);
	v6 =	vld [tilespmem:s14+$0x0];
	[tilespmem:s25+$0xFFFFFC70] =	vst v9  }
0x1cb: {  	(v2sf) =	vpush v0, $0x4;
	v9 =	vld [tilespmem:s10+$0x0];
	[tilespmem:s23+$0xFFFFFF20] =	vst v4  }
0x1cc: {  	v4 =	vld [tilespmem:s13+$0x30];
	[tilespmem:s29+$0x1D0] =	vst v8  }
0x1cd: {  	v8 =	vld [tilespmem:s9+$0x60]  }
0x1ce: {  	[tilespmem:s24+$0xFFFFFDD0] =	vst v7  }
0x1cf: {  	v7 =	vld [tilespmem:s11+$0x60];
	[tilespmem:s26+$0x80] =	vst v6  }
0x1d0: {  	v6 =	vld [tilespmem:s14+$0x10];
	[tilespmem:s25+$0xFFFFFC80] =	vst v9  }
0x1d1: {  	v9 =	vld [tilespmem:s10+$0x10];
	[tilespmem:s23+$0xFFFFFF30] =	vst v4  }
0x1d2: {  	v4 =	vld [tilespmem:s13+$0x40];
	[tilespmem:s29+$0x1E0] =	vst v8  }
0x1d3: {  	v8 =	vld [tilespmem:s9+$0x70]  }
0x1d4: {  	[tilespmem:s24+$0xFFFFFDE0] =	vst v7  }
0x1d5: {  	v7 =	vld [tilespmem:s11+$0x70];
	[tilespmem:s26+$0x90] =	vst v6  }
0x1d6: {  	v6 =	vld [tilespmem:s14+$0x20];
	[tilespmem:s25+$0xFFFFFC90] =	vst v9  }
0x1d7: {  	v9 =	vld [tilespmem:s10+$0x20];
	[tilespmem:s23+$0xFFFFFF40] =	vst v4  }
0x1d8: {  	s17 =	spop (v2sf);
	v4 =	vld [tilespmem:s13+$0x50];
	[tilespmem:s29+$0x1F0] =	vst v8  }
0x1d9: {  	v8 =	vld [tilespmem:s17+$0x0]  }
0x1da: {  	s19 =	spop (v2sf);
	(v2sf) =	vpush v1, $0x7;
	[tilespmem:s24+$0xFFFFFDF0] =	vst v7  }
0x1db: {  	v7 =	vld [tilespmem:s19+$0x0];
	[tilespmem:s26+$0xA0] =	vst v6  }
0x1dc: {  	v6 =	vld [tilespmem:s14+$0x30];
	[tilespmem:s25+$0xFFFFFCA0] =	vst v9  }
0x1dd: {  	v9 =	vld [tilespmem:s10+$0x30];
	[tilespmem:s23+$0xFFFFFF50] =	vst v4  }
0x1de: {  	v4 =	vld [tilespmem:s13+$0x60];
	[tilespmem:s29+$0x200] =	vst v8  }
0x1df: {  	v8 =	vld [tilespmem:s17+$0x10]  }
0x1e0: {  	[tilespmem:s24+$0xFFFFFE00] =	vst v7  }
0x1e1: {  	v7 =	vld [tilespmem:s19+$0x10];
	[tilespmem:s26+$0xB0] =	vst v6  }
0x1e2: {  	v6 =	vld [tilespmem:s14+$0x40];
	[tilespmem:s25+$0xFFFFFCB0] =	vst v9  }
0x1e3: {  	v9 =	vld [tilespmem:s10+$0x40];
	[tilespmem:s23+$0xFFFFFF60] =	vst v4  }
0x1e4: {  	v4 =	vld [tilespmem:s13+$0x70];
	[tilespmem:s29+$0x210] =	vst v8  }
0x1e5: {  	v8 =	vld [tilespmem:s17+$0x20]  }
0x1e6: {  	[tilespmem:s24+$0xFFFFFE10] =	vst v7  }
0x1e7: {  	v7 =	vld [tilespmem:s19+$0x20];
	[tilespmem:s26+$0xC0] =	vst v6  }
0x1e8: {  	v6 =	vld [tilespmem:s14+$0x50];
	[tilespmem:s25+$0xFFFFFCC0] =	vst v9  }
0x1e9: {  	s31 =	spop (v2sf);
	v9 =	vld [tilespmem:s10+$0x50];
	[tilespmem:s23+$0xFFFFFF70] =	vst v4  }
0x1ea: {  	(v2sf) =	vpush v3, $0xA;
	v4 =	vld [tilespmem:s31+$0x0];
	[tilespmem:s29+$0x220] =	vst v8  }
0x1eb: {  	(v2sf) =	vpush v2, $0x2;
	v8 =	vld [tilespmem:s17+$0x30]  }
0x1ec: {  	[tilespmem:s24+$0xFFFFFE20] =	vst v7  }
0x1ed: {  	v7 =	vld [tilespmem:s19+$0x30];
	[tilespmem:s26+$0xD0] =	vst v6  }
0x1ee: {  	v6 =	vld [tilespmem:s14+$0x60];
	[tilespmem:s25+$0xFFFFFCD0] =	vst v9  }
0x1ef: {  	v9 =	vld [tilespmem:s10+$0x60];
	[tilespmem:s23+$0xFFFFFF80] =	vst v4  }
0x1f0: {  	v4 =	vld [tilespmem:s31+$0x10];
	[tilespmem:s29+$0x230] =	vst v8  }
0x1f1: {  	v8 =	vld [tilespmem:s17+$0x40]  }
0x1f2: {  	[tilespmem:s24+$0xFFFFFE30] =	vst v7  }
0x1f3: {  	v7 =	vld [tilespmem:s19+$0x40];
	[tilespmem:s26+$0xE0] =	vst v6  }
0x1f4: {  	v6 =	vld [tilespmem:s14+$0x70];
	[tilespmem:s25+$0xFFFFFCE0] =	vst v9  }
0x1f5: {  	v9 =	vld [tilespmem:s10+$0x70];
	[tilespmem:s23+$0xFFFFFF90] =	vst v4  }
0x1f6: {  	v4 =	vld [tilespmem:s31+$0x20];
	[tilespmem:s29+$0x240] =	vst v8  }
0x1f7: {  	v8 =	vld [tilespmem:s17+$0x50]  }
0x1f8: {  	[tilespmem:s24+$0xFFFFFE40] =	vst v7  }
0x1f9: {  	s10 =	spop (v2sf);
	(v2sf) =	vpush v5, $0xD;
	v7 =	vld [tilespmem:s19+$0x50];
	[tilespmem:s26+$0xF0] =	vst v6  }
0x1fa: {  	s11 =	spop (v2sf);
	v6 =	vld [tilespmem:s10+$0x0];
	[tilespmem:s25+$0xFFFFFCF0] =	vst v9  }
0x1fb: {  	(v2sf) =	vpush v0, $0x5;
	v9 =	vld [tilespmem:s11+$0x0];
	[tilespmem:s23+$0xFFFFFFA0] =	vst v4  }
0x1fc: {  	v4 =	vld [tilespmem:s31+$0x30];
	[tilespmem:s29+$0x250] =	vst v8  }
0x1fd: {  	v8 =	vld [tilespmem:s17+$0x60]  }
0x1fe: {  	[tilespmem:s24+$0xFFFFFE50] =	vst v7  }
0x1ff: {  	v7 =	vld [tilespmem:s19+$0x60];
	[tilespmem:s26+$0x100] =	vst v6  }
0x200: {  	v6 =	vld [tilespmem:s10+$0x10];
	[tilespmem:s25+$0xFFFFFD00] =	vst v9  }
0x201: {  	v9 =	vld [tilespmem:s11+$0x10];
	[tilespmem:s23+$0xFFFFFFB0] =	vst v4  }
0x202: {  	v4 =	vld [tilespmem:s31+$0x40];
	[tilespmem:s29+$0x260] =	vst v8  }
0x203: {  	s13 =	simm.s32 $0x50;
	v8 =	vld [tilespmem:s17+$0x70]  }
0x204: {  	v10 =	vld [tilespmem:s13+$0x1000];
	[tilespmem:s24+$0xFFFFFE60] =	vst v7  }
0x205: {  	v7 =	vld [tilespmem:s19+$0x70];
	[tilespmem:s26+$0x110] =	vst v6  }
0x206: {  	v6 =	vld [tilespmem:s10+$0x20];
	[tilespmem:s25+$0xFFFFFD10] =	vst v9  }
0x207: {  	v9 =	vld [tilespmem:s11+$0x20];
	[tilespmem:s23+$0xFFFFFFC0] =	vst v4  }
0x208: {  	s14 =	spop (v2sf);
	v11 =	vld [tilespmem:s31+$0x50];
	[tilespmem:s29+$0x270] =	vst v8  }
0x209: {  	v8 =	vld [tilespmem:s14+$0x0]  }
0x20a: {  	(v2sf) =	vpush v1, $0x8;
	s19 =	spop (v2sf);
	v4 =	vshll.u32 v10, $0x9;
	[tilespmem:s24+$0xFFFFFE70] =	vst v7  }
0x20b: {  	v4 =	vshra.s32 v4, $0x2;
	v7 =	vld [tilespmem:s19+$0x0];
	[tilespmem:s26+$0x120] =	vst v6  }
0x20c: {  	(v2sf) =	vpush v4, $0x0;
	v6 =	vld [tilespmem:s10+$0x30];
	[tilespmem:s25+$0xFFFFFD20] =	vst v9  }
0x20d: {  	v9 =	vld [tilespmem:s11+$0x30];
	[tilespmem:s23+$0xFFFFFFD0] =	vst v11  }
0x20e: {  	v10 =	vld [tilespmem:s31+$0x60];
	[tilespmem:s29+$0x280] =	vst v8  }
0x20f: {  	v8 =	vld [tilespmem:s14+$0x10]  }
0x210: {  	[tilespmem:s24+$0xFFFFFE80] =	vst v7  }
0x211: {  	v7 =	vld [tilespmem:s19+$0x10];
	[tilespmem:s26+$0x130] =	vst v6  }
0x212: {  	v11 =	vld [tilespmem:s10+$0x40];
	[tilespmem:s25+$0xFFFFFD30] =	vst v9  }
0x213: {  	v9 =	vld [tilespmem:s11+$0x40];
	[tilespmem:s23+$0xFFFFFFE0] =	vst v10  }
0x214: {  	v10 =	vld [tilespmem:s31+$0x70];
	[tilespmem:s29+$0x290] =	vst v8  }
0x215: {  	s31 =	simm.s32 $0x60;
	v8 =	vld [tilespmem:s14+$0x20]  }
0x216: {  	[tilespmem:s24+$0xFFFFFE90] =	vst v7;
	v6 =	vld [tilespmem:s31+$0x1000]  }
0x217: {  	[tilespmem:s26+$0x140] =	vst v11;
	v7 =	vld [tilespmem:s19+$0x20]  }
0x218: {  	[tilespmem:s25+$0xFFFFFD40] =	vst v9;
	v9 =	vld [tilespmem:s10+$0x50]  }
0x219: {  	s7 =	spop (v2sf);
	v11 =	vld [tilespmem:s11+$0x50];
	[tilespmem:s23+$0xFFFFFFF0] =	vst v10  }
0x21a: {  	(v2sf) =	vpush v3, $0xB;
	v10 =	vld [tilespmem:s7+$0x0];
	[tilespmem:s29+$0x2A0] =	vst v8  }
0x21b: {  	s13 =	spop (v2sf);
	(v2sf) =	vpush v2, $0x3;
	v8 =	vld [tilespmem:s14+$0x30]  }
0x21c: {  	v12 =	vld [tilespmem:s13+$0x0];
	[tilespmem:s24+$0xFFFFFEA0] =	vst v7  }
0x21d: {  	v7 =	vld [tilespmem:s19+$0x30];
	[tilespmem:s26+$0x150] =	vst v9  }
0x21e: {  	[tilespmem:s25+$0xFFFFFD50] =	vst v11;
	v9 =	vld [tilespmem:s10+$0x60]  }
0x21f: {  	v11 =	vld [tilespmem:s11+$0x60];
	[tilespmem:s23+$0x0] =	vst v10  }
0x220: {  	s28 =	simm.s32 $0x4000;
	v10 =	vld [tilespmem:s7+$0x10];
	[tilespmem:s29+$0x2B0] =	vst v8  }
0x221: {  	[tilespmem:s28+$0xFFFFFC00] =	vst v12;
	v8 =	vld [tilespmem:s14+$0x40]  }
0x222: {  	v12 =	vld [tilespmem:s13+$0x10];
	[tilespmem:s24+$0xFFFFFEB0] =	vst v7  }
0x223: {  	v7 =	vld [tilespmem:s19+$0x40];
	[tilespmem:s26+$0x160] =	vst v9  }
0x224: {  	[tilespmem:s25+$0xFFFFFD60] =	vst v11;
	v9 =	vld [tilespmem:s10+$0x70]  }
0x225: {  	v11 =	vld [tilespmem:s11+$0x70];
	[tilespmem:s23+$0x10] =	vst v10  }
0x226: {  	v10 =	vld [tilespmem:s7+$0x20];
	[tilespmem:s29+$0x2C0] =	vst v8  }
0x227: {  	[tilespmem:s28+$0xFFFFFC10] =	vst v12;
	v8 =	vld [tilespmem:s14+$0x50]  }
0x228: {  	v12 =	vld [tilespmem:s13+$0x20];
	[tilespmem:s24+$0xFFFFFEC0] =	vst v7  }
0x229: {  	s17 =	spop (v2sf);
	(v2sf) =	vpush v5, $0xE;
	v7 =	vld [tilespmem:s19+$0x50];
	[tilespmem:s26+$0x170] =	vst v9  }
0x22a: {  	s31 =	spop (v2sf);
	[tilespmem:s25+$0xFFFFFD70] =	vst v11;
	v9 =	vld [tilespmem:s17+$0x0]  }
0x22b: {  	(v2sf) =	vpush v0, $0x6;
	v11 =	vld [tilespmem:s31+$0x0];
	[tilespmem:s23+$0x20] =	vst v10  }
0x22c: {  	v10 =	vld [tilespmem:s7+$0x30];
	[tilespmem:s29+$0x2D0] =	vst v8  }
0x22d: {  	[tilespmem:s28+$0xFFFFFC20] =	vst v12;
	v8 =	vld [tilespmem:s14+$0x60]  }
0x22e: {  	v12 =	vld [tilespmem:s13+$0x30];
	[tilespmem:s24+$0xFFFFFED0] =	vst v7  }
0x22f: {  	v7 =	vld [tilespmem:s19+$0x60];
	[tilespmem:s26+$0x180] =	vst v9  }
0x230: {  	[tilespmem:s25+$0xFFFFFD80] =	vst v11;
	v9 =	vld [tilespmem:s17+$0x10]  }
0x231: {  	v11 =	vld [tilespmem:s31+$0x10];
	[tilespmem:s23+$0x30] =	vst v10  }
0x232: {  	v10 =	vld [tilespmem:s7+$0x40];
	[tilespmem:s29+$0x2E0] =	vst v8  }
0x233: {  	[tilespmem:s28+$0xFFFFFC30] =	vst v12;
	v8 =	vld [tilespmem:s14+$0x70]  }
0x234: {  	v12 =	vld [tilespmem:s13+$0x40];
	[tilespmem:s24+$0xFFFFFEE0] =	vst v7  }
0x235: {  	v7 =	vld [tilespmem:s19+$0x70];
	[tilespmem:s26+$0x190] =	vst v9  }
0x236: {  	[tilespmem:s25+$0xFFFFFD90] =	vst v11;
	v9 =	vld [tilespmem:s17+$0x20]  }
0x237: {  	v11 =	vld [tilespmem:s31+$0x20];
	[tilespmem:s23+$0x40] =	vst v10  }
0x238: {  	s14 =	spop (v2sf);
	v10 =	vld [tilespmem:s7+$0x50];
	[tilespmem:s29+$0x2F0] =	vst v8  }
0x239: {  	[tilespmem:s28+$0xFFFFFC40] =	vst v12;
	v8 =	vld [tilespmem:s14+$0x0]  }
0x23a: {  	(v2sf) =	vpush v1, $0x9;
	s11 =	spop (v2sf);
	v12 =	vld [tilespmem:s13+$0x50];
	[tilespmem:s24+$0xFFFFFEF0] =	vst v7  }
0x23b: {  	v7 =	vld [tilespmem:s11+$0x0];
	[tilespmem:s26+$0x1A0] =	vst v9  }
0x23c: {  	(v2sf) =	vpush v4, $0x1;
	[tilespmem:s25+$0xFFFFFDA0] =	vst v11;
	v9 =	vld [tilespmem:s17+$0x30]  }
0x23d: {  	v11 =	vld [tilespmem:s31+$0x30];
	[tilespmem:s23+$0x50] =	vst v10  }
0x23e: {  	v10 =	vld [tilespmem:s7+$0x60];
	[tilespmem:s29+$0x300] =	vst v8  }
0x23f: {  	[tilespmem:s28+$0xFFFFFC50] =	vst v12;
	v8 =	vld [tilespmem:s14+$0x10]  }
0x240: {  	v12 =	vld [tilespmem:s13+$0x60];
	[tilespmem:s24+$0xFFFFFF00] =	vst v7  }
0x241: {  	v7 =	vld [tilespmem:s11+$0x10];
	[tilespmem:s26+$0x1B0] =	vst v9  }
0x242: {  	[tilespmem:s25+$0xFFFFFDB0] =	vst v11;
	v9 =	vld [tilespmem:s17+$0x40]  }
0x243: {  	v11 =	vld [tilespmem:s31+$0x40];
	[tilespmem:s23+$0x60] =	vst v10  }
0x244: {  	v10 =	vld [tilespmem:s7+$0x70];
	[tilespmem:s29+$0x310] =	vst v8  }
0x245: {  	[tilespmem:s28+$0xFFFFFC60] =	vst v12;
	v8 =	vld [tilespmem:s14+$0x20]  }
0x246: {  	v12 =	vld [tilespmem:s13+$0x70];
	[tilespmem:s24+$0xFFFFFF10] =	vst v7  }
0x247: {  	v7 =	vld [tilespmem:s11+$0x20];
	[tilespmem:s26+$0x1C0] =	vst v9  }
0x248: {  	[tilespmem:s25+$0xFFFFFDC0] =	vst v11;
	v9 =	vld [tilespmem:s17+$0x50]  }
0x249: {  	s19 =	spop (v2sf);
	v11 =	vld [tilespmem:s31+$0x50];
	[tilespmem:s23+$0x70] =	vst v10  }
0x24a: {  	(v2sf) =	vpush v3, $0xC;
	v10 =	vld [tilespmem:s19+$0x0];
	[tilespmem:s29+$0x320] =	vst v8  }
0x24b: {  	s13 =	spop (v2sf);
	(v2sf) =	vpush v2, $0x4;
	[tilespmem:s28+$0xFFFFFC70] =	vst v12;
	v8 =	vld [tilespmem:s14+$0x30]  }
0x24c: {  	v12 =	vld [tilespmem:s13+$0x0];
	[tilespmem:s24+$0xFFFFFF20] =	vst v7  }
0x24d: {  	v7 =	vld [tilespmem:s11+$0x30];
	[tilespmem:s26+$0x1D0] =	vst v9  }
0x24e: {  	[tilespmem:s25+$0xFFFFFDD0] =	vst v11;
	v9 =	vld [tilespmem:s17+$0x60]  }
0x24f: {  	v11 =	vld [tilespmem:s31+$0x60];
	[tilespmem:s23+$0x80] =	vst v10  }
0x250: {  	v10 =	vld [tilespmem:s19+$0x10];
	[tilespmem:s29+$0x330] =	vst v8  }
0x251: {  	[tilespmem:s28+$0xFFFFFC80] =	vst v12;
	v8 =	vld [tilespmem:s14+$0x40]  }
0x252: {  	v12 =	vld [tilespmem:s13+$0x10];
	[tilespmem:s24+$0xFFFFFF30] =	vst v7  }
0x253: {  	v7 =	vld [tilespmem:s11+$0x40];
	[tilespmem:s26+$0x1E0] =	vst v9  }
0x254: {  	[tilespmem:s25+$0xFFFFFDE0] =	vst v11;
	v9 =	vld [tilespmem:s17+$0x70]  }
0x255: {  	v11 =	vld [tilespmem:s31+$0x70];
	[tilespmem:s23+$0x90] =	vst v10  }
0x256: {  	v10 =	vld [tilespmem:s19+$0x20];
	[tilespmem:s29+$0x340] =	vst v8  }
0x257: {  	[tilespmem:s28+$0xFFFFFC90] =	vst v12;
	v8 =	vld [tilespmem:s14+$0x50]  }
0x258: {  	v12 =	vld [tilespmem:s13+$0x20];
	[tilespmem:s24+$0xFFFFFF40] =	vst v7  }
0x259: {  	s31 =	spop (v2sf);
	(v2sf) =	vpush v5, $0xF;
	v7 =	vld [tilespmem:s11+$0x50];
	[tilespmem:s26+$0x1F0] =	vst v9  }
0x25a: {  	s17 =	spop (v2sf);
	[tilespmem:s25+$0xFFFFFDF0] =	vst v11;
	v5 =	vld [tilespmem:s31+$0x0]  }
0x25b: {  	(v2sf) =	vpush v0, $0x7;
	v9 =	vld [tilespmem:s17+$0x0];
	[tilespmem:s23+$0xA0] =	vst v10  }
0x25c: {  	v10 =	vld [tilespmem:s19+$0x30];
	[tilespmem:s29+$0x350] =	vst v8  }
0x25d: {  	[tilespmem:s28+$0xFFFFFCA0] =	vst v12;
	v8 =	vld [tilespmem:s14+$0x60]  }
0x25e: {  	v11 =	vld [tilespmem:s13+$0x30];
	[tilespmem:s24+$0xFFFFFF50] =	vst v7  }
0x25f: {  	v7 =	vld [tilespmem:s11+$0x60];
	[tilespmem:s26+$0x200] =	vst v5  }
0x260: {  	[tilespmem:s25+$0xFFFFFE00] =	vst v9;
	v5 =	vld [tilespmem:s31+$0x10]  }
0x261: {  	v9 =	vld [tilespmem:s17+$0x10];
	[tilespmem:s23+$0xB0] =	vst v10  }
0x262: {  	v10 =	vld [tilespmem:s19+$0x40];
	[tilespmem:s29+$0x360] =	vst v8  }
0x263: {  	[tilespmem:s28+$0xFFFFFCB0] =	vst v11;
	v8 =	vld [tilespmem:s14+$0x70]  }
0x264: {  	v11 =	vld [tilespmem:s13+$0x40];
	[tilespmem:s24+$0xFFFFFF60] =	vst v7  }
0x265: {  	v7 =	vld [tilespmem:s11+$0x70];
	[tilespmem:s26+$0x210] =	vst v5  }
0x266: {  	[tilespmem:s25+$0xFFFFFE10] =	vst v9;
	v5 =	vld [tilespmem:s31+$0x20]  }
0x267: {  	v9 =	vld [tilespmem:s17+$0x20];
	[tilespmem:s23+$0xC0] =	vst v10  }
0x268: {  	s2 =	spop (v2sf);
	v10 =	vld [tilespmem:s19+$0x50];
	[tilespmem:s29+$0x370] =	vst v8  }
0x269: {  	[tilespmem:s28+$0xFFFFFCC0] =	vst v11;
	v8 =	vld [tilespmem:s2+$0x0]  }
0x26a: {  	(v2sf) =	vpush v1, $0xA;
	s7 =	spop (v2sf);
	v11 =	vld [tilespmem:s13+$0x50];
	[tilespmem:s24+$0xFFFFFF70] =	vst v7  }
0x26b: {  	v7 =	vld [tilespmem:s7+$0x0];
	[tilespmem:s26+$0x220] =	vst v5  }
0x26c: {  	(v2sf) =	vpush v4, $0x2;
	[tilespmem:s25+$0xFFFFFE20] =	vst v9;
	v5 =	vld [tilespmem:s31+$0x30]  }
0x26d: {  	v9 =	vld [tilespmem:s17+$0x30];
	[tilespmem:s23+$0xD0] =	vst v10  }
0x26e: {  	v10 =	vld [tilespmem:s19+$0x60];
	[tilespmem:s29+$0x380] =	vst v8  }
0x26f: {  	[tilespmem:s28+$0xFFFFFCD0] =	vst v11;
	v8 =	vld [tilespmem:s2+$0x10]  }
0x270: {  	v11 =	vld [tilespmem:s13+$0x60];
	[tilespmem:s24+$0xFFFFFF80] =	vst v7  }
0x271: {  	v7 =	vld [tilespmem:s7+$0x10];
	[tilespmem:s26+$0x230] =	vst v5  }
0x272: {  	[tilespmem:s25+$0xFFFFFE30] =	vst v9;
	v5 =	vld [tilespmem:s31+$0x40]  }
0x273: {  	v9 =	vld [tilespmem:s17+$0x40];
	[tilespmem:s23+$0xE0] =	vst v10  }
0x274: {  	v10 =	vld [tilespmem:s19+$0x70];
	[tilespmem:s29+$0x390] =	vst v8  }
0x275: {  	[tilespmem:s28+$0xFFFFFCE0] =	vst v11;
	v8 =	vld [tilespmem:s2+$0x20]  }
0x276: {  	v11 =	vld [tilespmem:s13+$0x70];
	[tilespmem:s24+$0xFFFFFF90] =	vst v7  }
0x277: {  	v7 =	vld [tilespmem:s7+$0x20];
	[tilespmem:s26+$0x240] =	vst v5  }
0x278: {  	[tilespmem:s25+$0xFFFFFE40] =	vst v9;
	v5 =	vld [tilespmem:s31+$0x50]  }
0x279: {  	s0 =	spop (v2sf);
	v9 =	vld [tilespmem:s17+$0x50];
	[tilespmem:s23+$0xF0] =	vst v10  }
0x27a: {  	(v2sf) =	vpush v3, $0xD;
	v10 =	vld [tilespmem:s0+$0x0];
	[tilespmem:s29+$0x3A0] =	vst v8  }
0x27b: {  	s1 =	spop (v2sf);
	(v2sf) =	vpush v2, $0x5;
	[tilespmem:s28+$0xFFFFFCF0] =	vst v11;
	v8 =	vld [tilespmem:s2+$0x30]  }
0x27c: {  	v11 =	vld [tilespmem:s1+$0x0];
	[tilespmem:s24+$0xFFFFFFA0] =	vst v7  }
0x27d: {  	v7 =	vld [tilespmem:s7+$0x30];
	[tilespmem:s26+$0x250] =	vst v5  }
0x27e: {  	[tilespmem:s25+$0xFFFFFE50] =	vst v9;
	v5 =	vld [tilespmem:s31+$0x60]  }
0x27f: {  	v9 =	vld [tilespmem:s17+$0x60];
	[tilespmem:s23+$0x100] =	vst v10  }
0x280: {  	v63 =	vld [tilespmem:s0+$0x10];
	[tilespmem:s29+$0x3B0] =	vst v8  }
0x281: {  	[tilespmem:s28+$0xFFFFFD00] =	vst v11;
	v11 =	vld [tilespmem:s2+$0x40]  }
0x282: {  	v13 =	vld [tilespmem:s1+$0x10];
	[tilespmem:s24+$0xFFFFFFB0] =	vst v7  }
0x283: {  	v8 =	vld [tilespmem:s7+$0x40];
	[tilespmem:s26+$0x260] =	vst v5  }
0x284: {  	[tilespmem:s25+$0xFFFFFE60] =	vst v9;
	v10 =	vld [tilespmem:s31+$0x70]  }
0x285: {  	v9 =	vld [tilespmem:s17+$0x70];
	[tilespmem:s23+$0x110] =	vst v63  }
0x286: {  	v5 =	vld [tilespmem:s0+$0x20];
	[tilespmem:s29+$0x3C0] =	vst v11  }
0x287: {  	s30 =	simm.s32 $0x1C0;
	[tilespmem:s28+$0xFFFFFD10] =	vst v13;
	v7 =	vld [tilespmem:s2+$0x50]  }
.LBB2_3:
0x288: {  	p0 =	sne.s32 s30, $0x600;
	v11 =	vld [tilespmem:s1+$0x20];
	[tilespmem:s24+$0xFFFFFFC0] =	vst v8  }
0x289: {  	v8 =	vld [tilespmem:s7+$0x50];
	[tilespmem:s26+$0x270] =	vst v10;
	s10 =	spop (v2sf)  }
0x28a: {  	[tilespmem:s25+$0xFFFFFE70] =	vst v9;
	s9 =	spop (v2sf);
	v9 =	vld [tilespmem:s10+$0x0]  }
0x28b: {  	v6 =	vshll.u32 v6, $0x9;
	v10 =	vld [tilespmem:s9+$0x0];
	(v2sf) =	vpush v0, $0x8;
	[tilespmem:s23+$0x120] =	vst v5  }
0x28c: {  	v5 =	vshra.s32 v6, $0x2;
	v6 =	vld [tilespmem:s0+$0x30];
	[tilespmem:s29+$0x3D0] =	vst v7  }
0x28d: {  	(v2sf) =	vpush v5, $0x0;
	[tilespmem:s28+$0xFFFFFD20] =	vst v11;
	v7 =	vld [tilespmem:s2+$0x60]  }
0x28e: {  	v11 =	vld [tilespmem:s1+$0x30];
	[tilespmem:s24+$0xFFFFFFD0] =	vst v8  }
0x28f: {  	v8 =	vld [tilespmem:s7+$0x60];
	[tilespmem:s26+$0x280] =	vst v9  }
0x290: {  	[tilespmem:s25+$0xFFFFFE80] =	vst v10;
	v9 =	vld [tilespmem:s10+$0x10]  }
0x291: {  	v10 =	vld [tilespmem:s9+$0x10];
	[tilespmem:s23+$0x130] =	vst v6  }
0x292: {  	v12 =	vld [tilespmem:s0+$0x40];
	[tilespmem:s29+$0x3E0] =	vst v7  }
0x293: {  	[tilespmem:s28+$0xFFFFFD30] =	vst v11;
	v7 =	vld [tilespmem:s2+$0x70]  }
0x294: {  	v11 =	vld [tilespmem:s1+$0x40];
	[tilespmem:s24+$0xFFFFFFE0] =	vst v8  }
0x295: {  	v8 =	vld [tilespmem:s7+$0x70];
	[tilespmem:s26+$0x290] =	vst v9  }
0x296: {  	s2 =	sshra.s32 s30, $0x2;
	[tilespmem:s25+$0xFFFFFE90] =	vst v10;
	v9 =	vld [tilespmem:s10+$0x20]  }
0x297: {  	v6 =	vld [tilespmem:s2+$0x1000];
	[tilespmem:s23+$0x140] =	vst v12  }
0x298: {  	v10 =	vld [tilespmem:s9+$0x20];
	[tilespmem:s29+$0x3F0] =	vst v7;
	s29 =	smov.u32 s26;
	s26 =	smov.u32 s23;
	s23 =	smov.u32 s24  }
0x299: {  	s24 =	smov.u32 s25;
	s25 =	smov.u32 s28;
	[tilespmem:s28+$0xFFFFFD40] =	vst v11;
	v7 =	vld [tilespmem:s0+$0x50]  }
0x29a: {  	v11 =	vld [tilespmem:s1+$0x50];
	[tilespmem:s23+$0xFFFFFFF0] =	vst v8;
	s17 =	spop (v2sf)  }
0x29b: {  	v8 =	vld [tilespmem:s17+$0x0];
	(v2sf) =	vpush v1, $0xB;
	[tilespmem:s29+$0x2A0] =	vst v9  }
0x29c: {  	s11 =	spop (v2sf);
	(v2sf) =	vpush v4, $0x3;
	v9 =	vld [tilespmem:s10+$0x30]  }
0x29d: {  	v12 =	vld [tilespmem:s11+$0x0];
	[tilespmem:s24+$0xFFFFFEA0] =	vst v10  }
0x29e: {  	v10 =	vld [tilespmem:s9+$0x30];
	[tilespmem:s26+$0x150] =	vst v7  }
0x29f: {  	[tilespmem:s28+$0xFFFFFD50] =	vst v11;
	v7 =	vld [tilespmem:s0+$0x60]  }
0x2a0: {  	v11 =	vld [tilespmem:s1+$0x60];
	[tilespmem:s23+$0x0] =	vst v8  }
0x2a1: {  	s28 =	sadd.s32 $0x800, s28;
	v8 =	vld [tilespmem:s17+$0x10];
	[tilespmem:s29+$0x2B0] =	vst v9  }
0x2a2: {  	[tilespmem:s28+$0xFFFFFC00] =	vst v12;
	v9 =	vld [tilespmem:s10+$0x40]  }
0x2a3: {  	v12 =	vld [tilespmem:s11+$0x10];
	[tilespmem:s24+$0xFFFFFEB0] =	vst v10  }
0x2a4: {  	v10 =	vld [tilespmem:s9+$0x40];
	[tilespmem:s26+$0x160] =	vst v7  }
0x2a5: {  	[tilespmem:s25+$0xFFFFFD60] =	vst v11;
	v7 =	vld [tilespmem:s0+$0x70]  }
0x2a6: {  	v11 =	vld [tilespmem:s1+$0x70];
	[tilespmem:s23+$0x10] =	vst v8  }
0x2a7: {  	v8 =	vld [tilespmem:s17+$0x20];
	[tilespmem:s29+$0x2C0] =	vst v9  }
0x2a8: {  	[tilespmem:s28+$0xFFFFFC10] =	vst v12;
	v9 =	vld [tilespmem:s10+$0x50]  }
0x2a9: {  	v12 =	vld [tilespmem:s11+$0x20];
	[tilespmem:s24+$0xFFFFFEC0] =	vst v10  }
0x2aa: {  	v10 =	vld [tilespmem:s9+$0x50];
	[tilespmem:s26+$0x170] =	vst v7;
	s7 =	spop (v2sf);
	(v2sf) =	vpush v3, $0xE  }
0x2ab: {  	[tilespmem:s25+$0xFFFFFD70] =	vst v11;
	s19 =	spop (v2sf);
	v7 =	vld [tilespmem:s7+$0x0]  }
0x2ac: {  	v11 =	vld [tilespmem:s19+$0x0];
	(v2sf) =	vpush v2, $0x6;
	[tilespmem:s23+$0x20] =	vst v8  }
0x2ad: {  	v8 =	vld [tilespmem:s17+$0x30];
	[tilespmem:s29+$0x2D0] =	vst v9  }
0x2ae: {  	[tilespmem:s28+$0xFFFFFC20] =	vst v12;
	v9 =	vld [tilespmem:s10+$0x60]  }
0x2af: {  	v12 =	vld [tilespmem:s11+$0x30];
	[tilespmem:s24+$0xFFFFFED0] =	vst v10  }
0x2b0: {  	v10 =	vld [tilespmem:s9+$0x60];
	[tilespmem:s26+$0x180] =	vst v7  }
0x2b1: {  	[tilespmem:s25+$0xFFFFFD80] =	vst v11;
	v7 =	vld [tilespmem:s7+$0x10]  }
0x2b2: {  	v11 =	vld [tilespmem:s19+$0x10];
	[tilespmem:s23+$0x30] =	vst v8  }
0x2b3: {  	v8 =	vld [tilespmem:s17+$0x40];
	[tilespmem:s29+$0x2E0] =	vst v9  }
0x2b4: {  	[tilespmem:s28+$0xFFFFFC30] =	vst v12;
	v9 =	vld [tilespmem:s10+$0x70]  }
0x2b5: {  	v12 =	vld [tilespmem:s11+$0x40];
	[tilespmem:s24+$0xFFFFFEE0] =	vst v10  }
0x2b6: {  	v10 =	vld [tilespmem:s9+$0x70];
	[tilespmem:s26+$0x190] =	vst v7  }
0x2b7: {  	[tilespmem:s25+$0xFFFFFD90] =	vst v11;
	v7 =	vld [tilespmem:s7+$0x20]  }
0x2b8: {  	v11 =	vld [tilespmem:s19+$0x20];
	[tilespmem:s23+$0x40] =	vst v8  }
0x2b9: {  	v8 =	vld [tilespmem:s17+$0x50];
	[tilespmem:s29+$0x2F0] =	vst v9;
	s0 =	spop (v2sf)  }
0x2ba: {  	[tilespmem:s28+$0xFFFFFC40] =	vst v12;
	v9 =	vld [tilespmem:s0+$0x0]  }
0x2bb: {  	v12 =	vld [tilespmem:s11+$0x50];
	[tilespmem:s24+$0xFFFFFEF0] =	vst v10;
	s2 =	spop (v2sf);
	(v2sf) =	vpush v0, $0x9  }
0x2bc: {  	v10 =	vld [tilespmem:s2+$0x0];
	[tilespmem:s26+$0x1A0] =	vst v7  }
0x2bd: {  	(v2sf) =	vpush v5, $0x1;
	[tilespmem:s25+$0xFFFFFDA0] =	vst v11;
	v7 =	vld [tilespmem:s7+$0x30]  }
0x2be: {  	v11 =	vld [tilespmem:s19+$0x30];
	[tilespmem:s23+$0x50] =	vst v8  }
0x2bf: {  	v8 =	vld [tilespmem:s17+$0x60];
	[tilespmem:s29+$0x300] =	vst v9  }
0x2c0: {  	[tilespmem:s28+$0xFFFFFC50] =	vst v12;
	v9 =	vld [tilespmem:s0+$0x10]  }
0x2c1: {  	v12 =	vld [tilespmem:s11+$0x60];
	[tilespmem:s24+$0xFFFFFF00] =	vst v10  }
0x2c2: {  	v10 =	vld [tilespmem:s2+$0x10];
	[tilespmem:s26+$0x1B0] =	vst v7  }
0x2c3: {  	[tilespmem:s25+$0xFFFFFDB0] =	vst v11;
	v7 =	vld [tilespmem:s7+$0x40]  }
0x2c4: {  	v11 =	vld [tilespmem:s19+$0x40];
	[tilespmem:s23+$0x60] =	vst v8  }
0x2c5: {  	v8 =	vld [tilespmem:s17+$0x70];
	[tilespmem:s29+$0x310] =	vst v9  }
0x2c6: {  	[tilespmem:s28+$0xFFFFFC60] =	vst v12;
	v9 =	vld [tilespmem:s0+$0x20]  }
0x2c7: {  	v12 =	vld [tilespmem:s11+$0x70];
	[tilespmem:s24+$0xFFFFFF10] =	vst v10  }
0x2c8: {  	v10 =	vld [tilespmem:s2+$0x20];
	[tilespmem:s26+$0x1C0] =	vst v7  }
0x2c9: {  	[tilespmem:s25+$0xFFFFFDC0] =	vst v11;
	v7 =	vld [tilespmem:s7+$0x50]  }
0x2ca: {  	v11 =	vld [tilespmem:s19+$0x50];
	[tilespmem:s23+$0x70] =	vst v8;
	s1 =	spop (v2sf)  }
0x2cb: {  	v8 =	vld [tilespmem:s1+$0x0];
	(v2sf) =	vpush v1, $0xC;
	[tilespmem:s29+$0x320] =	vst v9  }
0x2cc: {  	[tilespmem:s28+$0xFFFFFC70] =	vst v12;
	s10 =	spop (v2sf);
	(v2sf) =	vpush v4, $0x4;
	v9 =	vld [tilespmem:s0+$0x30]  }
0x2cd: {  	v12 =	vld [tilespmem:s10+$0x0];
	[tilespmem:s24+$0xFFFFFF20] =	vst v10  }
0x2ce: {  	v10 =	vld [tilespmem:s2+$0x30];
	[tilespmem:s26+$0x1D0] =	vst v7  }
0x2cf: {  	[tilespmem:s25+$0xFFFFFDD0] =	vst v11;
	v7 =	vld [tilespmem:s7+$0x60]  }
0x2d0: {  	v11 =	vld [tilespmem:s19+$0x60];
	[tilespmem:s23+$0x80] =	vst v8  }
0x2d1: {  	v8 =	vld [tilespmem:s1+$0x10];
	[tilespmem:s29+$0x330] =	vst v9  }
0x2d2: {  	[tilespmem:s28+$0xFFFFFC80] =	vst v12;
	v9 =	vld [tilespmem:s0+$0x40]  }
0x2d3: {  	v12 =	vld [tilespmem:s10+$0x10];
	[tilespmem:s24+$0xFFFFFF30] =	vst v10  }
0x2d4: {  	v10 =	vld [tilespmem:s2+$0x40];
	[tilespmem:s26+$0x1E0] =	vst v7  }
0x2d5: {  	[tilespmem:s25+$0xFFFFFDE0] =	vst v11;
	v7 =	vld [tilespmem:s7+$0x70]  }
0x2d6: {  	v11 =	vld [tilespmem:s19+$0x70];
	[tilespmem:s23+$0x90] =	vst v8  }
0x2d7: {  	v8 =	vld [tilespmem:s1+$0x20];
	[tilespmem:s29+$0x340] =	vst v9  }
0x2d8: {  	[tilespmem:s28+$0xFFFFFC90] =	vst v12;
	v9 =	vld [tilespmem:s0+$0x50]  }
0x2d9: {  	v12 =	vld [tilespmem:s10+$0x20];
	[tilespmem:s24+$0xFFFFFF40] =	vst v10  }
0x2da: {  	v10 =	vld [tilespmem:s2+$0x50];
	[tilespmem:s26+$0x1F0] =	vst v7;
	s9 =	spop (v2sf);
	(v2sf) =	vpush v3, $0xF;
	v3 =	vmovc v1;
	v1 =	vmovc v0;
	v0 =	vmov v2;
	v2 =	vmov v4  }
0x2db: {  	v4 =	vmov v5;
	[tilespmem:s25+$0xFFFFFDF0] =	vst v11;
	s11 =	spop (v2sf);
	v7 =	vld [tilespmem:s9+$0x0]  }
0x2dc: {  	v5 =	vld [tilespmem:s11+$0x0];
	(v2sf) =	vpush v0, $0x7;
	[tilespmem:s23+$0xA0] =	vst v8  }
0x2dd: {  	v8 =	vld [tilespmem:s1+$0x30];
	[tilespmem:s29+$0x350] =	vst v9  }
0x2de: {  	[tilespmem:s28+$0xFFFFFCA0] =	vst v12;
	v9 =	vld [tilespmem:s0+$0x60]  }
0x2df: {  	v11 =	vld [tilespmem:s10+$0x30];
	[tilespmem:s24+$0xFFFFFF50] =	vst v10  }
0x2e0: {  	v10 =	vld [tilespmem:s2+$0x60];
	[tilespmem:s26+$0x200] =	vst v7  }
0x2e1: {  	[tilespmem:s25+$0xFFFFFE00] =	vst v5;
	v5 =	vld [tilespmem:s9+$0x10]  }
0x2e2: {  	v7 =	vld [tilespmem:s11+$0x10];
	[tilespmem:s23+$0xB0] =	vst v8  }
0x2e3: {  	v8 =	vld [tilespmem:s1+$0x40];
	[tilespmem:s29+$0x360] =	vst v9  }
0x2e4: {  	[tilespmem:s28+$0xFFFFFCB0] =	vst v11;
	v9 =	vld [tilespmem:s0+$0x70]  }
0x2e5: {  	v11 =	vld [tilespmem:s10+$0x40];
	[tilespmem:s24+$0xFFFFFF60] =	vst v10  }
0x2e6: {  	v10 =	vld [tilespmem:s2+$0x70];
	[tilespmem:s26+$0x210] =	vst v5  }
0x2e7: {  	[tilespmem:s25+$0xFFFFFE10] =	vst v7;
	v5 =	vld [tilespmem:s9+$0x20]  }
0x2e8: {  	v7 =	vld [tilespmem:s11+$0x20];
	[tilespmem:s23+$0xC0] =	vst v8  }
0x2e9: {  	v8 =	vld [tilespmem:s1+$0x50];
	[tilespmem:s29+$0x370] =	vst v9;
	s2 =	spop (v2sf)  }
0x2ea: {  	[tilespmem:s28+$0xFFFFFCC0] =	vst v11;
	v9 =	vld [tilespmem:s2+$0x0]  }
0x2eb: {  	v11 =	vld [tilespmem:s10+$0x50];
	[tilespmem:s24+$0xFFFFFF70] =	vst v10;
	s7 =	spop (v2sf);
	(v2sf) =	vpush v1, $0xA  }
0x2ec: {  	v10 =	vld [tilespmem:s7+$0x0];
	[tilespmem:s26+$0x220] =	vst v5  }
0x2ed: {  	(v2sf) =	vpush v4, $0x2;
	[tilespmem:s25+$0xFFFFFE20] =	vst v7;
	v5 =	vld [tilespmem:s9+$0x30]  }
0x2ee: {  	v7 =	vld [tilespmem:s11+$0x30];
	[tilespmem:s23+$0xD0] =	vst v8  }
0x2ef: {  	v8 =	vld [tilespmem:s1+$0x60];
	[tilespmem:s29+$0x380] =	vst v9  }
0x2f0: {  	[tilespmem:s28+$0xFFFFFCD0] =	vst v11;
	v9 =	vld [tilespmem:s2+$0x10]  }
0x2f1: {  	v11 =	vld [tilespmem:s10+$0x60];
	[tilespmem:s24+$0xFFFFFF80] =	vst v10  }
0x2f2: {  	v10 =	vld [tilespmem:s7+$0x10];
	[tilespmem:s26+$0x230] =	vst v5  }
0x2f3: {  	[tilespmem:s25+$0xFFFFFE30] =	vst v7;
	v5 =	vld [tilespmem:s9+$0x40]  }
0x2f4: {  	v7 =	vld [tilespmem:s11+$0x40];
	[tilespmem:s23+$0xE0] =	vst v8  }
0x2f5: {  	v8 =	vld [tilespmem:s1+$0x70];
	[tilespmem:s29+$0x390] =	vst v9  }
0x2f6: {  	[tilespmem:s28+$0xFFFFFCE0] =	vst v11;
	v9 =	vld [tilespmem:s2+$0x20]  }
0x2f7: {  	v11 =	vld [tilespmem:s10+$0x70];
	[tilespmem:s24+$0xFFFFFF90] =	vst v10  }
0x2f8: {  	v10 =	vld [tilespmem:s7+$0x20];
	[tilespmem:s26+$0x240] =	vst v5  }
0x2f9: {  	[tilespmem:s25+$0xFFFFFE40] =	vst v7;
	v5 =	vld [tilespmem:s9+$0x50]  }
0x2fa: {  	v7 =	vld [tilespmem:s11+$0x50];
	[tilespmem:s23+$0xF0] =	vst v8;
	s0 =	spop (v2sf)  }
0x2fb: {  	v8 =	vld [tilespmem:s0+$0x0];
	(v2sf) =	vpush v3, $0xD;
	[tilespmem:s29+$0x3A0] =	vst v9  }
0x2fc: {  	[tilespmem:s28+$0xFFFFFCF0] =	vst v11;
	s1 =	spop (v2sf);
	(v2sf) =	vpush v2, $0x5;
	v9 =	vld [tilespmem:s2+$0x30]  }
0x2fd: {  	v11 =	vld [tilespmem:s1+$0x0];
	[tilespmem:s24+$0xFFFFFFA0] =	vst v10  }
0x2fe: {  	v10 =	vld [tilespmem:s7+$0x30];
	[tilespmem:s26+$0x250] =	vst v5  }
0x2ff: {  	[tilespmem:s25+$0xFFFFFE50] =	vst v7;
	v5 =	vld [tilespmem:s9+$0x60]  }
0x300: {  	v7 =	vld [tilespmem:s11+$0x60];
	[tilespmem:s23+$0x100] =	vst v8  }
0x301: {  	v12 =	vld [tilespmem:s0+$0x10];
	[tilespmem:s29+$0x3B0] =	vst v9  }
0x302: {  	[tilespmem:s28+$0xFFFFFD00] =	vst v11;
	v11 =	vld [tilespmem:s2+$0x40]  }
0x303: {  	v13 =	vld [tilespmem:s1+$0x10];
	[tilespmem:s24+$0xFFFFFFB0] =	vst v10  }
.Ltmp0:
0x304: {  	v8 =	vld [tilespmem:s7+$0x40];
	[tilespmem:s26+$0x260] =	vst v5;
	(pc) =	sbr.rel @p0 .LBB2_3-.Ltmp0, $4  }
0x305: {  	[tilespmem:s25+$0xFFFFFE60] =	vst v7;
	v10 =	vld [tilespmem:s9+$0x70]  }
0x306: {  	v9 =	vld [tilespmem:s11+$0x70];
	[tilespmem:s23+$0x110] =	vst v12  }
0x307: {  	v5 =	vld [tilespmem:s0+$0x20];
	[tilespmem:s29+$0x3C0] =	vst v11  }
0x308: {  	s30 =	sadd.s32 $0x40, s30;
	[tilespmem:s28+$0xFFFFFD10] =	vst v13;
	v7 =	vld [tilespmem:s2+$0x50]  }
0x309: {  	[tilespmem:s24+$0xFFFFFFC0] =	vst v8  }
0x30a: {  	v11 =	vld [tilespmem:s1+$0x20];
	[tilespmem:s26+$0x270] =	vst v10  }
0x30b: {  	v6 =	vshll.u32 v6, $0x9;
	v8 =	vld [tilespmem:s7+$0x50];
	s30 =	spop (v2sf);
	[tilespmem:s25+$0xFFFFFE70] =	vst v9  }
0x30c: {  	(v2sf) =	vpush v0, $0x8;
	s9 =	spop (v2sf);
	v9 =	vld [tilespmem:s30+$0x0];
	[tilespmem:s23+$0x120] =	vst v5;
	v5 =	vshra.s32 v6, $0x2  }
0x30d: {  	v10 =	vld [tilespmem:s9+$0x0];
	(v2sf) =	vpush v5, $0x0  }
0x30e: {  	v6 =	vld [tilespmem:s0+$0x30];
	[tilespmem:s29+$0x3D0] =	vst v7  }
0x30f: {  	[tilespmem:s28+$0xFFFFFD20] =	vst v11;
	v7 =	vld [tilespmem:s2+$0x60]  }
0x310: {  	v11 =	vld [tilespmem:s1+$0x30];
	[tilespmem:s24+$0xFFFFFFD0] =	vst v8  }
0x311: {  	v8 =	vld [tilespmem:s7+$0x60];
	[tilespmem:s26+$0x280] =	vst v9  }
0x312: {  	[tilespmem:s25+$0xFFFFFE80] =	vst v10;
	v9 =	vld [tilespmem:s30+$0x10]  }
0x313: {  	v10 =	vld [tilespmem:s9+$0x10];
	[tilespmem:s23+$0x130] =	vst v6  }
0x314: {  	v6 =	vld [tilespmem:s0+$0x40];
	[tilespmem:s29+$0x3E0] =	vst v7  }
0x315: {  	[tilespmem:s28+$0xFFFFFD30] =	vst v11;
	v7 =	vld [tilespmem:s2+$0x70]  }
0x316: {  	v11 =	vld [tilespmem:s1+$0x40];
	[tilespmem:s24+$0xFFFFFFE0] =	vst v8  }
0x317: {  	v8 =	vld [tilespmem:s7+$0x70];
	[tilespmem:s26+$0x290] =	vst v9  }
0x318: {  	[tilespmem:s25+$0xFFFFFE90] =	vst v10;
	v9 =	vld [tilespmem:s30+$0x20]  }
0x319: {  	[tilespmem:s23+$0x140] =	vst v6  }
0x31a: {  	v10 =	vld [tilespmem:s9+$0x20];
	[tilespmem:s29+$0x3F0] =	vst v7  }
0x31b: {  	s14 =	spop (v2sf);
	v7 =	vld [tilespmem:s0+$0x50];
	[tilespmem:s28+$0xFFFFFD40] =	vst v11  }
0x31c: {  	v11 =	vld [tilespmem:s1+$0x50];
	[tilespmem:s24+$0xFFFFFFF0] =	vst v8;
	s17 =	spop (v2sf)  }
0x31d: {  	(v2sf) =	vpush v1, $0xB;
	[tilespmem:s26+$0x2A0] =	vst v9;
	v9 =	vld [tilespmem:s17+$0x0]  }
0x31e: {  	v8 =	vld [tilespmem:s14+$0x0];
	(v2sf) =	vpush v4, $0x3  }
0x31f: {  	[tilespmem:s25+$0xFFFFFEA0] =	vst v10  }
0x320: {  	v10 =	vld [tilespmem:s9+$0x30];
	[tilespmem:s23+$0x150] =	vst v7  }
0x321: {  	s29 =	sadd.s32 $0x800, s28;
	v7 =	vld [tilespmem:s0+$0x60];
	[tilespmem:s28+$0xFFFFFD50] =	vst v11  }
0x322: {  	v11 =	vld [tilespmem:s1+$0x60];
	[tilespmem:s29+$0xFFFFFC00] =	vst v9  }
0x323: {  	[tilespmem:s24+$0x0] =	vst v8;
	v8 =	vld [tilespmem:s17+$0x10]  }
0x324: {  	v9 =	vld [tilespmem:s14+$0x10]  }
0x325: {  	[tilespmem:s25+$0xFFFFFEB0] =	vst v10  }
0x326: {  	v10 =	vld [tilespmem:s9+$0x40];
	[tilespmem:s23+$0x160] =	vst v7  }
0x327: {  	v7 =	vld [tilespmem:s0+$0x70];
	[tilespmem:s28+$0xFFFFFD60] =	vst v11  }
0x328: {  	v11 =	vld [tilespmem:s1+$0x70];
	[tilespmem:s29+$0xFFFFFC10] =	vst v8  }
0x329: {  	[tilespmem:s24+$0x10] =	vst v9;
	v8 =	vld [tilespmem:s17+$0x20]  }
0x32a: {  	v9 =	vld [tilespmem:s14+$0x20]  }
0x32b: {  	[tilespmem:s25+$0xFFFFFEC0] =	vst v10  }
0x32c: {  	s19 =	spop (v2sf);
	v10 =	vld [tilespmem:s9+$0x50];
	[tilespmem:s23+$0x170] =	vst v7  }
0x32d: {  	(v2sf) =	vpush v3, $0xE;
	v7 =	vld [tilespmem:s19+$0x0];
	s11 =	spop (v2sf);
	[tilespmem:s28+$0xFFFFFD70] =	vst v11  }
0x32e: {  	(v2sf) =	vpush v2, $0x6;
	v11 =	vld [tilespmem:s11+$0x0];
	[tilespmem:s29+$0xFFFFFC20] =	vst v8  }
0x32f: {  	[tilespmem:s24+$0x20] =	vst v9;
	v8 =	vld [tilespmem:s17+$0x30]  }
0x330: {  	v9 =	vld [tilespmem:s14+$0x30]  }
0x331: {  	[tilespmem:s25+$0xFFFFFED0] =	vst v10  }
0x332: {  	v10 =	vld [tilespmem:s9+$0x60];
	[tilespmem:s23+$0x180] =	vst v7  }
0x333: {  	v7 =	vld [tilespmem:s19+$0x10];
	[tilespmem:s28+$0xFFFFFD80] =	vst v11  }
0x334: {  	v11 =	vld [tilespmem:s11+$0x10];
	[tilespmem:s29+$0xFFFFFC30] =	vst v8  }
0x335: {  	[tilespmem:s24+$0x30] =	vst v9;
	v8 =	vld [tilespmem:s17+$0x40]  }
0x336: {  	v9 =	vld [tilespmem:s14+$0x40]  }
0x337: {  	[tilespmem:s25+$0xFFFFFEE0] =	vst v10  }
0x338: {  	v10 =	vld [tilespmem:s9+$0x70];
	[tilespmem:s23+$0x190] =	vst v7  }
0x339: {  	v7 =	vld [tilespmem:s19+$0x20];
	[tilespmem:s28+$0xFFFFFD90] =	vst v11  }
0x33a: {  	v11 =	vld [tilespmem:s11+$0x20];
	[tilespmem:s29+$0xFFFFFC40] =	vst v8  }
0x33b: {  	[tilespmem:s24+$0x40] =	vst v9;
	v8 =	vld [tilespmem:s17+$0x50]  }
0x33c: {  	s1 =	spop (v2sf);
	(v2sf) =	vpush v0, $0x9;
	v9 =	vld [tilespmem:s14+$0x50]  }
0x33d: {  	s31 =	spop (v2sf);
	(v2sf) =	vpush v5, $0x1;
	[tilespmem:s25+$0xFFFFFEF0] =	vst v10  }
0x33e: {  	v10 =	vld [tilespmem:s31+$0x0];
	[tilespmem:s23+$0x1A0] =	vst v7  }
0x33f: {  	v7 =	vld [tilespmem:s19+$0x30];
	[tilespmem:s28+$0xFFFFFDA0] =	vst v11  }
0x340: {  	v11 =	vld [tilespmem:s11+$0x30];
	[tilespmem:s29+$0xFFFFFC50] =	vst v8  }
0x341: {  	[tilespmem:s24+$0x50] =	vst v9;
	v8 =	vld [tilespmem:s17+$0x60]  }
0x342: {  	v9 =	vld [tilespmem:s14+$0x60]  }
0x343: {  	[tilespmem:s25+$0xFFFFFF00] =	vst v10  }
0x344: {  	v10 =	vld [tilespmem:s31+$0x10];
	[tilespmem:s23+$0x1B0] =	vst v7  }
0x345: {  	v7 =	vld [tilespmem:s19+$0x40];
	[tilespmem:s28+$0xFFFFFDB0] =	vst v11  }
0x346: {  	v11 =	vld [tilespmem:s11+$0x40];
	[tilespmem:s29+$0xFFFFFC60] =	vst v8  }
0x347: {  	[tilespmem:s24+$0x60] =	vst v9;
	v8 =	vld [tilespmem:s17+$0x70]  }
0x348: {  	v9 =	vld [tilespmem:s14+$0x70]  }
0x349: {  	[tilespmem:s25+$0xFFFFFF10] =	vst v10  }
0x34a: {  	v10 =	vld [tilespmem:s31+$0x20];
	[tilespmem:s23+$0x1C0] =	vst v7  }
0x34b: {  	s7 =	spop (v2sf);
	v7 =	vld [tilespmem:s19+$0x50];
	[tilespmem:s28+$0xFFFFFDC0] =	vst v11  }
0x34c: {  	s10 =	spop (v2sf);
	v11 =	vld [tilespmem:s11+$0x50];
	[tilespmem:s29+$0xFFFFFC70] =	vst v8  }
0x34d: {  	(v2sf) =	vpush v1, $0xC;
	[tilespmem:s24+$0x70] =	vst v9;
	v8 =	vld [tilespmem:s10+$0x0]  }
0x34e: {  	(v2sf) =	vpush v4, $0x4;
	v9 =	vld [tilespmem:s7+$0x0]  }
0x34f: {  	[tilespmem:s25+$0xFFFFFF20] =	vst v10  }
0x350: {  	v10 =	vld [tilespmem:s31+$0x30];
	[tilespmem:s23+$0x1D0] =	vst v7  }
0x351: {  	v7 =	vld [tilespmem:s19+$0x60];
	[tilespmem:s28+$0xFFFFFDD0] =	vst v11  }
0x352: {  	v11 =	vld [tilespmem:s11+$0x60];
	[tilespmem:s29+$0xFFFFFC80] =	vst v8  }
0x353: {  	[tilespmem:s24+$0x80] =	vst v9;
	v8 =	vld [tilespmem:s10+$0x10]  }
0x354: {  	v9 =	vld [tilespmem:s7+$0x10]  }
0x355: {  	[tilespmem:s25+$0xFFFFFF30] =	vst v10  }
0x356: {  	v10 =	vld [tilespmem:s31+$0x40];
	[tilespmem:s23+$0x1E0] =	vst v7  }
0x357: {  	v7 =	vld [tilespmem:s19+$0x70];
	[tilespmem:s28+$0xFFFFFDE0] =	vst v11  }
0x358: {  	v11 =	vld [tilespmem:s11+$0x70];
	[tilespmem:s29+$0xFFFFFC90] =	vst v8  }
0x359: {  	[tilespmem:s24+$0x90] =	vst v9;
	v8 =	vld [tilespmem:s10+$0x20]  }
0x35a: {  	v9 =	vld [tilespmem:s7+$0x20]  }
0x35b: {  	[tilespmem:s25+$0xFFFFFF40] =	vst v10  }
0x35c: {  	s13 =	spop (v2sf);
	v10 =	vld [tilespmem:s31+$0x50];
	[tilespmem:s23+$0x1F0] =	vst v7  }
0x35d: {  	(v2sf) =	vpush v3, $0xF;
	s14 =	spop (v2sf);
	v3 =	vld [tilespmem:s13+$0x0];
	[tilespmem:s28+$0xFFFFFDF0] =	vst v11  }
0x35e: {  	(v2sf) =	vpush v2, $0x7;
	v7 =	vld [tilespmem:s14+$0x0];
	[tilespmem:s29+$0xFFFFFCA0] =	vst v8  }
0x35f: {  	[tilespmem:s24+$0xA0] =	vst v9;
	v8 =	vld [tilespmem:s10+$0x30]  }
0x360: {  	v9 =	vld [tilespmem:s7+$0x30]  }
0x361: {  	[tilespmem:s25+$0xFFFFFF50] =	vst v10  }
0x362: {  	v10 =	vld [tilespmem:s31+$0x60];
	[tilespmem:s23+$0x200] =	vst v3  }
0x363: {  	v3 =	vld [tilespmem:s13+$0x10];
	[tilespmem:s28+$0xFFFFFE00] =	vst v7  }
0x364: {  	v7 =	vld [tilespmem:s14+$0x10];
	[tilespmem:s29+$0xFFFFFCB0] =	vst v8  }
0x365: {  	[tilespmem:s24+$0xB0] =	vst v9;
	v8 =	vld [tilespmem:s10+$0x40]  }
0x366: {  	v9 =	vld [tilespmem:s7+$0x40]  }
0x367: {  	[tilespmem:s25+$0xFFFFFF60] =	vst v10  }
0x368: {  	v10 =	vld [tilespmem:s31+$0x70];
	[tilespmem:s23+$0x210] =	vst v3  }
0x369: {  	v3 =	vld [tilespmem:s13+$0x20];
	[tilespmem:s28+$0xFFFFFE10] =	vst v7  }
0x36a: {  	v7 =	vld [tilespmem:s14+$0x20];
	[tilespmem:s29+$0xFFFFFCC0] =	vst v8  }
0x36b: {  	[tilespmem:s24+$0xC0] =	vst v9;
	v8 =	vld [tilespmem:s10+$0x50]  }
0x36c: {  	s0 =	spop (v2sf);
	(v2sf) =	vpush v0, $0xA;
	v9 =	vld [tilespmem:s7+$0x50]  }
0x36d: {  	s17 =	spop (v2sf);
	(v2sf) =	vpush v5, $0x2;
	[tilespmem:s25+$0xFFFFFF70] =	vst v10  }
0x36e: {  	v10 =	vld [tilespmem:s17+$0x0];
	[tilespmem:s23+$0x220] =	vst v3  }
0x36f: {  	v3 =	vld [tilespmem:s13+$0x30];
	[tilespmem:s28+$0xFFFFFE20] =	vst v7  }
0x370: {  	v7 =	vld [tilespmem:s14+$0x30];
	[tilespmem:s29+$0xFFFFFCD0] =	vst v8  }
0x371: {  	[tilespmem:s24+$0xD0] =	vst v9;
	v8 =	vld [tilespmem:s10+$0x60]  }
0x372: {  	v9 =	vld [tilespmem:s7+$0x60]  }
0x373: {  	[tilespmem:s25+$0xFFFFFF80] =	vst v10  }
0x374: {  	v10 =	vld [tilespmem:s17+$0x10];
	[tilespmem:s23+$0x230] =	vst v3  }
0x375: {  	v3 =	vld [tilespmem:s13+$0x40];
	[tilespmem:s28+$0xFFFFFE30] =	vst v7  }
0x376: {  	v7 =	vld [tilespmem:s14+$0x40];
	[tilespmem:s29+$0xFFFFFCE0] =	vst v8  }
0x377: {  	[tilespmem:s24+$0xE0] =	vst v9;
	v8 =	vld [tilespmem:s10+$0x70]  }
0x378: {  	v9 =	vld [tilespmem:s7+$0x70]  }
0x379: {  	[tilespmem:s25+$0xFFFFFF90] =	vst v10  }
0x37a: {  	v10 =	vld [tilespmem:s17+$0x20];
	[tilespmem:s23+$0x240] =	vst v3  }
0x37b: {  	s19 =	spop (v2sf);
	v3 =	vld [tilespmem:s13+$0x50];
	[tilespmem:s28+$0xFFFFFE40] =	vst v7  }
0x37c: {  	s31 =	spop (v2sf);
	v7 =	vld [tilespmem:s14+$0x50];
	[tilespmem:s29+$0xFFFFFCF0] =	vst v8  }
0x37d: {  	(v2sf) =	vpush v1, $0xD;
	[tilespmem:s24+$0xF0] =	vst v9;
	v8 =	vld [tilespmem:s31+$0x0]  }
0x37e: {  	(v2sf) =	vpush v4, $0x5;
	v9 =	vld [tilespmem:s19+$0x0]  }
0x37f: {  	[tilespmem:s25+$0xFFFFFFA0] =	vst v10  }
0x380: {  	v10 =	vld [tilespmem:s17+$0x30];
	[tilespmem:s23+$0x250] =	vst v3  }
0x381: {  	v3 =	vld [tilespmem:s13+$0x60];
	[tilespmem:s28+$0xFFFFFE50] =	vst v7  }
0x382: {  	v7 =	vld [tilespmem:s14+$0x60];
	[tilespmem:s29+$0xFFFFFD00] =	vst v8  }
0x383: {  	[tilespmem:s24+$0x100] =	vst v9;
	v8 =	vld [tilespmem:s31+$0x10]  }
0x384: {  	v9 =	vld [tilespmem:s19+$0x10]  }
0x385: {  	[tilespmem:s25+$0xFFFFFFB0] =	vst v10  }
0x386: {  	v10 =	vld [tilespmem:s17+$0x40];
	[tilespmem:s23+$0x260] =	vst v3  }
0x387: {  	v3 =	vld [tilespmem:s13+$0x70];
	[tilespmem:s28+$0xFFFFFE60] =	vst v7  }
0x388: {  	v7 =	vld [tilespmem:s14+$0x70];
	[tilespmem:s29+$0xFFFFFD10] =	vst v8  }
0x389: {  	[tilespmem:s24+$0x110] =	vst v9;
	v8 =	vld [tilespmem:s31+$0x20]  }
0x38a: {  	v9 =	vld [tilespmem:s19+$0x20]  }
0x38b: {  	[tilespmem:s25+$0xFFFFFFC0] =	vst v10  }
0x38c: {  	s11 =	spop (v2sf);
	v10 =	vld [tilespmem:s17+$0x50];
	[tilespmem:s23+$0x270] =	vst v3  }
0x38d: {  	s13 =	spop (v2sf);
	v3 =	vld [tilespmem:s11+$0x0];
	[tilespmem:s28+$0xFFFFFE70] =	vst v7  }
0x38e: {  	(v2sf) =	vpush v2, $0x8;
	v7 =	vld [tilespmem:s13+$0x0];
	[tilespmem:s29+$0xFFFFFD20] =	vst v8  }
0x38f: {  	[tilespmem:s24+$0x120] =	vst v9;
	v8 =	vld [tilespmem:s31+$0x30]  }
0x390: {  	v9 =	vld [tilespmem:s19+$0x30]  }
0x391: {  	[tilespmem:s25+$0xFFFFFFD0] =	vst v10  }
0x392: {  	v10 =	vld [tilespmem:s17+$0x60];
	[tilespmem:s23+$0x280] =	vst v3  }
0x393: {  	v3 =	vld [tilespmem:s11+$0x10];
	[tilespmem:s28+$0xFFFFFE80] =	vst v7  }
0x394: {  	v7 =	vld [tilespmem:s13+$0x10];
	[tilespmem:s29+$0xFFFFFD30] =	vst v8  }
0x395: {  	[tilespmem:s24+$0x130] =	vst v9;
	v8 =	vld [tilespmem:s31+$0x40]  }
0x396: {  	v9 =	vld [tilespmem:s19+$0x40]  }
0x397: {  	v6 =	vld [tilespmem:s30+$0x30];
	[tilespmem:s25+$0xFFFFFFE0] =	vst v10  }
0x398: {  	v10 =	vld [tilespmem:s17+$0x70];
	[tilespmem:s23+$0x290] =	vst v3  }
0x399: {  	v3 =	vld [tilespmem:s11+$0x20];
	[tilespmem:s28+$0xFFFFFE90] =	vst v7  }
0x39a: {  	v7 =	vld [tilespmem:s13+$0x20];
	[tilespmem:s29+$0xFFFFFD40] =	vst v8  }
0x39b: {  	[tilespmem:s24+$0x140] =	vst v9;
	v8 =	vld [tilespmem:s31+$0x50]  }
0x39c: {  	[tilespmem:s26+$0x2B0] =	vst v6;
	(v2sf) =	vpush v0, $0xB;
	v9 =	vld [tilespmem:s19+$0x50]  }
0x39d: {  	v6 =	vld [tilespmem:s30+$0x40];
	(v2sf) =	vpush v5, $0x3;
	s14 =	spop (v2sf);
	[tilespmem:s25+$0xFFFFFFF0] =	vst v10  }
0x39e: {  	v10 =	vld [tilespmem:s14+$0x0];
	[tilespmem:s23+$0x2A0] =	vst v3  }
0x39f: {  	v3 =	vld [tilespmem:s11+$0x30];
	[tilespmem:s28+$0xFFFFFEA0] =	vst v7  }
0x3a0: {  	v7 =	vld [tilespmem:s13+$0x30];
	[tilespmem:s29+$0xFFFFFD50] =	vst v8  }
0x3a1: {  	[tilespmem:s24+$0x150] =	vst v9;
	v8 =	vld [tilespmem:s31+$0x60]  }
0x3a2: {  	[tilespmem:s26+$0x2C0] =	vst v6;
	v9 =	vld [tilespmem:s19+$0x60]  }
0x3a3: {  	v6 =	vld [tilespmem:s30+$0x50];
	[tilespmem:s25+$0x0] =	vst v10  }
0x3a4: {  	v10 =	vld [tilespmem:s14+$0x10];
	[tilespmem:s23+$0x2B0] =	vst v3  }
0x3a5: {  	v3 =	vld [tilespmem:s11+$0x40];
	[tilespmem:s28+$0xFFFFFEB0] =	vst v7  }
0x3a6: {  	v7 =	vld [tilespmem:s13+$0x40];
	[tilespmem:s29+$0xFFFFFD60] =	vst v8  }
0x3a7: {  	[tilespmem:s24+$0x160] =	vst v9;
	v8 =	vld [tilespmem:s31+$0x70]  }
0x3a8: {  	[tilespmem:s26+$0x2D0] =	vst v6;
	v9 =	vld [tilespmem:s19+$0x70]  }
0x3a9: {  	v6 =	vld [tilespmem:s30+$0x60];
	[tilespmem:s25+$0x10] =	vst v10  }
0x3aa: {  	v10 =	vld [tilespmem:s14+$0x20];
	[tilespmem:s23+$0x2C0] =	vst v3  }
0x3ab: {  	s17 =	spop (v2sf);
	v3 =	vld [tilespmem:s11+$0x50];
	[tilespmem:s28+$0xFFFFFEC0] =	vst v7  }
0x3ac: {  	s19 =	spop (v2sf);
	v7 =	vld [tilespmem:s13+$0x50];
	[tilespmem:s29+$0xFFFFFD70] =	vst v8  }
0x3ad: {  	(v2sf) =	vpush v1, $0xE;
	[tilespmem:s24+$0x170] =	vst v9;
	v8 =	vld [tilespmem:s19+$0x0]  }
0x3ae: {  	[tilespmem:s26+$0x2E0] =	vst v6;
	(v2sf) =	vpush v4, $0x6;
	v9 =	vld [tilespmem:s17+$0x0]  }
0x3af: {  	v6 =	vld [tilespmem:s30+$0x70];
	[tilespmem:s25+$0x20] =	vst v10  }
0x3b0: {  	v10 =	vld [tilespmem:s14+$0x30];
	[tilespmem:s23+$0x2D0] =	vst v3  }
0x3b1: {  	v3 =	vld [tilespmem:s11+$0x60];
	[tilespmem:s28+$0xFFFFFED0] =	vst v7  }
0x3b2: {  	v7 =	vld [tilespmem:s13+$0x60];
	[tilespmem:s29+$0xFFFFFD80] =	vst v8  }
0x3b3: {  	[tilespmem:s24+$0x180] =	vst v9;
	v8 =	vld [tilespmem:s19+$0x10]  }
0x3b4: {  	[tilespmem:s26+$0x2F0] =	vst v6;
	v9 =	vld [tilespmem:s17+$0x10]  }
0x3b5: {  	v6 =	vld [tilespmem:s1+$0x0];
	[tilespmem:s25+$0x30] =	vst v10  }
0x3b6: {  	v10 =	vld [tilespmem:s14+$0x40];
	[tilespmem:s23+$0x2E0] =	vst v3  }
0x3b7: {  	v3 =	vld [tilespmem:s11+$0x70];
	[tilespmem:s28+$0xFFFFFEE0] =	vst v7  }
0x3b8: {  	v7 =	vld [tilespmem:s13+$0x70];
	[tilespmem:s29+$0xFFFFFD90] =	vst v8  }
0x3b9: {  	[tilespmem:s24+$0x190] =	vst v9;
	v8 =	vld [tilespmem:s19+$0x20]  }
0x3ba: {  	[tilespmem:s26+$0x300] =	vst v6;
	v9 =	vld [tilespmem:s17+$0x20]  }
0x3bb: {  	v6 =	vld [tilespmem:s1+$0x10];
	[tilespmem:s25+$0x40] =	vst v10  }
0x3bc: {  	s30 =	spop (v2sf);
	v10 =	vld [tilespmem:s14+$0x50];
	[tilespmem:s23+$0x2F0] =	vst v3  }
0x3bd: {  	s31 =	spop (v2sf);
	v3 =	vld [tilespmem:s30+$0x0];
	[tilespmem:s28+$0xFFFFFEF0] =	vst v7  }
0x3be: {  	(v2sf) =	vpush v2, $0x9;
	v7 =	vld [tilespmem:s31+$0x0];
	[tilespmem:s29+$0xFFFFFDA0] =	vst v8  }
0x3bf: {  	[tilespmem:s24+$0x1A0] =	vst v9;
	v8 =	vld [tilespmem:s19+$0x30]  }
0x3c0: {  	[tilespmem:s26+$0x310] =	vst v6;
	v9 =	vld [tilespmem:s17+$0x30]  }
0x3c1: {  	v6 =	vld [tilespmem:s1+$0x20];
	[tilespmem:s25+$0x50] =	vst v10  }
0x3c2: {  	v10 =	vld [tilespmem:s14+$0x60];
	[tilespmem:s23+$0x300] =	vst v3  }
0x3c3: {  	v3 =	vld [tilespmem:s30+$0x10];
	[tilespmem:s28+$0xFFFFFF00] =	vst v7  }
0x3c4: {  	v7 =	vld [tilespmem:s31+$0x10];
	[tilespmem:s29+$0xFFFFFDB0] =	vst v8  }
0x3c5: {  	[tilespmem:s24+$0x1B0] =	vst v9;
	v8 =	vld [tilespmem:s19+$0x40]  }
0x3c6: {  	[tilespmem:s26+$0x320] =	vst v6;
	v9 =	vld [tilespmem:s17+$0x40]  }
0x3c7: {  	v6 =	vld [tilespmem:s1+$0x30];
	[tilespmem:s25+$0x60] =	vst v10  }
0x3c8: {  	v10 =	vld [tilespmem:s14+$0x70];
	[tilespmem:s23+$0x310] =	vst v3  }
0x3c9: {  	v3 =	vld [tilespmem:s30+$0x20];
	[tilespmem:s28+$0xFFFFFF10] =	vst v7  }
0x3ca: {  	v7 =	vld [tilespmem:s31+$0x20];
	[tilespmem:s29+$0xFFFFFDC0] =	vst v8  }
0x3cb: {  	[tilespmem:s24+$0x1C0] =	vst v9;
	v8 =	vld [tilespmem:s19+$0x50]  }
0x3cc: {  	[tilespmem:s26+$0x330] =	vst v6;
	(v2sf) =	vpush v0, $0xC;
	v9 =	vld [tilespmem:s17+$0x50]  }
0x3cd: {  	v6 =	vld [tilespmem:s1+$0x40];
	(v2sf) =	vpush v5, $0x4;
	s13 =	spop (v2sf);
	[tilespmem:s25+$0x70] =	vst v10  }
0x3ce: {  	v10 =	vld [tilespmem:s13+$0x0];
	[tilespmem:s23+$0x320] =	vst v3  }
0x3cf: {  	v3 =	vld [tilespmem:s30+$0x30];
	[tilespmem:s28+$0xFFFFFF20] =	vst v7  }
0x3d0: {  	v7 =	vld [tilespmem:s31+$0x30];
	[tilespmem:s29+$0xFFFFFDD0] =	vst v8  }
0x3d1: {  	[tilespmem:s24+$0x1D0] =	vst v9;
	v8 =	vld [tilespmem:s19+$0x60]  }
0x3d2: {  	[tilespmem:s26+$0x340] =	vst v6;
	v9 =	vld [tilespmem:s17+$0x60]  }
0x3d3: {  	v6 =	vld [tilespmem:s1+$0x50];
	[tilespmem:s25+$0x80] =	vst v10  }
0x3d4: {  	v10 =	vld [tilespmem:s13+$0x10];
	[tilespmem:s23+$0x330] =	vst v3  }
0x3d5: {  	v3 =	vld [tilespmem:s30+$0x40];
	[tilespmem:s28+$0xFFFFFF30] =	vst v7  }
0x3d6: {  	v7 =	vld [tilespmem:s31+$0x40];
	[tilespmem:s29+$0xFFFFFDE0] =	vst v8  }
0x3d7: {  	[tilespmem:s24+$0x1E0] =	vst v9;
	v8 =	vld [tilespmem:s19+$0x70]  }
0x3d8: {  	[tilespmem:s26+$0x350] =	vst v6;
	v9 =	vld [tilespmem:s17+$0x70]  }
0x3d9: {  	v6 =	vld [tilespmem:s1+$0x60];
	[tilespmem:s25+$0x90] =	vst v10  }
0x3da: {  	v10 =	vld [tilespmem:s13+$0x20];
	[tilespmem:s23+$0x340] =	vst v3  }
0x3db: {  	s14 =	spop (v2sf);
	v3 =	vld [tilespmem:s30+$0x50];
	[tilespmem:s28+$0xFFFFFF40] =	vst v7  }
0x3dc: {  	s17 =	spop (v2sf);
	v7 =	vld [tilespmem:s31+$0x50];
	[tilespmem:s29+$0xFFFFFDF0] =	vst v8  }
0x3dd: {  	(v2sf) =	vpush v1, $0xF;
	[tilespmem:s24+$0x1F0] =	vst v9;
	v1 =	vld [tilespmem:s17+$0x0]  }
0x3de: {  	[tilespmem:s26+$0x360] =	vst v6;
	(v2sf) =	vpush v4, $0x7;
	v8 =	vld [tilespmem:s14+$0x0]  }
0x3df: {  	v6 =	vld [tilespmem:s1+$0x70];
	[tilespmem:s25+$0xA0] =	vst v10  }
0x3e0: {  	v9 =	vld [tilespmem:s13+$0x30];
	[tilespmem:s23+$0x350] =	vst v3  }
0x3e1: {  	v3 =	vld [tilespmem:s30+$0x60];
	[tilespmem:s28+$0xFFFFFF50] =	vst v7  }
0x3e2: {  	v7 =	vld [tilespmem:s31+$0x60];
	[tilespmem:s29+$0xFFFFFE00] =	vst v1  }
0x3e3: {  	[tilespmem:s24+$0x200] =	vst v8;
	v1 =	vld [tilespmem:s17+$0x10]  }
0x3e4: {  	[tilespmem:s26+$0x370] =	vst v6;
	v8 =	vld [tilespmem:s14+$0x10]  }
0x3e5: {  	v6 =	vld [tilespmem:s0+$0x0];
	[tilespmem:s25+$0xB0] =	vst v9  }
0x3e6: {  	v9 =	vld [tilespmem:s13+$0x40];
	[tilespmem:s23+$0x360] =	vst v3  }
0x3e7: {  	v3 =	vld [tilespmem:s30+$0x70];
	[tilespmem:s28+$0xFFFFFF60] =	vst v7  }
0x3e8: {  	v7 =	vld [tilespmem:s31+$0x70];
	[tilespmem:s29+$0xFFFFFE10] =	vst v1  }
0x3e9: {  	[tilespmem:s24+$0x210] =	vst v8;
	v1 =	vld [tilespmem:s17+$0x20]  }
0x3ea: {  	[tilespmem:s26+$0x380] =	vst v6;
	v8 =	vld [tilespmem:s14+$0x20]  }
0x3eb: {  	v6 =	vld [tilespmem:s0+$0x10];
	[tilespmem:s25+$0xC0] =	vst v9  }
0x3ec: {  	s30 =	spop (v2sf);
	v9 =	vld [tilespmem:s13+$0x50];
	[tilespmem:s23+$0x370] =	vst v3  }
0x3ed: {  	s19 =	spop (v2sf);
	v3 =	vld [tilespmem:s30+$0x0];
	[tilespmem:s28+$0xFFFFFF70] =	vst v7  }
0x3ee: {  	(v2sf) =	vpush v2, $0xA;
	v7 =	vld [tilespmem:s19+$0x0];
	[tilespmem:s29+$0xFFFFFE20] =	vst v1  }
0x3ef: {  	[tilespmem:s24+$0x220] =	vst v8;
	v1 =	vld [tilespmem:s17+$0x30]  }
0x3f0: {  	[tilespmem:s26+$0x390] =	vst v6;
	v8 =	vld [tilespmem:s14+$0x30]  }
0x3f1: {  	v6 =	vld [tilespmem:s0+$0x20];
	[tilespmem:s25+$0xD0] =	vst v9  }
0x3f2: {  	v9 =	vld [tilespmem:s13+$0x60];
	[tilespmem:s23+$0x380] =	vst v3  }
0x3f3: {  	v3 =	vld [tilespmem:s30+$0x10];
	[tilespmem:s28+$0xFFFFFF80] =	vst v7  }
0x3f4: {  	v7 =	vld [tilespmem:s19+$0x10];
	[tilespmem:s29+$0xFFFFFE30] =	vst v1  }
0x3f5: {  	[tilespmem:s24+$0x230] =	vst v8;
	v1 =	vld [tilespmem:s17+$0x40]  }
0x3f6: {  	[tilespmem:s26+$0x3A0] =	vst v6;
	v8 =	vld [tilespmem:s14+$0x40]  }
0x3f7: {  	v6 =	vld [tilespmem:s0+$0x30];
	[tilespmem:s25+$0xE0] =	vst v9  }
0x3f8: {  	v9 =	vld [tilespmem:s13+$0x70];
	[tilespmem:s23+$0x390] =	vst v3  }
0x3f9: {  	v3 =	vld [tilespmem:s30+$0x20];
	[tilespmem:s28+$0xFFFFFF90] =	vst v7  }
0x3fa: {  	v7 =	vld [tilespmem:s19+$0x20];
	[tilespmem:s29+$0xFFFFFE40] =	vst v1  }
0x3fb: {  	[tilespmem:s24+$0x240] =	vst v8;
	v1 =	vld [tilespmem:s17+$0x50]  }
0x3fc: {  	[tilespmem:s26+$0x3B0] =	vst v6;
	(v2sf) =	vpush v0, $0xD;
	v8 =	vld [tilespmem:s14+$0x50]  }
0x3fd: {  	v6 =	vld [tilespmem:s0+$0x40];
	(v2sf) =	vpush v5, $0x5;
	s9 =	spop (v2sf);
	[tilespmem:s25+$0xF0] =	vst v9  }
0x3fe: {  	v9 =	vld [tilespmem:s9+$0x0];
	[tilespmem:s23+$0x3A0] =	vst v3  }
0x3ff: {  	v3 =	vld [tilespmem:s30+$0x30];
	[tilespmem:s28+$0xFFFFFFA0] =	vst v7  }
0x400: {  	v7 =	vld [tilespmem:s19+$0x30];
	[tilespmem:s29+$0xFFFFFE50] =	vst v1  }
0x401: {  	[tilespmem:s24+$0x250] =	vst v8;
	v1 =	vld [tilespmem:s17+$0x60]  }
0x402: {  	[tilespmem:s26+$0x3C0] =	vst v6;
	v8 =	vld [tilespmem:s14+$0x60]  }
0x403: {  	v6 =	vld [tilespmem:s0+$0x50];
	[tilespmem:s25+$0x100] =	vst v9  }
0x404: {  	v9 =	vld [tilespmem:s9+$0x10];
	[tilespmem:s23+$0x3B0] =	vst v3  }
0x405: {  	v3 =	vld [tilespmem:s30+$0x40];
	[tilespmem:s28+$0xFFFFFFB0] =	vst v7  }
0x406: {  	v7 =	vld [tilespmem:s19+$0x40];
	[tilespmem:s29+$0xFFFFFE60] =	vst v1  }
0x407: {  	[tilespmem:s24+$0x260] =	vst v8;
	v1 =	vld [tilespmem:s17+$0x70]  }
0x408: {  	[tilespmem:s26+$0x3D0] =	vst v6;
	v8 =	vld [tilespmem:s14+$0x70]  }
0x409: {  	v6 =	vld [tilespmem:s0+$0x60];
	[tilespmem:s25+$0x110] =	vst v9  }
0x40a: {  	v9 =	vld [tilespmem:s9+$0x20];
	[tilespmem:s23+$0x3C0] =	vst v3  }
0x40b: {  	s1 =	spop (v2sf);
	[tilespmem:s28+$0xFFFFFFC0] =	vst v7  }
0x40c: {  	s10 =	spop (v2sf);
	[tilespmem:s29+$0xFFFFFE70] =	vst v1  }
0x40d: {  	[tilespmem:s24+$0x270] =	vst v8;
	v8 =	vld [tilespmem:s10+$0x0]  }
0x40e: {  	v7 =	vld [tilespmem:s19+$0x50];
	_ =	sdelay $0x3  }
0x40f: {  	[tilespmem:s29+$0xFFFFFE80] =	vst v8  }
0x410: {  	[tilespmem:s28+$0xFFFFFFD0] =	vst v7;
	v7 =	vld [tilespmem:s10+$0x10];
	_ =	sdelay $0x4  }
0x411: {  	[tilespmem:s29+$0xFFFFFE90] =	vst v7  }
0x412: {  	v7 =	vld [tilespmem:s10+$0x20];
	_ =	sdelay $0x4  }
0x413: {  	[tilespmem:s29+$0xFFFFFEA0] =	vst v7  }
0x414: {  	v7 =	vld [tilespmem:s10+$0x30];
	_ =	sdelay $0x4  }
0x415: {  	[tilespmem:s29+$0xFFFFFEB0] =	vst v7  }
0x416: {  	v7 =	vld [tilespmem:s10+$0x40];
	_ =	sdelay $0x4  }
0x417: {  	(v2sf) =	vpush v4, $0x8;
	[tilespmem:s29+$0xFFFFFEC0] =	vst v7  }
0x418: {  	(v2sf) =	vpush v2, $0xB;
	v7 =	vld [tilespmem:s10+$0x50]  }
0x419: {  	(v2sf) =	vpush v0, $0xE  }
0x41a: {  	(v2sf) =	vpush v5, $0x6;
	_ =	sdelay $0x2  }
0x41b: {  	[tilespmem:s29+$0xFFFFFED0] =	vst v7  }
0x41c: {  	v7 =	vld [tilespmem:s10+$0x60];
	_ =	sdelay $0x4  }
0x41d: {  	[tilespmem:s29+$0xFFFFFEE0] =	vst v7  }
0x41e: {  	v7 =	vld [tilespmem:s10+$0x70];
	_ =	sdelay $0x1  }
0x41f: {  	s13 =	spop (v2sf)  }
0x420: {  	s10 =	spop (v2sf)  }
0x421: {  	s31 =	spop (v2sf)  }
0x422: {  	s11 =	spop (v2sf);
	[tilespmem:s29+$0xFFFFFEF0] =	vst v7  }
0x423: {  	v7 =	vld [tilespmem:s11+$0x0];
	_ =	sdelay $0x4  }
0x424: {  	[tilespmem:s29+$0xFFFFFF00] =	vst v7  }
0x425: {  	v7 =	vld [tilespmem:s11+$0x10];
	_ =	sdelay $0x4  }
0x426: {  	[tilespmem:s29+$0xFFFFFF10] =	vst v7  }
0x427: {  	v7 =	vld [tilespmem:s11+$0x20];
	_ =	sdelay $0x4  }
0x428: {  	[tilespmem:s29+$0xFFFFFF20] =	vst v7  }
0x429: {  	v7 =	vld [tilespmem:s11+$0x30];
	_ =	sdelay $0x4  }
0x42a: {  	[tilespmem:s29+$0xFFFFFF30] =	vst v7  }
0x42b: {  	v7 =	vld [tilespmem:s11+$0x40];
	_ =	sdelay $0x4  }
0x42c: {  	(v2sf) =	vpush v4, $0x9;
	[tilespmem:s29+$0xFFFFFF40] =	vst v7  }
0x42d: {  	(v2sf) =	vpush v2, $0xC;
	v7 =	vld [tilespmem:s11+$0x50]  }
0x42e: {  	(v2sf) =	vpush v0, $0xF  }
0x42f: {  	(v2sf) =	vpush v5, $0x7;
	_ =	sdelay $0x2  }
0x430: {  	[tilespmem:s29+$0xFFFFFF50] =	vst v7  }
0x431: {  	v0 =	vld [tilespmem:s11+$0x60];
	_ =	sdelay $0x3  }
0x432: {  	[tilespmem:s26+$0x3E0] =	vst v6  }
0x433: {  	v11 =	vld [tilespmem:s0+$0x70];
	[tilespmem:s29+$0xFFFFFF60] =	vst v0  }
0x434: {  	v0 =	vld [tilespmem:s11+$0x70];
	_ =	sdelay $0x1  }
0x435: {  	s14 =	spop (v2sf)  }
0x436: {  	s7 =	spop (v2sf)  }
0x437: {  	[tilespmem:s26+$0x3F0] =	vst v11;
	s26 =	spop (v2sf)  }
0x438: {  	s17 =	spop (v2sf);
	[tilespmem:s29+$0xFFFFFF70] =	vst v0  }
0x439: {  	v0 =	vld [tilespmem:s17+$0x0];
	_ =	sdelay $0x4  }
0x43a: {  	[tilespmem:s29+$0xFFFFFF80] =	vst v0  }
0x43b: {  	v0 =	vld [tilespmem:s17+$0x10];
	_ =	sdelay $0x4  }
0x43c: {  	[tilespmem:s29+$0xFFFFFF90] =	vst v0  }
0x43d: {  	v0 =	vld [tilespmem:s17+$0x20];
	_ =	sdelay $0x4  }
0x43e: {  	[tilespmem:s29+$0xFFFFFFA0] =	vst v0  }
0x43f: {  	v0 =	vld [tilespmem:s17+$0x30];
	_ =	sdelay $0x4  }
0x440: {  	[tilespmem:s29+$0xFFFFFFB0] =	vst v0  }
0x441: {  	v0 =	vld [tilespmem:s17+$0x40];
	_ =	sdelay $0x4  }
0x442: {  	[tilespmem:s29+$0xFFFFFFC0] =	vst v0  }
0x443: {  	(v2sf) =	vpush v4, $0xA;
	v0 =	vld [tilespmem:s17+$0x50]  }
0x444: {  	(v2sf) =	vpush v2, $0xD  }
0x445: {  	(v2sf) =	vpush v5, $0x8;
	_ =	sdelay $0x2  }
0x446: {  	v7 =	vld [tilespmem:s19+$0x60];
	[tilespmem:s29+$0xFFFFFFD0] =	vst v0  }
0x447: {  	v0 =	vld [tilespmem:s17+$0x60];
	_ =	sdelay $0x3  }
0x448: {  	[tilespmem:s28+$0xFFFFFFE0] =	vst v7  }
0x449: {  	v7 =	vld [tilespmem:s19+$0x70];
	[tilespmem:s29+$0xFFFFFFE0] =	vst v0  }
0x44a: {  	v0 =	vld [tilespmem:s17+$0x70];
	_ =	sdelay $0x2  }
0x44b: {  	s17 =	spop (v2sf)  }
0x44c: {  	[tilespmem:s28+$0xFFFFFFF0] =	vst v7;
	s11 =	spop (v2sf)  }
0x44d: {  	v7 =	vld [tilespmem:s13+$0x0];
	s19 =	spop (v2sf);
	[tilespmem:s29+$0xFFFFFFF0] =	vst v0  }
0x44e: {  	v0 =	vld [tilespmem:s19+$0x0];
	_ =	sdelay $0x3  }
0x44f: {  	[tilespmem:s28+$0x0] =	vst v7  }
0x450: {  	v7 =	vld [tilespmem:s13+$0x10];
	[tilespmem:s29+$0x0] =	vst v0  }
0x451: {  	v0 =	vld [tilespmem:s19+$0x10];
	_ =	sdelay $0x3  }
0x452: {  	[tilespmem:s28+$0x10] =	vst v7  }
0x453: {  	v7 =	vld [tilespmem:s13+$0x20];
	[tilespmem:s29+$0x10] =	vst v0  }
0x454: {  	v0 =	vld [tilespmem:s19+$0x20];
	_ =	sdelay $0x3  }
0x455: {  	[tilespmem:s28+$0x20] =	vst v7  }
0x456: {  	v7 =	vld [tilespmem:s13+$0x30];
	[tilespmem:s29+$0x20] =	vst v0  }
0x457: {  	v0 =	vld [tilespmem:s19+$0x30];
	_ =	sdelay $0x3  }
0x458: {  	[tilespmem:s28+$0x30] =	vst v7  }
0x459: {  	v7 =	vld [tilespmem:s13+$0x40];
	[tilespmem:s29+$0x30] =	vst v0  }
0x45a: {  	v0 =	vld [tilespmem:s19+$0x40];
	_ =	sdelay $0x3  }
0x45b: {  	[tilespmem:s28+$0x40] =	vst v7  }
0x45c: {  	v7 =	vld [tilespmem:s13+$0x50];
	[tilespmem:s29+$0x40] =	vst v0  }
0x45d: {  	(v2sf) =	vpush v4, $0xB;
	v0 =	vld [tilespmem:s19+$0x50]  }
0x45e: {  	(v2sf) =	vpush v2, $0xE  }
0x45f: {  	(v2sf) =	vpush v5, $0x9;
	_ =	sdelay $0x1  }
0x460: {  	[tilespmem:s28+$0x50] =	vst v7  }
0x461: {  	v7 =	vld [tilespmem:s13+$0x60];
	[tilespmem:s29+$0x50] =	vst v0  }
0x462: {  	v0 =	vld [tilespmem:s19+$0x60];
	_ =	sdelay $0x3  }
0x463: {  	[tilespmem:s28+$0x60] =	vst v7  }
0x464: {  	v7 =	vld [tilespmem:s13+$0x70];
	[tilespmem:s29+$0x60] =	vst v0  }
0x465: {  	v0 =	vld [tilespmem:s19+$0x70];
	_ =	sdelay $0x2  }
0x466: {  	s13 =	spop (v2sf)  }
0x467: {  	[tilespmem:s28+$0x70] =	vst v7;
	s2 =	spop (v2sf)  }
0x468: {  	v7 =	vld [tilespmem:s14+$0x0];
	s19 =	spop (v2sf);
	[tilespmem:s29+$0x70] =	vst v0  }
0x469: {  	v0 =	vld [tilespmem:s19+$0x0];
	_ =	sdelay $0x3  }
0x46a: {  	[tilespmem:s28+$0x80] =	vst v7  }
0x46b: {  	v7 =	vld [tilespmem:s14+$0x10];
	[tilespmem:s29+$0x80] =	vst v0  }
0x46c: {  	v0 =	vld [tilespmem:s19+$0x10];
	_ =	sdelay $0x3  }
0x46d: {  	[tilespmem:s28+$0x90] =	vst v7  }
0x46e: {  	v7 =	vld [tilespmem:s14+$0x20];
	[tilespmem:s29+$0x90] =	vst v0  }
0x46f: {  	v0 =	vld [tilespmem:s19+$0x20];
	_ =	sdelay $0x3  }
0x470: {  	[tilespmem:s28+$0xA0] =	vst v7  }
0x471: {  	v7 =	vld [tilespmem:s14+$0x30];
	[tilespmem:s29+$0xA0] =	vst v0  }
0x472: {  	v0 =	vld [tilespmem:s19+$0x30];
	_ =	sdelay $0x3  }
0x473: {  	[tilespmem:s28+$0xB0] =	vst v7  }
0x474: {  	v7 =	vld [tilespmem:s14+$0x40];
	[tilespmem:s29+$0xB0] =	vst v0  }
0x475: {  	v0 =	vld [tilespmem:s19+$0x40];
	_ =	sdelay $0x3  }
0x476: {  	[tilespmem:s28+$0xC0] =	vst v7  }
0x477: {  	v7 =	vld [tilespmem:s14+$0x50];
	[tilespmem:s29+$0xC0] =	vst v0  }
0x478: {  	(v2sf) =	vpush v4, $0xC;
	v0 =	vld [tilespmem:s19+$0x50]  }
0x479: {  	(v2sf) =	vpush v2, $0xF  }
0x47a: {  	(v2sf) =	vpush v5, $0xA;
	_ =	sdelay $0x1  }
0x47b: {  	[tilespmem:s28+$0xD0] =	vst v7  }
0x47c: {  	v2 =	vld [tilespmem:s14+$0x60];
	[tilespmem:s29+$0xD0] =	vst v0  }
0x47d: {  	v0 =	vld [tilespmem:s19+$0x60];
	_ =	sdelay $0x3  }
0x47e: {  	[tilespmem:s28+$0xE0] =	vst v2  }
0x47f: {  	v2 =	vld [tilespmem:s14+$0x70];
	[tilespmem:s29+$0xE0] =	vst v0  }
0x480: {  	v0 =	vld [tilespmem:s19+$0x70];
	_ =	sdelay $0x2  }
0x481: {  	s19 =	spop (v2sf)  }
0x482: {  	[tilespmem:s28+$0xF0] =	vst v2;
	s0 =	spop (v2sf)  }
0x483: {  	v2 =	vld [tilespmem:s17+$0x0];
	s14 =	spop (v2sf);
	[tilespmem:s29+$0xF0] =	vst v0  }
0x484: {  	v0 =	vld [tilespmem:s14+$0x0];
	_ =	sdelay $0x3  }
0x485: {  	[tilespmem:s28+$0x100] =	vst v2  }
0x486: {  	v2 =	vld [tilespmem:s17+$0x10];
	[tilespmem:s29+$0x100] =	vst v0  }
0x487: {  	v0 =	vld [tilespmem:s14+$0x10];
	_ =	sdelay $0x3  }
0x488: {  	[tilespmem:s28+$0x110] =	vst v2  }
0x489: {  	v2 =	vld [tilespmem:s17+$0x20];
	[tilespmem:s29+$0x110] =	vst v0  }
0x48a: {  	v0 =	vld [tilespmem:s14+$0x20];
	_ =	sdelay $0x2  }
0x48b: {  	[tilespmem:s25+$0x120] =	vst v9  }
0x48c: {  	v6 =	vld [tilespmem:s9+$0x30];
	[tilespmem:s28+$0x120] =	vst v2  }
0x48d: {  	v2 =	vld [tilespmem:s17+$0x30];
	[tilespmem:s29+$0x120] =	vst v0  }
0x48e: {  	v0 =	vld [tilespmem:s14+$0x30];
	_ =	sdelay $0x2  }
0x48f: {  	[tilespmem:s25+$0x130] =	vst v6  }
0x490: {  	v6 =	vld [tilespmem:s9+$0x40];
	[tilespmem:s28+$0x130] =	vst v2  }
0x491: {  	v2 =	vld [tilespmem:s17+$0x40];
	[tilespmem:s29+$0x130] =	vst v0  }
0x492: {  	v0 =	vld [tilespmem:s14+$0x40];
	_ =	sdelay $0x2  }
0x493: {  	[tilespmem:s25+$0x140] =	vst v6  }
0x494: {  	v6 =	vld [tilespmem:s9+$0x50];
	[tilespmem:s28+$0x140] =	vst v2  }
0x495: {  	v2 =	vld [tilespmem:s17+$0x50];
	[tilespmem:s29+$0x140] =	vst v0  }
0x496: {  	v0 =	vld [tilespmem:s14+$0x50]  }
0x497: {  	(v2sf) =	vpush v4, $0xD  }
0x498: {  	(v2sf) =	vpush v5, $0xB  }
0x499: {  	[tilespmem:s25+$0x150] =	vst v6  }
0x49a: {  	v6 =	vld [tilespmem:s9+$0x60];
	[tilespmem:s28+$0x150] =	vst v2  }
0x49b: {  	v2 =	vld [tilespmem:s17+$0x60];
	[tilespmem:s29+$0x150] =	vst v0  }
0x49c: {  	v0 =	vld [tilespmem:s14+$0x60];
	_ =	sdelay $0x2  }
0x49d: {  	[tilespmem:s25+$0x160] =	vst v6  }
0x49e: {  	v6 =	vld [tilespmem:s9+$0x70];
	[tilespmem:s28+$0x160] =	vst v2  }
0x49f: {  	v2 =	vld [tilespmem:s17+$0x70];
	[tilespmem:s29+$0x160] =	vst v0  }
0x4a0: {  	v0 =	vld [tilespmem:s14+$0x70];
	_ =	sdelay $0x2  }
0x4a1: {  	[tilespmem:s25+$0x170] =	vst v6  }
0x4a2: {  	v6 =	vld [tilespmem:s10+$0x0];
	[tilespmem:s28+$0x170] =	vst v2;
	s17 =	spop (v2sf)  }
0x4a3: {  	v2 =	vld [tilespmem:s13+$0x0];
	s14 =	spop (v2sf);
	[tilespmem:s29+$0x170] =	vst v0  }
0x4a4: {  	v0 =	vld [tilespmem:s14+$0x0];
	_ =	sdelay $0x2  }
0x4a5: {  	[tilespmem:s25+$0x180] =	vst v6  }
0x4a6: {  	v6 =	vld [tilespmem:s10+$0x10];
	[tilespmem:s28+$0x180] =	vst v2  }
0x4a7: {  	v2 =	vld [tilespmem:s13+$0x10];
	[tilespmem:s29+$0x180] =	vst v0  }
0x4a8: {  	v0 =	vld [tilespmem:s14+$0x10];
	_ =	sdelay $0x2  }
0x4a9: {  	[tilespmem:s25+$0x190] =	vst v6  }
0x4aa: {  	v6 =	vld [tilespmem:s10+$0x20];
	[tilespmem:s28+$0x190] =	vst v2  }
0x4ab: {  	v2 =	vld [tilespmem:s13+$0x20];
	[tilespmem:s29+$0x190] =	vst v0  }
0x4ac: {  	v0 =	vld [tilespmem:s14+$0x20];
	_ =	sdelay $0x2  }
0x4ad: {  	[tilespmem:s25+$0x1A0] =	vst v6  }
0x4ae: {  	v6 =	vld [tilespmem:s10+$0x30];
	[tilespmem:s28+$0x1A0] =	vst v2  }
0x4af: {  	v2 =	vld [tilespmem:s13+$0x30];
	[tilespmem:s29+$0x1A0] =	vst v0  }
0x4b0: {  	v0 =	vld [tilespmem:s14+$0x30];
	_ =	sdelay $0x2  }
0x4b1: {  	[tilespmem:s25+$0x1B0] =	vst v6  }
0x4b2: {  	v6 =	vld [tilespmem:s10+$0x40];
	[tilespmem:s28+$0x1B0] =	vst v2  }
0x4b3: {  	v2 =	vld [tilespmem:s13+$0x40];
	[tilespmem:s29+$0x1B0] =	vst v0  }
0x4b4: {  	v0 =	vld [tilespmem:s14+$0x40];
	_ =	sdelay $0x2  }
0x4b5: {  	[tilespmem:s25+$0x1C0] =	vst v6  }
0x4b6: {  	v6 =	vld [tilespmem:s10+$0x50];
	[tilespmem:s28+$0x1C0] =	vst v2  }
0x4b7: {  	v2 =	vld [tilespmem:s13+$0x50];
	[tilespmem:s29+$0x1C0] =	vst v0  }
0x4b8: {  	v0 =	vld [tilespmem:s14+$0x50]  }
0x4b9: {  	(v2sf) =	vpush v4, $0xE  }
0x4ba: {  	(v2sf) =	vpush v5, $0xC  }
0x4bb: {  	[tilespmem:s25+$0x1D0] =	vst v6  }
0x4bc: {  	v6 =	vld [tilespmem:s10+$0x60];
	[tilespmem:s28+$0x1D0] =	vst v2  }
0x4bd: {  	v2 =	vld [tilespmem:s13+$0x60];
	[tilespmem:s29+$0x1D0] =	vst v0  }
0x4be: {  	v0 =	vld [tilespmem:s14+$0x60];
	_ =	sdelay $0x2  }
0x4bf: {  	[tilespmem:s25+$0x1E0] =	vst v6  }
0x4c0: {  	v6 =	vld [tilespmem:s10+$0x70];
	[tilespmem:s28+$0x1E0] =	vst v2  }
0x4c1: {  	v2 =	vld [tilespmem:s13+$0x70];
	[tilespmem:s29+$0x1E0] =	vst v0  }
0x4c2: {  	v0 =	vld [tilespmem:s14+$0x70];
	_ =	sdelay $0x2  }
0x4c3: {  	[tilespmem:s25+$0x1F0] =	vst v6  }
0x4c4: {  	v6 =	vld [tilespmem:s7+$0x0];
	s9 =	spop (v2sf);
	[tilespmem:s28+$0x1F0] =	vst v2  }
0x4c5: {  	v2 =	vld [tilespmem:s19+$0x0];
	s14 =	spop (v2sf);
	[tilespmem:s29+$0x1F0] =	vst v0  }
0x4c6: {  	v0 =	vld [tilespmem:s14+$0x0];
	_ =	sdelay $0x2  }
0x4c7: {  	[tilespmem:s25+$0x200] =	vst v6  }
0x4c8: {  	v6 =	vld [tilespmem:s7+$0x10];
	[tilespmem:s28+$0x200] =	vst v2  }
0x4c9: {  	v2 =	vld [tilespmem:s19+$0x10];
	[tilespmem:s29+$0x200] =	vst v0  }
0x4ca: {  	v0 =	vld [tilespmem:s14+$0x10];
	_ =	sdelay $0x2  }
0x4cb: {  	[tilespmem:s25+$0x210] =	vst v6  }
0x4cc: {  	v6 =	vld [tilespmem:s7+$0x20];
	[tilespmem:s28+$0x210] =	vst v2  }
0x4cd: {  	v2 =	vld [tilespmem:s19+$0x20];
	[tilespmem:s29+$0x210] =	vst v0  }
0x4ce: {  	v0 =	vld [tilespmem:s14+$0x20];
	_ =	sdelay $0x2  }
0x4cf: {  	[tilespmem:s25+$0x220] =	vst v6  }
0x4d0: {  	v6 =	vld [tilespmem:s7+$0x30];
	[tilespmem:s28+$0x220] =	vst v2  }
0x4d1: {  	v2 =	vld [tilespmem:s19+$0x30];
	[tilespmem:s29+$0x220] =	vst v0  }
0x4d2: {  	v0 =	vld [tilespmem:s14+$0x30];
	_ =	sdelay $0x2  }
0x4d3: {  	[tilespmem:s25+$0x230] =	vst v6  }
0x4d4: {  	v6 =	vld [tilespmem:s7+$0x40];
	[tilespmem:s28+$0x230] =	vst v2  }
0x4d5: {  	v2 =	vld [tilespmem:s19+$0x40];
	[tilespmem:s29+$0x230] =	vst v0  }
0x4d6: {  	v0 =	vld [tilespmem:s14+$0x40];
	_ =	sdelay $0x2  }
0x4d7: {  	[tilespmem:s25+$0x240] =	vst v6  }
0x4d8: {  	v6 =	vld [tilespmem:s7+$0x50];
	[tilespmem:s28+$0x240] =	vst v2  }
0x4d9: {  	v2 =	vld [tilespmem:s19+$0x50];
	[tilespmem:s29+$0x240] =	vst v0  }
0x4da: {  	v0 =	vld [tilespmem:s14+$0x50]  }
0x4db: {  	(v2sf) =	vpush v4, $0xF  }
0x4dc: {  	(v2sf) =	vpush v5, $0xD  }
0x4dd: {  	[tilespmem:s25+$0x250] =	vst v6  }
0x4de: {  	v4 =	vld [tilespmem:s7+$0x60];
	[tilespmem:s28+$0x250] =	vst v2  }
0x4df: {  	v2 =	vld [tilespmem:s19+$0x60];
	[tilespmem:s29+$0x250] =	vst v0  }
0x4e0: {  	v0 =	vld [tilespmem:s14+$0x60];
	_ =	sdelay $0x2  }
0x4e1: {  	[tilespmem:s25+$0x260] =	vst v4  }
0x4e2: {  	v4 =	vld [tilespmem:s7+$0x70];
	[tilespmem:s28+$0x260] =	vst v2  }
0x4e3: {  	v2 =	vld [tilespmem:s19+$0x70];
	[tilespmem:s29+$0x260] =	vst v0  }
0x4e4: {  	v0 =	vld [tilespmem:s14+$0x70];
	_ =	sdelay $0x2  }
0x4e5: {  	v3 =	vld [tilespmem:s1+$0x0];
	[tilespmem:s25+$0x270] =	vst v4  }
0x4e6: {  	v4 =	vld [tilespmem:s11+$0x0];
	s13 =	spop (v2sf);
	[tilespmem:s28+$0x270] =	vst v2  }
0x4e7: {  	v2 =	vld [tilespmem:s17+$0x0];
	s14 =	spop (v2sf);
	[tilespmem:s29+$0x270] =	vst v0  }
0x4e8: {  	v0 =	vld [tilespmem:s14+$0x0];
	_ =	sdelay $0x1  }
0x4e9: {  	[tilespmem:s24+$0x280] =	vst v3  }
0x4ea: {  	v3 =	vld [tilespmem:s1+$0x10];
	[tilespmem:s25+$0x280] =	vst v4  }
0x4eb: {  	v4 =	vld [tilespmem:s11+$0x10];
	[tilespmem:s28+$0x280] =	vst v2  }
0x4ec: {  	v2 =	vld [tilespmem:s17+$0x10];
	[tilespmem:s29+$0x280] =	vst v0  }
0x4ed: {  	v0 =	vld [tilespmem:s14+$0x10];
	_ =	sdelay $0x1  }
0x4ee: {  	[tilespmem:s24+$0x290] =	vst v3  }
0x4ef: {  	v3 =	vld [tilespmem:s1+$0x20];
	[tilespmem:s25+$0x290] =	vst v4  }
0x4f0: {  	v4 =	vld [tilespmem:s11+$0x20];
	[tilespmem:s28+$0x290] =	vst v2  }
0x4f1: {  	v2 =	vld [tilespmem:s17+$0x20];
	[tilespmem:s29+$0x290] =	vst v0  }
0x4f2: {  	v0 =	vld [tilespmem:s14+$0x20];
	_ =	sdelay $0x1  }
0x4f3: {  	[tilespmem:s24+$0x2A0] =	vst v3  }
0x4f4: {  	v3 =	vld [tilespmem:s1+$0x30];
	[tilespmem:s25+$0x2A0] =	vst v4  }
0x4f5: {  	v4 =	vld [tilespmem:s11+$0x30];
	[tilespmem:s28+$0x2A0] =	vst v2  }
0x4f6: {  	v2 =	vld [tilespmem:s17+$0x30];
	[tilespmem:s29+$0x2A0] =	vst v0  }
0x4f7: {  	v0 =	vld [tilespmem:s14+$0x30];
	_ =	sdelay $0x1  }
0x4f8: {  	[tilespmem:s24+$0x2B0] =	vst v3  }
0x4f9: {  	v3 =	vld [tilespmem:s1+$0x40];
	[tilespmem:s25+$0x2B0] =	vst v4  }
0x4fa: {  	v4 =	vld [tilespmem:s11+$0x40];
	[tilespmem:s28+$0x2B0] =	vst v2  }
0x4fb: {  	v2 =	vld [tilespmem:s17+$0x40];
	[tilespmem:s29+$0x2B0] =	vst v0  }
0x4fc: {  	v0 =	vld [tilespmem:s14+$0x40];
	_ =	sdelay $0x1  }
0x4fd: {  	[tilespmem:s24+$0x2C0] =	vst v3  }
0x4fe: {  	v3 =	vld [tilespmem:s1+$0x50];
	[tilespmem:s25+$0x2C0] =	vst v4  }
0x4ff: {  	v4 =	vld [tilespmem:s11+$0x50];
	[tilespmem:s28+$0x2C0] =	vst v2  }
0x500: {  	v2 =	vld [tilespmem:s17+$0x50];
	[tilespmem:s29+$0x2C0] =	vst v0  }
0x501: {  	v0 =	vld [tilespmem:s14+$0x50];
	_ =	sdelay $0x1  }
0x502: {  	[tilespmem:s24+$0x2D0] =	vst v3;
	(v2sf) =	vpush v5, $0xE  }
0x503: {  	v3 =	vld [tilespmem:s1+$0x60];
	[tilespmem:s25+$0x2D0] =	vst v4  }
0x504: {  	v4 =	vld [tilespmem:s11+$0x60];
	[tilespmem:s28+$0x2D0] =	vst v2  }
0x505: {  	v2 =	vld [tilespmem:s17+$0x60];
	[tilespmem:s29+$0x2D0] =	vst v0  }
0x506: {  	v0 =	vld [tilespmem:s14+$0x60];
	_ =	sdelay $0x1  }
0x507: {  	[tilespmem:s24+$0x2E0] =	vst v3  }
0x508: {  	v3 =	vld [tilespmem:s1+$0x70];
	[tilespmem:s25+$0x2E0] =	vst v4  }
0x509: {  	v4 =	vld [tilespmem:s11+$0x70];
	[tilespmem:s28+$0x2E0] =	vst v2  }
0x50a: {  	v2 =	vld [tilespmem:s17+$0x70];
	[tilespmem:s29+$0x2E0] =	vst v0  }
0x50b: {  	v0 =	vld [tilespmem:s14+$0x70];
	_ =	sdelay $0x1  }
0x50c: {  	[tilespmem:s24+$0x2F0] =	vst v3  }
0x50d: {  	v3 =	vld [tilespmem:s31+$0x0];
	[tilespmem:s25+$0x2F0] =	vst v4  }
0x50e: {  	v4 =	vld [tilespmem:s2+$0x0];
	[tilespmem:s28+$0x2F0] =	vst v2  }
0x50f: {  	v2 =	vld [tilespmem:s9+$0x0];
	s19 =	spop (v2sf);
	[tilespmem:s29+$0x2F0] =	vst v0  }
0x510: {  	v0 =	vld [tilespmem:s19+$0x0];
	_ =	sdelay $0x1  }
0x511: {  	[tilespmem:s24+$0x300] =	vst v3  }
0x512: {  	v3 =	vld [tilespmem:s31+$0x10];
	[tilespmem:s25+$0x300] =	vst v4  }
0x513: {  	v4 =	vld [tilespmem:s2+$0x10];
	[tilespmem:s28+$0x300] =	vst v2  }
0x514: {  	v2 =	vld [tilespmem:s9+$0x10];
	[tilespmem:s29+$0x300] =	vst v0  }
0x515: {  	v0 =	vld [tilespmem:s19+$0x10];
	_ =	sdelay $0x1  }
0x516: {  	[tilespmem:s24+$0x310] =	vst v3  }
0x517: {  	v3 =	vld [tilespmem:s31+$0x20];
	[tilespmem:s25+$0x310] =	vst v4  }
0x518: {  	v4 =	vld [tilespmem:s2+$0x20];
	[tilespmem:s28+$0x310] =	vst v2  }
0x519: {  	v2 =	vld [tilespmem:s9+$0x20];
	[tilespmem:s29+$0x310] =	vst v0  }
0x51a: {  	v0 =	vld [tilespmem:s19+$0x20];
	_ =	sdelay $0x1  }
0x51b: {  	[tilespmem:s24+$0x320] =	vst v3  }
0x51c: {  	v3 =	vld [tilespmem:s31+$0x30];
	[tilespmem:s25+$0x320] =	vst v4  }
0x51d: {  	v4 =	vld [tilespmem:s2+$0x30];
	[tilespmem:s28+$0x320] =	vst v2  }
0x51e: {  	v2 =	vld [tilespmem:s9+$0x30];
	[tilespmem:s29+$0x320] =	vst v0  }
0x51f: {  	v0 =	vld [tilespmem:s19+$0x30];
	_ =	sdelay $0x1  }
0x520: {  	[tilespmem:s24+$0x330] =	vst v3  }
0x521: {  	v3 =	vld [tilespmem:s31+$0x40];
	[tilespmem:s25+$0x330] =	vst v4  }
0x522: {  	v4 =	vld [tilespmem:s2+$0x40];
	[tilespmem:s28+$0x330] =	vst v2  }
0x523: {  	v2 =	vld [tilespmem:s9+$0x40];
	[tilespmem:s29+$0x330] =	vst v0  }
0x524: {  	v0 =	vld [tilespmem:s19+$0x40];
	_ =	sdelay $0x1  }
0x525: {  	[tilespmem:s24+$0x340] =	vst v3  }
0x526: {  	v3 =	vld [tilespmem:s31+$0x50];
	[tilespmem:s25+$0x340] =	vst v4  }
0x527: {  	v4 =	vld [tilespmem:s2+$0x50];
	[tilespmem:s28+$0x340] =	vst v2  }
0x528: {  	v2 =	vld [tilespmem:s9+$0x50];
	[tilespmem:s29+$0x340] =	vst v0  }
0x529: {  	v0 =	vld [tilespmem:s19+$0x50];
	_ =	sdelay $0x1  }
0x52a: {  	[tilespmem:s24+$0x350] =	vst v3;
	(v2sf) =	vpush v5, $0xF  }
0x52b: {  	v3 =	vld [tilespmem:s31+$0x60];
	[tilespmem:s25+$0x350] =	vst v4  }
0x52c: {  	v4 =	vld [tilespmem:s2+$0x60];
	[tilespmem:s28+$0x350] =	vst v2  }
0x52d: {  	v2 =	vld [tilespmem:s9+$0x60];
	[tilespmem:s29+$0x350] =	vst v0  }
0x52e: {  	v0 =	vld [tilespmem:s19+$0x60];
	_ =	sdelay $0x1  }
0x52f: {  	[tilespmem:s24+$0x360] =	vst v3  }
0x530: {  	v3 =	vld [tilespmem:s31+$0x70];
	[tilespmem:s25+$0x360] =	vst v4  }
0x531: {  	v4 =	vld [tilespmem:s2+$0x70];
	[tilespmem:s28+$0x360] =	vst v2  }
0x532: {  	v2 =	vld [tilespmem:s9+$0x70];
	[tilespmem:s29+$0x360] =	vst v0  }
0x533: {  	v0 =	vld [tilespmem:s19+$0x70];
	_ =	sdelay $0x1  }
0x534: {  	[tilespmem:s24+$0x370] =	vst v3  }
0x535: {  	v3 =	vld [tilespmem:s26+$0x0];
	[tilespmem:s25+$0x370] =	vst v4  }
0x536: {  	v4 =	vld [tilespmem:s0+$0x0];
	[tilespmem:s28+$0x370] =	vst v2  }
0x537: {  	s2 =	spop (v2sf);
	v2 =	vld [tilespmem:s13+$0x0];
	[tilespmem:s29+$0x370] =	vst v0  }
0x538: {  	v0 =	vld [tilespmem:s2+$0x0];
	_ =	sdelay $0x1  }
0x539: {  	[tilespmem:s24+$0x380] =	vst v3  }
0x53a: {  	v3 =	vld [tilespmem:s26+$0x10];
	[tilespmem:s25+$0x380] =	vst v4  }
0x53b: {  	v4 =	vld [tilespmem:s0+$0x10];
	[tilespmem:s28+$0x380] =	vst v2  }
0x53c: {  	v2 =	vld [tilespmem:s13+$0x10];
	[tilespmem:s29+$0x380] =	vst v0  }
0x53d: {  	v0 =	vld [tilespmem:s2+$0x10];
	_ =	sdelay $0x1  }
0x53e: {  	[tilespmem:s24+$0x390] =	vst v3  }
0x53f: {  	v3 =	vld [tilespmem:s26+$0x20];
	[tilespmem:s25+$0x390] =	vst v4  }
0x540: {  	v4 =	vld [tilespmem:s0+$0x20];
	[tilespmem:s28+$0x390] =	vst v2  }
0x541: {  	v2 =	vld [tilespmem:s13+$0x20];
	[tilespmem:s29+$0x390] =	vst v0  }
0x542: {  	v0 =	vld [tilespmem:s2+$0x20];
	_ =	sdelay $0x1  }
0x543: {  	[tilespmem:s24+$0x3A0] =	vst v3  }
0x544: {  	v3 =	vld [tilespmem:s26+$0x30];
	[tilespmem:s25+$0x3A0] =	vst v4  }
0x545: {  	v4 =	vld [tilespmem:s0+$0x30];
	[tilespmem:s28+$0x3A0] =	vst v2  }
0x546: {  	v2 =	vld [tilespmem:s13+$0x30];
	[tilespmem:s29+$0x3A0] =	vst v0  }
0x547: {  	v0 =	vld [tilespmem:s2+$0x30];
	_ =	sdelay $0x1  }
0x548: {  	[tilespmem:s24+$0x3B0] =	vst v3  }
0x549: {  	v3 =	vld [tilespmem:s26+$0x40];
	[tilespmem:s25+$0x3B0] =	vst v4  }
0x54a: {  	v4 =	vld [tilespmem:s0+$0x40];
	[tilespmem:s28+$0x3B0] =	vst v2  }
0x54b: {  	v2 =	vld [tilespmem:s13+$0x40];
	[tilespmem:s29+$0x3B0] =	vst v0  }
0x54c: {  	v0 =	vld [tilespmem:s2+$0x40];
	_ =	sdelay $0x1  }
0x54d: {  	v10 =	vld [tilespmem:s30+$0x50];
	[tilespmem:s24+$0x3C0] =	vst v3  }
0x54e: {  	v3 =	vld [tilespmem:s26+$0x50];
	[tilespmem:s25+$0x3C0] =	vst v4  }
0x54f: {  	v4 =	vld [tilespmem:s0+$0x50];
	[tilespmem:s28+$0x3C0] =	vst v2  }
0x550: {  	v2 =	vld [tilespmem:s13+$0x50];
	[tilespmem:s29+$0x3C0] =	vst v0  }
0x551: {  	v0 =	vld [tilespmem:s2+$0x50]  }
0x552: {  	[tilespmem:s23+$0x3D0] =	vst v10  }
0x553: {  	v1 =	vld [tilespmem:s30+$0x60];
	[tilespmem:s24+$0x3D0] =	vst v3  }
0x554: {  	v3 =	vld [tilespmem:s26+$0x60];
	[tilespmem:s25+$0x3D0] =	vst v4  }
0x555: {  	v4 =	vld [tilespmem:s0+$0x60];
	[tilespmem:s28+$0x3D0] =	vst v2  }
0x556: {  	v2 =	vld [tilespmem:s13+$0x60];
	[tilespmem:s29+$0x3D0] =	vst v0  }
0x557: {  	v0 =	vld [tilespmem:s2+$0x60]  }
0x558: {  	[tilespmem:s23+$0x3E0] =	vst v1  }
0x559: {  	v1 =	vld [tilespmem:s30+$0x70];
	[tilespmem:s24+$0x3E0] =	vst v3  }
0x55a: {  	[tilespmem:s25+$0x3E0] =	vst v4;
	v3 =	vld [tilespmem:s26+$0x70]  }
0x55b: {  	[tilespmem:s28+$0x3E0] =	vst v2;
	v4 =	vld [tilespmem:s0+$0x70]  }
0x55c: {  	v2 =	vld [tilespmem:s13+$0x70];
	[tilespmem:s29+$0x3E0] =	vst v0  }
0x55d: {  	v0 =	vld [tilespmem:s2+$0x70]  }
0x55e: {  	[tilespmem:s23+$0x3F0] =	vst v1  }
0x55f: {  	[tilespmem:s24+$0x3F0] =	vst v3  }
0x560: {  	[tilespmem:s25+$0x3F0] =	vst v4  }
0x561: {  	s21 =	sadd.s32 s21, s8;
	s9 =	sshll.u32 s22, $0x4;
	[tilespmem:s28+$0x3F0] =	vst v2  }
0x562: {  	p0 =	seq.s32 s20, $0x7F;
	s10 =	simm.s32 $0x1400;
	s0 =	sadd.s32 s3, s9;
	[tilespmem:s29+$0x3F0] =	vst v0  }
0x563: {  	[hbm4b:s0+s4] =	stream.linear.scatter [tilespmem:s10], [sflag:$0x3], $0xC800, $0x38;
	[tilespmem:$0x1A400] =	vst v63  }
0x564: {  	p1 =	seq.s32 @!p0 s20, $0x0;
	s0 =	sshrl.u32 @!p0 s21, $0x3;
	_ =	swait.ge [sflag:s15], $0x190  }
0x565: {  	s1 =	simm.s32 @!p0 $0x0;
	s0 =	sadd.s32 @!p0 s6, s0;
	[sflag:s15] =	ssyncset.done $0x0  }
0x566: {  	s2 =	simm.s32 @!p0 $0x1000;
	s0 =	sadd.s32 @!p0 $0x32, s0;
	[sflag:s15] =	ssyncadd.s32 $0xFFFFFE70  }
0x567: {  	[tilespmem:s2], [sflag:$0x1] =	stream.linear.gather @!p0 [hbm4b:s0+s1], $0x190, $0x38;
	[tilespmem:$0x1A400] =	vst v63  }
0x568: {  	p0 =	por p0, !p1  }
0x569: {  	_ =	swait.ge @p0 [sflag:s18], $0xC800  }
0x56a: {  	[sflag:s18] =	ssyncset.done @p0 $0x0  }
0x56b: {  	s11 =	simm.s32 $0x0;
	[sflag:s18] =	ssyncadd.s32 @p0 $0xFFFF3800  }
0x56c: {  	v0 =	vld [tilespmem:s11+$0x1200];
	_ =	sdelay $0x4  }
0x56d: {  	v0 =	vshll.u32 v0, $0x9  }
0x56e: {  	v5 =	vshra.s32 v0, $0x2  }
0x56f: {  	(v2sf) =	vpush v5, $0x0;
	_ =	sdelay $0xe  }
0x570: {  	s13 =	spop (v2sf)  }
0x571: {  	v0 =	vld [tilespmem:s13+$0x0];
	_ =	sdelay $0x3  }
0x572: {  	s28 =	simm.s32 $0xE000  }
0x573: {  	[tilespmem:s28+$0xFFFFFC00] =	vst v0  }
0x574: {  	v0 =	vld [tilespmem:s13+$0x10];
	_ =	sdelay $0x4  }
0x575: {  	[tilespmem:s28+$0xFFFFFC10] =	vst v0  }
0x576: {  	v0 =	vld [tilespmem:s13+$0x20];
	_ =	sdelay $0x4  }
0x577: {  	[tilespmem:s28+$0xFFFFFC20] =	vst v0  }
0x578: {  	v0 =	vld [tilespmem:s13+$0x30];
	_ =	sdelay $0x4  }
0x579: {  	[tilespmem:s28+$0xFFFFFC30] =	vst v0  }
0x57a: {  	v0 =	vld [tilespmem:s13+$0x40];
	_ =	sdelay $0x4  }
0x57b: {  	[tilespmem:s28+$0xFFFFFC40] =	vst v0  }
0x57c: {  	v0 =	vld [tilespmem:s13+$0x50];
	_ =	sdelay $0x1  }
0x57d: {  	(v2sf) =	vpush v5, $0x1;
	_ =	sdelay $0x2  }
0x57e: {  	[tilespmem:s28+$0xFFFFFC50] =	vst v0  }
0x57f: {  	v0 =	vld [tilespmem:s13+$0x60];
	_ =	sdelay $0x4  }
0x580: {  	[tilespmem:s28+$0xFFFFFC60] =	vst v0  }
0x581: {  	v0 =	vld [tilespmem:s13+$0x70];
	_ =	sdelay $0x4  }
0x582: {  	s14 =	spop (v2sf);
	[tilespmem:s28+$0xFFFFFC70] =	vst v0  }
0x583: {  	v0 =	vld [tilespmem:s14+$0x0];
	_ =	sdelay $0x4  }
0x584: {  	[tilespmem:s28+$0xFFFFFC80] =	vst v0  }
0x585: {  	v0 =	vld [tilespmem:s14+$0x10];
	_ =	sdelay $0x4  }
0x586: {  	[tilespmem:s28+$0xFFFFFC90] =	vst v0  }
0x587: {  	v0 =	vld [tilespmem:s14+$0x20];
	_ =	sdelay $0x4  }
0x588: {  	[tilespmem:s28+$0xFFFFFCA0] =	vst v0  }
0x589: {  	v0 =	vld [tilespmem:s14+$0x30];
	_ =	sdelay $0x4  }
0x58a: {  	[tilespmem:s28+$0xFFFFFCB0] =	vst v0  }
0x58b: {  	v0 =	vld [tilespmem:s14+$0x40];
	_ =	sdelay $0x4  }
0x58c: {  	[tilespmem:s28+$0xFFFFFCC0] =	vst v0  }
0x58d: {  	v0 =	vld [tilespmem:s14+$0x50];
	_ =	sdelay $0x1  }
0x58e: {  	(v2sf) =	vpush v5, $0x2;
	_ =	sdelay $0x2  }
0x58f: {  	[tilespmem:s28+$0xFFFFFCD0] =	vst v0  }
0x590: {  	v0 =	vld [tilespmem:s14+$0x60];
	_ =	sdelay $0x4  }
0x591: {  	[tilespmem:s28+$0xFFFFFCE0] =	vst v0  }
0x592: {  	v0 =	vld [tilespmem:s14+$0x70];
	_ =	sdelay $0x4  }
0x593: {  	s17 =	spop (v2sf);
	[tilespmem:s28+$0xFFFFFCF0] =	vst v0  }
0x594: {  	v0 =	vld [tilespmem:s17+$0x0];
	_ =	sdelay $0x4  }
0x595: {  	[tilespmem:s28+$0xFFFFFD00] =	vst v0  }
0x596: {  	v0 =	vld [tilespmem:s17+$0x10];
	_ =	sdelay $0x2  }
0x597: {  	s19 =	simm.s32 $0x10  }
0x598: {  	v1 =	vld [tilespmem:s19+$0x1200]  }
0x599: {  	[tilespmem:s28+$0xFFFFFD10] =	vst v0  }
0x59a: {  	v0 =	vld [tilespmem:s17+$0x20];
	_ =	sdelay $0x2  }
0x59b: {  	v1 =	vshll.u32 v1, $0x9  }
0x59c: {  	v3 =	vshra.s32 v1, $0x2  }
0x59d: {  	(v2sf) =	vpush v3, $0x0;
	[tilespmem:s28+$0xFFFFFD20] =	vst v0  }
0x59e: {  	v0 =	vld [tilespmem:s17+$0x30];
	_ =	sdelay $0x4  }
0x59f: {  	[tilespmem:s28+$0xFFFFFD30] =	vst v0  }
0x5a0: {  	v0 =	vld [tilespmem:s17+$0x40];
	_ =	sdelay $0x4  }
0x5a1: {  	[tilespmem:s28+$0xFFFFFD40] =	vst v0  }
0x5a2: {  	v0 =	vld [tilespmem:s17+$0x50];
	_ =	sdelay $0x1  }
0x5a3: {  	s22 =	spop (v2sf);
	(v2sf) =	vpush v5, $0x3  }
0x5a4: {  	v1 =	vld [tilespmem:s22+$0x0];
	_ =	sdelay $0x1  }
0x5a5: {  	[tilespmem:s28+$0xFFFFFD50] =	vst v0  }
0x5a6: {  	v0 =	vld [tilespmem:s17+$0x60]  }
0x5a7: {  	s25 =	simm.s32 $0xE800  }
0x5a8: {  	[tilespmem:s25+$0xFFFFFC00] =	vst v1  }
0x5a9: {  	v1 =	vld [tilespmem:s22+$0x10];
	_ =	sdelay $0x1  }
0x5aa: {  	[tilespmem:s28+$0xFFFFFD60] =	vst v0  }
0x5ab: {  	v0 =	vld [tilespmem:s17+$0x70];
	_ =	sdelay $0x1  }
0x5ac: {  	[tilespmem:s25+$0xFFFFFC10] =	vst v1  }
0x5ad: {  	v1 =	vld [tilespmem:s22+$0x20];
	_ =	sdelay $0x1  }
0x5ae: {  	s23 =	spop (v2sf);
	[tilespmem:s28+$0xFFFFFD70] =	vst v0  }
0x5af: {  	v0 =	vld [tilespmem:s23+$0x0];
	_ =	sdelay $0x1  }
0x5b0: {  	[tilespmem:s25+$0xFFFFFC20] =	vst v1  }
0x5b1: {  	v1 =	vld [tilespmem:s22+$0x30];
	_ =	sdelay $0x1  }
0x5b2: {  	[tilespmem:s28+$0xFFFFFD80] =	vst v0  }
0x5b3: {  	v0 =	vld [tilespmem:s23+$0x10];
	_ =	sdelay $0x1  }
0x5b4: {  	[tilespmem:s25+$0xFFFFFC30] =	vst v1  }
0x5b5: {  	v1 =	vld [tilespmem:s22+$0x40];
	_ =	sdelay $0x1  }
0x5b6: {  	[tilespmem:s28+$0xFFFFFD90] =	vst v0  }
0x5b7: {  	v0 =	vld [tilespmem:s23+$0x20];
	_ =	sdelay $0x1  }
0x5b8: {  	[tilespmem:s25+$0xFFFFFC40] =	vst v1  }
0x5b9: {  	v1 =	vld [tilespmem:s22+$0x50];
	_ =	sdelay $0x1  }
0x5ba: {  	(v2sf) =	vpush v3, $0x1;
	[tilespmem:s28+$0xFFFFFDA0] =	vst v0  }
0x5bb: {  	v0 =	vld [tilespmem:s23+$0x30];
	_ =	sdelay $0x1  }
0x5bc: {  	[tilespmem:s25+$0xFFFFFC50] =	vst v1  }
0x5bd: {  	v1 =	vld [tilespmem:s22+$0x60];
	_ =	sdelay $0x1  }
0x5be: {  	[tilespmem:s28+$0xFFFFFDB0] =	vst v0  }
0x5bf: {  	v0 =	vld [tilespmem:s23+$0x40];
	_ =	sdelay $0x1  }
0x5c0: {  	[tilespmem:s25+$0xFFFFFC60] =	vst v1  }
0x5c1: {  	v1 =	vld [tilespmem:s22+$0x70];
	_ =	sdelay $0x1  }
0x5c2: {  	[tilespmem:s28+$0xFFFFFDC0] =	vst v0  }
0x5c3: {  	v0 =	vld [tilespmem:s23+$0x50];
	_ =	sdelay $0x1  }
0x5c4: {  	s24 =	spop (v2sf);
	(v2sf) =	vpush v5, $0x4;
	[tilespmem:s25+$0xFFFFFC70] =	vst v1  }
0x5c5: {  	v1 =	vld [tilespmem:s24+$0x0];
	_ =	sdelay $0x1  }
0x5c6: {  	[tilespmem:s28+$0xFFFFFDD0] =	vst v0  }
0x5c7: {  	v0 =	vld [tilespmem:s23+$0x60];
	_ =	sdelay $0x1  }
0x5c8: {  	[tilespmem:s25+$0xFFFFFC80] =	vst v1  }
0x5c9: {  	v1 =	vld [tilespmem:s24+$0x10];
	_ =	sdelay $0x1  }
0x5ca: {  	[tilespmem:s28+$0xFFFFFDE0] =	vst v0  }
0x5cb: {  	v0 =	vld [tilespmem:s23+$0x70];
	_ =	sdelay $0x1  }
0x5cc: {  	[tilespmem:s25+$0xFFFFFC90] =	vst v1  }
0x5cd: {  	v1 =	vld [tilespmem:s24+$0x20];
	_ =	sdelay $0x1  }
0x5ce: {  	s26 =	spop (v2sf);
	[tilespmem:s28+$0xFFFFFDF0] =	vst v0  }
0x5cf: {  	v0 =	vld [tilespmem:s26+$0x0];
	_ =	sdelay $0x1  }
0x5d0: {  	[tilespmem:s25+$0xFFFFFCA0] =	vst v1  }
0x5d1: {  	v1 =	vld [tilespmem:s24+$0x30];
	_ =	sdelay $0x1  }
0x5d2: {  	[tilespmem:s28+$0xFFFFFE00] =	vst v0  }
0x5d3: {  	v0 =	vld [tilespmem:s26+$0x10];
	_ =	sdelay $0x1  }
0x5d4: {  	[tilespmem:s25+$0xFFFFFCB0] =	vst v1  }
0x5d5: {  	v1 =	vld [tilespmem:s24+$0x40];
	_ =	sdelay $0x1  }
0x5d6: {  	[tilespmem:s28+$0xFFFFFE10] =	vst v0  }
0x5d7: {  	v0 =	vld [tilespmem:s26+$0x20];
	_ =	sdelay $0x1  }
0x5d8: {  	[tilespmem:s25+$0xFFFFFCC0] =	vst v1  }
0x5d9: {  	v1 =	vld [tilespmem:s24+$0x50];
	_ =	sdelay $0x1  }
0x5da: {  	(v2sf) =	vpush v3, $0x2;
	[tilespmem:s28+$0xFFFFFE20] =	vst v0  }
0x5db: {  	v0 =	vld [tilespmem:s26+$0x30];
	_ =	sdelay $0x1  }
0x5dc: {  	[tilespmem:s25+$0xFFFFFCD0] =	vst v1  }
0x5dd: {  	v1 =	vld [tilespmem:s24+$0x60];
	_ =	sdelay $0x1  }
0x5de: {  	[tilespmem:s28+$0xFFFFFE30] =	vst v0  }
0x5df: {  	v0 =	vld [tilespmem:s26+$0x40];
	_ =	sdelay $0x1  }
0x5e0: {  	[tilespmem:s25+$0xFFFFFCE0] =	vst v1  }
0x5e1: {  	v1 =	vld [tilespmem:s24+$0x70];
	_ =	sdelay $0x1  }
0x5e2: {  	[tilespmem:s28+$0xFFFFFE40] =	vst v0  }
0x5e3: {  	v0 =	vld [tilespmem:s26+$0x50];
	_ =	sdelay $0x1  }
0x5e4: {  	s30 =	spop (v2sf);
	(v2sf) =	vpush v5, $0x5;
	[tilespmem:s25+$0xFFFFFCF0] =	vst v1  }
0x5e5: {  	v1 =	vld [tilespmem:s30+$0x0];
	_ =	sdelay $0x1  }
0x5e6: {  	[tilespmem:s28+$0xFFFFFE50] =	vst v0  }
0x5e7: {  	v0 =	vld [tilespmem:s26+$0x60];
	_ =	sdelay $0x1  }
0x5e8: {  	[tilespmem:s25+$0xFFFFFD00] =	vst v1  }
0x5e9: {  	v1 =	vld [tilespmem:s30+$0x10]  }
0x5ea: {  	s31 =	simm.s32 $0x20  }
0x5eb: {  	v2 =	vld [tilespmem:s31+$0x1200];
	[tilespmem:s28+$0xFFFFFE60] =	vst v0  }
0x5ec: {  	v0 =	vld [tilespmem:s26+$0x70];
	_ =	sdelay $0x1  }
0x5ed: {  	[tilespmem:s25+$0xFFFFFD10] =	vst v1  }
0x5ee: {  	v4 =	vld [tilespmem:s30+$0x20];
	_ =	sdelay $0x1  }
0x5ef: {  	s7 =	spop (v2sf);
	[tilespmem:s28+$0xFFFFFE70] =	vst v0;
	v0 =	vshll.u32 v2, $0x9  }
0x5f0: {  	v2 =	vld [tilespmem:s7+$0x0];
	v1 =	vshra.s32 v0, $0x2  }
0x5f1: {  	(v2sf) =	vpush v1, $0x0  }
0x5f2: {  	[tilespmem:s25+$0xFFFFFD20] =	vst v4  }
0x5f3: {  	v0 =	vld [tilespmem:s30+$0x30];
	_ =	sdelay $0x1  }
0x5f4: {  	[tilespmem:s28+$0xFFFFFE80] =	vst v2  }
0x5f5: {  	v2 =	vld [tilespmem:s7+$0x10];
	_ =	sdelay $0x1  }
0x5f6: {  	[tilespmem:s25+$0xFFFFFD30] =	vst v0  }
0x5f7: {  	v0 =	vld [tilespmem:s30+$0x40];
	_ =	sdelay $0x1  }
0x5f8: {  	[tilespmem:s28+$0xFFFFFE90] =	vst v2  }
0x5f9: {  	v2 =	vld [tilespmem:s7+$0x20];
	_ =	sdelay $0x1  }
0x5fa: {  	[tilespmem:s25+$0xFFFFFD40] =	vst v0  }
0x5fb: {  	v0 =	vld [tilespmem:s30+$0x50]  }
0x5fc: {  	s9 =	spop (v2sf)  }
0x5fd: {  	(v2sf) =	vpush v3, $0x3;
	v4 =	vld [tilespmem:s9+$0x0];
	[tilespmem:s28+$0xFFFFFEA0] =	vst v2  }
0x5fe: {  	v2 =	vld [tilespmem:s7+$0x30];
	_ =	sdelay $0x1  }
0x5ff: {  	[tilespmem:s25+$0xFFFFFD50] =	vst v0  }
0x600: {  	s22 =	simm.s32 $0xF000;
	v0 =	vld [tilespmem:s30+$0x60]  }
0x601: {  	[tilespmem:s22+$0xFFFFFC00] =	vst v4  }
0x602: {  	v4 =	vld [tilespmem:s9+$0x10];
	[tilespmem:s28+$0xFFFFFEB0] =	vst v2  }
0x603: {  	v2 =	vld [tilespmem:s7+$0x40];
	_ =	sdelay $0x1  }
0x604: {  	[tilespmem:s25+$0xFFFFFD60] =	vst v0  }
0x605: {  	v0 =	vld [tilespmem:s30+$0x70]  }
0x606: {  	[tilespmem:s22+$0xFFFFFC10] =	vst v4  }
0x607: {  	v4 =	vld [tilespmem:s9+$0x20];
	[tilespmem:s28+$0xFFFFFEC0] =	vst v2  }
0x608: {  	v2 =	vld [tilespmem:s7+$0x50];
	_ =	sdelay $0x1  }
0x609: {  	[tilespmem:s25+$0xFFFFFD70] =	vst v0;
	s10 =	spop (v2sf);
	(v2sf) =	vpush v5, $0x6  }
0x60a: {  	v0 =	vld [tilespmem:s10+$0x0]  }
0x60b: {  	[tilespmem:s22+$0xFFFFFC20] =	vst v4  }
0x60c: {  	v4 =	vld [tilespmem:s9+$0x30];
	[tilespmem:s28+$0xFFFFFED0] =	vst v2  }
0x60d: {  	v2 =	vld [tilespmem:s7+$0x60];
	_ =	sdelay $0x1  }
0x60e: {  	[tilespmem:s25+$0xFFFFFD80] =	vst v0  }
0x60f: {  	v0 =	vld [tilespmem:s10+$0x10]  }
0x610: {  	[tilespmem:s22+$0xFFFFFC30] =	vst v4  }
0x611: {  	v4 =	vld [tilespmem:s9+$0x40];
	[tilespmem:s28+$0xFFFFFEE0] =	vst v2  }
0x612: {  	v2 =	vld [tilespmem:s7+$0x70];
	_ =	sdelay $0x1  }
0x613: {  	[tilespmem:s25+$0xFFFFFD90] =	vst v0  }
0x614: {  	v0 =	vld [tilespmem:s10+$0x20]  }
0x615: {  	[tilespmem:s22+$0xFFFFFC40] =	vst v4  }
0x616: {  	s11 =	spop (v2sf);
	v4 =	vld [tilespmem:s9+$0x50];
	[tilespmem:s28+$0xFFFFFEF0] =	vst v2  }
0x617: {  	v2 =	vld [tilespmem:s11+$0x0]  }
0x618: {  	(v2sf) =	vpush v1, $0x1  }
0x619: {  	[tilespmem:s25+$0xFFFFFDA0] =	vst v0  }
0x61a: {  	v0 =	vld [tilespmem:s10+$0x30]  }
0x61b: {  	[tilespmem:s22+$0xFFFFFC50] =	vst v4  }
0x61c: {  	v4 =	vld [tilespmem:s9+$0x60];
	[tilespmem:s28+$0xFFFFFF00] =	vst v2  }
0x61d: {  	v2 =	vld [tilespmem:s11+$0x10];
	_ =	sdelay $0x1  }
0x61e: {  	[tilespmem:s25+$0xFFFFFDB0] =	vst v0  }
0x61f: {  	v0 =	vld [tilespmem:s10+$0x40]  }
0x620: {  	[tilespmem:s22+$0xFFFFFC60] =	vst v4  }
0x621: {  	v4 =	vld [tilespmem:s9+$0x70];
	[tilespmem:s28+$0xFFFFFF10] =	vst v2  }
0x622: {  	v2 =	vld [tilespmem:s11+$0x20];
	_ =	sdelay $0x1  }
0x623: {  	[tilespmem:s25+$0xFFFFFDC0] =	vst v0  }
0x624: {  	v0 =	vld [tilespmem:s10+$0x50]  }
0x625: {  	s13 =	spop (v2sf);
	[tilespmem:s22+$0xFFFFFC70] =	vst v4  }
0x626: {  	(v2sf) =	vpush v3, $0x4;
	v4 =	vld [tilespmem:s13+$0x0];
	[tilespmem:s28+$0xFFFFFF20] =	vst v2  }
0x627: {  	v2 =	vld [tilespmem:s11+$0x30];
	_ =	sdelay $0x1  }
0x628: {  	[tilespmem:s25+$0xFFFFFDD0] =	vst v0  }
0x629: {  	v0 =	vld [tilespmem:s10+$0x60]  }
0x62a: {  	[tilespmem:s22+$0xFFFFFC80] =	vst v4  }
0x62b: {  	v4 =	vld [tilespmem:s13+$0x10];
	[tilespmem:s28+$0xFFFFFF30] =	vst v2  }
0x62c: {  	v2 =	vld [tilespmem:s11+$0x40];
	_ =	sdelay $0x1  }
0x62d: {  	[tilespmem:s25+$0xFFFFFDE0] =	vst v0  }
0x62e: {  	v0 =	vld [tilespmem:s10+$0x70]  }
0x62f: {  	[tilespmem:s22+$0xFFFFFC90] =	vst v4  }
0x630: {  	v4 =	vld [tilespmem:s13+$0x20];
	[tilespmem:s28+$0xFFFFFF40] =	vst v2  }
0x631: {  	v2 =	vld [tilespmem:s11+$0x50];
	_ =	sdelay $0x1  }
0x632: {  	s14 =	spop (v2sf);
	(v2sf) =	vpush v5, $0x7;
	[tilespmem:s25+$0xFFFFFDF0] =	vst v0  }
0x633: {  	v0 =	vld [tilespmem:s14+$0x0]  }
0x634: {  	[tilespmem:s22+$0xFFFFFCA0] =	vst v4  }
0x635: {  	v4 =	vld [tilespmem:s13+$0x30];
	[tilespmem:s28+$0xFFFFFF50] =	vst v2  }
0x636: {  	v2 =	vld [tilespmem:s11+$0x60];
	_ =	sdelay $0x1  }
0x637: {  	[tilespmem:s25+$0xFFFFFE00] =	vst v0  }
0x638: {  	v0 =	vld [tilespmem:s14+$0x10]  }
0x639: {  	[tilespmem:s22+$0xFFFFFCB0] =	vst v4  }
0x63a: {  	v4 =	vld [tilespmem:s13+$0x40];
	[tilespmem:s28+$0xFFFFFF60] =	vst v2  }
0x63b: {  	v2 =	vld [tilespmem:s11+$0x70];
	_ =	sdelay $0x1  }
0x63c: {  	[tilespmem:s25+$0xFFFFFE10] =	vst v0  }
0x63d: {  	v0 =	vld [tilespmem:s14+$0x20]  }
0x63e: {  	[tilespmem:s22+$0xFFFFFCC0] =	vst v4  }
0x63f: {  	s17 =	spop (v2sf);
	v4 =	vld [tilespmem:s13+$0x50];
	[tilespmem:s28+$0xFFFFFF70] =	vst v2  }
0x640: {  	v2 =	vld [tilespmem:s17+$0x0]  }
0x641: {  	(v2sf) =	vpush v1, $0x2  }
0x642: {  	[tilespmem:s25+$0xFFFFFE20] =	vst v0  }
0x643: {  	v0 =	vld [tilespmem:s14+$0x30]  }
0x644: {  	[tilespmem:s22+$0xFFFFFCD0] =	vst v4  }
0x645: {  	v4 =	vld [tilespmem:s13+$0x60];
	[tilespmem:s28+$0xFFFFFF80] =	vst v2  }
0x646: {  	v2 =	vld [tilespmem:s17+$0x10];
	_ =	sdelay $0x1  }
0x647: {  	[tilespmem:s25+$0xFFFFFE30] =	vst v0  }
0x648: {  	v0 =	vld [tilespmem:s14+$0x40]  }
0x649: {  	[tilespmem:s22+$0xFFFFFCE0] =	vst v4  }
0x64a: {  	v4 =	vld [tilespmem:s13+$0x70];
	[tilespmem:s28+$0xFFFFFF90] =	vst v2  }
0x64b: {  	v2 =	vld [tilespmem:s17+$0x20];
	_ =	sdelay $0x1  }
0x64c: {  	[tilespmem:s25+$0xFFFFFE40] =	vst v0  }
0x64d: {  	v0 =	vld [tilespmem:s14+$0x50]  }
0x64e: {  	s19 =	spop (v2sf);
	[tilespmem:s22+$0xFFFFFCF0] =	vst v4  }
0x64f: {  	(v2sf) =	vpush v3, $0x5;
	v4 =	vld [tilespmem:s19+$0x0];
	[tilespmem:s28+$0xFFFFFFA0] =	vst v2  }
0x650: {  	v2 =	vld [tilespmem:s17+$0x30];
	_ =	sdelay $0x1  }
0x651: {  	[tilespmem:s25+$0xFFFFFE50] =	vst v0  }
0x652: {  	v0 =	vld [tilespmem:s14+$0x60]  }
0x653: {  	[tilespmem:s22+$0xFFFFFD00] =	vst v4  }
0x654: {  	v4 =	vld [tilespmem:s19+$0x10];
	[tilespmem:s28+$0xFFFFFFB0] =	vst v2  }
0x655: {  	v2 =	vld [tilespmem:s17+$0x40]  }
0x656: {  	s24 =	simm.s32 $0x30  }
0x657: {  	v6 =	vld [tilespmem:s24+$0x1200];
	[tilespmem:s25+$0xFFFFFE60] =	vst v0  }
0x658: {  	v0 =	vld [tilespmem:s14+$0x70]  }
0x659: {  	[tilespmem:s22+$0xFFFFFD10] =	vst v4  }
0x65a: {  	v4 =	vld [tilespmem:s19+$0x20];
	[tilespmem:s28+$0xFFFFFFC0] =	vst v2  }
0x65b: {  	v2 =	vld [tilespmem:s17+$0x50];
	_ =	sdelay $0x1  }
0x65c: {  	v6 =	vshll.u32 v6, $0x9;
	(v2sf) =	vpush v5, $0x8;
	s26 =	spop (v2sf);
	[tilespmem:s25+$0xFFFFFE70] =	vst v0  }
0x65d: {  	v0 =	vshra.s32 v6, $0x2;
	v6 =	vld [tilespmem:s26+$0x0]  }
0x65e: {  	(v2sf) =	vpush v0, $0x0;
	[tilespmem:s22+$0xFFFFFD20] =	vst v4  }
0x65f: {  	v4 =	vld [tilespmem:s19+$0x30];
	[tilespmem:s28+$0xFFFFFFD0] =	vst v2  }
0x660: {  	v2 =	vld [tilespmem:s17+$0x60];
	_ =	sdelay $0x1  }
0x661: {  	[tilespmem:s25+$0xFFFFFE80] =	vst v6  }
0x662: {  	v6 =	vld [tilespmem:s26+$0x10]  }
0x663: {  	[tilespmem:s22+$0xFFFFFD30] =	vst v4  }
0x664: {  	v4 =	vld [tilespmem:s19+$0x40];
	[tilespmem:s28+$0xFFFFFFE0] =	vst v2  }
0x665: {  	v2 =	vld [tilespmem:s17+$0x70];
	_ =	sdelay $0x1  }
0x666: {  	[tilespmem:s25+$0xFFFFFE90] =	vst v6  }
0x667: {  	v6 =	vld [tilespmem:s26+$0x20]  }
0x668: {  	[tilespmem:s22+$0xFFFFFD40] =	vst v4  }
0x669: {  	s30 =	spop (v2sf);
	v4 =	vld [tilespmem:s19+$0x50];
	[tilespmem:s28+$0xFFFFFFF0] =	vst v2  }
0x66a: {  	v2 =	vld [tilespmem:s30+$0x0]  }
0x66b: {  	s31 =	spop (v2sf);
	(v2sf) =	vpush v1, $0x3  }
0x66c: {  	v7 =	vld [tilespmem:s31+$0x0];
	[tilespmem:s25+$0xFFFFFEA0] =	vst v6  }
0x66d: {  	v6 =	vld [tilespmem:s26+$0x30]  }
0x66e: {  	[tilespmem:s22+$0xFFFFFD50] =	vst v4  }
0x66f: {  	v4 =	vld [tilespmem:s19+$0x60];
	[tilespmem:s28+$0x0] =	vst v2  }
0x670: {  	s23 =	simm.s32 $0xF800;
	v2 =	vld [tilespmem:s30+$0x10]  }
0x671: {  	[tilespmem:s23+$0xFFFFFC00] =	vst v7  }
0x672: {  	v7 =	vld [tilespmem:s31+$0x10];
	[tilespmem:s25+$0xFFFFFEB0] =	vst v6  }
0x673: {  	v6 =	vld [tilespmem:s26+$0x40]  }
0x674: {  	[tilespmem:s22+$0xFFFFFD60] =	vst v4  }
0x675: {  	v4 =	vld [tilespmem:s19+$0x70];
	[tilespmem:s28+$0x10] =	vst v2  }
0x676: {  	v2 =	vld [tilespmem:s30+$0x20]  }
0x677: {  	[tilespmem:s23+$0xFFFFFC10] =	vst v7  }
0x678: {  	v7 =	vld [tilespmem:s31+$0x20];
	[tilespmem:s25+$0xFFFFFEC0] =	vst v6  }
0x679: {  	v6 =	vld [tilespmem:s26+$0x50]  }
0x67a: {  	s9 =	spop (v2sf);
	[tilespmem:s22+$0xFFFFFD70] =	vst v4  }
0x67b: {  	(v2sf) =	vpush v3, $0x6;
	v4 =	vld [tilespmem:s9+$0x0];
	[tilespmem:s28+$0x20] =	vst v2  }
0x67c: {  	v2 =	vld [tilespmem:s30+$0x30]  }
0x67d: {  	[tilespmem:s23+$0xFFFFFC20] =	vst v7  }
0x67e: {  	v7 =	vld [tilespmem:s31+$0x30];
	[tilespmem:s25+$0xFFFFFED0] =	vst v6  }
0x67f: {  	v6 =	vld [tilespmem:s26+$0x60]  }
0x680: {  	[tilespmem:s22+$0xFFFFFD80] =	vst v4  }
0x681: {  	v4 =	vld [tilespmem:s9+$0x10];
	[tilespmem:s28+$0x30] =	vst v2  }
0x682: {  	v2 =	vld [tilespmem:s30+$0x40]  }
0x683: {  	[tilespmem:s23+$0xFFFFFC30] =	vst v7  }
0x684: {  	v7 =	vld [tilespmem:s31+$0x40];
	[tilespmem:s25+$0xFFFFFEE0] =	vst v6  }
0x685: {  	v6 =	vld [tilespmem:s26+$0x70]  }
0x686: {  	[tilespmem:s22+$0xFFFFFD90] =	vst v4  }
0x687: {  	v4 =	vld [tilespmem:s9+$0x20];
	[tilespmem:s28+$0x40] =	vst v2  }
0x688: {  	v2 =	vld [tilespmem:s30+$0x50]  }
0x689: {  	[tilespmem:s23+$0xFFFFFC40] =	vst v7  }
0x68a: {  	(v2sf) =	vpush v5, $0x9;
	s10 =	spop (v2sf);
	v7 =	vld [tilespmem:s31+$0x50];
	[tilespmem:s25+$0xFFFFFEF0] =	vst v6  }
0x68b: {  	v6 =	vld [tilespmem:s10+$0x0]  }
0x68c: {  	(v2sf) =	vpush v0, $0x1;
	[tilespmem:s22+$0xFFFFFDA0] =	vst v4  }
0x68d: {  	v4 =	vld [tilespmem:s9+$0x30];
	[tilespmem:s28+$0x50] =	vst v2  }
0x68e: {  	v2 =	vld [tilespmem:s30+$0x60]  }
0x68f: {  	[tilespmem:s23+$0xFFFFFC50] =	vst v7  }
0x690: {  	v7 =	vld [tilespmem:s31+$0x60];
	[tilespmem:s25+$0xFFFFFF00] =	vst v6  }
0x691: {  	v6 =	vld [tilespmem:s10+$0x10]  }
0x692: {  	[tilespmem:s22+$0xFFFFFDB0] =	vst v4  }
0x693: {  	v4 =	vld [tilespmem:s9+$0x40];
	[tilespmem:s28+$0x60] =	vst v2  }
0x694: {  	v2 =	vld [tilespmem:s30+$0x70]  }
0x695: {  	[tilespmem:s23+$0xFFFFFC60] =	vst v7  }
0x696: {  	v7 =	vld [tilespmem:s31+$0x70];
	[tilespmem:s25+$0xFFFFFF10] =	vst v6  }
0x697: {  	v6 =	vld [tilespmem:s10+$0x20]  }
0x698: {  	[tilespmem:s22+$0xFFFFFDC0] =	vst v4  }
0x699: {  	s11 =	spop (v2sf);
	v4 =	vld [tilespmem:s9+$0x50];
	[tilespmem:s28+$0x70] =	vst v2  }
0x69a: {  	v2 =	vld [tilespmem:s11+$0x0]  }
0x69b: {  	s13 =	spop (v2sf);
	(v2sf) =	vpush v1, $0x4;
	[tilespmem:s23+$0xFFFFFC70] =	vst v7  }
0x69c: {  	v7 =	vld [tilespmem:s13+$0x0];
	[tilespmem:s25+$0xFFFFFF20] =	vst v6  }
0x69d: {  	v6 =	vld [tilespmem:s10+$0x30]  }
0x69e: {  	[tilespmem:s22+$0xFFFFFDD0] =	vst v4  }
0x69f: {  	v4 =	vld [tilespmem:s9+$0x60];
	[tilespmem:s28+$0x80] =	vst v2  }
0x6a0: {  	v2 =	vld [tilespmem:s11+$0x10]  }
0x6a1: {  	[tilespmem:s23+$0xFFFFFC80] =	vst v7  }
0x6a2: {  	v7 =	vld [tilespmem:s13+$0x10];
	[tilespmem:s25+$0xFFFFFF30] =	vst v6  }
0x6a3: {  	v6 =	vld [tilespmem:s10+$0x40]  }
0x6a4: {  	[tilespmem:s22+$0xFFFFFDE0] =	vst v4  }
0x6a5: {  	v4 =	vld [tilespmem:s9+$0x70];
	[tilespmem:s28+$0x90] =	vst v2  }
0x6a6: {  	v2 =	vld [tilespmem:s11+$0x20]  }
0x6a7: {  	[tilespmem:s23+$0xFFFFFC90] =	vst v7  }
0x6a8: {  	v7 =	vld [tilespmem:s13+$0x20];
	[tilespmem:s25+$0xFFFFFF40] =	vst v6  }
0x6a9: {  	v6 =	vld [tilespmem:s10+$0x50]  }
0x6aa: {  	s14 =	spop (v2sf);
	[tilespmem:s22+$0xFFFFFDF0] =	vst v4  }
0x6ab: {  	(v2sf) =	vpush v3, $0x7;
	v4 =	vld [tilespmem:s14+$0x0];
	[tilespmem:s28+$0xA0] =	vst v2  }
0x6ac: {  	v2 =	vld [tilespmem:s11+$0x30]  }
0x6ad: {  	[tilespmem:s23+$0xFFFFFCA0] =	vst v7  }
0x6ae: {  	v7 =	vld [tilespmem:s13+$0x30];
	[tilespmem:s25+$0xFFFFFF50] =	vst v6  }
0x6af: {  	v6 =	vld [tilespmem:s10+$0x60]  }
0x6b0: {  	[tilespmem:s22+$0xFFFFFE00] =	vst v4  }
0x6b1: {  	v4 =	vld [tilespmem:s14+$0x10];
	[tilespmem:s28+$0xB0] =	vst v2  }
0x6b2: {  	v2 =	vld [tilespmem:s11+$0x40]  }
0x6b3: {  	[tilespmem:s23+$0xFFFFFCB0] =	vst v7  }
0x6b4: {  	v7 =	vld [tilespmem:s13+$0x40];
	[tilespmem:s25+$0xFFFFFF60] =	vst v6  }
0x6b5: {  	v6 =	vld [tilespmem:s10+$0x70]  }
0x6b6: {  	[tilespmem:s22+$0xFFFFFE10] =	vst v4  }
0x6b7: {  	v4 =	vld [tilespmem:s14+$0x20];
	[tilespmem:s28+$0xC0] =	vst v2  }
0x6b8: {  	v2 =	vld [tilespmem:s11+$0x50]  }
0x6b9: {  	[tilespmem:s23+$0xFFFFFCC0] =	vst v7  }
0x6ba: {  	(v2sf) =	vpush v5, $0xA;
	s17 =	spop (v2sf);
	v7 =	vld [tilespmem:s13+$0x50];
	[tilespmem:s25+$0xFFFFFF70] =	vst v6  }
0x6bb: {  	v6 =	vld [tilespmem:s17+$0x0]  }
0x6bc: {  	(v2sf) =	vpush v0, $0x2;
	[tilespmem:s22+$0xFFFFFE20] =	vst v4  }
0x6bd: {  	v4 =	vld [tilespmem:s14+$0x30];
	[tilespmem:s28+$0xD0] =	vst v2  }
0x6be: {  	v2 =	vld [tilespmem:s11+$0x60]  }
0x6bf: {  	[tilespmem:s23+$0xFFFFFCD0] =	vst v7  }
0x6c0: {  	v7 =	vld [tilespmem:s13+$0x60];
	[tilespmem:s25+$0xFFFFFF80] =	vst v6  }
0x6c1: {  	v6 =	vld [tilespmem:s17+$0x10]  }
0x6c2: {  	[tilespmem:s22+$0xFFFFFE30] =	vst v4  }
0x6c3: {  	v4 =	vld [tilespmem:s14+$0x40];
	[tilespmem:s28+$0xE0] =	vst v2  }
0x6c4: {  	v2 =	vld [tilespmem:s11+$0x70]  }
0x6c5: {  	[tilespmem:s23+$0xFFFFFCE0] =	vst v7  }
0x6c6: {  	v7 =	vld [tilespmem:s13+$0x70];
	[tilespmem:s25+$0xFFFFFF90] =	vst v6  }
0x6c7: {  	v6 =	vld [tilespmem:s17+$0x20]  }
0x6c8: {  	[tilespmem:s22+$0xFFFFFE40] =	vst v4  }
0x6c9: {  	s19 =	spop (v2sf);
	v4 =	vld [tilespmem:s14+$0x50];
	[tilespmem:s28+$0xF0] =	vst v2  }
0x6ca: {  	v2 =	vld [tilespmem:s19+$0x0]  }
0x6cb: {  	s26 =	spop (v2sf);
	(v2sf) =	vpush v1, $0x5;
	[tilespmem:s23+$0xFFFFFCF0] =	vst v7  }
0x6cc: {  	v7 =	vld [tilespmem:s26+$0x0];
	[tilespmem:s25+$0xFFFFFFA0] =	vst v6  }
0x6cd: {  	v6 =	vld [tilespmem:s17+$0x30]  }
0x6ce: {  	[tilespmem:s22+$0xFFFFFE50] =	vst v4  }
0x6cf: {  	v4 =	vld [tilespmem:s14+$0x60];
	[tilespmem:s28+$0x100] =	vst v2  }
0x6d0: {  	v2 =	vld [tilespmem:s19+$0x10]  }
0x6d1: {  	[tilespmem:s23+$0xFFFFFD00] =	vst v7  }
0x6d2: {  	v7 =	vld [tilespmem:s26+$0x10];
	[tilespmem:s25+$0xFFFFFFB0] =	vst v6  }
0x6d3: {  	s30 =	simm.s32 $0x40;
	v6 =	vld [tilespmem:s17+$0x40]  }
0x6d4: {  	v8 =	vld [tilespmem:s30+$0x1200];
	[tilespmem:s22+$0xFFFFFE60] =	vst v4  }
0x6d5: {  	v4 =	vld [tilespmem:s14+$0x70];
	[tilespmem:s28+$0x110] =	vst v2  }
0x6d6: {  	v2 =	vld [tilespmem:s19+$0x20]  }
0x6d7: {  	[tilespmem:s23+$0xFFFFFD10] =	vst v7  }
0x6d8: {  	v7 =	vld [tilespmem:s26+$0x20];
	[tilespmem:s25+$0xFFFFFFC0] =	vst v6  }
0x6d9: {  	v6 =	vld [tilespmem:s17+$0x50]  }
0x6da: {  	s31 =	spop (v2sf);
	[tilespmem:s22+$0xFFFFFE70] =	vst v4;
	v4 =	vshll.u32 v8, $0x9  }
0x6db: {  	(v2sf) =	vpush v3, $0x8;
	v8 =	vld [tilespmem:s31+$0x0];
	[tilespmem:s28+$0x120] =	vst v2;
	v2 =	vshra.s32 v4, $0x2  }
0x6dc: {  	v4 =	vld [tilespmem:s19+$0x30];
	(v2sf) =	vpush v2, $0x0  }
0x6dd: {  	[tilespmem:s23+$0xFFFFFD20] =	vst v7  }
0x6de: {  	v7 =	vld [tilespmem:s26+$0x30];
	[tilespmem:s25+$0xFFFFFFD0] =	vst v6  }
0x6df: {  	v6 =	vld [tilespmem:s17+$0x60]  }
0x6e0: {  	[tilespmem:s22+$0xFFFFFE80] =	vst v8  }
0x6e1: {  	v8 =	vld [tilespmem:s31+$0x10];
	[tilespmem:s28+$0x130] =	vst v4  }
0x6e2: {  	v4 =	vld [tilespmem:s19+$0x40]  }
0x6e3: {  	[tilespmem:s23+$0xFFFFFD30] =	vst v7  }
0x6e4: {  	v7 =	vld [tilespmem:s26+$0x40];
	[tilespmem:s25+$0xFFFFFFE0] =	vst v6  }
0x6e5: {  	v6 =	vld [tilespmem:s17+$0x70]  }
0x6e6: {  	[tilespmem:s22+$0xFFFFFE90] =	vst v8  }
0x6e7: {  	[tilespmem:s28+$0x140] =	vst v4;
	v4 =	vld [tilespmem:s31+$0x20]  }
0x6e8: {  	v8 =	vld [tilespmem:s19+$0x50]  }
0x6e9: {  	[tilespmem:s23+$0xFFFFFD40] =	vst v7  }
0x6ea: {  	s7 =	spop (v2sf);
	(v2sf) =	vpush v5, $0xB;
	v7 =	vld [tilespmem:s26+$0x50];
	[tilespmem:s25+$0xFFFFFFF0] =	vst v6  }
0x6eb: {  	v6 =	vld [tilespmem:s7+$0x0];
	s10 =	spop (v2sf)  }
0x6ec: {  	(v2sf) =	vpush v0, $0x3;
	v9 =	vld [tilespmem:s10+$0x0];
	[tilespmem:s22+$0xFFFFFEA0] =	vst v4  }
0x6ed: {  	v4 =	vld [tilespmem:s31+$0x30];
	[tilespmem:s28+$0x150] =	vst v8  }
0x6ee: {  	v8 =	vld [tilespmem:s19+$0x60]  }
0x6ef: {  	[tilespmem:s23+$0xFFFFFD50] =	vst v7  }
0x6f0: {  	s24 =	simm.s32 $0x10000;
	v7 =	vld [tilespmem:s26+$0x60];
	[tilespmem:s25+$0x0] =	vst v6  }
0x6f1: {  	v6 =	vld [tilespmem:s7+$0x10];
	[tilespmem:s24+$0xFFFFFC00] =	vst v9  }
0x6f2: {  	v9 =	vld [tilespmem:s10+$0x10];
	[tilespmem:s22+$0xFFFFFEB0] =	vst v4  }
0x6f3: {  	v4 =	vld [tilespmem:s31+$0x40];
	[tilespmem:s28+$0x160] =	vst v8  }
0x6f4: {  	v8 =	vld [tilespmem:s19+$0x70]  }
0x6f5: {  	[tilespmem:s23+$0xFFFFFD60] =	vst v7  }
0x6f6: {  	v7 =	vld [tilespmem:s26+$0x70];
	[tilespmem:s25+$0x10] =	vst v6  }
0x6f7: {  	v6 =	vld [tilespmem:s7+$0x20];
	[tilespmem:s24+$0xFFFFFC10] =	vst v9  }
0x6f8: {  	v9 =	vld [tilespmem:s10+$0x20];
	[tilespmem:s22+$0xFFFFFEC0] =	vst v4  }
0x6f9: {  	s11 =	spop (v2sf);
	v4 =	vld [tilespmem:s31+$0x50];
	[tilespmem:s28+$0x170] =	vst v8  }
0x6fa: {  	v8 =	vld [tilespmem:s11+$0x0]  }
0x6fb: {  	[tilespmem:s23+$0xFFFFFD70] =	vst v7;
	s13 =	spop (v2sf);
	(v2sf) =	vpush v1, $0x6  }
0x6fc: {  	v7 =	vld [tilespmem:s13+$0x0];
	[tilespmem:s25+$0x20] =	vst v6  }
0x6fd: {  	v6 =	vld [tilespmem:s7+$0x30];
	[tilespmem:s24+$0xFFFFFC20] =	vst v9  }
0x6fe: {  	v9 =	vld [tilespmem:s10+$0x30];
	[tilespmem:s22+$0xFFFFFED0] =	vst v4  }
0x6ff: {  	v4 =	vld [tilespmem:s31+$0x60];
	[tilespmem:s28+$0x180] =	vst v8  }
0x700: {  	v8 =	vld [tilespmem:s11+$0x10]  }
0x701: {  	[tilespmem:s23+$0xFFFFFD80] =	vst v7  }
0x702: {  	v7 =	vld [tilespmem:s13+$0x10];
	[tilespmem:s25+$0x30] =	vst v6  }
0x703: {  	v6 =	vld [tilespmem:s7+$0x40];
	[tilespmem:s24+$0xFFFFFC30] =	vst v9  }
0x704: {  	v9 =	vld [tilespmem:s10+$0x40];
	[tilespmem:s22+$0xFFFFFEE0] =	vst v4  }
0x705: {  	v4 =	vld [tilespmem:s31+$0x70];
	[tilespmem:s28+$0x190] =	vst v8  }
0x706: {  	v8 =	vld [tilespmem:s11+$0x20]  }
0x707: {  	[tilespmem:s23+$0xFFFFFD90] =	vst v7  }
0x708: {  	v7 =	vld [tilespmem:s13+$0x20];
	[tilespmem:s25+$0x40] =	vst v6  }
0x709: {  	v6 =	vld [tilespmem:s7+$0x50];
	[tilespmem:s24+$0xFFFFFC40] =	vst v9  }
0x70a: {  	s14 =	spop (v2sf);
	v9 =	vld [tilespmem:s10+$0x50];
	[tilespmem:s22+$0xFFFFFEF0] =	vst v4  }
0x70b: {  	(v2sf) =	vpush v3, $0x9;
	v4 =	vld [tilespmem:s14+$0x0];
	[tilespmem:s28+$0x1A0] =	vst v8  }
0x70c: {  	(v2sf) =	vpush v2, $0x1;
	v8 =	vld [tilespmem:s11+$0x30]  }
0x70d: {  	[tilespmem:s23+$0xFFFFFDA0] =	vst v7  }
0x70e: {  	v7 =	vld [tilespmem:s13+$0x30];
	[tilespmem:s25+$0x50] =	vst v6  }
0x70f: {  	v6 =	vld [tilespmem:s7+$0x60];
	[tilespmem:s24+$0xFFFFFC50] =	vst v9  }
0x710: {  	v9 =	vld [tilespmem:s10+$0x60];
	[tilespmem:s22+$0xFFFFFF00] =	vst v4  }
0x711: {  	v4 =	vld [tilespmem:s14+$0x10];
	[tilespmem:s28+$0x1B0] =	vst v8  }
0x712: {  	v8 =	vld [tilespmem:s11+$0x40]  }
0x713: {  	[tilespmem:s23+$0xFFFFFDB0] =	vst v7  }
0x714: {  	v7 =	vld [tilespmem:s13+$0x40];
	[tilespmem:s25+$0x60] =	vst v6  }
0x715: {  	v6 =	vld [tilespmem:s7+$0x70];
	[tilespmem:s24+$0xFFFFFC60] =	vst v9  }
0x716: {  	v9 =	vld [tilespmem:s10+$0x70];
	[tilespmem:s22+$0xFFFFFF10] =	vst v4  }
0x717: {  	v4 =	vld [tilespmem:s14+$0x20];
	[tilespmem:s28+$0x1C0] =	vst v8  }
0x718: {  	v8 =	vld [tilespmem:s11+$0x50]  }
0x719: {  	[tilespmem:s23+$0xFFFFFDC0] =	vst v7  }
0x71a: {  	s17 =	spop (v2sf);
	(v2sf) =	vpush v5, $0xC;
	v7 =	vld [tilespmem:s13+$0x50];
	[tilespmem:s25+$0x70] =	vst v6  }
0x71b: {  	s19 =	spop (v2sf);
	v6 =	vld [tilespmem:s17+$0x0];
	[tilespmem:s24+$0xFFFFFC70] =	vst v9  }
0x71c: {  	(v2sf) =	vpush v0, $0x4;
	v9 =	vld [tilespmem:s19+$0x0];
	[tilespmem:s22+$0xFFFFFF20] =	vst v4  }
0x71d: {  	v4 =	vld [tilespmem:s14+$0x30];
	[tilespmem:s28+$0x1D0] =	vst v8  }
0x71e: {  	v8 =	vld [tilespmem:s11+$0x60]  }
0x71f: {  	[tilespmem:s23+$0xFFFFFDD0] =	vst v7  }
0x720: {  	v7 =	vld [tilespmem:s13+$0x60];
	[tilespmem:s25+$0x80] =	vst v6  }
0x721: {  	v6 =	vld [tilespmem:s17+$0x10];
	[tilespmem:s24+$0xFFFFFC80] =	vst v9  }
0x722: {  	v9 =	vld [tilespmem:s19+$0x10];
	[tilespmem:s22+$0xFFFFFF30] =	vst v4  }
0x723: {  	v4 =	vld [tilespmem:s14+$0x40];
	[tilespmem:s28+$0x1E0] =	vst v8  }
0x724: {  	v8 =	vld [tilespmem:s11+$0x70]  }
0x725: {  	[tilespmem:s23+$0xFFFFFDE0] =	vst v7  }
0x726: {  	v7 =	vld [tilespmem:s13+$0x70];
	[tilespmem:s25+$0x90] =	vst v6  }
0x727: {  	v6 =	vld [tilespmem:s17+$0x20];
	[tilespmem:s24+$0xFFFFFC90] =	vst v9  }
0x728: {  	v9 =	vld [tilespmem:s19+$0x20];
	[tilespmem:s22+$0xFFFFFF40] =	vst v4  }
0x729: {  	s26 =	spop (v2sf);
	v4 =	vld [tilespmem:s14+$0x50];
	[tilespmem:s28+$0x1F0] =	vst v8  }
0x72a: {  	v8 =	vld [tilespmem:s26+$0x0]  }
0x72b: {  	s30 =	spop (v2sf);
	(v2sf) =	vpush v1, $0x7;
	[tilespmem:s23+$0xFFFFFDF0] =	vst v7  }
0x72c: {  	v7 =	vld [tilespmem:s30+$0x0];
	[tilespmem:s25+$0xA0] =	vst v6  }
0x72d: {  	v6 =	vld [tilespmem:s17+$0x30];
	[tilespmem:s24+$0xFFFFFCA0] =	vst v9  }
0x72e: {  	v9 =	vld [tilespmem:s19+$0x30];
	[tilespmem:s22+$0xFFFFFF50] =	vst v4  }
0x72f: {  	v4 =	vld [tilespmem:s14+$0x60];
	[tilespmem:s28+$0x200] =	vst v8  }
0x730: {  	v8 =	vld [tilespmem:s26+$0x10]  }
0x731: {  	[tilespmem:s23+$0xFFFFFE00] =	vst v7  }
0x732: {  	v7 =	vld [tilespmem:s30+$0x10];
	[tilespmem:s25+$0xB0] =	vst v6  }
0x733: {  	v6 =	vld [tilespmem:s17+$0x40];
	[tilespmem:s24+$0xFFFFFCB0] =	vst v9  }
0x734: {  	v9 =	vld [tilespmem:s19+$0x40];
	[tilespmem:s22+$0xFFFFFF60] =	vst v4  }
0x735: {  	v4 =	vld [tilespmem:s14+$0x70];
	[tilespmem:s28+$0x210] =	vst v8  }
0x736: {  	v8 =	vld [tilespmem:s26+$0x20]  }
0x737: {  	[tilespmem:s23+$0xFFFFFE10] =	vst v7  }
0x738: {  	v7 =	vld [tilespmem:s30+$0x20];
	[tilespmem:s25+$0xC0] =	vst v6  }
0x739: {  	v6 =	vld [tilespmem:s17+$0x50];
	[tilespmem:s24+$0xFFFFFCC0] =	vst v9  }
0x73a: {  	s31 =	spop (v2sf);
	v9 =	vld [tilespmem:s19+$0x50];
	[tilespmem:s22+$0xFFFFFF70] =	vst v4  }
0x73b: {  	(v2sf) =	vpush v3, $0xA;
	v4 =	vld [tilespmem:s31+$0x0];
	[tilespmem:s28+$0x220] =	vst v8  }
0x73c: {  	(v2sf) =	vpush v2, $0x2;
	v8 =	vld [tilespmem:s26+$0x30]  }
0x73d: {  	[tilespmem:s23+$0xFFFFFE20] =	vst v7  }
0x73e: {  	v7 =	vld [tilespmem:s30+$0x30];
	[tilespmem:s25+$0xD0] =	vst v6  }
0x73f: {  	v6 =	vld [tilespmem:s17+$0x60];
	[tilespmem:s24+$0xFFFFFCD0] =	vst v9  }
0x740: {  	v9 =	vld [tilespmem:s19+$0x60];
	[tilespmem:s22+$0xFFFFFF80] =	vst v4  }
0x741: {  	v4 =	vld [tilespmem:s31+$0x10];
	[tilespmem:s28+$0x230] =	vst v8  }
0x742: {  	v8 =	vld [tilespmem:s26+$0x40]  }
0x743: {  	[tilespmem:s23+$0xFFFFFE30] =	vst v7  }
0x744: {  	v7 =	vld [tilespmem:s30+$0x40];
	[tilespmem:s25+$0xE0] =	vst v6  }
0x745: {  	v6 =	vld [tilespmem:s17+$0x70];
	[tilespmem:s24+$0xFFFFFCE0] =	vst v9  }
0x746: {  	v9 =	vld [tilespmem:s19+$0x70];
	[tilespmem:s22+$0xFFFFFF90] =	vst v4  }
0x747: {  	v4 =	vld [tilespmem:s31+$0x20];
	[tilespmem:s28+$0x240] =	vst v8  }
0x748: {  	v8 =	vld [tilespmem:s26+$0x50]  }
0x749: {  	[tilespmem:s23+$0xFFFFFE40] =	vst v7  }
0x74a: {  	s11 =	spop (v2sf);
	(v2sf) =	vpush v5, $0xD;
	v7 =	vld [tilespmem:s30+$0x50];
	[tilespmem:s25+$0xF0] =	vst v6  }
0x74b: {  	s13 =	spop (v2sf);
	v6 =	vld [tilespmem:s11+$0x0];
	[tilespmem:s24+$0xFFFFFCF0] =	vst v9  }
0x74c: {  	(v2sf) =	vpush v0, $0x5;
	v9 =	vld [tilespmem:s13+$0x0];
	[tilespmem:s22+$0xFFFFFFA0] =	vst v4  }
0x74d: {  	v4 =	vld [tilespmem:s31+$0x30];
	[tilespmem:s28+$0x250] =	vst v8  }
0x74e: {  	v8 =	vld [tilespmem:s26+$0x60]  }
0x74f: {  	[tilespmem:s23+$0xFFFFFE50] =	vst v7  }
0x750: {  	v7 =	vld [tilespmem:s30+$0x60];
	[tilespmem:s25+$0x100] =	vst v6  }
0x751: {  	v6 =	vld [tilespmem:s11+$0x10];
	[tilespmem:s24+$0xFFFFFD00] =	vst v9  }
0x752: {  	v9 =	vld [tilespmem:s13+$0x10];
	[tilespmem:s22+$0xFFFFFFB0] =	vst v4  }
0x753: {  	v4 =	vld [tilespmem:s31+$0x40];
	[tilespmem:s28+$0x260] =	vst v8  }
0x754: {  	s14 =	simm.s32 $0x50;
	v8 =	vld [tilespmem:s26+$0x70]  }
0x755: {  	v10 =	vld [tilespmem:s14+$0x1200];
	[tilespmem:s23+$0xFFFFFE60] =	vst v7  }
0x756: {  	v7 =	vld [tilespmem:s30+$0x70];
	[tilespmem:s25+$0x110] =	vst v6  }
0x757: {  	v6 =	vld [tilespmem:s11+$0x20];
	[tilespmem:s24+$0xFFFFFD10] =	vst v9  }
0x758: {  	v9 =	vld [tilespmem:s13+$0x20];
	[tilespmem:s22+$0xFFFFFFC0] =	vst v4  }
0x759: {  	s17 =	spop (v2sf);
	v11 =	vld [tilespmem:s31+$0x50];
	[tilespmem:s28+$0x270] =	vst v8  }
0x75a: {  	v8 =	vld [tilespmem:s17+$0x0]  }
0x75b: {  	(v2sf) =	vpush v1, $0x8;
	s19 =	spop (v2sf);
	v4 =	vshll.u32 v10, $0x9;
	[tilespmem:s23+$0xFFFFFE70] =	vst v7  }
0x75c: {  	v4 =	vshra.s32 v4, $0x2;
	v7 =	vld [tilespmem:s19+$0x0];
	[tilespmem:s25+$0x120] =	vst v6  }
0x75d: {  	(v2sf) =	vpush v4, $0x0;
	v6 =	vld [tilespmem:s11+$0x30];
	[tilespmem:s24+$0xFFFFFD20] =	vst v9  }
0x75e: {  	v9 =	vld [tilespmem:s13+$0x30];
	[tilespmem:s22+$0xFFFFFFD0] =	vst v11  }
0x75f: {  	v10 =	vld [tilespmem:s31+$0x60];
	[tilespmem:s28+$0x280] =	vst v8  }
0x760: {  	v8 =	vld [tilespmem:s17+$0x10]  }
0x761: {  	[tilespmem:s23+$0xFFFFFE80] =	vst v7  }
0x762: {  	v7 =	vld [tilespmem:s19+$0x10];
	[tilespmem:s25+$0x130] =	vst v6  }
0x763: {  	v11 =	vld [tilespmem:s11+$0x40];
	[tilespmem:s24+$0xFFFFFD30] =	vst v9  }
0x764: {  	v9 =	vld [tilespmem:s13+$0x40];
	[tilespmem:s22+$0xFFFFFFE0] =	vst v10  }
0x765: {  	v10 =	vld [tilespmem:s31+$0x70];
	[tilespmem:s28+$0x290] =	vst v8  }
0x766: {  	s26 =	simm.s32 $0x60;
	v8 =	vld [tilespmem:s17+$0x20]  }
0x767: {  	v6 =	vld [tilespmem:s26+$0x1200];
	[tilespmem:s23+$0xFFFFFE90] =	vst v7  }
0x768: {  	[tilespmem:s25+$0x140] =	vst v11;
	v7 =	vld [tilespmem:s19+$0x20]  }
0x769: {  	[tilespmem:s24+$0xFFFFFD40] =	vst v9;
	v9 =	vld [tilespmem:s11+$0x50]  }
0x76a: {  	s30 =	spop (v2sf);
	v11 =	vld [tilespmem:s13+$0x50];
	[tilespmem:s22+$0xFFFFFFF0] =	vst v10  }
0x76b: {  	(v2sf) =	vpush v3, $0xB;
	v10 =	vld [tilespmem:s30+$0x0];
	[tilespmem:s28+$0x2A0] =	vst v8  }
0x76c: {  	s31 =	spop (v2sf);
	(v2sf) =	vpush v2, $0x3;
	v8 =	vld [tilespmem:s17+$0x30]  }
0x76d: {  	v12 =	vld [tilespmem:s31+$0x0];
	[tilespmem:s23+$0xFFFFFEA0] =	vst v7  }
0x76e: {  	v7 =	vld [tilespmem:s19+$0x30];
	[tilespmem:s25+$0x150] =	vst v9  }
0x76f: {  	[tilespmem:s24+$0xFFFFFD50] =	vst v11;
	v9 =	vld [tilespmem:s11+$0x60]  }
0x770: {  	v11 =	vld [tilespmem:s13+$0x60];
	[tilespmem:s22+$0x0] =	vst v10  }
0x771: {  	s26 =	simm.s32 $0x10800;
	v10 =	vld [tilespmem:s30+$0x10];
	[tilespmem:s28+$0x2B0] =	vst v8  }
0x772: {  	[tilespmem:s26+$0xFFFFFC00] =	vst v12;
	v8 =	vld [tilespmem:s17+$0x40]  }
0x773: {  	v12 =	vld [tilespmem:s31+$0x10];
	[tilespmem:s23+$0xFFFFFEB0] =	vst v7  }
0x774: {  	v7 =	vld [tilespmem:s19+$0x40];
	[tilespmem:s25+$0x160] =	vst v9  }
0x775: {  	[tilespmem:s24+$0xFFFFFD60] =	vst v11;
	v9 =	vld [tilespmem:s11+$0x70]  }
0x776: {  	v11 =	vld [tilespmem:s13+$0x70];
	[tilespmem:s22+$0x10] =	vst v10  }
0x777: {  	v10 =	vld [tilespmem:s30+$0x20];
	[tilespmem:s28+$0x2C0] =	vst v8  }
0x778: {  	[tilespmem:s26+$0xFFFFFC10] =	vst v12;
	v8 =	vld [tilespmem:s17+$0x50]  }
0x779: {  	v12 =	vld [tilespmem:s31+$0x20];
	[tilespmem:s23+$0xFFFFFEC0] =	vst v7  }
0x77a: {  	s10 =	spop (v2sf);
	(v2sf) =	vpush v5, $0xE;
	v7 =	vld [tilespmem:s19+$0x50];
	[tilespmem:s25+$0x170] =	vst v9  }
0x77b: {  	s11 =	spop (v2sf);
	[tilespmem:s24+$0xFFFFFD70] =	vst v11;
	v9 =	vld [tilespmem:s10+$0x0]  }
0x77c: {  	(v2sf) =	vpush v0, $0x6;
	v11 =	vld [tilespmem:s11+$0x0];
	[tilespmem:s22+$0x20] =	vst v10  }
0x77d: {  	v10 =	vld [tilespmem:s30+$0x30];
	[tilespmem:s28+$0x2D0] =	vst v8  }
0x77e: {  	[tilespmem:s26+$0xFFFFFC20] =	vst v12;
	v8 =	vld [tilespmem:s17+$0x60]  }
0x77f: {  	v12 =	vld [tilespmem:s31+$0x30];
	[tilespmem:s23+$0xFFFFFED0] =	vst v7  }
0x780: {  	v7 =	vld [tilespmem:s19+$0x60];
	[tilespmem:s25+$0x180] =	vst v9  }
0x781: {  	[tilespmem:s24+$0xFFFFFD80] =	vst v11;
	v9 =	vld [tilespmem:s10+$0x10]  }
0x782: {  	v11 =	vld [tilespmem:s11+$0x10];
	[tilespmem:s22+$0x30] =	vst v10  }
0x783: {  	v10 =	vld [tilespmem:s30+$0x40];
	[tilespmem:s28+$0x2E0] =	vst v8  }
0x784: {  	[tilespmem:s26+$0xFFFFFC30] =	vst v12;
	v8 =	vld [tilespmem:s17+$0x70]  }
0x785: {  	v12 =	vld [tilespmem:s31+$0x40];
	[tilespmem:s23+$0xFFFFFEE0] =	vst v7  }
0x786: {  	v7 =	vld [tilespmem:s19+$0x70];
	[tilespmem:s25+$0x190] =	vst v9  }
0x787: {  	[tilespmem:s24+$0xFFFFFD90] =	vst v11;
	v9 =	vld [tilespmem:s10+$0x20]  }
0x788: {  	v11 =	vld [tilespmem:s11+$0x20];
	[tilespmem:s22+$0x40] =	vst v10  }
0x789: {  	s13 =	spop (v2sf);
	v10 =	vld [tilespmem:s30+$0x50];
	[tilespmem:s28+$0x2F0] =	vst v8  }
0x78a: {  	[tilespmem:s26+$0xFFFFFC40] =	vst v12;
	v8 =	vld [tilespmem:s13+$0x0]  }
0x78b: {  	(v2sf) =	vpush v1, $0x9;
	s14 =	spop (v2sf);
	v12 =	vld [tilespmem:s31+$0x50];
	[tilespmem:s23+$0xFFFFFEF0] =	vst v7  }
0x78c: {  	v7 =	vld [tilespmem:s14+$0x0];
	[tilespmem:s25+$0x1A0] =	vst v9  }
0x78d: {  	(v2sf) =	vpush v4, $0x1;
	[tilespmem:s24+$0xFFFFFDA0] =	vst v11;
	v9 =	vld [tilespmem:s10+$0x30]  }
0x78e: {  	v11 =	vld [tilespmem:s11+$0x30];
	[tilespmem:s22+$0x50] =	vst v10  }
0x78f: {  	v10 =	vld [tilespmem:s30+$0x60];
	[tilespmem:s28+$0x300] =	vst v8  }
0x790: {  	[tilespmem:s26+$0xFFFFFC50] =	vst v12;
	v8 =	vld [tilespmem:s13+$0x10]  }
0x791: {  	v12 =	vld [tilespmem:s31+$0x60];
	[tilespmem:s23+$0xFFFFFF00] =	vst v7  }
0x792: {  	v7 =	vld [tilespmem:s14+$0x10];
	[tilespmem:s25+$0x1B0] =	vst v9  }
0x793: {  	[tilespmem:s24+$0xFFFFFDB0] =	vst v11;
	v9 =	vld [tilespmem:s10+$0x40]  }
0x794: {  	v11 =	vld [tilespmem:s11+$0x40];
	[tilespmem:s22+$0x60] =	vst v10  }
0x795: {  	v10 =	vld [tilespmem:s30+$0x70];
	[tilespmem:s28+$0x310] =	vst v8  }
0x796: {  	[tilespmem:s26+$0xFFFFFC60] =	vst v12;
	v8 =	vld [tilespmem:s13+$0x20]  }
0x797: {  	v12 =	vld [tilespmem:s31+$0x70];
	[tilespmem:s23+$0xFFFFFF10] =	vst v7  }
0x798: {  	v7 =	vld [tilespmem:s14+$0x20];
	[tilespmem:s25+$0x1C0] =	vst v9  }
0x799: {  	[tilespmem:s24+$0xFFFFFDC0] =	vst v11;
	v9 =	vld [tilespmem:s10+$0x50]  }
0x79a: {  	s17 =	spop (v2sf);
	v11 =	vld [tilespmem:s11+$0x50];
	[tilespmem:s22+$0x70] =	vst v10  }
0x79b: {  	(v2sf) =	vpush v3, $0xC;
	v10 =	vld [tilespmem:s17+$0x0];
	[tilespmem:s28+$0x320] =	vst v8  }
0x79c: {  	s19 =	spop (v2sf);
	(v2sf) =	vpush v2, $0x4;
	[tilespmem:s26+$0xFFFFFC70] =	vst v12;
	v8 =	vld [tilespmem:s13+$0x30]  }
0x79d: {  	v12 =	vld [tilespmem:s19+$0x0];
	[tilespmem:s23+$0xFFFFFF20] =	vst v7  }
0x79e: {  	v7 =	vld [tilespmem:s14+$0x30];
	[tilespmem:s25+$0x1D0] =	vst v9  }
0x79f: {  	[tilespmem:s24+$0xFFFFFDD0] =	vst v11;
	v9 =	vld [tilespmem:s10+$0x60]  }
0x7a0: {  	v11 =	vld [tilespmem:s11+$0x60];
	[tilespmem:s22+$0x80] =	vst v10  }
0x7a1: {  	v10 =	vld [tilespmem:s17+$0x10];
	[tilespmem:s28+$0x330] =	vst v8  }
0x7a2: {  	[tilespmem:s26+$0xFFFFFC80] =	vst v12;
	v8 =	vld [tilespmem:s13+$0x40]  }
0x7a3: {  	v12 =	vld [tilespmem:s19+$0x10];
	[tilespmem:s23+$0xFFFFFF30] =	vst v7  }
0x7a4: {  	v7 =	vld [tilespmem:s14+$0x40];
	[tilespmem:s25+$0x1E0] =	vst v9  }
0x7a5: {  	[tilespmem:s24+$0xFFFFFDE0] =	vst v11;
	v9 =	vld [tilespmem:s10+$0x70]  }
0x7a6: {  	v11 =	vld [tilespmem:s11+$0x70];
	[tilespmem:s22+$0x90] =	vst v10  }
0x7a7: {  	v10 =	vld [tilespmem:s17+$0x20];
	[tilespmem:s28+$0x340] =	vst v8  }
0x7a8: {  	[tilespmem:s26+$0xFFFFFC90] =	vst v12;
	v8 =	vld [tilespmem:s13+$0x50]  }
0x7a9: {  	v12 =	vld [tilespmem:s19+$0x20];
	[tilespmem:s23+$0xFFFFFF40] =	vst v7  }
0x7aa: {  	s30 =	spop (v2sf);
	(v2sf) =	vpush v5, $0xF;
	v7 =	vld [tilespmem:s14+$0x50];
	[tilespmem:s25+$0x1F0] =	vst v9  }
0x7ab: {  	s31 =	spop (v2sf);
	[tilespmem:s24+$0xFFFFFDF0] =	vst v11;
	v5 =	vld [tilespmem:s30+$0x0]  }
0x7ac: {  	(v2sf) =	vpush v0, $0x7;
	v9 =	vld [tilespmem:s31+$0x0];
	[tilespmem:s22+$0xA0] =	vst v10  }
0x7ad: {  	v10 =	vld [tilespmem:s17+$0x30];
	[tilespmem:s28+$0x350] =	vst v8  }
0x7ae: {  	[tilespmem:s26+$0xFFFFFCA0] =	vst v12;
	v8 =	vld [tilespmem:s13+$0x60]  }
0x7af: {  	v11 =	vld [tilespmem:s19+$0x30];
	[tilespmem:s23+$0xFFFFFF50] =	vst v7  }
0x7b0: {  	v7 =	vld [tilespmem:s14+$0x60];
	[tilespmem:s25+$0x200] =	vst v5  }
0x7b1: {  	[tilespmem:s24+$0xFFFFFE00] =	vst v9;
	v5 =	vld [tilespmem:s30+$0x10]  }
0x7b2: {  	v9 =	vld [tilespmem:s31+$0x10];
	[tilespmem:s22+$0xB0] =	vst v10  }
0x7b3: {  	v10 =	vld [tilespmem:s17+$0x40];
	[tilespmem:s28+$0x360] =	vst v8  }
0x7b4: {  	[tilespmem:s26+$0xFFFFFCB0] =	vst v11;
	v8 =	vld [tilespmem:s13+$0x70]  }
0x7b5: {  	v11 =	vld [tilespmem:s19+$0x40];
	[tilespmem:s23+$0xFFFFFF60] =	vst v7  }
0x7b6: {  	v7 =	vld [tilespmem:s14+$0x70];
	[tilespmem:s25+$0x210] =	vst v5  }
0x7b7: {  	[tilespmem:s24+$0xFFFFFE10] =	vst v9;
	v5 =	vld [tilespmem:s30+$0x20]  }
0x7b8: {  	v9 =	vld [tilespmem:s31+$0x20];
	[tilespmem:s22+$0xC0] =	vst v10  }
0x7b9: {  	s1 =	spop (v2sf);
	v10 =	vld [tilespmem:s17+$0x50];
	[tilespmem:s28+$0x370] =	vst v8  }
0x7ba: {  	[tilespmem:s26+$0xFFFFFCC0] =	vst v11;
	v8 =	vld [tilespmem:s1+$0x0]  }
0x7bb: {  	(v2sf) =	vpush v1, $0xA;
	s7 =	spop (v2sf);
	v11 =	vld [tilespmem:s19+$0x50];
	[tilespmem:s23+$0xFFFFFF70] =	vst v7  }
0x7bc: {  	v7 =	vld [tilespmem:s7+$0x0];
	[tilespmem:s25+$0x220] =	vst v5  }
0x7bd: {  	(v2sf) =	vpush v4, $0x2;
	[tilespmem:s24+$0xFFFFFE20] =	vst v9;
	v5 =	vld [tilespmem:s30+$0x30]  }
0x7be: {  	v9 =	vld [tilespmem:s31+$0x30];
	[tilespmem:s22+$0xD0] =	vst v10  }
0x7bf: {  	v10 =	vld [tilespmem:s17+$0x60];
	[tilespmem:s28+$0x380] =	vst v8  }
0x7c0: {  	[tilespmem:s26+$0xFFFFFCD0] =	vst v11;
	v8 =	vld [tilespmem:s1+$0x10]  }
0x7c1: {  	v11 =	vld [tilespmem:s19+$0x60];
	[tilespmem:s23+$0xFFFFFF80] =	vst v7  }
0x7c2: {  	v7 =	vld [tilespmem:s7+$0x10];
	[tilespmem:s25+$0x230] =	vst v5  }
0x7c3: {  	[tilespmem:s24+$0xFFFFFE30] =	vst v9;
	v5 =	vld [tilespmem:s30+$0x40]  }
0x7c4: {  	v9 =	vld [tilespmem:s31+$0x40];
	[tilespmem:s22+$0xE0] =	vst v10  }
0x7c5: {  	v10 =	vld [tilespmem:s17+$0x70];
	[tilespmem:s28+$0x390] =	vst v8  }
0x7c6: {  	[tilespmem:s26+$0xFFFFFCE0] =	vst v11;
	v8 =	vld [tilespmem:s1+$0x20]  }
0x7c7: {  	v11 =	vld [tilespmem:s19+$0x70];
	[tilespmem:s23+$0xFFFFFF90] =	vst v7  }
0x7c8: {  	v7 =	vld [tilespmem:s7+$0x20];
	[tilespmem:s25+$0x240] =	vst v5  }
0x7c9: {  	[tilespmem:s24+$0xFFFFFE40] =	vst v9;
	v5 =	vld [tilespmem:s30+$0x50]  }
0x7ca: {  	s0 =	spop (v2sf);
	v9 =	vld [tilespmem:s31+$0x50];
	[tilespmem:s22+$0xF0] =	vst v10  }
0x7cb: {  	(v2sf) =	vpush v3, $0xD;
	v10 =	vld [tilespmem:s0+$0x0];
	[tilespmem:s28+$0x3A0] =	vst v8  }
0x7cc: {  	s11 =	spop (v2sf);
	(v2sf) =	vpush v2, $0x5;
	[tilespmem:s26+$0xFFFFFCF0] =	vst v11;
	v8 =	vld [tilespmem:s1+$0x30]  }
0x7cd: {  	v11 =	vld [tilespmem:s11+$0x0];
	[tilespmem:s23+$0xFFFFFFA0] =	vst v7  }
0x7ce: {  	v7 =	vld [tilespmem:s7+$0x30];
	[tilespmem:s25+$0x250] =	vst v5  }
0x7cf: {  	[tilespmem:s24+$0xFFFFFE50] =	vst v9;
	v5 =	vld [tilespmem:s30+$0x60]  }
0x7d0: {  	v9 =	vld [tilespmem:s31+$0x60];
	[tilespmem:s22+$0x100] =	vst v10  }
0x7d1: {  	v63 =	vld [tilespmem:s0+$0x10];
	[tilespmem:s28+$0x3B0] =	vst v8  }
0x7d2: {  	[tilespmem:s26+$0xFFFFFD00] =	vst v11;
	v11 =	vld [tilespmem:s1+$0x40]  }
0x7d3: {  	v13 =	vld [tilespmem:s11+$0x10];
	[tilespmem:s23+$0xFFFFFFB0] =	vst v7  }
0x7d4: {  	v8 =	vld [tilespmem:s7+$0x40];
	[tilespmem:s25+$0x260] =	vst v5  }
0x7d5: {  	[tilespmem:s24+$0xFFFFFE60] =	vst v9;
	v10 =	vld [tilespmem:s30+$0x70]  }
0x7d6: {  	v9 =	vld [tilespmem:s31+$0x70];
	[tilespmem:s22+$0x110] =	vst v63  }
0x7d7: {  	v5 =	vld [tilespmem:s0+$0x20];
	[tilespmem:s28+$0x3C0] =	vst v11  }
0x7d8: {  	s29 =	simm.s32 $0x1C0;
	[tilespmem:s26+$0xFFFFFD10] =	vst v13;
	v7 =	vld [tilespmem:s1+$0x50]  }
.LBB2_5:
0x7d9: {  	p0 =	sne.s32 s29, $0x600;
	v11 =	vld [tilespmem:s11+$0x20];
	[tilespmem:s23+$0xFFFFFFC0] =	vst v8  }
0x7da: {  	v8 =	vld [tilespmem:s7+$0x50];
	[tilespmem:s25+$0x270] =	vst v10;
	s9 =	spop (v2sf)  }
0x7db: {  	[tilespmem:s24+$0xFFFFFE70] =	vst v9;
	s2 =	spop (v2sf);
	v9 =	vld [tilespmem:s9+$0x0]  }
0x7dc: {  	v6 =	vshll.u32 v6, $0x9;
	v10 =	vld [tilespmem:s2+$0x0];
	(v2sf) =	vpush v0, $0x8;
	[tilespmem:s22+$0x120] =	vst v5  }
0x7dd: {  	v5 =	vshra.s32 v6, $0x2;
	v6 =	vld [tilespmem:s0+$0x30];
	[tilespmem:s28+$0x3D0] =	vst v7  }
0x7de: {  	(v2sf) =	vpush v5, $0x0;
	[tilespmem:s26+$0xFFFFFD20] =	vst v11;
	v7 =	vld [tilespmem:s1+$0x60]  }
0x7df: {  	v11 =	vld [tilespmem:s11+$0x30];
	[tilespmem:s23+$0xFFFFFFD0] =	vst v8  }
0x7e0: {  	v8 =	vld [tilespmem:s7+$0x60];
	[tilespmem:s25+$0x280] =	vst v9  }
0x7e1: {  	[tilespmem:s24+$0xFFFFFE80] =	vst v10;
	v9 =	vld [tilespmem:s9+$0x10]  }
0x7e2: {  	v10 =	vld [tilespmem:s2+$0x10];
	[tilespmem:s22+$0x130] =	vst v6  }
0x7e3: {  	v12 =	vld [tilespmem:s0+$0x40];
	[tilespmem:s28+$0x3E0] =	vst v7  }
0x7e4: {  	[tilespmem:s26+$0xFFFFFD30] =	vst v11;
	v7 =	vld [tilespmem:s1+$0x70]  }
0x7e5: {  	v11 =	vld [tilespmem:s11+$0x40];
	[tilespmem:s23+$0xFFFFFFE0] =	vst v8  }
0x7e6: {  	v8 =	vld [tilespmem:s7+$0x70];
	[tilespmem:s25+$0x290] =	vst v9  }
0x7e7: {  	s1 =	sshra.s32 s29, $0x2;
	[tilespmem:s24+$0xFFFFFE90] =	vst v10;
	v9 =	vld [tilespmem:s9+$0x20]  }
0x7e8: {  	v6 =	vld [tilespmem:s1+$0x1200];
	[tilespmem:s22+$0x140] =	vst v12  }
0x7e9: {  	v10 =	vld [tilespmem:s2+$0x20];
	[tilespmem:s28+$0x3F0] =	vst v7;
	s28 =	smov.u32 s25;
	s25 =	smov.u32 s22;
	s22 =	smov.u32 s23  }
0x7ea: {  	s23 =	smov.u32 s24;
	s24 =	smov.u32 s26;
	[tilespmem:s26+$0xFFFFFD40] =	vst v11;
	v7 =	vld [tilespmem:s0+$0x50]  }
0x7eb: {  	v11 =	vld [tilespmem:s11+$0x50];
	[tilespmem:s22+$0xFFFFFFF0] =	vst v8;
	s17 =	spop (v2sf)  }
0x7ec: {  	v8 =	vld [tilespmem:s17+$0x0];
	(v2sf) =	vpush v1, $0xB;
	[tilespmem:s28+$0x2A0] =	vst v9  }
0x7ed: {  	s10 =	spop (v2sf);
	(v2sf) =	vpush v4, $0x3;
	v9 =	vld [tilespmem:s9+$0x30]  }
0x7ee: {  	v12 =	vld [tilespmem:s10+$0x0];
	[tilespmem:s23+$0xFFFFFEA0] =	vst v10  }
0x7ef: {  	v10 =	vld [tilespmem:s2+$0x30];
	[tilespmem:s25+$0x150] =	vst v7  }
0x7f0: {  	[tilespmem:s26+$0xFFFFFD50] =	vst v11;
	v7 =	vld [tilespmem:s0+$0x60]  }
0x7f1: {  	v11 =	vld [tilespmem:s11+$0x60];
	[tilespmem:s22+$0x0] =	vst v8  }
0x7f2: {  	s26 =	sadd.s32 $0x800, s26;
	v8 =	vld [tilespmem:s17+$0x10];
	[tilespmem:s28+$0x2B0] =	vst v9  }
0x7f3: {  	[tilespmem:s26+$0xFFFFFC00] =	vst v12;
	v9 =	vld [tilespmem:s9+$0x40]  }
0x7f4: {  	v12 =	vld [tilespmem:s10+$0x10];
	[tilespmem:s23+$0xFFFFFEB0] =	vst v10  }
0x7f5: {  	v10 =	vld [tilespmem:s2+$0x40];
	[tilespmem:s25+$0x160] =	vst v7  }
0x7f6: {  	[tilespmem:s24+$0xFFFFFD60] =	vst v11;
	v7 =	vld [tilespmem:s0+$0x70]  }
0x7f7: {  	v11 =	vld [tilespmem:s11+$0x70];
	[tilespmem:s22+$0x10] =	vst v8  }
0x7f8: {  	v8 =	vld [tilespmem:s17+$0x20];
	[tilespmem:s28+$0x2C0] =	vst v9  }
0x7f9: {  	[tilespmem:s26+$0xFFFFFC10] =	vst v12;
	v9 =	vld [tilespmem:s9+$0x50]  }
0x7fa: {  	v12 =	vld [tilespmem:s10+$0x20];
	[tilespmem:s23+$0xFFFFFEC0] =	vst v10  }
0x7fb: {  	v10 =	vld [tilespmem:s2+$0x50];
	[tilespmem:s25+$0x170] =	vst v7;
	s7 =	spop (v2sf);
	(v2sf) =	vpush v3, $0xE  }
0x7fc: {  	[tilespmem:s24+$0xFFFFFD70] =	vst v11;
	s11 =	spop (v2sf);
	v7 =	vld [tilespmem:s7+$0x0]  }
0x7fd: {  	v11 =	vld [tilespmem:s11+$0x0];
	(v2sf) =	vpush v2, $0x6;
	[tilespmem:s22+$0x20] =	vst v8  }
0x7fe: {  	v8 =	vld [tilespmem:s17+$0x30];
	[tilespmem:s28+$0x2D0] =	vst v9  }
0x7ff: {  	[tilespmem:s26+$0xFFFFFC20] =	vst v12;
	v9 =	vld [tilespmem:s9+$0x60]  }
0x800: {  	v12 =	vld [tilespmem:s10+$0x30];
	[tilespmem:s23+$0xFFFFFED0] =	vst v10  }
0x801: {  	v10 =	vld [tilespmem:s2+$0x60];
	[tilespmem:s25+$0x180] =	vst v7  }
0x802: {  	[tilespmem:s24+$0xFFFFFD80] =	vst v11;
	v7 =	vld [tilespmem:s7+$0x10]  }
0x803: {  	v11 =	vld [tilespmem:s11+$0x10];
	[tilespmem:s22+$0x30] =	vst v8  }
0x804: {  	v8 =	vld [tilespmem:s17+$0x40];
	[tilespmem:s28+$0x2E0] =	vst v9  }
0x805: {  	[tilespmem:s26+$0xFFFFFC30] =	vst v12;
	v9 =	vld [tilespmem:s9+$0x70]  }
0x806: {  	v12 =	vld [tilespmem:s10+$0x40];
	[tilespmem:s23+$0xFFFFFEE0] =	vst v10  }
0x807: {  	v10 =	vld [tilespmem:s2+$0x70];
	[tilespmem:s25+$0x190] =	vst v7  }
0x808: {  	[tilespmem:s24+$0xFFFFFD90] =	vst v11;
	v7 =	vld [tilespmem:s7+$0x20]  }
0x809: {  	v11 =	vld [tilespmem:s11+$0x20];
	[tilespmem:s22+$0x40] =	vst v8  }
0x80a: {  	v8 =	vld [tilespmem:s17+$0x50];
	[tilespmem:s28+$0x2F0] =	vst v9;
	s0 =	spop (v2sf)  }
0x80b: {  	[tilespmem:s26+$0xFFFFFC40] =	vst v12;
	v9 =	vld [tilespmem:s0+$0x0]  }
0x80c: {  	v12 =	vld [tilespmem:s10+$0x50];
	[tilespmem:s23+$0xFFFFFEF0] =	vst v10;
	s1 =	spop (v2sf);
	(v2sf) =	vpush v0, $0x9  }
0x80d: {  	v10 =	vld [tilespmem:s1+$0x0];
	[tilespmem:s25+$0x1A0] =	vst v7  }
0x80e: {  	(v2sf) =	vpush v5, $0x1;
	[tilespmem:s24+$0xFFFFFDA0] =	vst v11;
	v7 =	vld [tilespmem:s7+$0x30]  }
0x80f: {  	v11 =	vld [tilespmem:s11+$0x30];
	[tilespmem:s22+$0x50] =	vst v8  }
0x810: {  	v8 =	vld [tilespmem:s17+$0x60];
	[tilespmem:s28+$0x300] =	vst v9  }
0x811: {  	[tilespmem:s26+$0xFFFFFC50] =	vst v12;
	v9 =	vld [tilespmem:s0+$0x10]  }
0x812: {  	v12 =	vld [tilespmem:s10+$0x60];
	[tilespmem:s23+$0xFFFFFF00] =	vst v10  }
0x813: {  	v10 =	vld [tilespmem:s1+$0x10];
	[tilespmem:s25+$0x1B0] =	vst v7  }
0x814: {  	[tilespmem:s24+$0xFFFFFDB0] =	vst v11;
	v7 =	vld [tilespmem:s7+$0x40]  }
0x815: {  	v11 =	vld [tilespmem:s11+$0x40];
	[tilespmem:s22+$0x60] =	vst v8  }
0x816: {  	v8 =	vld [tilespmem:s17+$0x70];
	[tilespmem:s28+$0x310] =	vst v9  }
0x817: {  	[tilespmem:s26+$0xFFFFFC60] =	vst v12;
	v9 =	vld [tilespmem:s0+$0x20]  }
0x818: {  	v12 =	vld [tilespmem:s10+$0x70];
	[tilespmem:s23+$0xFFFFFF10] =	vst v10  }
0x819: {  	v10 =	vld [tilespmem:s1+$0x20];
	[tilespmem:s25+$0x1C0] =	vst v7  }
0x81a: {  	[tilespmem:s24+$0xFFFFFDC0] =	vst v11;
	v7 =	vld [tilespmem:s7+$0x50]  }
0x81b: {  	v11 =	vld [tilespmem:s11+$0x50];
	[tilespmem:s22+$0x70] =	vst v8;
	s9 =	spop (v2sf)  }
0x81c: {  	v8 =	vld [tilespmem:s9+$0x0];
	(v2sf) =	vpush v1, $0xC;
	[tilespmem:s28+$0x320] =	vst v9  }
0x81d: {  	[tilespmem:s26+$0xFFFFFC70] =	vst v12;
	s10 =	spop (v2sf);
	(v2sf) =	vpush v4, $0x4;
	v9 =	vld [tilespmem:s0+$0x30]  }
0x81e: {  	v12 =	vld [tilespmem:s10+$0x0];
	[tilespmem:s23+$0xFFFFFF20] =	vst v10  }
0x81f: {  	v10 =	vld [tilespmem:s1+$0x30];
	[tilespmem:s25+$0x1D0] =	vst v7  }
0x820: {  	[tilespmem:s24+$0xFFFFFDD0] =	vst v11;
	v7 =	vld [tilespmem:s7+$0x60]  }
0x821: {  	v11 =	vld [tilespmem:s11+$0x60];
	[tilespmem:s22+$0x80] =	vst v8  }
0x822: {  	v8 =	vld [tilespmem:s9+$0x10];
	[tilespmem:s28+$0x330] =	vst v9  }
0x823: {  	[tilespmem:s26+$0xFFFFFC80] =	vst v12;
	v9 =	vld [tilespmem:s0+$0x40]  }
0x824: {  	v12 =	vld [tilespmem:s10+$0x10];
	[tilespmem:s23+$0xFFFFFF30] =	vst v10  }
0x825: {  	v10 =	vld [tilespmem:s1+$0x40];
	[tilespmem:s25+$0x1E0] =	vst v7  }
0x826: {  	[tilespmem:s24+$0xFFFFFDE0] =	vst v11;
	v7 =	vld [tilespmem:s7+$0x70]  }
0x827: {  	v11 =	vld [tilespmem:s11+$0x70];
	[tilespmem:s22+$0x90] =	vst v8  }
0x828: {  	v8 =	vld [tilespmem:s9+$0x20];
	[tilespmem:s28+$0x340] =	vst v9  }
0x829: {  	[tilespmem:s26+$0xFFFFFC90] =	vst v12;
	v9 =	vld [tilespmem:s0+$0x50]  }
0x82a: {  	v12 =	vld [tilespmem:s10+$0x20];
	[tilespmem:s23+$0xFFFFFF40] =	vst v10  }
0x82b: {  	v10 =	vld [tilespmem:s1+$0x50];
	[tilespmem:s25+$0x1F0] =	vst v7;
	s2 =	spop (v2sf);
	(v2sf) =	vpush v3, $0xF;
	v3 =	vmovc v1;
	v1 =	vmovc v0;
	v0 =	vmov v2;
	v2 =	vmov v4  }
0x82c: {  	v4 =	vmov v5;
	[tilespmem:s24+$0xFFFFFDF0] =	vst v11;
	s17 =	spop (v2sf);
	v7 =	vld [tilespmem:s2+$0x0]  }
0x82d: {  	v5 =	vld [tilespmem:s17+$0x0];
	(v2sf) =	vpush v0, $0x7;
	[tilespmem:s22+$0xA0] =	vst v8  }
0x82e: {  	v8 =	vld [tilespmem:s9+$0x30];
	[tilespmem:s28+$0x350] =	vst v9  }
0x82f: {  	[tilespmem:s26+$0xFFFFFCA0] =	vst v12;
	v9 =	vld [tilespmem:s0+$0x60]  }
0x830: {  	v11 =	vld [tilespmem:s10+$0x30];
	[tilespmem:s23+$0xFFFFFF50] =	vst v10  }
0x831: {  	v10 =	vld [tilespmem:s1+$0x60];
	[tilespmem:s25+$0x200] =	vst v7  }
0x832: {  	[tilespmem:s24+$0xFFFFFE00] =	vst v5;
	v5 =	vld [tilespmem:s2+$0x10]  }
0x833: {  	v7 =	vld [tilespmem:s17+$0x10];
	[tilespmem:s22+$0xB0] =	vst v8  }
0x834: {  	v8 =	vld [tilespmem:s9+$0x40];
	[tilespmem:s28+$0x360] =	vst v9  }
0x835: {  	[tilespmem:s26+$0xFFFFFCB0] =	vst v11;
	v9 =	vld [tilespmem:s0+$0x70]  }
0x836: {  	v11 =	vld [tilespmem:s10+$0x40];
	[tilespmem:s23+$0xFFFFFF60] =	vst v10  }
0x837: {  	v10 =	vld [tilespmem:s1+$0x70];
	[tilespmem:s25+$0x210] =	vst v5  }
0x838: {  	[tilespmem:s24+$0xFFFFFE10] =	vst v7;
	v5 =	vld [tilespmem:s2+$0x20]  }
0x839: {  	v7 =	vld [tilespmem:s17+$0x20];
	[tilespmem:s22+$0xC0] =	vst v8  }
0x83a: {  	v8 =	vld [tilespmem:s9+$0x50];
	[tilespmem:s28+$0x370] =	vst v9;
	s1 =	spop (v2sf)  }
0x83b: {  	[tilespmem:s26+$0xFFFFFCC0] =	vst v11;
	v9 =	vld [tilespmem:s1+$0x0]  }
0x83c: {  	v11 =	vld [tilespmem:s10+$0x50];
	[tilespmem:s23+$0xFFFFFF70] =	vst v10;
	s7 =	spop (v2sf);
	(v2sf) =	vpush v1, $0xA  }
0x83d: {  	v10 =	vld [tilespmem:s7+$0x0];
	[tilespmem:s25+$0x220] =	vst v5  }
0x83e: {  	(v2sf) =	vpush v4, $0x2;
	[tilespmem:s24+$0xFFFFFE20] =	vst v7;
	v5 =	vld [tilespmem:s2+$0x30]  }
0x83f: {  	v7 =	vld [tilespmem:s17+$0x30];
	[tilespmem:s22+$0xD0] =	vst v8  }
0x840: {  	v8 =	vld [tilespmem:s9+$0x60];
	[tilespmem:s28+$0x380] =	vst v9  }
0x841: {  	[tilespmem:s26+$0xFFFFFCD0] =	vst v11;
	v9 =	vld [tilespmem:s1+$0x10]  }
0x842: {  	v11 =	vld [tilespmem:s10+$0x60];
	[tilespmem:s23+$0xFFFFFF80] =	vst v10  }
0x843: {  	v10 =	vld [tilespmem:s7+$0x10];
	[tilespmem:s25+$0x230] =	vst v5  }
0x844: {  	[tilespmem:s24+$0xFFFFFE30] =	vst v7;
	v5 =	vld [tilespmem:s2+$0x40]  }
0x845: {  	v7 =	vld [tilespmem:s17+$0x40];
	[tilespmem:s22+$0xE0] =	vst v8  }
0x846: {  	v8 =	vld [tilespmem:s9+$0x70];
	[tilespmem:s28+$0x390] =	vst v9  }
0x847: {  	[tilespmem:s26+$0xFFFFFCE0] =	vst v11;
	v9 =	vld [tilespmem:s1+$0x20]  }
0x848: {  	v11 =	vld [tilespmem:s10+$0x70];
	[tilespmem:s23+$0xFFFFFF90] =	vst v10  }
0x849: {  	v10 =	vld [tilespmem:s7+$0x20];
	[tilespmem:s25+$0x240] =	vst v5  }
0x84a: {  	[tilespmem:s24+$0xFFFFFE40] =	vst v7;
	v5 =	vld [tilespmem:s2+$0x50]  }
0x84b: {  	v7 =	vld [tilespmem:s17+$0x50];
	[tilespmem:s22+$0xF0] =	vst v8;
	s0 =	spop (v2sf)  }
0x84c: {  	v8 =	vld [tilespmem:s0+$0x0];
	(v2sf) =	vpush v3, $0xD;
	[tilespmem:s28+$0x3A0] =	vst v9  }
0x84d: {  	[tilespmem:s26+$0xFFFFFCF0] =	vst v11;
	s11 =	spop (v2sf);
	(v2sf) =	vpush v2, $0x5;
	v9 =	vld [tilespmem:s1+$0x30]  }
0x84e: {  	v11 =	vld [tilespmem:s11+$0x0];
	[tilespmem:s23+$0xFFFFFFA0] =	vst v10  }
0x84f: {  	v10 =	vld [tilespmem:s7+$0x30];
	[tilespmem:s25+$0x250] =	vst v5  }
0x850: {  	[tilespmem:s24+$0xFFFFFE50] =	vst v7;
	v5 =	vld [tilespmem:s2+$0x60]  }
0x851: {  	v7 =	vld [tilespmem:s17+$0x60];
	[tilespmem:s22+$0x100] =	vst v8  }
0x852: {  	v12 =	vld [tilespmem:s0+$0x10];
	[tilespmem:s28+$0x3B0] =	vst v9  }
0x853: {  	[tilespmem:s26+$0xFFFFFD00] =	vst v11;
	v11 =	vld [tilespmem:s1+$0x40]  }
0x854: {  	v13 =	vld [tilespmem:s11+$0x10];
	[tilespmem:s23+$0xFFFFFFB0] =	vst v10  }
.Ltmp1:
0x855: {  	v8 =	vld [tilespmem:s7+$0x40];
	[tilespmem:s25+$0x260] =	vst v5;
	(pc) =	sbr.rel @p0 .LBB2_5-.Ltmp1, $4  }
0x856: {  	[tilespmem:s24+$0xFFFFFE60] =	vst v7;
	v10 =	vld [tilespmem:s2+$0x70]  }
0x857: {  	v9 =	vld [tilespmem:s17+$0x70];
	[tilespmem:s22+$0x110] =	vst v12  }
0x858: {  	v5 =	vld [tilespmem:s0+$0x20];
	[tilespmem:s28+$0x3C0] =	vst v11  }
0x859: {  	s29 =	sadd.s32 $0x40, s29;
	[tilespmem:s26+$0xFFFFFD10] =	vst v13;
	v7 =	vld [tilespmem:s1+$0x50]  }
0x85a: {  	v11 =	vld [tilespmem:s11+$0x20];
	[tilespmem:s23+$0xFFFFFFC0] =	vst v8  }
0x85b: {  	v8 =	vld [tilespmem:s7+$0x50];
	[tilespmem:s25+$0x270] =	vst v10;
	s2 =	spop (v2sf)  }
0x85c: {  	[tilespmem:s24+$0xFFFFFE70] =	vst v9;
	s9 =	spop (v2sf);
	v39 =	vld [tilespmem:s2+$0x0]  }
0x85d: {  	v6 =	vshll.u32 v6, $0x9;
	(v2sf) =	vpush v0, $0x8;
	v40 =	vld [tilespmem:s9+$0x0];
	[tilespmem:s22+$0x120] =	vst v5  }
0x85e: {  	v41 =	vshra.s32 v6, $0x2;
	v42 =	vld [tilespmem:s0+$0x30];
	[tilespmem:s28+$0x3D0] =	vst v7  }
0x85f: {  	(v2sf) =	vpush v41, $0x0;
	[tilespmem:s26+$0xFFFFFD20] =	vst v11;
	v44 =	vld [tilespmem:s1+$0x60]  }
0x860: {  	v11 =	vld [tilespmem:s11+$0x30];
	[tilespmem:s23+$0xFFFFFFD0] =	vst v8  }
0x861: {  	v43 =	vld [tilespmem:s7+$0x60];
	[tilespmem:s25+$0x280] =	vst v39  }
0x862: {  	[tilespmem:s24+$0xFFFFFE80] =	vst v40;
	v9 =	vld [tilespmem:s2+$0x10]  }
0x863: {  	v10 =	vld [tilespmem:s9+$0x10];
	[tilespmem:s22+$0x130] =	vst v42  }
0x864: {  	v6 =	vld [tilespmem:s0+$0x40];
	[tilespmem:s28+$0x3E0] =	vst v44  }
0x865: {  	[tilespmem:s26+$0xFFFFFD30] =	vst v11;
	v8 =	vld [tilespmem:s1+$0x70]  }
0x866: {  	v11 =	vld [tilespmem:s11+$0x40];
	[tilespmem:s23+$0xFFFFFFE0] =	vst v43  }
0x867: {  	v7 =	vld [tilespmem:s7+$0x70];
	[tilespmem:s25+$0x290] =	vst v9  }
0x868: {  	[tilespmem:s24+$0xFFFFFE90] =	vst v10;
	v9 =	vld [tilespmem:s2+$0x20]  }
0x869: {  	[tilespmem:s22+$0x140] =	vst v6  }
0x86a: {  	v45 =	vld [tilespmem:s9+$0x20];
	[tilespmem:s28+$0x3F0] =	vst v8  }
0x86b: {  	v46 =	vld [tilespmem:s0+$0x50];
	[tilespmem:s26+$0xFFFFFD40] =	vst v11  }
0x86c: {  	s29 =	spop (v2sf);
	v11 =	vld [tilespmem:s11+$0x50];
	[tilespmem:s23+$0xFFFFFFF0] =	vst v7  }
0x86d: {  	(v2sf) =	vpush v1, $0xB;
	v7 =	vld [tilespmem:s29+$0x0];
	[tilespmem:s25+$0x2A0] =	vst v9  }
0x86e: {  	s10 =	spop (v2sf)  }
0x86f: {  	v47 =	vld [tilespmem:s10+$0x0];
	_ =	sdelay $0x3  }
0x870: {  	s28 =	sadd.s32 $0x800, s26;
	[tilespmem:s24+$0xFFFFFEA0] =	vst v45  }
0x871: {  	(v2sf) =	vpush v4, $0x3;
	v6 =	vld [tilespmem:s9+$0x30];
	[tilespmem:s28+$0xFFFFFC00] =	vst v47  }
0x872: {  	v8 =	vld [tilespmem:s10+$0x10]  }
0x873: {  	[tilespmem:s22+$0x150] =	vst v46  }
0x874: {  	v9 =	vld [tilespmem:s0+$0x60];
	[tilespmem:s26+$0xFFFFFD50] =	vst v11  }
0x875: {  	v48 =	vld [tilespmem:s11+$0x60];
	[tilespmem:s23+$0x0] =	vst v7  }
0x876: {  	v7 =	vld [tilespmem:s29+$0x10];
	[tilespmem:s24+$0xFFFFFEB0] =	vst v6  }
0x877: {  	v6 =	vld [tilespmem:s9+$0x40];
	[tilespmem:s28+$0xFFFFFC10] =	vst v8  }
0x878: {  	v8 =	vld [tilespmem:s10+$0x20]  }
0x879: {  	[tilespmem:s22+$0x160] =	vst v9  }
0x87a: {  	v9 =	vld [tilespmem:s0+$0x70];
	[tilespmem:s26+$0xFFFFFD60] =	vst v48  }
0x87b: {  	v10 =	vld [tilespmem:s11+$0x70];
	[tilespmem:s23+$0x10] =	vst v7  }
0x87c: {  	v7 =	vld [tilespmem:s29+$0x20];
	[tilespmem:s24+$0xFFFFFEC0] =	vst v6  }
0x87d: {  	v6 =	vld [tilespmem:s9+$0x50];
	[tilespmem:s28+$0xFFFFFC20] =	vst v8  }
0x87e: {  	(v2sf) =	vpush v3, $0xE;
	v8 =	vld [tilespmem:s10+$0x30]  }
0x87f: {  	s30 =	spop (v2sf);
	(v2sf) =	vpush v2, $0x6;
	[tilespmem:s22+$0x170] =	vst v9  }
0x880: {  	v9 =	vld [tilespmem:s30+$0x0];
	[tilespmem:s26+$0xFFFFFD70] =	vst v10;
	s31 =	spop (v2sf)  }
0x881: {  	v10 =	vld [tilespmem:s31+$0x0];
	[tilespmem:s23+$0x20] =	vst v7  }
0x882: {  	v7 =	vld [tilespmem:s29+$0x30];
	[tilespmem:s24+$0xFFFFFED0] =	vst v6  }
0x883: {  	v6 =	vld [tilespmem:s9+$0x60];
	[tilespmem:s28+$0xFFFFFC30] =	vst v8  }
0x884: {  	v8 =	vld [tilespmem:s10+$0x40]  }
0x885: {  	[tilespmem:s22+$0x180] =	vst v9  }
0x886: {  	v9 =	vld [tilespmem:s30+$0x10];
	[tilespmem:s26+$0xFFFFFD80] =	vst v10  }
0x887: {  	v10 =	vld [tilespmem:s31+$0x10];
	[tilespmem:s23+$0x30] =	vst v7  }
0x888: {  	v7 =	vld [tilespmem:s29+$0x40];
	[tilespmem:s24+$0xFFFFFEE0] =	vst v6  }
0x889: {  	v6 =	vld [tilespmem:s9+$0x70];
	[tilespmem:s28+$0xFFFFFC40] =	vst v8  }
0x88a: {  	v8 =	vld [tilespmem:s10+$0x50]  }
0x88b: {  	(v2sf) =	vpush v0, $0x9;
	[tilespmem:s22+$0x190] =	vst v9  }
0x88c: {  	(v2sf) =	vpush v41, $0x1;
	v9 =	vld [tilespmem:s30+$0x20];
	[tilespmem:s26+$0xFFFFFD90] =	vst v10  }
0x88d: {  	s1 =	spop (v2sf);
	v10 =	vld [tilespmem:s31+$0x20];
	[tilespmem:s23+$0x40] =	vst v7  }
0x88e: {  	s13 =	spop (v2sf);
	v7 =	vld [tilespmem:s29+$0x50];
	[tilespmem:s24+$0xFFFFFEF0] =	vst v6  }
0x88f: {  	v6 =	vld [tilespmem:s13+$0x0];
	[tilespmem:s28+$0xFFFFFC50] =	vst v8  }
0x890: {  	v8 =	vld [tilespmem:s10+$0x60]  }
0x891: {  	[tilespmem:s22+$0x1A0] =	vst v9  }
0x892: {  	v9 =	vld [tilespmem:s30+$0x30];
	[tilespmem:s26+$0xFFFFFDA0] =	vst v10  }
0x893: {  	v10 =	vld [tilespmem:s31+$0x30];
	[tilespmem:s23+$0x50] =	vst v7  }
0x894: {  	v7 =	vld [tilespmem:s29+$0x60];
	[tilespmem:s24+$0xFFFFFF00] =	vst v6  }
0x895: {  	v6 =	vld [tilespmem:s13+$0x10];
	[tilespmem:s28+$0xFFFFFC60] =	vst v8  }
0x896: {  	v8 =	vld [tilespmem:s10+$0x70]  }
0x897: {  	[tilespmem:s22+$0x1B0] =	vst v9  }
0x898: {  	v9 =	vld [tilespmem:s30+$0x40];
	[tilespmem:s26+$0xFFFFFDB0] =	vst v10  }
0x899: {  	v10 =	vld [tilespmem:s31+$0x40];
	[tilespmem:s23+$0x60] =	vst v7  }
0x89a: {  	s9 =	spop (v2sf);
	v7 =	vld [tilespmem:s29+$0x70];
	[tilespmem:s24+$0xFFFFFF10] =	vst v6  }
0x89b: {  	s14 =	spop (v2sf);
	v6 =	vld [tilespmem:s13+$0x20];
	[tilespmem:s28+$0xFFFFFC70] =	vst v8  }
0x89c: {  	v8 =	vld [tilespmem:s14+$0x0]  }
0x89d: {  	[tilespmem:s22+$0x1C0] =	vst v9  }
0x89e: {  	v9 =	vld [tilespmem:s30+$0x50];
	[tilespmem:s26+$0xFFFFFDC0] =	vst v10  }
0x89f: {  	v10 =	vld [tilespmem:s31+$0x50];
	[tilespmem:s23+$0x70] =	vst v7  }
0x8a0: {  	(v2sf) =	vpush v1, $0xC;
	v7 =	vld [tilespmem:s9+$0x0];
	[tilespmem:s24+$0xFFFFFF20] =	vst v6  }
0x8a1: {  	(v2sf) =	vpush v4, $0x4;
	v6 =	vld [tilespmem:s13+$0x30];
	[tilespmem:s28+$0xFFFFFC80] =	vst v8  }
0x8a2: {  	v8 =	vld [tilespmem:s14+$0x10]  }
0x8a3: {  	[tilespmem:s22+$0x1D0] =	vst v9  }
0x8a4: {  	v9 =	vld [tilespmem:s30+$0x60];
	[tilespmem:s26+$0xFFFFFDD0] =	vst v10  }
0x8a5: {  	v10 =	vld [tilespmem:s31+$0x60];
	[tilespmem:s23+$0x80] =	vst v7  }
0x8a6: {  	v7 =	vld [tilespmem:s9+$0x10];
	[tilespmem:s24+$0xFFFFFF30] =	vst v6  }
0x8a7: {  	v6 =	vld [tilespmem:s13+$0x40];
	[tilespmem:s28+$0xFFFFFC90] =	vst v8  }
0x8a8: {  	v8 =	vld [tilespmem:s14+$0x20]  }
0x8a9: {  	[tilespmem:s22+$0x1E0] =	vst v9  }
0x8aa: {  	v9 =	vld [tilespmem:s30+$0x70];
	[tilespmem:s26+$0xFFFFFDE0] =	vst v10  }
0x8ab: {  	v10 =	vld [tilespmem:s31+$0x70];
	[tilespmem:s23+$0x90] =	vst v7  }
0x8ac: {  	v7 =	vld [tilespmem:s9+$0x20];
	[tilespmem:s24+$0xFFFFFF40] =	vst v6  }
0x8ad: {  	(v2sf) =	vpush v3, $0xF;
	v6 =	vld [tilespmem:s13+$0x50];
	[tilespmem:s28+$0xFFFFFCA0] =	vst v8  }
0x8ae: {  	v49 =	vld [tilespmem:s14+$0x30]  }
0x8af: {  	(v2sf) =	vpush v2, $0x7;
	s17 =	spop (v2sf);
	[tilespmem:s22+$0x1F0] =	vst v9  }
0x8b0: {  	s19 =	spop (v2sf);
	v50 =	vld [tilespmem:s17+$0x0];
	[tilespmem:s26+$0xFFFFFDF0] =	vst v10  }
0x8b1: {  	v51 =	vld [tilespmem:s19+$0x0];
	[tilespmem:s23+$0xA0] =	vst v7  }
0x8b2: {  	v7 =	vld [tilespmem:s9+$0x30];
	[tilespmem:s24+$0xFFFFFF50] =	vst v6  }
0x8b3: {  	v6 =	vld [tilespmem:s13+$0x60];
	[tilespmem:s28+$0xFFFFFCB0] =	vst v49  }
0x8b4: {  	v3 =	vld [tilespmem:s14+$0x40]  }
0x8b5: {  	[tilespmem:s22+$0x200] =	vst v50  }
0x8b6: {  	v8 =	vld [tilespmem:s17+$0x10];
	[tilespmem:s26+$0xFFFFFE00] =	vst v51  }
0x8b7: {  	v9 =	vld [tilespmem:s19+$0x10];
	[tilespmem:s23+$0xB0] =	vst v7  }
0x8b8: {  	v7 =	vld [tilespmem:s9+$0x40];
	[tilespmem:s24+$0xFFFFFF60] =	vst v6  }
0x8b9: {  	v6 =	vld [tilespmem:s13+$0x70];
	[tilespmem:s28+$0xFFFFFCC0] =	vst v3  }
0x8ba: {  	v3 =	vld [tilespmem:s14+$0x50]  }
0x8bb: {  	(v2sf) =	vpush v0, $0xA;
	[tilespmem:s22+$0x210] =	vst v8  }
0x8bc: {  	s0 =	spop (v2sf);
	(v2sf) =	vpush v41, $0x2;
	v8 =	vld [tilespmem:s17+$0x20];
	[tilespmem:s26+$0xFFFFFE10] =	vst v9  }
0x8bd: {  	v9 =	vld [tilespmem:s19+$0x20];
	[tilespmem:s23+$0xC0] =	vst v7  }
0x8be: {  	s29 =	spop (v2sf);
	v7 =	vld [tilespmem:s9+$0x50];
	[tilespmem:s24+$0xFFFFFF70] =	vst v6  }
0x8bf: {  	v6 =	vld [tilespmem:s29+$0x0];
	[tilespmem:s28+$0xFFFFFCD0] =	vst v3  }
0x8c0: {  	v3 =	vld [tilespmem:s14+$0x60]  }
0x8c1: {  	[tilespmem:s22+$0x220] =	vst v8  }
0x8c2: {  	v8 =	vld [tilespmem:s17+$0x30];
	[tilespmem:s26+$0xFFFFFE20] =	vst v9  }
0x8c3: {  	v9 =	vld [tilespmem:s19+$0x30];
	[tilespmem:s23+$0xD0] =	vst v7  }
0x8c4: {  	v7 =	vld [tilespmem:s9+$0x60];
	[tilespmem:s24+$0xFFFFFF80] =	vst v6  }
0x8c5: {  	v6 =	vld [tilespmem:s29+$0x10];
	[tilespmem:s28+$0xFFFFFCE0] =	vst v3  }
0x8c6: {  	v3 =	vld [tilespmem:s14+$0x70]  }
0x8c7: {  	[tilespmem:s22+$0x230] =	vst v8  }
0x8c8: {  	v8 =	vld [tilespmem:s17+$0x40];
	[tilespmem:s26+$0xFFFFFE30] =	vst v9  }
0x8c9: {  	v9 =	vld [tilespmem:s19+$0x40];
	[tilespmem:s23+$0xE0] =	vst v7  }
0x8ca: {  	s30 =	spop (v2sf);
	v7 =	vld [tilespmem:s9+$0x70];
	[tilespmem:s24+$0xFFFFFF90] =	vst v6  }
0x8cb: {  	s31 =	spop (v2sf);
	v6 =	vld [tilespmem:s29+$0x20];
	[tilespmem:s28+$0xFFFFFCF0] =	vst v3  }
0x8cc: {  	v3 =	vld [tilespmem:s31+$0x0]  }
0x8cd: {  	[tilespmem:s22+$0x240] =	vst v8  }
0x8ce: {  	v8 =	vld [tilespmem:s17+$0x50];
	[tilespmem:s26+$0xFFFFFE40] =	vst v9  }
0x8cf: {  	v9 =	vld [tilespmem:s19+$0x50];
	[tilespmem:s23+$0xF0] =	vst v7  }
0x8d0: {  	(v2sf) =	vpush v1, $0xD;
	v7 =	vld [tilespmem:s30+$0x0];
	[tilespmem:s24+$0xFFFFFFA0] =	vst v6  }
0x8d1: {  	(v2sf) =	vpush v4, $0x5;
	v6 =	vld [tilespmem:s29+$0x30];
	[tilespmem:s28+$0xFFFFFD00] =	vst v3  }
0x8d2: {  	v3 =	vld [tilespmem:s31+$0x10]  }
0x8d3: {  	[tilespmem:s22+$0x250] =	vst v8  }
0x8d4: {  	v8 =	vld [tilespmem:s17+$0x60];
	[tilespmem:s26+$0xFFFFFE50] =	vst v9  }
0x8d5: {  	v9 =	vld [tilespmem:s19+$0x60];
	[tilespmem:s23+$0x100] =	vst v7  }
0x8d6: {  	v7 =	vld [tilespmem:s30+$0x10];
	[tilespmem:s24+$0xFFFFFFB0] =	vst v6  }
0x8d7: {  	v6 =	vld [tilespmem:s29+$0x40];
	[tilespmem:s28+$0xFFFFFD10] =	vst v3  }
0x8d8: {  	v3 =	vld [tilespmem:s31+$0x20]  }
0x8d9: {  	[tilespmem:s22+$0x260] =	vst v8  }
0x8da: {  	v8 =	vld [tilespmem:s17+$0x70];
	[tilespmem:s26+$0xFFFFFE60] =	vst v9  }
0x8db: {  	v9 =	vld [tilespmem:s19+$0x70];
	[tilespmem:s23+$0x110] =	vst v7  }
0x8dc: {  	v7 =	vld [tilespmem:s30+$0x20];
	[tilespmem:s24+$0xFFFFFFC0] =	vst v6  }
0x8dd: {  	v6 =	vld [tilespmem:s29+$0x50];
	[tilespmem:s28+$0xFFFFFD20] =	vst v3  }
0x8de: {  	v3 =	vld [tilespmem:s31+$0x30]  }
0x8df: {  	v52 =	vld [tilespmem:s2+$0x30];
	(v2sf) =	vpush v2, $0x8;
	s14 =	spop (v2sf);
	[tilespmem:s22+$0x270] =	vst v8  }
0x8e0: {  	s17 =	spop (v2sf);
	v8 =	vld [tilespmem:s14+$0x0];
	[tilespmem:s26+$0xFFFFFE70] =	vst v9  }
0x8e1: {  	v9 =	vld [tilespmem:s17+$0x0];
	[tilespmem:s23+$0x120] =	vst v7  }
0x8e2: {  	v7 =	vld [tilespmem:s30+$0x30];
	[tilespmem:s24+$0xFFFFFFD0] =	vst v6  }
0x8e3: {  	v6 =	vld [tilespmem:s29+$0x60];
	[tilespmem:s28+$0xFFFFFD30] =	vst v3  }
0x8e4: {  	[tilespmem:s25+$0x2B0] =	vst v52;
	v3 =	vld [tilespmem:s31+$0x40]  }
0x8e5: {  	v10 =	vld [tilespmem:s2+$0x40];
	[tilespmem:s22+$0x280] =	vst v8  }
0x8e6: {  	v8 =	vld [tilespmem:s14+$0x10];
	[tilespmem:s26+$0xFFFFFE80] =	vst v9  }
0x8e7: {  	v9 =	vld [tilespmem:s17+$0x10];
	[tilespmem:s23+$0x130] =	vst v7  }
0x8e8: {  	v7 =	vld [tilespmem:s30+$0x40];
	[tilespmem:s24+$0xFFFFFFE0] =	vst v6  }
0x8e9: {  	v6 =	vld [tilespmem:s29+$0x70];
	[tilespmem:s28+$0xFFFFFD40] =	vst v3  }
0x8ea: {  	[tilespmem:s25+$0x2C0] =	vst v10;
	v3 =	vld [tilespmem:s31+$0x50]  }
0x8eb: {  	v10 =	vld [tilespmem:s2+$0x50];
	(v2sf) =	vpush v0, $0xB;
	[tilespmem:s22+$0x290] =	vst v8  }
0x8ec: {  	(v2sf) =	vpush v41, $0x3;
	v8 =	vld [tilespmem:s14+$0x20];
	[tilespmem:s26+$0xFFFFFE90] =	vst v9  }
0x8ed: {  	[tilespmem:s23+$0x140] =	vst v7;
	v53 =	vld [tilespmem:s17+$0x20]  }
0x8ee: {  	s19 =	spop (v2sf);
	v54 =	vld [tilespmem:s30+$0x50];
	[tilespmem:s24+$0xFFFFFFF0] =	vst v6  }
0x8ef: {  	v6 =	vld [tilespmem:s19+$0x0];
	[tilespmem:s28+$0xFFFFFD50] =	vst v3  }
0x8f0: {  	[tilespmem:s25+$0x2D0] =	vst v10;
	v3 =	vld [tilespmem:s31+$0x60]  }
0x8f1: {  	v10 =	vld [tilespmem:s2+$0x60];
	[tilespmem:s22+$0x2A0] =	vst v8  }
0x8f2: {  	v8 =	vld [tilespmem:s14+$0x30];
	[tilespmem:s26+$0xFFFFFEA0] =	vst v53  }
0x8f3: {  	v7 =	vld [tilespmem:s17+$0x30];
	[tilespmem:s23+$0x150] =	vst v54  }
0x8f4: {  	v9 =	vld [tilespmem:s30+$0x60];
	[tilespmem:s24+$0x0] =	vst v6  }
0x8f5: {  	v6 =	vld [tilespmem:s19+$0x10];
	[tilespmem:s28+$0xFFFFFD60] =	vst v3  }
0x8f6: {  	[tilespmem:s25+$0x2E0] =	vst v10;
	v3 =	vld [tilespmem:s31+$0x70]  }
0x8f7: {  	v10 =	vld [tilespmem:s2+$0x70];
	[tilespmem:s22+$0x2B0] =	vst v8  }
0x8f8: {  	v8 =	vld [tilespmem:s14+$0x40];
	[tilespmem:s26+$0xFFFFFEB0] =	vst v7  }
0x8f9: {  	v7 =	vld [tilespmem:s17+$0x40];
	[tilespmem:s23+$0x160] =	vst v9  }
0x8fa: {  	s29 =	spop (v2sf);
	v9 =	vld [tilespmem:s30+$0x70];
	[tilespmem:s24+$0x10] =	vst v6  }
0x8fb: {  	s30 =	spop (v2sf);
	v6 =	vld [tilespmem:s19+$0x20];
	[tilespmem:s28+$0xFFFFFD70] =	vst v3  }
0x8fc: {  	[tilespmem:s25+$0x2F0] =	vst v10;
	v3 =	vld [tilespmem:s30+$0x0]  }
0x8fd: {  	v10 =	vld [tilespmem:s1+$0x0];
	[tilespmem:s22+$0x2C0] =	vst v8  }
0x8fe: {  	v8 =	vld [tilespmem:s14+$0x50];
	[tilespmem:s26+$0xFFFFFEC0] =	vst v7  }
0x8ff: {  	v7 =	vld [tilespmem:s17+$0x50];
	[tilespmem:s23+$0x170] =	vst v9  }
0x900: {  	(v2sf) =	vpush v1, $0xE;
	v9 =	vld [tilespmem:s29+$0x0];
	[tilespmem:s24+$0x20] =	vst v6  }
0x901: {  	(v2sf) =	vpush v4, $0x6;
	v6 =	vld [tilespmem:s19+$0x30];
	[tilespmem:s28+$0xFFFFFD80] =	vst v3  }
0x902: {  	[tilespmem:s25+$0x300] =	vst v10;
	v3 =	vld [tilespmem:s30+$0x10]  }
0x903: {  	v10 =	vld [tilespmem:s1+$0x10];
	[tilespmem:s22+$0x2D0] =	vst v8  }
0x904: {  	v8 =	vld [tilespmem:s14+$0x60];
	[tilespmem:s26+$0xFFFFFED0] =	vst v7  }
0x905: {  	v7 =	vld [tilespmem:s17+$0x60];
	[tilespmem:s23+$0x180] =	vst v9  }
0x906: {  	v9 =	vld [tilespmem:s29+$0x10];
	[tilespmem:s24+$0x30] =	vst v6  }
0x907: {  	v6 =	vld [tilespmem:s19+$0x40];
	[tilespmem:s28+$0xFFFFFD90] =	vst v3  }
0x908: {  	[tilespmem:s25+$0x310] =	vst v10;
	v3 =	vld [tilespmem:s30+$0x20]  }
0x909: {  	v10 =	vld [tilespmem:s1+$0x20];
	[tilespmem:s22+$0x2E0] =	vst v8  }
0x90a: {  	v8 =	vld [tilespmem:s14+$0x70];
	[tilespmem:s26+$0xFFFFFEE0] =	vst v7  }
0x90b: {  	v7 =	vld [tilespmem:s17+$0x70];
	[tilespmem:s23+$0x190] =	vst v9  }
0x90c: {  	v9 =	vld [tilespmem:s29+$0x20];
	[tilespmem:s24+$0x40] =	vst v6  }
0x90d: {  	v6 =	vld [tilespmem:s19+$0x50];
	[tilespmem:s28+$0xFFFFFDA0] =	vst v3  }
0x90e: {  	[tilespmem:s25+$0x320] =	vst v10;
	v3 =	vld [tilespmem:s30+$0x30]  }
0x90f: {  	v10 =	vld [tilespmem:s1+$0x30];
	(v2sf) =	vpush v2, $0x9;
	s31 =	spop (v2sf);
	[tilespmem:s22+$0x2F0] =	vst v8  }
0x910: {  	s17 =	spop (v2sf);
	v8 =	vld [tilespmem:s31+$0x0];
	[tilespmem:s26+$0xFFFFFEF0] =	vst v7  }
0x911: {  	v7 =	vld [tilespmem:s17+$0x0];
	[tilespmem:s23+$0x1A0] =	vst v9  }
0x912: {  	v9 =	vld [tilespmem:s29+$0x30];
	[tilespmem:s24+$0x50] =	vst v6  }
0x913: {  	v6 =	vld [tilespmem:s19+$0x60];
	[tilespmem:s28+$0xFFFFFDB0] =	vst v3  }
0x914: {  	[tilespmem:s25+$0x330] =	vst v10;
	v3 =	vld [tilespmem:s30+$0x40]  }
0x915: {  	v10 =	vld [tilespmem:s1+$0x40];
	[tilespmem:s22+$0x300] =	vst v8  }
0x916: {  	v8 =	vld [tilespmem:s31+$0x10];
	[tilespmem:s26+$0xFFFFFF00] =	vst v7  }
0x917: {  	v7 =	vld [tilespmem:s17+$0x10];
	[tilespmem:s23+$0x1B0] =	vst v9  }
0x918: {  	v9 =	vld [tilespmem:s29+$0x40];
	[tilespmem:s24+$0x60] =	vst v6  }
0x919: {  	v6 =	vld [tilespmem:s19+$0x70];
	[tilespmem:s28+$0xFFFFFDC0] =	vst v3  }
0x91a: {  	[tilespmem:s25+$0x340] =	vst v10;
	v3 =	vld [tilespmem:s30+$0x50]  }
0x91b: {  	v10 =	vld [tilespmem:s1+$0x50];
	(v2sf) =	vpush v0, $0xC;
	[tilespmem:s22+$0x310] =	vst v8  }
0x91c: {  	(v2sf) =	vpush v41, $0x4;
	v8 =	vld [tilespmem:s31+$0x20];
	[tilespmem:s26+$0xFFFFFF10] =	vst v7  }
0x91d: {  	v7 =	vld [tilespmem:s17+$0x20];
	[tilespmem:s23+$0x1C0] =	vst v9  }
0x91e: {  	s9 =	spop (v2sf);
	v9 =	vld [tilespmem:s29+$0x50];
	[tilespmem:s24+$0x70] =	vst v6  }
0x91f: {  	v6 =	vld [tilespmem:s9+$0x0];
	[tilespmem:s28+$0xFFFFFDD0] =	vst v3  }
0x920: {  	[tilespmem:s25+$0x350] =	vst v10;
	v3 =	vld [tilespmem:s30+$0x60]  }
0x921: {  	v10 =	vld [tilespmem:s1+$0x60];
	[tilespmem:s22+$0x320] =	vst v8  }
0x922: {  	v8 =	vld [tilespmem:s31+$0x30];
	[tilespmem:s26+$0xFFFFFF20] =	vst v7  }
0x923: {  	v7 =	vld [tilespmem:s17+$0x30];
	[tilespmem:s23+$0x1D0] =	vst v9  }
0x924: {  	v9 =	vld [tilespmem:s29+$0x60];
	[tilespmem:s24+$0x80] =	vst v6  }
0x925: {  	v6 =	vld [tilespmem:s9+$0x10];
	[tilespmem:s28+$0xFFFFFDE0] =	vst v3  }
0x926: {  	[tilespmem:s25+$0x360] =	vst v10;
	v3 =	vld [tilespmem:s30+$0x70]  }
0x927: {  	v10 =	vld [tilespmem:s1+$0x70];
	[tilespmem:s22+$0x330] =	vst v8  }
0x928: {  	v8 =	vld [tilespmem:s31+$0x40];
	[tilespmem:s26+$0xFFFFFF30] =	vst v7  }
0x929: {  	v7 =	vld [tilespmem:s17+$0x40];
	[tilespmem:s23+$0x1E0] =	vst v9  }
0x92a: {  	s10 =	spop (v2sf);
	v9 =	vld [tilespmem:s29+$0x70];
	[tilespmem:s24+$0x90] =	vst v6  }
0x92b: {  	s13 =	spop (v2sf);
	v6 =	vld [tilespmem:s9+$0x20];
	[tilespmem:s28+$0xFFFFFDF0] =	vst v3  }
0x92c: {  	[tilespmem:s25+$0x370] =	vst v10;
	v3 =	vld [tilespmem:s13+$0x0]  }
0x92d: {  	v10 =	vld [tilespmem:s0+$0x0];
	[tilespmem:s22+$0x340] =	vst v8  }
0x92e: {  	v8 =	vld [tilespmem:s31+$0x50];
	[tilespmem:s26+$0xFFFFFF40] =	vst v7  }
0x92f: {  	v7 =	vld [tilespmem:s17+$0x50];
	[tilespmem:s23+$0x1F0] =	vst v9  }
0x930: {  	(v2sf) =	vpush v1, $0xF;
	v55 =	vld [tilespmem:s10+$0x0];
	[tilespmem:s24+$0xA0] =	vst v6  }
0x931: {  	(v2sf) =	vpush v4, $0x7;
	v6 =	vld [tilespmem:s9+$0x30];
	[tilespmem:s28+$0xFFFFFE00] =	vst v3  }
0x932: {  	[tilespmem:s25+$0x380] =	vst v10;
	v3 =	vld [tilespmem:s13+$0x10]  }
0x933: {  	v56 =	vld [tilespmem:s0+$0x10];
	[tilespmem:s22+$0x350] =	vst v8  }
0x934: {  	v8 =	vld [tilespmem:s31+$0x60];
	[tilespmem:s26+$0xFFFFFF50] =	vst v7  }
0x935: {  	v7 =	vld [tilespmem:s17+$0x60];
	[tilespmem:s23+$0x200] =	vst v55  }
0x936: {  	v1 =	vld [tilespmem:s10+$0x10];
	[tilespmem:s24+$0xB0] =	vst v6  }
0x937: {  	v6 =	vld [tilespmem:s9+$0x40];
	[tilespmem:s28+$0xFFFFFE10] =	vst v3  }
0x938: {  	[tilespmem:s25+$0x390] =	vst v56;
	v3 =	vld [tilespmem:s13+$0x20]  }
0x939: {  	v9 =	vld [tilespmem:s0+$0x20];
	[tilespmem:s22+$0x360] =	vst v8  }
0x93a: {  	v8 =	vld [tilespmem:s31+$0x70];
	[tilespmem:s26+$0xFFFFFF60] =	vst v7  }
0x93b: {  	v7 =	vld [tilespmem:s17+$0x70];
	[tilespmem:s23+$0x210] =	vst v1  }
0x93c: {  	v1 =	vld [tilespmem:s10+$0x20];
	[tilespmem:s24+$0xC0] =	vst v6  }
0x93d: {  	v6 =	vld [tilespmem:s9+$0x50];
	[tilespmem:s28+$0xFFFFFE20] =	vst v3  }
0x93e: {  	[tilespmem:s25+$0x3A0] =	vst v9;
	v3 =	vld [tilespmem:s13+$0x30]  }
0x93f: {  	(v2sf) =	vpush v2, $0xA;
	s29 =	spop (v2sf);
	v9 =	vld [tilespmem:s0+$0x30];
	[tilespmem:s22+$0x370] =	vst v8  }
0x940: {  	s14 =	spop (v2sf);
	v8 =	vld [tilespmem:s29+$0x0];
	[tilespmem:s26+$0xFFFFFF70] =	vst v7  }
0x941: {  	v7 =	vld [tilespmem:s14+$0x0];
	[tilespmem:s23+$0x220] =	vst v1  }
0x942: {  	v1 =	vld [tilespmem:s10+$0x30];
	[tilespmem:s24+$0xD0] =	vst v6  }
0x943: {  	v6 =	vld [tilespmem:s9+$0x60];
	[tilespmem:s28+$0xFFFFFE30] =	vst v3  }
0x944: {  	[tilespmem:s25+$0x3B0] =	vst v9;
	v3 =	vld [tilespmem:s13+$0x40]  }
0x945: {  	v9 =	vld [tilespmem:s0+$0x40];
	[tilespmem:s22+$0x380] =	vst v8  }
0x946: {  	v8 =	vld [tilespmem:s29+$0x10];
	[tilespmem:s26+$0xFFFFFF80] =	vst v7  }
0x947: {  	v7 =	vld [tilespmem:s14+$0x10];
	[tilespmem:s23+$0x230] =	vst v1  }
0x948: {  	v1 =	vld [tilespmem:s10+$0x40];
	[tilespmem:s24+$0xE0] =	vst v6  }
0x949: {  	v6 =	vld [tilespmem:s9+$0x70];
	[tilespmem:s28+$0xFFFFFE40] =	vst v3  }
0x94a: {  	[tilespmem:s25+$0x3C0] =	vst v9;
	v3 =	vld [tilespmem:s13+$0x50]  }
0x94b: {  	(v2sf) =	vpush v0, $0xD;
	v9 =	vld [tilespmem:s0+$0x50];
	[tilespmem:s22+$0x390] =	vst v8  }
0x94c: {  	(v2sf) =	vpush v41, $0x5;
	v8 =	vld [tilespmem:s29+$0x20];
	[tilespmem:s26+$0xFFFFFF90] =	vst v7  }
0x94d: {  	v7 =	vld [tilespmem:s14+$0x20];
	[tilespmem:s23+$0x240] =	vst v1  }
0x94e: {  	s7 =	spop (v2sf);
	v1 =	vld [tilespmem:s10+$0x50];
	[tilespmem:s24+$0xF0] =	vst v6  }
0x94f: {  	v6 =	vld [tilespmem:s7+$0x0];
	[tilespmem:s28+$0xFFFFFE50] =	vst v3  }
0x950: {  	[tilespmem:s25+$0x3D0] =	vst v9;
	v3 =	vld [tilespmem:s13+$0x60]  }
0x951: {  	v9 =	vld [tilespmem:s0+$0x60];
	[tilespmem:s22+$0x3A0] =	vst v8  }
0x952: {  	v8 =	vld [tilespmem:s29+$0x30];
	[tilespmem:s26+$0xFFFFFFA0] =	vst v7  }
0x953: {  	v7 =	vld [tilespmem:s14+$0x30];
	[tilespmem:s23+$0x250] =	vst v1  }
0x954: {  	v1 =	vld [tilespmem:s10+$0x60];
	[tilespmem:s24+$0x100] =	vst v6  }
0x955: {  	v6 =	vld [tilespmem:s7+$0x10];
	[tilespmem:s28+$0xFFFFFE60] =	vst v3  }
0x956: {  	[tilespmem:s25+$0x3E0] =	vst v9;
	v3 =	vld [tilespmem:s13+$0x70]  }
0x957: {  	v9 =	vld [tilespmem:s0+$0x70];
	[tilespmem:s22+$0x3B0] =	vst v8  }
0x958: {  	v8 =	vld [tilespmem:s29+$0x40];
	[tilespmem:s26+$0xFFFFFFB0] =	vst v7  }
0x959: {  	v7 =	vld [tilespmem:s14+$0x40];
	[tilespmem:s23+$0x260] =	vst v1  }
0x95a: {  	s1 =	spop (v2sf);
	v57 =	vld [tilespmem:s10+$0x70];
	[tilespmem:s24+$0x110] =	vst v6  }
0x95b: {  	s17 =	spop (v2sf);
	v6 =	vld [tilespmem:s7+$0x20];
	[tilespmem:s28+$0xFFFFFE70] =	vst v3  }
0x95c: {  	[tilespmem:s25+$0x3F0] =	vst v9;
	v58 =	vld [tilespmem:s17+$0x0]  }
0x95d: {  	[tilespmem:s22+$0x3C0] =	vst v8  }
0x95e: {  	v59 =	vld [tilespmem:s29+$0x50];
	[tilespmem:s26+$0xFFFFFFC0] =	vst v7  }
0x95f: {  	v7 =	vld [tilespmem:s14+$0x50];
	[tilespmem:s23+$0x270] =	vst v57  }
0x960: {  	(v2sf) =	vpush v4, $0x8;
	v60 =	vld [tilespmem:s1+$0x0];
	[tilespmem:s24+$0x120] =	vst v6  }
0x961: {  	v6 =	vld [tilespmem:s7+$0x30];
	[tilespmem:s28+$0xFFFFFE80] =	vst v58  }
0x962: {  	v8 =	vld [tilespmem:s17+$0x10];
	_ =	sdelay $0x4  }
0x963: {  	[tilespmem:s28+$0xFFFFFE90] =	vst v8  }
0x964: {  	v8 =	vld [tilespmem:s17+$0x20];
	_ =	sdelay $0x4  }
0x965: {  	[tilespmem:s28+$0xFFFFFEA0] =	vst v8  }
0x966: {  	v8 =	vld [tilespmem:s17+$0x30];
	_ =	sdelay $0x4  }
0x967: {  	[tilespmem:s28+$0xFFFFFEB0] =	vst v8  }
0x968: {  	v8 =	vld [tilespmem:s17+$0x40];
	_ =	sdelay $0x4  }
0x969: {  	[tilespmem:s28+$0xFFFFFEC0] =	vst v8  }
0x96a: {  	(v2sf) =	vpush v2, $0xB;
	v8 =	vld [tilespmem:s17+$0x50]  }
0x96b: {  	(v2sf) =	vpush v0, $0xE  }
0x96c: {  	(v2sf) =	vpush v41, $0x6;
	_ =	sdelay $0x2  }
0x96d: {  	[tilespmem:s28+$0xFFFFFED0] =	vst v8  }
0x96e: {  	v8 =	vld [tilespmem:s17+$0x60];
	_ =	sdelay $0x4  }
0x96f: {  	[tilespmem:s28+$0xFFFFFEE0] =	vst v8  }
0x970: {  	v8 =	vld [tilespmem:s17+$0x70];
	_ =	sdelay $0x1  }
0x971: {  	s19 =	spop (v2sf)  }
0x972: {  	s9 =	spop (v2sf)  }
0x973: {  	s30 =	spop (v2sf)  }
0x974: {  	s25 =	spop (v2sf);
	[tilespmem:s28+$0xFFFFFEF0] =	vst v8  }
0x975: {  	v8 =	vld [tilespmem:s25+$0x0];
	_ =	sdelay $0x4  }
0x976: {  	[tilespmem:s28+$0xFFFFFF00] =	vst v8  }
0x977: {  	v8 =	vld [tilespmem:s25+$0x10];
	_ =	sdelay $0x4  }
0x978: {  	[tilespmem:s28+$0xFFFFFF10] =	vst v8  }
0x979: {  	v8 =	vld [tilespmem:s25+$0x20];
	_ =	sdelay $0x4  }
0x97a: {  	[tilespmem:s28+$0xFFFFFF20] =	vst v8  }
0x97b: {  	v8 =	vld [tilespmem:s25+$0x30];
	_ =	sdelay $0x4  }
0x97c: {  	[tilespmem:s28+$0xFFFFFF30] =	vst v8  }
0x97d: {  	v8 =	vld [tilespmem:s25+$0x40];
	_ =	sdelay $0x4  }
0x97e: {  	(v2sf) =	vpush v4, $0x9;
	[tilespmem:s28+$0xFFFFFF40] =	vst v8  }
0x97f: {  	(v2sf) =	vpush v2, $0xC;
	v8 =	vld [tilespmem:s25+$0x50]  }
0x980: {  	(v2sf) =	vpush v0, $0xF  }
0x981: {  	(v2sf) =	vpush v41, $0x7;
	_ =	sdelay $0x2  }
0x982: {  	[tilespmem:s28+$0xFFFFFF50] =	vst v8  }
0x983: {  	v61 =	vld [tilespmem:s25+$0x60];
	_ =	sdelay $0x4  }
0x984: {  	[tilespmem:s28+$0xFFFFFF60] =	vst v61  }
0x985: {  	v0 =	vld [tilespmem:s25+$0x70];
	_ =	sdelay $0x1  }
0x986: {  	s31 =	spop (v2sf)  }
0x987: {  	s11 =	spop (v2sf)  }
0x988: {  	s25 =	spop (v2sf)  }
0x989: {  	s13 =	spop (v2sf);
	[tilespmem:s28+$0xFFFFFF70] =	vst v0  }
0x98a: {  	v0 =	vld [tilespmem:s13+$0x0];
	_ =	sdelay $0x4  }
0x98b: {  	[tilespmem:s28+$0xFFFFFF80] =	vst v0  }
0x98c: {  	v0 =	vld [tilespmem:s13+$0x10];
	_ =	sdelay $0x4  }
0x98d: {  	[tilespmem:s28+$0xFFFFFF90] =	vst v0  }
0x98e: {  	v0 =	vld [tilespmem:s13+$0x20];
	_ =	sdelay $0x4  }
0x98f: {  	[tilespmem:s28+$0xFFFFFFA0] =	vst v0  }
0x990: {  	v0 =	vld [tilespmem:s13+$0x30];
	_ =	sdelay $0x4  }
0x991: {  	[tilespmem:s28+$0xFFFFFFB0] =	vst v0  }
0x992: {  	v0 =	vld [tilespmem:s13+$0x40];
	_ =	sdelay $0x4  }
0x993: {  	[tilespmem:s28+$0xFFFFFFC0] =	vst v0  }
0x994: {  	(v2sf) =	vpush v4, $0xA;
	v0 =	vld [tilespmem:s13+$0x50]  }
0x995: {  	(v2sf) =	vpush v2, $0xD  }
0x996: {  	(v2sf) =	vpush v41, $0x8;
	_ =	sdelay $0x1  }
0x997: {  	[tilespmem:s26+$0xFFFFFFD0] =	vst v7  }
0x998: {  	v7 =	vld [tilespmem:s14+$0x60];
	[tilespmem:s28+$0xFFFFFFD0] =	vst v0  }
0x999: {  	v0 =	vld [tilespmem:s13+$0x60];
	_ =	sdelay $0x3  }
0x99a: {  	[tilespmem:s26+$0xFFFFFFE0] =	vst v7  }
0x99b: {  	v7 =	vld [tilespmem:s14+$0x70];
	[tilespmem:s28+$0xFFFFFFE0] =	vst v0  }
0x99c: {  	v0 =	vld [tilespmem:s13+$0x70];
	_ =	sdelay $0x2  }
0x99d: {  	s10 =	spop (v2sf)  }
0x99e: {  	[tilespmem:s26+$0xFFFFFFF0] =	vst v7;
	s2 =	spop (v2sf)  }
0x99f: {  	v7 =	vld [tilespmem:s19+$0x0];
	s14 =	spop (v2sf);
	[tilespmem:s28+$0xFFFFFFF0] =	vst v0  }
0x9a0: {  	v0 =	vld [tilespmem:s14+$0x0];
	_ =	sdelay $0x3  }
0x9a1: {  	[tilespmem:s26+$0x0] =	vst v7  }
0x9a2: {  	v7 =	vld [tilespmem:s19+$0x10];
	[tilespmem:s28+$0x0] =	vst v0  }
0x9a3: {  	v0 =	vld [tilespmem:s14+$0x10];
	_ =	sdelay $0x3  }
0x9a4: {  	[tilespmem:s26+$0x10] =	vst v7  }
0x9a5: {  	v7 =	vld [tilespmem:s19+$0x20];
	[tilespmem:s28+$0x10] =	vst v0  }
0x9a6: {  	v0 =	vld [tilespmem:s14+$0x20];
	_ =	sdelay $0x3  }
0x9a7: {  	[tilespmem:s26+$0x20] =	vst v7  }
0x9a8: {  	v7 =	vld [tilespmem:s19+$0x30];
	[tilespmem:s28+$0x20] =	vst v0  }
0x9a9: {  	v0 =	vld [tilespmem:s14+$0x30];
	_ =	sdelay $0x3  }
0x9aa: {  	[tilespmem:s26+$0x30] =	vst v7  }
0x9ab: {  	v7 =	vld [tilespmem:s19+$0x40];
	[tilespmem:s28+$0x30] =	vst v0  }
0x9ac: {  	v0 =	vld [tilespmem:s14+$0x40];
	_ =	sdelay $0x3  }
0x9ad: {  	[tilespmem:s26+$0x40] =	vst v7  }
0x9ae: {  	v7 =	vld [tilespmem:s19+$0x50];
	[tilespmem:s28+$0x40] =	vst v0  }
0x9af: {  	(v2sf) =	vpush v4, $0xB;
	v0 =	vld [tilespmem:s14+$0x50]  }
0x9b0: {  	(v2sf) =	vpush v2, $0xE  }
0x9b1: {  	(v2sf) =	vpush v41, $0x9;
	_ =	sdelay $0x1  }
0x9b2: {  	[tilespmem:s26+$0x50] =	vst v7  }
0x9b3: {  	v7 =	vld [tilespmem:s19+$0x60];
	[tilespmem:s28+$0x50] =	vst v0  }
0x9b4: {  	v0 =	vld [tilespmem:s14+$0x60];
	_ =	sdelay $0x3  }
0x9b5: {  	[tilespmem:s26+$0x60] =	vst v7  }
0x9b6: {  	v7 =	vld [tilespmem:s19+$0x70];
	[tilespmem:s28+$0x60] =	vst v0  }
0x9b7: {  	v0 =	vld [tilespmem:s14+$0x70];
	_ =	sdelay $0x2  }
0x9b8: {  	s13 =	spop (v2sf)  }
0x9b9: {  	[tilespmem:s26+$0x70] =	vst v7;
	s0 =	spop (v2sf)  }
0x9ba: {  	v7 =	vld [tilespmem:s31+$0x0];
	s14 =	spop (v2sf);
	[tilespmem:s28+$0x70] =	vst v0  }
0x9bb: {  	v0 =	vld [tilespmem:s14+$0x0];
	_ =	sdelay $0x3  }
0x9bc: {  	[tilespmem:s26+$0x80] =	vst v7  }
0x9bd: {  	v7 =	vld [tilespmem:s31+$0x10];
	[tilespmem:s28+$0x80] =	vst v0  }
0x9be: {  	v0 =	vld [tilespmem:s14+$0x10];
	_ =	sdelay $0x3  }
0x9bf: {  	[tilespmem:s26+$0x90] =	vst v7  }
0x9c0: {  	v7 =	vld [tilespmem:s31+$0x20];
	[tilespmem:s28+$0x90] =	vst v0  }
0x9c1: {  	v0 =	vld [tilespmem:s14+$0x20];
	_ =	sdelay $0x3  }
0x9c2: {  	[tilespmem:s26+$0xA0] =	vst v7  }
0x9c3: {  	v7 =	vld [tilespmem:s31+$0x30];
	[tilespmem:s28+$0xA0] =	vst v0  }
0x9c4: {  	v0 =	vld [tilespmem:s14+$0x30];
	_ =	sdelay $0x3  }
0x9c5: {  	[tilespmem:s26+$0xB0] =	vst v7  }
0x9c6: {  	v7 =	vld [tilespmem:s31+$0x40];
	[tilespmem:s28+$0xB0] =	vst v0  }
0x9c7: {  	v0 =	vld [tilespmem:s14+$0x40];
	_ =	sdelay $0x3  }
0x9c8: {  	[tilespmem:s26+$0xC0] =	vst v7  }
0x9c9: {  	v7 =	vld [tilespmem:s31+$0x50];
	[tilespmem:s28+$0xC0] =	vst v0  }
0x9ca: {  	(v2sf) =	vpush v4, $0xC;
	v0 =	vld [tilespmem:s14+$0x50]  }
0x9cb: {  	(v2sf) =	vpush v2, $0xF  }
0x9cc: {  	(v2sf) =	vpush v41, $0xA;
	_ =	sdelay $0x1  }
0x9cd: {  	[tilespmem:s26+$0xD0] =	vst v7  }
0x9ce: {  	v62 =	vld [tilespmem:s31+$0x60];
	[tilespmem:s28+$0xD0] =	vst v0  }
0x9cf: {  	v0 =	vld [tilespmem:s14+$0x60];
	_ =	sdelay $0x3  }
0x9d0: {  	[tilespmem:s26+$0xE0] =	vst v62  }
0x9d1: {  	v2 =	vld [tilespmem:s31+$0x70];
	[tilespmem:s28+$0xE0] =	vst v0  }
0x9d2: {  	v0 =	vld [tilespmem:s14+$0x70];
	_ =	sdelay $0x2  }
0x9d3: {  	s17 =	spop (v2sf)  }
0x9d4: {  	[tilespmem:s26+$0xF0] =	vst v2;
	s31 =	spop (v2sf)  }
0x9d5: {  	v2 =	vld [tilespmem:s10+$0x0];
	s19 =	spop (v2sf);
	[tilespmem:s28+$0xF0] =	vst v0  }
0x9d6: {  	v0 =	vld [tilespmem:s19+$0x0];
	_ =	sdelay $0x3  }
0x9d7: {  	[tilespmem:s26+$0x100] =	vst v2  }
0x9d8: {  	v2 =	vld [tilespmem:s10+$0x10];
	[tilespmem:s28+$0x100] =	vst v0  }
0x9d9: {  	v0 =	vld [tilespmem:s19+$0x10];
	_ =	sdelay $0x3  }
0x9da: {  	[tilespmem:s26+$0x110] =	vst v2  }
0x9db: {  	v2 =	vld [tilespmem:s10+$0x20];
	[tilespmem:s28+$0x110] =	vst v0  }
0x9dc: {  	v0 =	vld [tilespmem:s19+$0x20];
	_ =	sdelay $0x3  }
0x9dd: {  	[tilespmem:s26+$0x120] =	vst v2  }
0x9de: {  	v2 =	vld [tilespmem:s10+$0x30];
	[tilespmem:s28+$0x120] =	vst v0  }
0x9df: {  	v0 =	vld [tilespmem:s19+$0x30];
	_ =	sdelay $0x2  }
0x9e0: {  	[tilespmem:s24+$0x130] =	vst v6  }
0x9e1: {  	v6 =	vld [tilespmem:s7+$0x40];
	[tilespmem:s26+$0x130] =	vst v2  }
0x9e2: {  	v2 =	vld [tilespmem:s10+$0x40];
	[tilespmem:s28+$0x130] =	vst v0  }
0x9e3: {  	v0 =	vld [tilespmem:s19+$0x40];
	_ =	sdelay $0x2  }
0x9e4: {  	[tilespmem:s24+$0x140] =	vst v6  }
0x9e5: {  	v6 =	vld [tilespmem:s7+$0x50];
	[tilespmem:s26+$0x140] =	vst v2  }
0x9e6: {  	v2 =	vld [tilespmem:s10+$0x50];
	[tilespmem:s28+$0x140] =	vst v0  }
0x9e7: {  	v0 =	vld [tilespmem:s19+$0x50]  }
0x9e8: {  	(v2sf) =	vpush v4, $0xD  }
0x9e9: {  	(v2sf) =	vpush v41, $0xB  }
0x9ea: {  	[tilespmem:s24+$0x150] =	vst v6  }
0x9eb: {  	v6 =	vld [tilespmem:s7+$0x60];
	[tilespmem:s26+$0x150] =	vst v2  }
0x9ec: {  	v2 =	vld [tilespmem:s10+$0x60];
	[tilespmem:s28+$0x150] =	vst v0  }
0x9ed: {  	v0 =	vld [tilespmem:s19+$0x60];
	_ =	sdelay $0x2  }
0x9ee: {  	[tilespmem:s24+$0x160] =	vst v6  }
0x9ef: {  	v6 =	vld [tilespmem:s7+$0x70];
	[tilespmem:s26+$0x160] =	vst v2  }
0x9f0: {  	v2 =	vld [tilespmem:s10+$0x70];
	[tilespmem:s28+$0x160] =	vst v0  }
0x9f1: {  	v0 =	vld [tilespmem:s19+$0x70];
	_ =	sdelay $0x2  }
0x9f2: {  	[tilespmem:s24+$0x170] =	vst v6  }
0x9f3: {  	v6 =	vld [tilespmem:s9+$0x0];
	[tilespmem:s26+$0x170] =	vst v2;
	s10 =	spop (v2sf)  }
0x9f4: {  	v2 =	vld [tilespmem:s13+$0x0];
	s19 =	spop (v2sf);
	[tilespmem:s28+$0x170] =	vst v0  }
0x9f5: {  	v0 =	vld [tilespmem:s19+$0x0];
	_ =	sdelay $0x2  }
0x9f6: {  	[tilespmem:s24+$0x180] =	vst v6  }
0x9f7: {  	v6 =	vld [tilespmem:s9+$0x10];
	[tilespmem:s26+$0x180] =	vst v2  }
0x9f8: {  	v2 =	vld [tilespmem:s13+$0x10];
	[tilespmem:s28+$0x180] =	vst v0  }
0x9f9: {  	v0 =	vld [tilespmem:s19+$0x10];
	_ =	sdelay $0x2  }
0x9fa: {  	[tilespmem:s24+$0x190] =	vst v6  }
0x9fb: {  	v6 =	vld [tilespmem:s9+$0x20];
	[tilespmem:s26+$0x190] =	vst v2  }
0x9fc: {  	v2 =	vld [tilespmem:s13+$0x20];
	[tilespmem:s28+$0x190] =	vst v0  }
0x9fd: {  	v0 =	vld [tilespmem:s19+$0x20];
	_ =	sdelay $0x2  }
0x9fe: {  	[tilespmem:s24+$0x1A0] =	vst v6  }
0x9ff: {  	v6 =	vld [tilespmem:s9+$0x30];
	[tilespmem:s26+$0x1A0] =	vst v2  }
0xa00: {  	v2 =	vld [tilespmem:s13+$0x30];
	[tilespmem:s28+$0x1A0] =	vst v0  }
0xa01: {  	v0 =	vld [tilespmem:s19+$0x30];
	_ =	sdelay $0x2  }
0xa02: {  	[tilespmem:s24+$0x1B0] =	vst v6  }
0xa03: {  	v6 =	vld [tilespmem:s9+$0x40];
	[tilespmem:s26+$0x1B0] =	vst v2  }
0xa04: {  	v2 =	vld [tilespmem:s13+$0x40];
	[tilespmem:s28+$0x1B0] =	vst v0  }
0xa05: {  	v0 =	vld [tilespmem:s19+$0x40];
	_ =	sdelay $0x2  }
0xa06: {  	[tilespmem:s24+$0x1C0] =	vst v6  }
0xa07: {  	v6 =	vld [tilespmem:s9+$0x50];
	[tilespmem:s26+$0x1C0] =	vst v2  }
0xa08: {  	v2 =	vld [tilespmem:s13+$0x50];
	[tilespmem:s28+$0x1C0] =	vst v0  }
0xa09: {  	v0 =	vld [tilespmem:s19+$0x50]  }
0xa0a: {  	(v2sf) =	vpush v4, $0xE  }
0xa0b: {  	(v2sf) =	vpush v41, $0xC  }
0xa0c: {  	[tilespmem:s24+$0x1D0] =	vst v6  }
0xa0d: {  	v6 =	vld [tilespmem:s9+$0x60];
	[tilespmem:s26+$0x1D0] =	vst v2  }
0xa0e: {  	v2 =	vld [tilespmem:s13+$0x60];
	[tilespmem:s28+$0x1D0] =	vst v0  }
0xa0f: {  	v0 =	vld [tilespmem:s19+$0x60];
	_ =	sdelay $0x2  }
0xa10: {  	[tilespmem:s24+$0x1E0] =	vst v6  }
0xa11: {  	v6 =	vld [tilespmem:s9+$0x70];
	[tilespmem:s26+$0x1E0] =	vst v2  }
0xa12: {  	v2 =	vld [tilespmem:s13+$0x70];
	[tilespmem:s28+$0x1E0] =	vst v0  }
0xa13: {  	v0 =	vld [tilespmem:s19+$0x70];
	_ =	sdelay $0x2  }
0xa14: {  	[tilespmem:s24+$0x1F0] =	vst v6  }
0xa15: {  	v6 =	vld [tilespmem:s11+$0x0];
	[tilespmem:s26+$0x1F0] =	vst v2;
	s9 =	spop (v2sf)  }
0xa16: {  	v2 =	vld [tilespmem:s17+$0x0];
	s13 =	spop (v2sf);
	[tilespmem:s28+$0x1F0] =	vst v0  }
0xa17: {  	v0 =	vld [tilespmem:s13+$0x0];
	_ =	sdelay $0x2  }
0xa18: {  	[tilespmem:s24+$0x200] =	vst v6  }
0xa19: {  	v6 =	vld [tilespmem:s11+$0x10];
	[tilespmem:s26+$0x200] =	vst v2  }
0xa1a: {  	v2 =	vld [tilespmem:s17+$0x10];
	[tilespmem:s28+$0x200] =	vst v0  }
0xa1b: {  	v0 =	vld [tilespmem:s13+$0x10];
	_ =	sdelay $0x2  }
0xa1c: {  	[tilespmem:s24+$0x210] =	vst v6  }
0xa1d: {  	v6 =	vld [tilespmem:s11+$0x20];
	[tilespmem:s26+$0x210] =	vst v2  }
0xa1e: {  	v2 =	vld [tilespmem:s17+$0x20];
	[tilespmem:s28+$0x210] =	vst v0  }
0xa1f: {  	v0 =	vld [tilespmem:s13+$0x20];
	_ =	sdelay $0x2  }
0xa20: {  	[tilespmem:s24+$0x220] =	vst v6  }
0xa21: {  	v6 =	vld [tilespmem:s11+$0x30];
	[tilespmem:s26+$0x220] =	vst v2  }
0xa22: {  	v2 =	vld [tilespmem:s17+$0x30];
	[tilespmem:s28+$0x220] =	vst v0  }
0xa23: {  	v0 =	vld [tilespmem:s13+$0x30];
	_ =	sdelay $0x2  }
0xa24: {  	[tilespmem:s24+$0x230] =	vst v6  }
0xa25: {  	v6 =	vld [tilespmem:s11+$0x40];
	[tilespmem:s26+$0x230] =	vst v2  }
0xa26: {  	v2 =	vld [tilespmem:s17+$0x40];
	[tilespmem:s28+$0x230] =	vst v0  }
0xa27: {  	v0 =	vld [tilespmem:s13+$0x40];
	_ =	sdelay $0x2  }
0xa28: {  	[tilespmem:s24+$0x240] =	vst v6  }
0xa29: {  	v6 =	vld [tilespmem:s11+$0x50];
	[tilespmem:s26+$0x240] =	vst v2  }
0xa2a: {  	v2 =	vld [tilespmem:s17+$0x50];
	[tilespmem:s28+$0x240] =	vst v0  }
0xa2b: {  	v0 =	vld [tilespmem:s13+$0x50]  }
0xa2c: {  	(v2sf) =	vpush v4, $0xF  }
0xa2d: {  	(v2sf) =	vpush v41, $0xD  }
0xa2e: {  	[tilespmem:s24+$0x250] =	vst v6  }
0xa2f: {  	v63 =	vld [tilespmem:s11+$0x60];
	[tilespmem:s26+$0x250] =	vst v2  }
0xa30: {  	v2 =	vld [tilespmem:s17+$0x60];
	[tilespmem:s28+$0x250] =	vst v0  }
0xa31: {  	v0 =	vld [tilespmem:s13+$0x60];
	_ =	sdelay $0x2  }
0xa32: {  	[tilespmem:s24+$0x260] =	vst v63  }
0xa33: {  	[tilespmem:s26+$0x260] =	vst v2;
	v4 =	vld [tilespmem:s11+$0x70]  }
0xa34: {  	v2 =	vld [tilespmem:s17+$0x70];
	[tilespmem:s28+$0x260] =	vst v0  }
0xa35: {  	v0 =	vld [tilespmem:s13+$0x70];
	_ =	sdelay $0x2  }
0xa36: {  	[tilespmem:s24+$0x270] =	vst v4  }
0xa37: {  	[tilespmem:s26+$0x270] =	vst v2;
	v4 =	vld [tilespmem:s2+$0x0];
	s14 =	spop (v2sf)  }
0xa38: {  	v2 =	vld [tilespmem:s10+$0x0];
	s17 =	spop (v2sf);
	[tilespmem:s28+$0x270] =	vst v0  }
0xa39: {  	v0 =	vld [tilespmem:s17+$0x0];
	_ =	sdelay $0x1  }
0xa3a: {  	[tilespmem:s23+$0x280] =	vst v60  }
0xa3b: {  	v3 =	vld [tilespmem:s1+$0x10];
	[tilespmem:s24+$0x280] =	vst v4  }
0xa3c: {  	[tilespmem:s26+$0x280] =	vst v2;
	v4 =	vld [tilespmem:s2+$0x10]  }
0xa3d: {  	v2 =	vld [tilespmem:s10+$0x10];
	[tilespmem:s28+$0x280] =	vst v0  }
0xa3e: {  	v0 =	vld [tilespmem:s17+$0x10];
	_ =	sdelay $0x1  }
0xa3f: {  	[tilespmem:s23+$0x290] =	vst v3  }
0xa40: {  	v3 =	vld [tilespmem:s1+$0x20];
	[tilespmem:s24+$0x290] =	vst v4  }
0xa41: {  	[tilespmem:s26+$0x290] =	vst v2;
	v4 =	vld [tilespmem:s2+$0x20]  }
0xa42: {  	v2 =	vld [tilespmem:s10+$0x20];
	[tilespmem:s28+$0x290] =	vst v0  }
0xa43: {  	v0 =	vld [tilespmem:s17+$0x20];
	_ =	sdelay $0x1  }
0xa44: {  	[tilespmem:s23+$0x2A0] =	vst v3  }
0xa45: {  	v3 =	vld [tilespmem:s1+$0x30];
	[tilespmem:s24+$0x2A0] =	vst v4  }
0xa46: {  	[tilespmem:s26+$0x2A0] =	vst v2;
	v4 =	vld [tilespmem:s2+$0x30]  }
0xa47: {  	v2 =	vld [tilespmem:s10+$0x30];
	[tilespmem:s28+$0x2A0] =	vst v0  }
0xa48: {  	v0 =	vld [tilespmem:s17+$0x30];
	_ =	sdelay $0x1  }
0xa49: {  	[tilespmem:s23+$0x2B0] =	vst v3  }
0xa4a: {  	v3 =	vld [tilespmem:s1+$0x40];
	[tilespmem:s24+$0x2B0] =	vst v4  }
0xa4b: {  	[tilespmem:s26+$0x2B0] =	vst v2;
	v4 =	vld [tilespmem:s2+$0x40]  }
0xa4c: {  	v2 =	vld [tilespmem:s10+$0x40];
	[tilespmem:s28+$0x2B0] =	vst v0  }
0xa4d: {  	v0 =	vld [tilespmem:s17+$0x40];
	_ =	sdelay $0x1  }
0xa4e: {  	[tilespmem:s23+$0x2C0] =	vst v3  }
0xa4f: {  	v3 =	vld [tilespmem:s1+$0x50];
	[tilespmem:s24+$0x2C0] =	vst v4  }
0xa50: {  	[tilespmem:s26+$0x2C0] =	vst v2;
	v4 =	vld [tilespmem:s2+$0x50]  }
0xa51: {  	v2 =	vld [tilespmem:s10+$0x50];
	[tilespmem:s28+$0x2C0] =	vst v0  }
0xa52: {  	v0 =	vld [tilespmem:s17+$0x50];
	_ =	sdelay $0x1  }
0xa53: {  	[tilespmem:s23+$0x2D0] =	vst v3;
	(v2sf) =	vpush v41, $0xE  }
0xa54: {  	v3 =	vld [tilespmem:s1+$0x60];
	[tilespmem:s24+$0x2D0] =	vst v4  }
0xa55: {  	[tilespmem:s26+$0x2D0] =	vst v2;
	v4 =	vld [tilespmem:s2+$0x60]  }
0xa56: {  	v2 =	vld [tilespmem:s10+$0x60];
	[tilespmem:s28+$0x2D0] =	vst v0  }
0xa57: {  	v0 =	vld [tilespmem:s17+$0x60];
	_ =	sdelay $0x1  }
0xa58: {  	[tilespmem:s23+$0x2E0] =	vst v3  }
0xa59: {  	v3 =	vld [tilespmem:s1+$0x70];
	[tilespmem:s24+$0x2E0] =	vst v4  }
0xa5a: {  	[tilespmem:s26+$0x2E0] =	vst v2;
	v4 =	vld [tilespmem:s2+$0x70]  }
0xa5b: {  	v2 =	vld [tilespmem:s10+$0x70];
	[tilespmem:s28+$0x2E0] =	vst v0  }
0xa5c: {  	v0 =	vld [tilespmem:s17+$0x70];
	_ =	sdelay $0x1  }
0xa5d: {  	[tilespmem:s23+$0x2F0] =	vst v3  }
0xa5e: {  	v3 =	vld [tilespmem:s30+$0x0];
	[tilespmem:s24+$0x2F0] =	vst v4  }
0xa5f: {  	[tilespmem:s26+$0x2F0] =	vst v2;
	v4 =	vld [tilespmem:s0+$0x0]  }
0xa60: {  	s19 =	spop (v2sf);
	v2 =	vld [tilespmem:s9+$0x0];
	[tilespmem:s28+$0x2F0] =	vst v0  }
0xa61: {  	v0 =	vld [tilespmem:s19+$0x0];
	_ =	sdelay $0x1  }
0xa62: {  	[tilespmem:s23+$0x300] =	vst v3  }
0xa63: {  	v3 =	vld [tilespmem:s30+$0x10];
	[tilespmem:s24+$0x300] =	vst v4  }
0xa64: {  	[tilespmem:s26+$0x300] =	vst v2;
	v4 =	vld [tilespmem:s0+$0x10]  }
0xa65: {  	v2 =	vld [tilespmem:s9+$0x10];
	[tilespmem:s28+$0x300] =	vst v0  }
0xa66: {  	v0 =	vld [tilespmem:s19+$0x10];
	_ =	sdelay $0x1  }
0xa67: {  	[tilespmem:s23+$0x310] =	vst v3  }
0xa68: {  	v3 =	vld [tilespmem:s30+$0x20];
	[tilespmem:s24+$0x310] =	vst v4  }
0xa69: {  	[tilespmem:s26+$0x310] =	vst v2;
	v4 =	vld [tilespmem:s0+$0x20]  }
0xa6a: {  	v2 =	vld [tilespmem:s9+$0x20];
	[tilespmem:s28+$0x310] =	vst v0  }
0xa6b: {  	v0 =	vld [tilespmem:s19+$0x20];
	_ =	sdelay $0x1  }
0xa6c: {  	[tilespmem:s23+$0x320] =	vst v3  }
0xa6d: {  	v3 =	vld [tilespmem:s30+$0x30];
	[tilespmem:s24+$0x320] =	vst v4  }
0xa6e: {  	[tilespmem:s26+$0x320] =	vst v2;
	v4 =	vld [tilespmem:s0+$0x30]  }
0xa6f: {  	v2 =	vld [tilespmem:s9+$0x30];
	[tilespmem:s28+$0x320] =	vst v0  }
0xa70: {  	v0 =	vld [tilespmem:s19+$0x30];
	_ =	sdelay $0x1  }
0xa71: {  	[tilespmem:s23+$0x330] =	vst v3  }
0xa72: {  	v3 =	vld [tilespmem:s30+$0x40];
	[tilespmem:s24+$0x330] =	vst v4  }
0xa73: {  	[tilespmem:s26+$0x330] =	vst v2;
	v4 =	vld [tilespmem:s0+$0x40]  }
0xa74: {  	v2 =	vld [tilespmem:s9+$0x40];
	[tilespmem:s28+$0x330] =	vst v0  }
0xa75: {  	v0 =	vld [tilespmem:s19+$0x40];
	_ =	sdelay $0x1  }
0xa76: {  	[tilespmem:s23+$0x340] =	vst v3  }
0xa77: {  	v3 =	vld [tilespmem:s30+$0x50];
	[tilespmem:s24+$0x340] =	vst v4  }
0xa78: {  	[tilespmem:s26+$0x340] =	vst v2;
	v4 =	vld [tilespmem:s0+$0x50]  }
0xa79: {  	v2 =	vld [tilespmem:s9+$0x50];
	[tilespmem:s28+$0x340] =	vst v0  }
0xa7a: {  	v0 =	vld [tilespmem:s19+$0x50];
	_ =	sdelay $0x1  }
0xa7b: {  	[tilespmem:s23+$0x350] =	vst v3;
	(v2sf) =	vpush v41, $0xF  }
0xa7c: {  	v3 =	vld [tilespmem:s30+$0x60];
	[tilespmem:s24+$0x350] =	vst v4  }
0xa7d: {  	[tilespmem:s26+$0x350] =	vst v2;
	v4 =	vld [tilespmem:s0+$0x60]  }
0xa7e: {  	v2 =	vld [tilespmem:s9+$0x60];
	[tilespmem:s28+$0x350] =	vst v0  }
0xa7f: {  	v0 =	vld [tilespmem:s19+$0x60];
	_ =	sdelay $0x1  }
0xa80: {  	[tilespmem:s23+$0x360] =	vst v3  }
0xa81: {  	v3 =	vld [tilespmem:s30+$0x70];
	[tilespmem:s24+$0x360] =	vst v4  }
0xa82: {  	[tilespmem:s26+$0x360] =	vst v2;
	v4 =	vld [tilespmem:s0+$0x70]  }
0xa83: {  	v2 =	vld [tilespmem:s9+$0x70];
	[tilespmem:s28+$0x360] =	vst v0  }
0xa84: {  	v0 =	vld [tilespmem:s19+$0x70];
	_ =	sdelay $0x1  }
0xa85: {  	[tilespmem:s23+$0x370] =	vst v3  }
0xa86: {  	v3 =	vld [tilespmem:s25+$0x0];
	[tilespmem:s24+$0x370] =	vst v4  }
0xa87: {  	[tilespmem:s26+$0x370] =	vst v2;
	v4 =	vld [tilespmem:s31+$0x0]  }
0xa88: {  	s30 =	spop (v2sf);
	v2 =	vld [tilespmem:s14+$0x0];
	[tilespmem:s28+$0x370] =	vst v0  }
0xa89: {  	v0 =	vld [tilespmem:s30+$0x0];
	_ =	sdelay $0x1  }
0xa8a: {  	[tilespmem:s23+$0x380] =	vst v3  }
0xa8b: {  	v3 =	vld [tilespmem:s25+$0x10];
	[tilespmem:s24+$0x380] =	vst v4  }
0xa8c: {  	[tilespmem:s26+$0x380] =	vst v2;
	v4 =	vld [tilespmem:s31+$0x10]  }
0xa8d: {  	v2 =	vld [tilespmem:s14+$0x10];
	[tilespmem:s28+$0x380] =	vst v0  }
0xa8e: {  	v0 =	vld [tilespmem:s30+$0x10];
	_ =	sdelay $0x1  }
0xa8f: {  	[tilespmem:s23+$0x390] =	vst v3  }
0xa90: {  	v3 =	vld [tilespmem:s25+$0x20];
	[tilespmem:s24+$0x390] =	vst v4  }
0xa91: {  	[tilespmem:s26+$0x390] =	vst v2;
	v4 =	vld [tilespmem:s31+$0x20]  }
0xa92: {  	v2 =	vld [tilespmem:s14+$0x20];
	[tilespmem:s28+$0x390] =	vst v0  }
0xa93: {  	v0 =	vld [tilespmem:s30+$0x20];
	_ =	sdelay $0x1  }
0xa94: {  	[tilespmem:s23+$0x3A0] =	vst v3  }
0xa95: {  	v3 =	vld [tilespmem:s25+$0x30];
	[tilespmem:s24+$0x3A0] =	vst v4  }
0xa96: {  	[tilespmem:s26+$0x3A0] =	vst v2;
	v4 =	vld [tilespmem:s31+$0x30]  }
0xa97: {  	v2 =	vld [tilespmem:s14+$0x30];
	[tilespmem:s28+$0x3A0] =	vst v0  }
0xa98: {  	v0 =	vld [tilespmem:s30+$0x30];
	_ =	sdelay $0x1  }
0xa99: {  	[tilespmem:s23+$0x3B0] =	vst v3  }
0xa9a: {  	v3 =	vld [tilespmem:s25+$0x40];
	[tilespmem:s24+$0x3B0] =	vst v4  }
0xa9b: {  	[tilespmem:s26+$0x3B0] =	vst v2;
	v4 =	vld [tilespmem:s31+$0x40]  }
0xa9c: {  	v2 =	vld [tilespmem:s14+$0x40];
	[tilespmem:s28+$0x3B0] =	vst v0  }
0xa9d: {  	v0 =	vld [tilespmem:s30+$0x40];
	_ =	sdelay $0x1  }
0xa9e: {  	[tilespmem:s23+$0x3C0] =	vst v3  }
0xa9f: {  	v3 =	vld [tilespmem:s25+$0x50];
	[tilespmem:s24+$0x3C0] =	vst v4  }
0xaa0: {  	[tilespmem:s26+$0x3C0] =	vst v2;
	v4 =	vld [tilespmem:s31+$0x50]  }
0xaa1: {  	v2 =	vld [tilespmem:s14+$0x50];
	[tilespmem:s28+$0x3C0] =	vst v0  }
0xaa2: {  	v0 =	vld [tilespmem:s30+$0x50]  }
0xaa3: {  	[tilespmem:s22+$0x3D0] =	vst v59  }
0xaa4: {  	v1 =	vld [tilespmem:s29+$0x60];
	[tilespmem:s23+$0x3D0] =	vst v3  }
0xaa5: {  	v3 =	vld [tilespmem:s25+$0x60];
	[tilespmem:s24+$0x3D0] =	vst v4  }
0xaa6: {  	[tilespmem:s26+$0x3D0] =	vst v2;
	v4 =	vld [tilespmem:s31+$0x60]  }
0xaa7: {  	v2 =	vld [tilespmem:s14+$0x60];
	[tilespmem:s28+$0x3D0] =	vst v0  }
0xaa8: {  	v0 =	vld [tilespmem:s30+$0x60]  }
0xaa9: {  	[tilespmem:s22+$0x3E0] =	vst v1  }
0xaaa: {  	v1 =	vld [tilespmem:s29+$0x70];
	[tilespmem:s23+$0x3E0] =	vst v3  }
0xaab: {  	v3 =	vld [tilespmem:s25+$0x70];
	[tilespmem:s24+$0x3E0] =	vst v4  }
0xaac: {  	[tilespmem:s26+$0x3E0] =	vst v2;
	v4 =	vld [tilespmem:s31+$0x70]  }
0xaad: {  	v2 =	vld [tilespmem:s14+$0x70];
	[tilespmem:s28+$0x3E0] =	vst v0  }
0xaae: {  	s20 =	sadd.s32 $0x1, s20;
	v0 =	vld [tilespmem:s30+$0x70]  }
0xaaf: {  	p0 =	sne.s32 s20, $0x80;
	[tilespmem:s22+$0x3F0] =	vst v1  }
.Ltmp2:
0xab0: {  	[tilespmem:s23+$0x3F0] =	vst v3;
	(pc) =	sbr.rel @p0 .LBB2_2-.Ltmp2, $4  }
0xab1: {  	s31 =	sshll.u32 s21, $0x4;
	[tilespmem:s24+$0x3F0] =	vst v4  }
0xab2: {  	s0 =	sand.u32 $0x1FFFFF00, s31;
	[tilespmem:s26+$0x3F0] =	vst v2  }
0xab3: {  	s0 =	sadd.s32 s3, s0;
	[tilespmem:s28+$0x3F0] =	vst v0  }
0xab4: {  	[hbm4b:s0+s4] =	stream.linear.scatter [tilespmem:s16], [sflag:$0x4], $0xC800, $0x38;
	[tilespmem:$0x1A400] =	vst v63  }
0xab5: {  	s0 =	simm.s32 $0x3  }
0xab6: {  	_ =	swait.ge [sflag:s0], $0xC800  }
0xab7: {  	[sflag:s0] =	ssyncset.done $0x0  }
0xab8: {  	[sflag:s0] =	ssyncadd.s32 $0xFFFF3800  }
0xab9: {  	_ =	swait.ge [sflag:s18], $0xC800  }
0xaba: {  	s1 =	rddreg [dreg:$0x6]  }
0xabb: {  	s31 =	rddreg [dreg:$0x5];
	s1 =	sadd.s32 $0x1, s1  }
0xabc: {  	p0 =	sne.s32 s1, s31  }
.Ltmp3:
0xabd: {  	_ = 	snop;
	(pc) =	sbr.rel @p0 .LBB2_1-.Ltmp3, $3  }
0xabe: {  	_ =	sdelay $0x1  }
0xabf: {  	[sflag:s18] =	ssyncset.done $0x0  }
0xac0: {  	[sflag:s18] =	ssyncadd.s32 $0xFFFF3800  }
0xac1: {  	_ =	sfence.sel $0x180000  }
0xac2: {  	[bflag:$0x0] =	sbarrier.arrive $0xFFFF  }
0xac3: {  	_ =	strace $0x90000047  }
0xac4: {  	s0 =	stileid.u32;
	[bflag:$0x2] =	sbarrier.arrive $0xFFFF  }
0xac5: {  	p0 =	sne.s32 s0, $0x0;
	s0 =	rddreg [dreg:$0x3]  }
0xac6: {  	s0 =	sadd.s32 @!p0 $0x100000, s0  }
0xac7: {  	[sflag:s0] =	ssyncadd.tile.s32 @!p0 $0x1;
	_ =	shalt  }
.Lfunc_end2:
_tile_overlayer_lowered:
.L_overlay_start_2:
0xac8: {  	(tag) =	ssettag $0x2  }
0xac9: {  	s0 =	rddreg [dreg:$0x0];
	s2 =	stileid.u32  }
0xaca: {  	s1 =	rddreg [dreg:$0x1];
	p0 =	sne.s32 s2, $0x0  }
0xacb: {  	s3 =	rddreg [dreg:$0x2];
	[bflag:$0x3] =	sbarrier.arrive $0xFFFF;
	s2 =	simm.s32 @!p0 $0x1C05  }
0xacc: {  	[timem:s3], [sflag:s2] =	dma.local @!p0 [hbm:s0], s1  }
0xacd: {  	s0 =	simm.s32 @!p0 $0x5  }
0xace: {  	_ =	swait.ge @!p0 [sflag:s0], s1  }
0xacf: {  	s1 =	ssub.s32 @!p0 $0x0, s1;
	[sflag:s0] =	ssyncset.done @!p0 $0x0  }
0xad0: {  	[sflag:s0] =	ssyncadd.s32 @!p0 s1  }
0xad1: {  	[bflag:$0x3] =	sbarrier.arrive $0xFFFF  }
0xad2: {  	_ =	shalt  }

</sc_bundles>
